<compile_context>
chip_gen: v7x
topology: tpu7x:2x2x1
jax: 0.10.2.dev20260603
libtpu: 0.0.44.dev20260713+nightly
codegen_flags: <defaults>
</compile_context>

<pallas_src>
import functools

import jax
import jax.numpy as jnp
from jax import lax
from jax.experimental import pallas as pl
from jax.experimental.pallas import tpu as pltpu
from jax.experimental.pallas import tpu_sc as plsc

DIM = 1024
HEADS = 16
DH = 64
GS = 128
WIN = 2 * GS
NB = 2
N = 4096
NG = N // GS
MG = 128
SCALE = DH ** -0.5


def _sc_gather(table, idx, chunk):
    R, D = table.shape
    (M,) = idx.shape
    info = plsc.get_sparse_core_info()
    nw = info.num_cores * info.num_subcores
    per_w = M // nw
    assert per_w * nw == M and per_w % chunk == 0 and chunk % 8 == 0
    nchunks = per_w // chunk
    mesh = plsc.VectorSubcoreMesh(core_axis_name="c", subcore_axis_name="s")

    @functools.partial(
        pl.kernel,
        mesh=mesh,
        out_type=jax.ShapeDtypeStruct((M, D), table.dtype),
        scratch_types=[
            pltpu.VMEM((per_w,), jnp.int32),
            pltpu.VMEM((chunk, D), table.dtype),
            pltpu.VMEM((chunk, D), table.dtype),
            pltpu.VMEM((chunk, D), table.dtype),
            pltpu.SemaphoreType.DMA,
            pltpu.SemaphoreType.DMA,
            pltpu.SemaphoreType.DMA,
        ],
    )
    def gk(table_hbm, idx_hbm, out_hbm, idx_v,
           rows_a, rows_b, rows_c, sem_a, sem_b, sem_c):
        wid = lax.axis_index("s") * info.num_cores + lax.axis_index("c")
        base = wid * per_w
        pltpu.sync_copy(idx_hbm.at[pl.ds(base, per_w)], idx_v)
        bufs = (rows_a, rows_b, rows_c)
        sems = (sem_a, sem_b, sem_c)
        nbuf = 3
        copies = [
            pltpu.async_copy(
                table_hbm.at[idx_v.at[pl.ds(c * chunk, chunk)]],
                bufs[c % nbuf],
                sems[c % nbuf],
            )
            for c in range(min(nbuf, nchunks))
        ]
        for c in range(nchunks):
            copies[c].wait()
            pltpu.sync_copy(bufs[c % nbuf], out_hbm.at[pl.ds(base + c * chunk, chunk)])
            if c + nbuf < nchunks:
                copies.append(
                    pltpu.async_copy(
                        table_hbm.at[idx_v.at[pl.ds((c + nbuf) * chunk, chunk)]],
                        bufs[c % nbuf],
                        sems[c % nbuf],
                    )
                )

    return gk(table, idx)


def _proj_kv(xg, wk_t, wv_t):
    nb = xg.shape[1] // GS

    def body(x_ref, wkv_ref, k_ref, v_ref):
        x = x_ref[0].astype(jnp.bfloat16)
        kv = jnp.dot(x, wkv_ref[...], preferred_element_type=jnp.float32
                     ).astype(jnp.bfloat16)
        k_ref[0] = kv[:, :DIM]
        v_ref[0] = kv[:, DIM:]

    return pl.pallas_call(
        body,
        grid=(NB, nb),
        in_specs=[
            pl.BlockSpec((1, GS, DIM), lambda b, g: (b, g, 0)),
            pl.BlockSpec((DIM, 2 * DIM), lambda b, g: (0, 0)),
        ],
        out_specs=[
            pl.BlockSpec((1, GS, DIM), lambda b, g: (b, g, 0)),
            pl.BlockSpec((1, GS, DIM), lambda b, g: (b, g, 0)),
        ],
        out_shape=[
            jax.ShapeDtypeStruct((NB, nb * GS, DIM), jnp.bfloat16),
            jax.ShapeDtypeStruct((NB, nb * GS, DIM), jnp.bfloat16),
        ],
    )(xg, jnp.concatenate([wk_t, wv_t], axis=1))


def _attn(xg, kbuf, vbuf, k_global, v_global, wq_t, wp_t):

    c = SCALE * 1.4426950408889634
    bf = jnp.bfloat16
    f32 = jnp.float32

    def body(xq_ref, ka_ref, kb_ref, va_ref, vb_ref, kg_ref, vg_ref,
             wq_ref, wp_ref, ones_ref, probs_ref, y_ref, acc_ref):
        q = jnp.dot(xq_ref[0].astype(bf), wq_ref[...],
                    preferred_element_type=f32).astype(bf)
        ones = ones_ref[...]
        dn = (((1,), (1,)), ((), ()))

        def head_logits(h):
            sl = slice(h * DH, (h + 1) * DH)
            qh = q[:, sl]
            la = lax.dot_general(qh, ka_ref[0][:, sl], dn,
                                 preferred_element_type=f32)
            lb = lax.dot_general(qh, kb_ref[0][:, sl], dn,
                                 preferred_element_type=f32)
            gl = lax.dot_general(qh, kg_ref[h], dn,
                                 preferred_element_type=f32)
            return la, lb, gl

        def head_post(h, la, lb, gl):
            sl = slice(h * DH, (h + 1) * DH)
            ea = jnp.exp2(la * c)
            eb = jnp.exp2(lb * c)
            eab = (ea + eb).astype(bf)
            s = jnp.dot(eab, ones, preferred_element_type=f32)
            r = 1.0 / s
            probs_ref[0, 0, h, :, :GS] = ea * r
            probs_ref[0, 0, h, :, GS:] = eb * r
            o1 = (jnp.dot(ea.astype(bf), va_ref[0][:, sl],
                          preferred_element_type=f32)
                  + jnp.dot(eb.astype(bf), vb_ref[0][:, sl],
                            preferred_element_type=f32)) * r[:, :DH]
            ge = jnp.exp2(gl * c).astype(bf)
            sg = jnp.dot(ge, ones, preferred_element_type=f32)
            o2 = jnp.dot(ge, vg_ref[h],
                         preferred_element_type=f32) / sg[:, :DH]
            acc_ref[:, sl] = o1 + o2

        pipe = []
        for h in range(HEADS):
            pipe.append((h,) + head_logits(h))
            if len(pipe) > 3:
                head_post(*pipe.pop(0))
        for st in pipe:
            head_post(*st)
        y_ref[0] = jnp.dot(acc_ref[...].astype(bf), wp_ref[...],
                           preferred_element_type=f32)

    return pl.pallas_call(
        body,
        grid=(NB, NG),
        in_specs=[
            pl.BlockSpec((1, GS, DIM), lambda b, g: (b, g, 0)),
            pl.BlockSpec((1, GS, DIM), lambda b, g: (b, g, 0)),
            pl.BlockSpec((1, GS, DIM), lambda b, g: (b, g + 1, 0)),
            pl.BlockSpec((1, GS, DIM), lambda b, g: (b, g, 0)),
            pl.BlockSpec((1, GS, DIM), lambda b, g: (b, g + 1, 0)),
            pl.BlockSpec((HEADS, MG, DH), lambda b, g: (0, 0, 0)),
            pl.BlockSpec((HEADS, MG, DH), lambda b, g: (0, 0, 0)),
            pl.BlockSpec((DIM, DIM), lambda b, g: (0, 0)),
            pl.BlockSpec((DIM, DIM), lambda b, g: (0, 0)),
            pl.BlockSpec((GS, GS), lambda b, g: (0, 0)),
        ],
        out_specs=[
            pl.BlockSpec((1, 1, HEADS, GS, WIN), lambda b, g: (b, g, 0, 0, 0)),
            pl.BlockSpec((1, GS, DIM), lambda b, g: (b, g, 0)),
        ],
        out_shape=[
            jax.ShapeDtypeStruct((NB, NG, HEADS, GS, WIN), jnp.float32),
            jax.ShapeDtypeStruct((NB, N, DIM), jnp.float32),
        ],
        scratch_shapes=[pltpu.VMEM((GS, DIM), jnp.float32)],
    )(xg, kbuf, kbuf, vbuf, vbuf, k_global, v_global, wq_t, wp_t,
      jnp.ones((GS, GS), jnp.bfloat16))


def kernel(normed_x, idx_last, k_global, v_global, Wq, Wk, Wv, Wproj):
    b, n, d = normed_x.shape
    idx = idx_last[..., 0].astype(jnp.int32)
    idx_ext = jnp.concatenate([idx, idx[:, n - GS:][:, ::-1]], axis=1)
    boff = (jnp.arange(b, dtype=jnp.int32) * n)[:, None]
    flat_idx = (idx_ext + boff).reshape(-1)
    xg = _sc_gather(normed_x.reshape(b * n, d), flat_idx, chunk=24)
    xg = xg.reshape(b, n + GS, d)

    idx_d = idx + (xg[0, 0, 0] * 0.0).astype(jnp.int32)
    ar = jnp.arange(n, dtype=jnp.int32)
    maxsrc = jax.vmap(
        lambda i: jnp.full((n,), -1, jnp.int32).at[i].max(ar))(idx_d)
    src = jnp.where(maxsrc >= 0, maxsrc, ar[None])
    src_flat = (src + boff).reshape(-1)

    bf = jnp.bfloat16
    kbuf, vbuf = _proj_kv(xg, Wk.T.astype(bf), Wv.T.astype(bf))
    probs, y = _attn(xg, kbuf, vbuf, k_global.astype(bf), v_global.astype(bf),
                     Wq.T.astype(bf), Wproj.T.astype(bf))
    out = _sc_gather(y.reshape(b * n, d), src_flat, chunk=32).reshape(b, n, d)
    return out, probs

# --- scband reference (transcript-rebuilt; emitter-appended) ---
"""Pipeline reference for scband-iasa-34806414966812 (READ-ONLY COPY).

The authoritative reference and input builder live on the scoring server;
editing this copy changes nothing except your own understanding.
"""

import jax, jax.numpy as jnp
import numpy as np

DIM = 1024
QK_DIM = 1024
HEADS = 16
GROUP_SIZE = 128
B = 2
N = 4096
M_GLOBAL = 128


def setup_inputs(seed: int = 0) -> dict:
    key = jax.random.key(seed)
    ks = jax.random.split(key, 8)
    normed_x = jax.random.normal(ks[0], (B, N, DIM), dtype=jnp.float32)
    idx_last = jax.random.randint(ks[1], (B, N, 1), 0, N)
    k_global = jax.random.normal(ks[2], (HEADS, M_GLOBAL, QK_DIM // HEADS), dtype=jnp.float32)
    v_global = jax.random.normal(ks[3], (HEADS, M_GLOBAL, DIM // HEADS), dtype=jnp.float32)
    Wq = jax.random.normal(ks[4], (QK_DIM, DIM), dtype=jnp.float32) * 0.02
    Wk = jax.random.normal(ks[5], (QK_DIM, DIM), dtype=jnp.float32) * 0.02
    Wv = jax.random.normal(ks[6], (DIM, DIM), dtype=jnp.float32) * 0.02
    Wproj = jax.random.normal(ks[7], (DIM, DIM), dtype=jnp.float32) * 0.02
    return {"normed_x": normed_x, "idx_last": idx_last, "k_global": k_global,
            "v_global": v_global, "Wq": Wq, "Wk": Wk, "Wv": Wv, "Wproj": Wproj}


def reference(normed_x, idx_last, k_global, v_global, Wq, Wk, Wv, Wproj):
    b, n, _ = normed_x.shape
    h = HEADS
    q = normed_x @ Wq.T
    k = normed_x @ Wk.T
    v = normed_x @ Wv.T
    # torch.gather(x, dim=-2, index=idx_last.expand(x.shape))
    q = jnp.take_along_axis(q, jnp.broadcast_to(idx_last, q.shape), axis=1)
    k = jnp.take_along_axis(k, jnp.broadcast_to(idx_last, k.shape), axis=1)
    v = jnp.take_along_axis(v, jnp.broadcast_to(idx_last, v.shape), axis=1)
    gs = min(n, GROUP_SIZE)
    ng = (n + gs - 1) // gs
    pad_n = ng * gs - n
    dq = QK_DIM // h
    dv = DIM // h
    paded_q = jnp.concatenate([q, jnp.flip(q[:, n - pad_n:n, :], axis=1)], axis=1)
    paded_q = paded_q.reshape(b, ng, gs, h, dq).transpose(0, 1, 3, 2, 4)  # b ng h gs d
    pk_full = jnp.concatenate([k, jnp.flip(k[:, n - pad_n - gs:n, :], axis=1)], axis=1)
    pv_full = jnp.concatenate([v, jnp.flip(v[:, n - pad_n - gs:n, :], axis=1)], axis=1)
    # unfold(-2, 2*gs, gs) -> ng windows of size 2*gs
    widx = (jnp.arange(ng) * gs)[:, None] + jnp.arange(2 * gs)[None, :]  # [ng, 2gs]
    paded_k = pk_full[:, widx, :].reshape(b, ng, 2 * gs, h, dq).transpose(0, 1, 3, 2, 4)
    paded_v = pv_full[:, widx, :].reshape(b, ng, 2 * gs, h, dv).transpose(0, 1, 3, 2, 4)
    scale = dq ** (-0.5)
    attn_logits = jnp.einsum('bnhqd,bnhkd->bnhqk', paded_q, paded_k) * scale
    attn_probs = jax.nn.softmax(attn_logits, axis=-1)
    fused_probs = attn_probs  # no prev_attn_map / mask
    out1 = jnp.einsum('bnhqk,bnhkd->bnhqd', fused_probs, paded_v)
    # global attention (scaled_dot_product_attention with default scale)
    g_logits = jnp.einsum('bnhqd,hmd->bnhqm', paded_q, k_global) * scale
    g_probs = jax.nn.softmax(g_logits, axis=-1)
    out2 = jnp.einsum('bnhqm,hmd->bnhqd', g_probs, v_global)
    out = out1 + out2
    out = out.transpose(0, 1, 3, 2, 4).reshape(b, ng * gs, h * dv)[:, :n, :]
    # out.scatter(dim=-2, index=idx_last.expand(out.shape), src=out)
    idx = idx_last[..., 0]
    out = jax.vmap(lambda o, i: o.at[i].set(o))(out, idx)
    out = out @ Wproj.T
    return (out, fused_probs)

if __name__ == "__main__":
    import jax
    _d = setup_inputs()
    print(jax.jit(kernel)(*tuple(_d.values())))

</pallas_src>

<mosaic_0001>
#map = affine_map<(d0, d1) -> (0, 0)>
#map1 = affine_map<(d0, d1) -> (0)>
module attributes {stable_mosaic.version = 14 : i64} {
  func.func @gk(%arg0: i32, %arg1: i32, %arg2: memref<8192x1024xf32, #tpu.memory_space<hbm>>, %arg3: memref<8192xi32, #tpu.memory_space<hbm>>, %arg4: memref<8192x1024xf32, #tpu.memory_space<hbm>>, %arg5: memref<256xi32, #tpu.memory_space<vmem>>, %arg6: memref<32x1024xf32, #tpu.memory_space<vmem>>, %arg7: memref<32x1024xf32, #tpu.memory_space<vmem>>, %arg8: memref<32x1024xf32, #tpu.memory_space<vmem>>, %arg9: memref<!tpu.dma_semaphore, #tpu.memory_space<semaphore_mem>>, %arg10: memref<!tpu.dma_semaphore, #tpu.memory_space<semaphore_mem>>, %arg11: memref<!tpu.dma_semaphore, #tpu.memory_space<semaphore_mem>>) attributes {dimension_semantics = [#tpu.dimension_semantics<core_parallel>, #tpu.dimension_semantics<subcore_parallel>], iteration_bounds = array<i64: 2, 16>, scalar_prefetch = 0 : i64, scratch_operands = 7 : i64, tpu.core_type = #tpu.core_type<sc_vector_subcore>, window_params = [{transform_indices = #map}, {transform_indices = #map1}, {transform_indices = #map}]} {
    %mul3A = arith.constant 2 : i32
    %mul3A_0 = arith.muli %arg1, %mul3A : i32
    %add3A = arith.addi %mul3A_0, %arg0 : i32
    %mul3A_1 = arith.constant 256 : i32
    %mul3A_2 = arith.muli %add3A, %mul3A_1 : i32
    "tpu.region"() ({
      %run_scoped3A = tpu.sem_alloc : memref<!tpu.dma_semaphore, #tpu.memory_space<semaphore_mem>>
      %dma_start3A_97 = tpu.memref_slice %arg3[%mul3A_2] : memref<8192xi32, #tpu.memory_space<hbm>> -> memref<256xi32, #tpu.memory_space<hbm>>
      %dma_start3A_98 = tpu.memref_slice %arg3[%mul3A_2] : memref<8192xi32, #tpu.memory_space<hbm>> -> memref<256xi32, #tpu.memory_space<hbm>>
      tpu.enqueue_dma source(%dma_start3A_98 : memref<256xi32, #tpu.memory_space<hbm>>) target(%arg5 : memref<256xi32, #tpu.memory_space<vmem>>) target_semaphore(%run_scoped3A : memref<!tpu.dma_semaphore, #tpu.memory_space<semaphore_mem>>)
      %dma_wait3A_99 = tpu.memref_slice %arg3[%mul3A_2] : memref<8192xi32, #tpu.memory_space<hbm>> -> memref<256xi32, #tpu.memory_space<hbm>>
      %dma_wait3A_100 = tpu.memref_slice %arg3[%mul3A_2] : memref<8192xi32, #tpu.memory_space<hbm>> -> memref<256xi32, #tpu.memory_space<hbm>>
      tpu.wait_dma2 semaphore(%run_scoped3A : memref<!tpu.dma_semaphore, #tpu.memory_space<semaphore_mem>>) src(%dma_wait3A_100 : memref<256xi32, #tpu.memory_space<hbm>>) dst(%arg5 : memref<256xi32, #tpu.memory_space<vmem>>)
      tpu.yield
    }) : () -> ()
    %dma_start3A = arith.constant 0 : i32
    %dma_start3A_3 = tpu.memref_slice %arg5[%dma_start3A] : memref<256xi32, #tpu.memory_space<vmem>> -> memref<32xi32, #tpu.memory_space<vmem>>
    %dma_start3A_4 = arith.constant 0 : i32
    %dma_start3A_5 = arith.constant 0 : i32
    %dma_start3A_6 = tpu.memref_slice %arg2[%dma_start3A_4, %dma_start3A_5] : memref<8192x1024xf32, #tpu.memory_space<hbm>> -> memref<8192x1024xf32, #tpu.memory_space<hbm>>
    tpu.enqueue_indirect_dma source(%dma_start3A_6 : memref<8192x1024xf32, #tpu.memory_space<hbm>>) target(%arg6 : memref<32x1024xf32, #tpu.memory_space<vmem>>) offsets(%dma_start3A_3 : memref<32xi32, #tpu.memory_space<vmem>>) semaphore(%arg9 : memref<!tpu.dma_semaphore, #tpu.memory_space<semaphore_mem>>)
    %dma_start3A_7 = arith.constant 32 : i32
    %dma_start3A_8 = tpu.memref_slice %arg5[%dma_start3A_7] : memref<256xi32, #tpu.memory_space<vmem>> -> memref<32xi32, #tpu.memory_space<vmem>>
    %dma_start3A_9 = arith.constant 0 : i32
    %dma_start3A_10 = arith.constant 0 : i32
    %dma_start3A_11 = tpu.memref_slice %arg2[%dma_start3A_9, %dma_start3A_10] : memref<8192x1024xf32, #tpu.memory_space<hbm>> -> memref<8192x1024xf32, #tpu.memory_space<hbm>>
    tpu.enqueue_indirect_dma source(%dma_start3A_11 : memref<8192x1024xf32, #tpu.memory_space<hbm>>) target(%arg7 : memref<32x1024xf32, #tpu.memory_space<vmem>>) offsets(%dma_start3A_8 : memref<32xi32, #tpu.memory_space<vmem>>) semaphore(%arg10 : memref<!tpu.dma_semaphore, #tpu.memory_space<semaphore_mem>>)
    %dma_start3A_12 = arith.constant 64 : i32
    %dma_start3A_13 = tpu.memref_slice %arg5[%dma_start3A_12] : memref<256xi32, #tpu.memory_space<vmem>> -> memref<32xi32, #tpu.memory_space<vmem>>
    %dma_start3A_14 = arith.constant 0 : i32
    %dma_start3A_15 = arith.constant 0 : i32
    %dma_start3A_16 = tpu.memref_slice %arg2[%dma_start3A_14, %dma_start3A_15] : memref<8192x1024xf32, #tpu.memory_space<hbm>> -> memref<8192x1024xf32, #tpu.memory_space<hbm>>
    tpu.enqueue_indirect_dma source(%dma_start3A_16 : memref<8192x1024xf32, #tpu.memory_space<hbm>>) target(%arg8 : memref<32x1024xf32, #tpu.memory_space<vmem>>) offsets(%dma_start3A_13 : memref<32xi32, #tpu.memory_space<vmem>>) semaphore(%arg11 : memref<!tpu.dma_semaphore, #tpu.memory_space<semaphore_mem>>)
    %dma_wait3A = arith.constant 0 : i32
    %dma_wait3A_17 = tpu.memref_slice %arg5[%dma_wait3A] : memref<256xi32, #tpu.memory_space<vmem>> -> memref<32xi32, #tpu.memory_space<vmem>>
    %dma_wait3A_18 = arith.constant 0 : i32
    %dma_wait3A_19 = arith.constant 0 : i32
    %dma_wait3A_20 = tpu.memref_slice %arg2[%dma_wait3A_18, %dma_wait3A_19] : memref<8192x1024xf32, #tpu.memory_space<hbm>> -> memref<8192x1024xf32, #tpu.memory_space<hbm>>
    tpu.wait_indirect_dma semaphore(%arg9 : memref<!tpu.dma_semaphore, #tpu.memory_space<semaphore_mem>>) src(%dma_wait3A_20 : memref<8192x1024xf32, #tpu.memory_space<hbm>>) dst(%arg6 : memref<32x1024xf32, #tpu.memory_space<vmem>>)
    %add3A_21 = arith.constant 0 : i32
    %add3A_22 = arith.addi %mul3A_2, %add3A_21 : i32
    "tpu.region"() ({
      %run_scoped3A = tpu.sem_alloc : memref<!tpu.dma_semaphore, #tpu.memory_space<semaphore_mem>>
      %dma_start3A_97 = arith.constant 0 : i32
      %dma_start3A_98 = tpu.memref_slice %arg4[%add3A_22, %dma_start3A_97] : memref<8192x1024xf32, #tpu.memory_space<hbm>> -> memref<32x1024xf32, #tpu.memory_space<hbm>>
      %dma_start3A_99 = arith.constant 0 : i32
      %dma_start3A_100 = tpu.memref_slice %arg4[%add3A_22, %dma_start3A_99] : memref<8192x1024xf32, #tpu.memory_space<hbm>> -> memref<32x1024xf32, #tpu.memory_space<hbm>>
      tpu.enqueue_dma source(%arg6 : memref<32x1024xf32, #tpu.memory_space<vmem>>) target(%dma_start3A_100 : memref<32x1024xf32, #tpu.memory_space<hbm>>) target_semaphore(%run_scoped3A : memref<!tpu.dma_semaphore, #tpu.memory_space<semaphore_mem>>)
      %dma_wait3A_101 = arith.constant 0 : i32
      %dma_wait3A_102 = tpu.memref_slice %arg4[%add3A_22, %dma_wait3A_101] : memref<8192x1024xf32, #tpu.memory_space<hbm>> -> memref<32x1024xf32, #tpu.memory_space<hbm>>
      %dma_wait3A_103 = arith.constant 0 : i32
      %dma_wait3A_104 = tpu.memref_slice %arg4[%add3A_22, %dma_wait3A_103] : memref<8192x1024xf32, #tpu.memory_space<hbm>> -> memref<32x1024xf32, #tpu.memory_space<hbm>>
      tpu.wait_dma2 semaphore(%run_scoped3A : memref<!tpu.dma_semaphore, #tpu.memory_space<semaphore_mem>>) src(%arg6 : memref<32x1024xf32, #tpu.memory_space<vmem>>) dst(%dma_wait3A_104 : memref<32x1024xf32, #tpu.memory_space<hbm>>)
      tpu.yield
    }) : () -> ()
    %dma_start3A_23 = arith.constant 96 : i32
    %dma_start3A_24 = tpu.memref_slice %arg5[%dma_start3A_23] : memref<256xi32, #tpu.memory_space<vmem>> -> memref<32xi32, #tpu.memory_space<vmem>>
    %dma_start3A_25 = arith.constant 0 : i32
    %dma_start3A_26 = arith.constant 0 : i32
    %dma_start3A_27 = tpu.memref_slice %arg2[%dma_start3A_25, %dma_start3A_26] : memref<8192x1024xf32, #tpu.memory_space<hbm>> -> memref<8192x1024xf32, #tpu.memory_space<hbm>>
    tpu.enqueue_indirect_dma source(%dma_start3A_27 : memref<8192x1024xf32, #tpu.memory_space<hbm>>) target(%arg6 : memref<32x1024xf32, #tpu.memory_space<vmem>>) offsets(%dma_start3A_24 : memref<32xi32, #tpu.memory_space<vmem>>) semaphore(%arg9 : memref<!tpu.dma_semaphore, #tpu.memory_space<semaphore_mem>>)
    %dma_wait3A_28 = arith.constant 32 : i32
    %dma_wait3A_29 = tpu.memref_slice %arg5[%dma_wait3A_28] : memref<256xi32, #tpu.memory_space<vmem>> -> memref<32xi32, #tpu.memory_space<vmem>>
    %dma_wait3A_30 = arith.constant 0 : i32
    %dma_wait3A_31 = arith.constant 0 : i32
    %dma_wait3A_32 = tpu.memref_slice %arg2[%dma_wait3A_30, %dma_wait3A_31] : memref<8192x1024xf32, #tpu.memory_space<hbm>> -> memref<8192x1024xf32, #tpu.memory_space<hbm>>
    tpu.wait_indirect_dma semaphore(%arg10 : memref<!tpu.dma_semaphore, #tpu.memory_space<semaphore_mem>>) src(%dma_wait3A_32 : memref<8192x1024xf32, #tpu.memory_space<hbm>>) dst(%arg7 : memref<32x1024xf32, #tpu.memory_space<vmem>>)
    %add3A_33 = arith.constant 32 : i32
    %add3A_34 = arith.addi %mul3A_2, %add3A_33 : i32
    "tpu.region"() ({
      %run_scoped3A = tpu.sem_alloc : memref<!tpu.dma_semaphore, #tpu.memory_space<semaphore_mem>>
      %dma_start3A_97 = arith.constant 0 : i32
      %dma_start3A_98 = tpu.memref_slice %arg4[%add3A_34, %dma_start3A_97] : memref<8192x1024xf32, #tpu.memory_space<hbm>> -> memref<32x1024xf32, #tpu.memory_space<hbm>>
      %dma_start3A_99 = arith.constant 0 : i32
      %dma_start3A_100 = tpu.memref_slice %arg4[%add3A_34, %dma_start3A_99] : memref<8192x1024xf32, #tpu.memory_space<hbm>> -> memref<32x1024xf32, #tpu.memory_space<hbm>>
      tpu.enqueue_dma source(%arg7 : memref<32x1024xf32, #tpu.memory_space<vmem>>) target(%dma_start3A_100 : memref<32x1024xf32, #tpu.memory_space<hbm>>) target_semaphore(%run_scoped3A : memref<!tpu.dma_semaphore, #tpu.memory_space<semaphore_mem>>)
      %dma_wait3A_101 = arith.constant 0 : i32
      %dma_wait3A_102 = tpu.memref_slice %arg4[%add3A_34, %dma_wait3A_101] : memref<8192x1024xf32, #tpu.memory_space<hbm>> -> memref<32x1024xf32, #tpu.memory_space<hbm>>
      %dma_wait3A_103 = arith.constant 0 : i32
      %dma_wait3A_104 = tpu.memref_slice %arg4[%add3A_34, %dma_wait3A_103] : memref<8192x1024xf32, #tpu.memory_space<hbm>> -> memref<32x1024xf32, #tpu.memory_space<hbm>>
      tpu.wait_dma2 semaphore(%run_scoped3A : memref<!tpu.dma_semaphore, #tpu.memory_space<semaphore_mem>>) src(%arg7 : memref<32x1024xf32, #tpu.memory_space<vmem>>) dst(%dma_wait3A_104 : memref<32x1024xf32, #tpu.memory_space<hbm>>)
      tpu.yield
    }) : () -> ()
    %dma_start3A_35 = arith.constant 128 : i32
    %dma_start3A_36 = tpu.memref_slice %arg5[%dma_start3A_35] : memref<256xi32, #tpu.memory_space<vmem>> -> memref<32xi32, #tpu.memory_space<vmem>>
    %dma_start3A_37 = arith.constant 0 : i32
    %dma_start3A_38 = arith.constant 0 : i32
    %dma_start3A_39 = tpu.memref_slice %arg2[%dma_start3A_37, %dma_start3A_38] : memref<8192x1024xf32, #tpu.memory_space<hbm>> -> memref<8192x1024xf32, #tpu.memory_space<hbm>>
    tpu.enqueue_indirect_dma source(%dma_start3A_39 : memref<8192x1024xf32, #tpu.memory_space<hbm>>) target(%arg7 : memref<32x1024xf32, #tpu.memory_space<vmem>>) offsets(%dma_start3A_36 : memref<32xi32, #tpu.memory_space<vmem>>) semaphore(%arg10 : memref<!tpu.dma_semaphore, #tpu.memory_space<semaphore_mem>>)
    %dma_wait3A_40 = arith.constant 64 : i32
    %dma_wait3A_41 = tpu.memref_slice %arg5[%dma_wait3A_40] : memref<256xi32, #tpu.memory_space<vmem>> -> memref<32xi32, #tpu.memory_space<vmem>>
    %dma_wait3A_42 = arith.constant 0 : i32
    %dma_wait3A_43 = arith.constant 0 : i32
    %dma_wait3A_44 = tpu.memref_slice %arg2[%dma_wait3A_42, %dma_wait3A_43] : memref<8192x1024xf32, #tpu.memory_space<hbm>> -> memref<8192x1024xf32, #tpu.memory_space<hbm>>
    tpu.wait_indirect_dma semaphore(%arg11 : memref<!tpu.dma_semaphore, #tpu.memory_space<semaphore_mem>>) src(%dma_wait3A_44 : memref<8192x1024xf32, #tpu.memory_space<hbm>>) dst(%arg8 : memref<32x1024xf32, #tpu.memory_space<vmem>>)
    %add3A_45 = arith.constant 64 : i32
    %add3A_46 = arith.addi %mul3A_2, %add3A_45 : i32
    "tpu.region"() ({
      %run_scoped3A = tpu.sem_alloc : memref<!tpu.dma_semaphore, #tpu.memory_space<semaphore_mem>>
      %dma_start3A_97 = arith.constant 0 : i32
      %dma_start3A_98 = tpu.memref_slice %arg4[%add3A_46, %dma_start3A_97] : memref<8192x1024xf32, #tpu.memory_space<hbm>> -> memref<32x1024xf32, #tpu.memory_space<hbm>>
      %dma_start3A_99 = arith.constant 0 : i32
      %dma_start3A_100 = tpu.memref_slice %arg4[%add3A_46, %dma_start3A_99] : memref<8192x1024xf32, #tpu.memory_space<hbm>> -> memref<32x1024xf32, #tpu.memory_space<hbm>>
      tpu.enqueue_dma source(%arg8 : memref<32x1024xf32, #tpu.memory_space<vmem>>) target(%dma_start3A_100 : memref<32x1024xf32, #tpu.memory_space<hbm>>) target_semaphore(%run_scoped3A : memref<!tpu.dma_semaphore, #tpu.memory_space<semaphore_mem>>)
      %dma_wait3A_101 = arith.constant 0 : i32
      %dma_wait3A_102 = tpu.memref_slice %arg4[%add3A_46, %dma_wait3A_101] : memref<8192x1024xf32, #tpu.memory_space<hbm>> -> memref<32x1024xf32, #tpu.memory_space<hbm>>
      %dma_wait3A_103 = arith.constant 0 : i32
      %dma_wait3A_104 = tpu.memref_slice %arg4[%add3A_46, %dma_wait3A_103] : memref<8192x1024xf32, #tpu.memory_space<hbm>> -> memref<32x1024xf32, #tpu.memory_space<hbm>>
      tpu.wait_dma2 semaphore(%run_scoped3A : memref<!tpu.dma_semaphore, #tpu.memory_space<semaphore_mem>>) src(%arg8 : memref<32x1024xf32, #tpu.memory_space<vmem>>) dst(%dma_wait3A_104 : memref<32x1024xf32, #tpu.memory_space<hbm>>)
      tpu.yield
    }) : () -> ()
    %dma_start3A_47 = arith.constant 160 : i32
    %dma_start3A_48 = tpu.memref_slice %arg5[%dma_start3A_47] : memref<256xi32, #tpu.memory_space<vmem>> -> memref<32xi32, #tpu.memory_space<vmem>>
    %dma_start3A_49 = arith.constant 0 : i32
    %dma_start3A_50 = arith.constant 0 : i32
    %dma_start3A_51 = tpu.memref_slice %arg2[%dma_start3A_49, %dma_start3A_50] : memref<8192x1024xf32, #tpu.memory_space<hbm>> -> memref<8192x1024xf32, #tpu.memory_space<hbm>>
    tpu.enqueue_indirect_dma source(%dma_start3A_51 : memref<8192x1024xf32, #tpu.memory_space<hbm>>) target(%arg8 : memref<32x1024xf32, #tpu.memory_space<vmem>>) offsets(%dma_start3A_48 : memref<32xi32, #tpu.memory_space<vmem>>) semaphore(%arg11 : memref<!tpu.dma_semaphore, #tpu.memory_space<semaphore_mem>>)
    %dma_wait3A_52 = arith.constant 96 : i32
    %dma_wait3A_53 = tpu.memref_slice %arg5[%dma_wait3A_52] : memref<256xi32, #tpu.memory_space<vmem>> -> memref<32xi32, #tpu.memory_space<vmem>>
    %dma_wait3A_54 = arith.constant 0 : i32
    %dma_wait3A_55 = arith.constant 0 : i32
    %dma_wait3A_56 = tpu.memref_slice %arg2[%dma_wait3A_54, %dma_wait3A_55] : memref<8192x1024xf32, #tpu.memory_space<hbm>> -> memref<8192x1024xf32, #tpu.memory_space<hbm>>
    tpu.wait_indirect_dma semaphore(%arg9 : memref<!tpu.dma_semaphore, #tpu.memory_space<semaphore_mem>>) src(%dma_wait3A_56 : memref<8192x1024xf32, #tpu.memory_space<hbm>>) dst(%arg6 : memref<32x1024xf32, #tpu.memory_space<vmem>>)
    %add3A_57 = arith.constant 96 : i32
    %add3A_58 = arith.addi %mul3A_2, %add3A_57 : i32
    "tpu.region"() ({
      %run_scoped3A = tpu.sem_alloc : memref<!tpu.dma_semaphore, #tpu.memory_space<semaphore_mem>>
      %dma_start3A_97 = arith.constant 0 : i32
      %dma_start3A_98 = tpu.memref_slice %arg4[%add3A_58, %dma_start3A_97] : memref<8192x1024xf32, #tpu.memory_space<hbm>> -> memref<32x1024xf32, #tpu.memory_space<hbm>>
      %dma_start3A_99 = arith.constant 0 : i32
      %dma_start3A_100 = tpu.memref_slice %arg4[%add3A_58, %dma_start3A_99] : memref<8192x1024xf32, #tpu.memory_space<hbm>> -> memref<32x1024xf32, #tpu.memory_space<hbm>>
      tpu.enqueue_dma source(%arg6 : memref<32x1024xf32, #tpu.memory_space<vmem>>) target(%dma_start3A_100 : memref<32x1024xf32, #tpu.memory_space<hbm>>) target_semaphore(%run_scoped3A : memref<!tpu.dma_semaphore, #tpu.memory_space<semaphore_mem>>)
      %dma_wait3A_101 = arith.constant 0 : i32
      %dma_wait3A_102 = tpu.memref_slice %arg4[%add3A_58, %dma_wait3A_101] : memref<8192x1024xf32, #tpu.memory_space<hbm>> -> memref<32x1024xf32, #tpu.memory_space<hbm>>
      %dma_wait3A_103 = arith.constant 0 : i32
      %dma_wait3A_104 = tpu.memref_slice %arg4[%add3A_58, %dma_wait3A_103] : memref<8192x1024xf32, #tpu.memory_space<hbm>> -> memref<32x1024xf32, #tpu.memory_space<hbm>>
      tpu.wait_dma2 semaphore(%run_scoped3A : memref<!tpu.dma_semaphore, #tpu.memory_space<semaphore_mem>>) src(%arg6 : memref<32x1024xf32, #tpu.memory_space<vmem>>) dst(%dma_wait3A_104 : memref<32x1024xf32, #tpu.memory_space<hbm>>)
      tpu.yield
    }) : () -> ()
    %dma_start3A_59 = arith.constant 192 : i32
    %dma_start3A_60 = tpu.memref_slice %arg5[%dma_start3A_59] : memref<256xi32, #tpu.memory_space<vmem>> -> memref<32xi32, #tpu.memory_space<vmem>>
    %dma_start3A_61 = arith.constant 0 : i32
    %dma_start3A_62 = arith.constant 0 : i32
    %dma_start3A_63 = tpu.memref_slice %arg2[%dma_start3A_61, %dma_start3A_62] : memref<8192x1024xf32, #tpu.memory_space<hbm>> -> memref<8192x1024xf32, #tpu.memory_space<hbm>>
    tpu.enqueue_indirect_dma source(%dma_start3A_63 : memref<8192x1024xf32, #tpu.memory_space<hbm>>) target(%arg6 : memref<32x1024xf32, #tpu.memory_space<vmem>>) offsets(%dma_start3A_60 : memref<32xi32, #tpu.memory_space<vmem>>) semaphore(%arg9 : memref<!tpu.dma_semaphore, #tpu.memory_space<semaphore_mem>>)
    %dma_wait3A_64 = arith.constant 128 : i32
    %dma_wait3A_65 = tpu.memref_slice %arg5[%dma_wait3A_64] : memref<256xi32, #tpu.memory_space<vmem>> -> memref<32xi32, #tpu.memory_space<vmem>>
    %dma_wait3A_66 = arith.constant 0 : i32
    %dma_wait3A_67 = arith.constant 0 : i32
    %dma_wait3A_68 = tpu.memref_slice %arg2[%dma_wait3A_66, %dma_wait3A_67] : memref<8192x1024xf32, #tpu.memory_space<hbm>> -> memref<8192x1024xf32, #tpu.memory_space<hbm>>
    tpu.wait_indirect_dma semaphore(%arg10 : memref<!tpu.dma_semaphore, #tpu.memory_space<semaphore_mem>>) src(%dma_wait3A_68 : memref<8192x1024xf32, #tpu.memory_space<hbm>>) dst(%arg7 : memref<32x1024xf32, #tpu.memory_space<vmem>>)
    %add3A_69 = arith.constant 128 : i32
    %add3A_70 = arith.addi %mul3A_2, %add3A_69 : i32
    "tpu.region"() ({
      %run_scoped3A = tpu.sem_alloc : memref<!tpu.dma_semaphore, #tpu.memory_space<semaphore_mem>>
      %dma_start3A_97 = arith.constant 0 : i32
      %dma_start3A_98 = tpu.memref_slice %arg4[%add3A_70, %dma_start3A_97] : memref<8192x1024xf32, #tpu.memory_space<hbm>> -> memref<32x1024xf32, #tpu.memory_space<hbm>>
      %dma_start3A_99 = arith.constant 0 : i32
      %dma_start3A_100 = tpu.memref_slice %arg4[%add3A_70, %dma_start3A_99] : memref<8192x1024xf32, #tpu.memory_space<hbm>> -> memref<32x1024xf32, #tpu.memory_space<hbm>>
      tpu.enqueue_dma source(%arg7 : memref<32x1024xf32, #tpu.memory_space<vmem>>) target(%dma_start3A_100 : memref<32x1024xf32, #tpu.memory_space<hbm>>) target_semaphore(%run_scoped3A : memref<!tpu.dma_semaphore, #tpu.memory_space<semaphore_mem>>)
      %dma_wait3A_101 = arith.constant 0 : i32
      %dma_wait3A_102 = tpu.memref_slice %arg4[%add3A_70, %dma_wait3A_101] : memref<8192x1024xf32, #tpu.memory_space<hbm>> -> memref<32x1024xf32, #tpu.memory_space<hbm>>
      %dma_wait3A_103 = arith.constant 0 : i32
      %dma_wait3A_104 = tpu.memref_slice %arg4[%add3A_70, %dma_wait3A_103] : memref<8192x1024xf32, #tpu.memory_space<hbm>> -> memref<32x1024xf32, #tpu.memory_space<hbm>>
      tpu.wait_dma2 semaphore(%run_scoped3A : memref<!tpu.dma_semaphore, #tpu.memory_space<semaphore_mem>>) src(%arg7 : memref<32x1024xf32, #tpu.memory_space<vmem>>) dst(%dma_wait3A_104 : memref<32x1024xf32, #tpu.memory_space<hbm>>)
      tpu.yield
    }) : () -> ()
    %dma_start3A_71 = arith.constant 224 : i32
    %dma_start3A_72 = tpu.memref_slice %arg5[%dma_start3A_71] : memref<256xi32, #tpu.memory_space<vmem>> -> memref<32xi32, #tpu.memory_space<vmem>>
    %dma_start3A_73 = arith.constant 0 : i32
    %dma_start3A_74 = arith.constant 0 : i32
    %dma_start3A_75 = tpu.memref_slice %arg2[%dma_start3A_73, %dma_start3A_74] : memref<8192x1024xf32, #tpu.memory_space<hbm>> -> memref<8192x1024xf32, #tpu.memory_space<hbm>>
    tpu.enqueue_indirect_dma source(%dma_start3A_75 : memref<8192x1024xf32, #tpu.memory_space<hbm>>) target(%arg7 : memref<32x1024xf32, #tpu.memory_space<vmem>>) offsets(%dma_start3A_72 : memref<32xi32, #tpu.memory_space<vmem>>) semaphore(%arg10 : memref<!tpu.dma_semaphore, #tpu.memory_space<semaphore_mem>>)
    %dma_wait3A_76 = arith.constant 160 : i32
    %dma_wait3A_77 = tpu.memref_slice %arg5[%dma_wait3A_76] : memref<256xi32, #tpu.memory_space<vmem>> -> memref<32xi32, #tpu.memory_space<vmem>>
    %dma_wait3A_78 = arith.constant 0 : i32
    %dma_wait3A_79 = arith.constant 0 : i32
    %dma_wait3A_80 = tpu.memref_slice %arg2[%dma_wait3A_78, %dma_wait3A_79] : memref<8192x1024xf32, #tpu.memory_space<hbm>> -> memref<8192x1024xf32, #tpu.memory_space<hbm>>
    tpu.wait_indirect_dma semaphore(%arg11 : memref<!tpu.dma_semaphore, #tpu.memory_space<semaphore_mem>>) src(%dma_wait3A_80 : memref<8192x1024xf32, #tpu.memory_space<hbm>>) dst(%arg8 : memref<32x1024xf32, #tpu.memory_space<vmem>>)
    %add3A_81 = arith.constant 160 : i32
    %add3A_82 = arith.addi %mul3A_2, %add3A_81 : i32
    "tpu.region"() ({
      %run_scoped3A = tpu.sem_alloc : memref<!tpu.dma_semaphore, #tpu.memory_space<semaphore_mem>>
      %dma_start3A_97 = arith.constant 0 : i32
      %dma_start3A_98 = tpu.memref_slice %arg4[%add3A_82, %dma_start3A_97] : memref<8192x1024xf32, #tpu.memory_space<hbm>> -> memref<32x1024xf32, #tpu.memory_space<hbm>>
      %dma_start3A_99 = arith.constant 0 : i32
      %dma_start3A_100 = tpu.memref_slice %arg4[%add3A_82, %dma_start3A_99] : memref<8192x1024xf32, #tpu.memory_space<hbm>> -> memref<32x1024xf32, #tpu.memory_space<hbm>>
      tpu.enqueue_dma source(%arg8 : memref<32x1024xf32, #tpu.memory_space<vmem>>) target(%dma_start3A_100 : memref<32x1024xf32, #tpu.memory_space<hbm>>) target_semaphore(%run_scoped3A : memref<!tpu.dma_semaphore, #tpu.memory_space<semaphore_mem>>)
      %dma_wait3A_101 = arith.constant 0 : i32
      %dma_wait3A_102 = tpu.memref_slice %arg4[%add3A_82, %dma_wait3A_101] : memref<8192x1024xf32, #tpu.memory_space<hbm>> -> memref<32x1024xf32, #tpu.memory_space<hbm>>
      %dma_wait3A_103 = arith.constant 0 : i32
      %dma_wait3A_104 = tpu.memref_slice %arg4[%add3A_82, %dma_wait3A_103] : memref<8192x1024xf32, #tpu.memory_space<hbm>> -> memref<32x1024xf32, #tpu.memory_space<hbm>>
      tpu.wait_dma2 semaphore(%run_scoped3A : memref<!tpu.dma_semaphore, #tpu.memory_space<semaphore_mem>>) src(%arg8 : memref<32x1024xf32, #tpu.memory_space<vmem>>) dst(%dma_wait3A_104 : memref<32x1024xf32, #tpu.memory_space<hbm>>)
      tpu.yield
    }) : () -> ()
    %dma_wait3A_83 = arith.constant 192 : i32
    %dma_wait3A_84 = tpu.memref_slice %arg5[%dma_wait3A_83] : memref<256xi32, #tpu.memory_space<vmem>> -> memref<32xi32, #tpu.memory_space<vmem>>
    %dma_wait3A_85 = arith.constant 0 : i32
    %dma_wait3A_86 = arith.constant 0 : i32
    %dma_wait3A_87 = tpu.memref_slice %arg2[%dma_wait3A_85, %dma_wait3A_86] : memref<8192x1024xf32, #tpu.memory_space<hbm>> -> memref<8192x1024xf32, #tpu.memory_space<hbm>>
    tpu.wait_indirect_dma semaphore(%arg9 : memref<!tpu.dma_semaphore, #tpu.memory_space<semaphore_mem>>) src(%dma_wait3A_87 : memref<8192x1024xf32, #tpu.memory_space<hbm>>) dst(%arg6 : memref<32x1024xf32, #tpu.memory_space<vmem>>)
    %add3A_88 = arith.constant 192 : i32
    %add3A_89 = arith.addi %mul3A_2, %add3A_88 : i32
    "tpu.region"() ({
      %run_scoped3A = tpu.sem_alloc : memref<!tpu.dma_semaphore, #tpu.memory_space<semaphore_mem>>
      %dma_start3A_97 = arith.constant 0 : i32
      %dma_start3A_98 = tpu.memref_slice %arg4[%add3A_89, %dma_start3A_97] : memref<8192x1024xf32, #tpu.memory_space<hbm>> -> memref<32x1024xf32, #tpu.memory_space<hbm>>
      %dma_start3A_99 = arith.constant 0 : i32
      %dma_start3A_100 = tpu.memref_slice %arg4[%add3A_89, %dma_start3A_99] : memref<8192x1024xf32, #tpu.memory_space<hbm>> -> memref<32x1024xf32, #tpu.memory_space<hbm>>
      tpu.enqueue_dma source(%arg6 : memref<32x1024xf32, #tpu.memory_space<vmem>>) target(%dma_start3A_100 : memref<32x1024xf32, #tpu.memory_space<hbm>>) target_semaphore(%run_scoped3A : memref<!tpu.dma_semaphore, #tpu.memory_space<semaphore_mem>>)
      %dma_wait3A_101 = arith.constant 0 : i32
      %dma_wait3A_102 = tpu.memref_slice %arg4[%add3A_89, %dma_wait3A_101] : memref<8192x1024xf32, #tpu.memory_space<hbm>> -> memref<32x1024xf32, #tpu.memory_space<hbm>>
      %dma_wait3A_103 = arith.constant 0 : i32
      %dma_wait3A_104 = tpu.memref_slice %arg4[%add3A_89, %dma_wait3A_103] : memref<8192x1024xf32, #tpu.memory_space<hbm>> -> memref<32x1024xf32, #tpu.memory_space<hbm>>
      tpu.wait_dma2 semaphore(%run_scoped3A : memref<!tpu.dma_semaphore, #tpu.memory_space<semaphore_mem>>) src(%arg6 : memref<32x1024xf32, #tpu.memory_space<vmem>>) dst(%dma_wait3A_104 : memref<32x1024xf32, #tpu.memory_space<hbm>>)
      tpu.yield
    }) : () -> ()
    %dma_wait3A_90 = arith.constant 224 : i32
    %dma_wait3A_91 = tpu.memref_slice %arg5[%dma_wait3A_90] : memref<256xi32, #tpu.memory_space<vmem>> -> memref<32xi32, #tpu.memory_space<vmem>>
    %dma_wait3A_92 = arith.constant 0 : i32
    %dma_wait3A_93 = arith.constant 0 : i32
    %dma_wait3A_94 = tpu.memref_slice %arg2[%dma_wait3A_92, %dma_wait3A_93] : memref<8192x1024xf32, #tpu.memory_space<hbm>> -> memref<8192x1024xf32, #tpu.memory_space<hbm>>
    tpu.wait_indirect_dma semaphore(%arg10 : memref<!tpu.dma_semaphore, #tpu.memory_space<semaphore_mem>>) src(%dma_wait3A_94 : memref<8192x1024xf32, #tpu.memory_space<hbm>>) dst(%arg7 : memref<32x1024xf32, #tpu.memory_space<vmem>>)
    %add3A_95 = arith.constant 224 : i32
    %add3A_96 = arith.addi %mul3A_2, %add3A_95 : i32
    "tpu.region"() ({
      %run_scoped3A = tpu.sem_alloc : memref<!tpu.dma_semaphore, #tpu.memory_space<semaphore_mem>>
      %dma_start3A_97 = arith.constant 0 : i32
      %dma_start3A_98 = tpu.memref_slice %arg4[%add3A_96, %dma_start3A_97] : memref<8192x1024xf32, #tpu.memory_space<hbm>> -> memref<32x1024xf32, #tpu.memory_space<hbm>>
      %dma_start3A_99 = arith.constant 0 : i32
      %dma_start3A_100 = tpu.memref_slice %arg4[%add3A_96, %dma_start3A_99] : memref<8192x1024xf32, #tpu.memory_space<hbm>> -> memref<32x1024xf32, #tpu.memory_space<hbm>>
      tpu.enqueue_dma source(%arg7 : memref<32x1024xf32, #tpu.memory_space<vmem>>) target(%dma_start3A_100 : memref<32x1024xf32, #tpu.memory_space<hbm>>) target_semaphore(%run_scoped3A : memref<!tpu.dma_semaphore, #tpu.memory_space<semaphore_mem>>)
      %dma_wait3A_101 = arith.constant 0 : i32
      %dma_wait3A_102 = tpu.memref_slice %arg4[%add3A_96, %dma_wait3A_101] : memref<8192x1024xf32, #tpu.memory_space<hbm>> -> memref<32x1024xf32, #tpu.memory_space<hbm>>
      %dma_wait3A_103 = arith.constant 0 : i32
      %dma_wait3A_104 = tpu.memref_slice %arg4[%add3A_96, %dma_wait3A_103] : memref<8192x1024xf32, #tpu.memory_space<hbm>> -> memref<32x1024xf32, #tpu.memory_space<hbm>>
      tpu.wait_dma2 semaphore(%run_scoped3A : memref<!tpu.dma_semaphore, #tpu.memory_space<semaphore_mem>>) src(%arg7 : memref<32x1024xf32, #tpu.memory_space<vmem>>) dst(%dma_wait3A_104 : memref<32x1024xf32, #tpu.memory_space<hbm>>)
      tpu.yield
    }) : () -> ()
    return
  }
}

#map = affine_map<(d0, d1) -> (0, 0)>
#map1 = affine_map<(d0, d1) -> (0)>
module attributes {stable_mosaic.version = 14 : i64} {
  func.func @gk(%arg0: i32, %arg1: i32, %arg2: memref<8192x1024xf32, #tpu.memory_space<hbm>>, %arg3: memref<8448xi32, #tpu.memory_space<hbm>>, %arg4: memref<8448x1024xf32, #tpu.memory_space<hbm>>, %arg5: memref<264xi32, #tpu.memory_space<vmem>>, %arg6: memref<24x1024xf32, #tpu.memory_space<vmem>>, %arg7: memref<24x1024xf32, #tpu.memory_space<vmem>>, %arg8: memref<24x1024xf32, #tpu.memory_space<vmem>>, %arg9: memref<!tpu.dma_semaphore, #tpu.memory_space<semaphore_mem>>, %arg10: memref<!tpu.dma_semaphore, #tpu.memory_space<semaphore_mem>>, %arg11: memref<!tpu.dma_semaphore, #tpu.memory_space<semaphore_mem>>) attributes {dimension_semantics = [#tpu.dimension_semantics<core_parallel>, #tpu.dimension_semantics<subcore_parallel>], iteration_bounds = array<i64: 2, 16>, scalar_prefetch = 0 : i64, scratch_operands = 7 : i64, tpu.core_type = #tpu.core_type<sc_vector_subcore>, window_params = [{transform_indices = #map}, {transform_indices = #map1}, {transform_indices = #map}]} {
    %mul3A = arith.constant 2 : i32
    %mul3A_0 = arith.muli %arg1, %mul3A : i32
    %add3A = arith.addi %mul3A_0, %arg0 : i32
    %mul3A_1 = arith.constant 264 : i32
    %mul3A_2 = arith.muli %add3A, %mul3A_1 : i32
    "tpu.region"() ({
      %run_scoped3A = tpu.sem_alloc : memref<!tpu.dma_semaphore, #tpu.memory_space<semaphore_mem>>
      %dma_start3A_133 = tpu.memref_slice %arg3[%mul3A_2] : memref<8448xi32, #tpu.memory_space<hbm>> -> memref<264xi32, #tpu.memory_space<hbm>>
      %dma_start3A_134 = tpu.memref_slice %arg3[%mul3A_2] : memref<8448xi32, #tpu.memory_space<hbm>> -> memref<264xi32, #tpu.memory_space<hbm>>
      tpu.enqueue_dma source(%dma_start3A_134 : memref<264xi32, #tpu.memory_space<hbm>>) target(%arg5 : memref<264xi32, #tpu.memory_space<vmem>>) target_semaphore(%run_scoped3A : memref<!tpu.dma_semaphore, #tpu.memory_space<semaphore_mem>>)
      %dma_wait3A_135 = tpu.memref_slice %arg3[%mul3A_2] : memref<8448xi32, #tpu.memory_space<hbm>> -> memref<264xi32, #tpu.memory_space<hbm>>
      %dma_wait3A_136 = tpu.memref_slice %arg3[%mul3A_2] : memref<8448xi32, #tpu.memory_space<hbm>> -> memref<264xi32, #tpu.memory_space<hbm>>
      tpu.wait_dma2 semaphore(%run_scoped3A : memref<!tpu.dma_semaphore, #tpu.memory_space<semaphore_mem>>) src(%dma_wait3A_136 : memref<264xi32, #tpu.memory_space<hbm>>) dst(%arg5 : memref<264xi32, #tpu.memory_space<vmem>>)
      tpu.yield
    }) : () -> ()
    %dma_start3A = arith.constant 0 : i32
    %dma_start3A_3 = tpu.memref_slice %arg5[%dma_start3A] : memref<264xi32, #tpu.memory_space<vmem>> -> memref<24xi32, #tpu.memory_space<vmem>>
    %dma_start3A_4 = arith.constant 0 : i32
    %dma_start3A_5 = arith.constant 0 : i32
    %dma_start3A_6 = tpu.memref_slice %arg2[%dma_start3A_4, %dma_start3A_5] : memref<8192x1024xf32, #tpu.memory_space<hbm>> -> memref<8192x1024xf32, #tpu.memory_space<hbm>>
    tpu.enqueue_indirect_dma source(%dma_start3A_6 : memref<8192x1024xf32, #tpu.memory_space<hbm>>) target(%arg6 : memref<24x1024xf32, #tpu.memory_space<vmem>>) offsets(%dma_start3A_3 : memref<24xi32, #tpu.memory_space<vmem>>) semaphore(%arg9 : memref<!tpu.dma_semaphore, #tpu.memory_space<semaphore_mem>>)
    %dma_start3A_7 = arith.constant 24 : i32
    %dma_start3A_8 = tpu.memref_slice %arg5[%dma_start3A_7] : memref<264xi32, #tpu.memory_space<vmem>> -> memref<24xi32, #tpu.memory_space<vmem>>
    %dma_start3A_9 = arith.constant 0 : i32
    %dma_start3A_10 = arith.constant 0 : i32
    %dma_start3A_11 = tpu.memref_slice %arg2[%dma_start3A_9, %dma_start3A_10] : memref<8192x1024xf32, #tpu.memory_space<hbm>> -> memref<8192x1024xf32, #tpu.memory_space<hbm>>
    tpu.enqueue_indirect_dma source(%dma_start3A_11 : memref<8192x1024xf32, #tpu.memory_space<hbm>>) target(%arg7 : memref<24x1024xf32, #tpu.memory_space<vmem>>) offsets(%dma_start3A_8 : memref<24xi32, #tpu.memory_space<vmem>>) semaphore(%arg10 : memref<!tpu.dma_semaphore, #tpu.memory_space<semaphore_mem>>)
    %dma_start3A_12 = arith.constant 48 : i32
    %dma_start3A_13 = tpu.memref_slice %arg5[%dma_start3A_12] : memref<264xi32, #tpu.memory_space<vmem>> -> memref<24xi32, #tpu.memory_space<vmem>>
    %dma_start3A_14 = arith.constant 0 : i32
    %dma_start3A_15 = arith.constant 0 : i32
    %dma_start3A_16 = tpu.memref_slice %arg2[%dma_start3A_14, %dma_start3A_15] : memref<8192x1024xf32, #tpu.memory_space<hbm>> -> memref<8192x1024xf32, #tpu.memory_space<hbm>>
    tpu.enqueue_indirect_dma source(%dma_start3A_16 : memref<8192x1024xf32, #tpu.memory_space<hbm>>) target(%arg8 : memref<24x1024xf32, #tpu.memory_space<vmem>>) offsets(%dma_start3A_13 : memref<24xi32, #tpu.memory_space<vmem>>) semaphore(%arg11 : memref<!tpu.dma_semaphore, #tpu.memory_space<semaphore_mem>>)
    %dma_wait3A = arith.constant 0 : i32
    %dma_wait3A_17 = tpu.memref_slice %arg5[%dma_wait3A] : memref<264xi32, #tpu.memory_space<vmem>> -> memref<24xi32, #tpu.memory_space<vmem>>
    %dma_wait3A_18 = arith.constant 0 : i32
    %dma_wait3A_19 = arith.constant 0 : i32
    %dma_wait3A_20 = tpu.memref_slice %arg2[%dma_wait3A_18, %dma_wait3A_19] : memref<8192x1024xf32, #tpu.memory_space<hbm>> -> memref<8192x1024xf32, #tpu.memory_space<hbm>>
    tpu.wait_indirect_dma semaphore(%arg9 : memref<!tpu.dma_semaphore, #tpu.memory_space<semaphore_mem>>) src(%dma_wait3A_20 : memref<8192x1024xf32, #tpu.memory_space<hbm>>) dst(%arg6 : memref<24x1024xf32, #tpu.memory_space<vmem>>)
    %add3A_21 = arith.constant 0 : i32
    %add3A_22 = arith.addi %mul3A_2, %add3A_21 : i32
    "tpu.region"() ({
      %run_scoped3A = tpu.sem_alloc : memref<!tpu.dma_semaphore, #tpu.memory_space<semaphore_mem>>
      %dma_start3A_133 = arith.constant 0 : i32
      %dma_start3A_134 = tpu.memref_slice %arg4[%add3A_22, %dma_start3A_133] : memref<8448x1024xf32, #tpu.memory_space<hbm>> -> memref<24x1024xf32, #tpu.memory_space<hbm>>
      %dma_start3A_135 = arith.constant 0 : i32
      %dma_start3A_136 = tpu.memref_slice %arg4[%add3A_22, %dma_start3A_135] : memref<8448x1024xf32, #tpu.memory_space<hbm>> -> memref<24x1024xf32, #tpu.memory_space<hbm>>
      tpu.enqueue_dma source(%arg6 : memref<24x1024xf32, #tpu.memory_space<vmem>>) target(%dma_start3A_136 : memref<24x1024xf32, #tpu.memory_space<hbm>>) target_semaphore(%run_scoped3A : memref<!tpu.dma_semaphore, #tpu.memory_space<semaphore_mem>>)
      %dma_wait3A_137 = arith.constant 0 : i32
      %dma_wait3A_138 = tpu.memref_slice %arg4[%add3A_22, %dma_wait3A_137] : memref<8448x1024xf32, #tpu.memory_space<hbm>> -> memref<24x1024xf32, #tpu.memory_space<hbm>>
      %dma_wait3A_139 = arith.constant 0 : i32
      %dma_wait3A_140 = tpu.memref_slice %arg4[%add3A_22, %dma_wait3A_139] : memref<8448x1024xf32, #tpu.memory_space<hbm>> -> memref<24x1024xf32, #tpu.memory_space<hbm>>
      tpu.wait_dma2 semaphore(%run_scoped3A : memref<!tpu.dma_semaphore, #tpu.memory_space<semaphore_mem>>) src(%arg6 : memref<24x1024xf32, #tpu.memory_space<vmem>>) dst(%dma_wait3A_140 : memref<24x1024xf32, #tpu.memory_space<hbm>>)
      tpu.yield
    }) : () -> ()
    %dma_start3A_23 = arith.constant 72 : i32
    %dma_start3A_24 = tpu.memref_slice %arg5[%dma_start3A_23] : memref<264xi32, #tpu.memory_space<vmem>> -> memref<24xi32, #tpu.memory_space<vmem>>
    %dma_start3A_25 = arith.constant 0 : i32
    %dma_start3A_26 = arith.constant 0 : i32
    %dma_start3A_27 = tpu.memref_slice %arg2[%dma_start3A_25, %dma_start3A_26] : memref<8192x1024xf32, #tpu.memory_space<hbm>> -> memref<8192x1024xf32, #tpu.memory_space<hbm>>
    tpu.enqueue_indirect_dma source(%dma_start3A_27 : memref<8192x1024xf32, #tpu.memory_space<hbm>>) target(%arg6 : memref<24x1024xf32, #tpu.memory_space<vmem>>) offsets(%dma_start3A_24 : memref<24xi32, #tpu.memory_space<vmem>>) semaphore(%arg9 : memref<!tpu.dma_semaphore, #tpu.memory_space<semaphore_mem>>)
    %dma_wait3A_28 = arith.constant 24 : i32
    %dma_wait3A_29 = tpu.memref_slice %arg5[%dma_wait3A_28] : memref<264xi32, #tpu.memory_space<vmem>> -> memref<24xi32, #tpu.memory_space<vmem>>
    %dma_wait3A_30 = arith.constant 0 : i32
    %dma_wait3A_31 = arith.constant 0 : i32
    %dma_wait3A_32 = tpu.memref_slice %arg2[%dma_wait3A_30, %dma_wait3A_31] : memref<8192x1024xf32, #tpu.memory_space<hbm>> -> memref<8192x1024xf32, #tpu.memory_space<hbm>>
    tpu.wait_indirect_dma semaphore(%arg10 : memref<!tpu.dma_semaphore, #tpu.memory_space<semaphore_mem>>) src(%dma_wait3A_32 : memref<8192x1024xf32, #tpu.memory_space<hbm>>) dst(%arg7 : memref<24x1024xf32, #tpu.memory_space<vmem>>)
    %add3A_33 = arith.constant 24 : i32
    %add3A_34 = arith.addi %mul3A_2, %add3A_33 : i32
    "tpu.region"() ({
      %run_scoped3A = tpu.sem_alloc : memref<!tpu.dma_semaphore, #tpu.memory_space<semaphore_mem>>
      %dma_start3A_133 = arith.constant 0 : i32
      %dma_start3A_134 = tpu.memref_slice %arg4[%add3A_34, %dma_start3A_133] : memref<8448x1024xf32, #tpu.memory_space<hbm>> -> memref<24x1024xf32, #tpu.memory_space<hbm>>
      %dma_start3A_135 = arith.constant 0 : i32
      %dma_start3A_136 = tpu.memref_slice %arg4[%add3A_34, %dma_start3A_135] : memref<8448x1024xf32, #tpu.memory_space<hbm>> -> memref<24x1024xf32, #tpu.memory_space<hbm>>
      tpu.enqueue_dma source(%arg7 : memref<24x1024xf32, #tpu.memory_space<vmem>>) target(%dma_start3A_136 : memref<24x1024xf32, #tpu.memory_space<hbm>>) target_semaphore(%run_scoped3A : memref<!tpu.dma_semaphore, #tpu.memory_space<semaphore_mem>>)
      %dma_wait3A_137 = arith.constant 0 : i32
      %dma_wait3A_138 = tpu.memref_slice %arg4[%add3A_34, %dma_wait3A_137] : memref<8448x1024xf32, #tpu.memory_space<hbm>> -> memref<24x1024xf32, #tpu.memory_space<hbm>>
      %dma_wait3A_139 = arith.constant 0 : i32
      %dma_wait3A_140 = tpu.memref_slice %arg4[%add3A_34, %dma_wait3A_139] : memref<8448x1024xf32, #tpu.memory_space<hbm>> -> memref<24x1024xf32, #tpu.memory_space<hbm>>
      tpu.wait_dma2 semaphore(%run_scoped3A : memref<!tpu.dma_semaphore, #tpu.memory_space<semaphore_mem>>) src(%arg7 : memref<24x1024xf32, #tpu.memory_space<vmem>>) dst(%dma_wait3A_140 : memref<24x1024xf32, #tpu.memory_space<hbm>>)
      tpu.yield
    }) : () -> ()
    %dma_start3A_35 = arith.constant 96 : i32
    %dma_start3A_36 = tpu.memref_slice %arg5[%dma_start3A_35] : memref<264xi32, #tpu.memory_space<vmem>> -> memref<24xi32, #tpu.memory_space<vmem>>
    %dma_start3A_37 = arith.constant 0 : i32
    %dma_start3A_38 = arith.constant 0 : i32
    %dma_start3A_39 = tpu.memref_slice %arg2[%dma_start3A_37, %dma_start3A_38] : memref<8192x1024xf32, #tpu.memory_space<hbm>> -> memref<8192x1024xf32, #tpu.memory_space<hbm>>
    tpu.enqueue_indirect_dma source(%dma_start3A_39 : memref<8192x1024xf32, #tpu.memory_space<hbm>>) target(%arg7 : memref<24x1024xf32, #tpu.memory_space<vmem>>) offsets(%dma_start3A_36 : memref<24xi32, #tpu.memory_space<vmem>>) semaphore(%arg10 : memref<!tpu.dma_semaphore, #tpu.memory_space<semaphore_mem>>)
    %dma_wait3A_40 = arith.constant 48 : i32
    %dma_wait3A_41 = tpu.memref_slice %arg5[%dma_wait3A_40] : memref<264xi32, #tpu.memory_space<vmem>> -> memref<24xi32, #tpu.memory_space<vmem>>
    %dma_wait3A_42 = arith.constant 0 : i32
    %dma_wait3A_43 = arith.constant 0 : i32
    %dma_wait3A_44 = tpu.memref_slice %arg2[%dma_wait3A_42, %dma_wait3A_43] : memref<8192x1024xf32, #tpu.memory_space<hbm>> -> memref<8192x1024xf32, #tpu.memory_space<hbm>>
    tpu.wait_indirect_dma semaphore(%arg11 : memref<!tpu.dma_semaphore, #tpu.memory_space<semaphore_mem>>) src(%dma_wait3A_44 : memref<8192x1024xf32, #tpu.memory_space<hbm>>) dst(%arg8 : memref<24x1024xf32, #tpu.memory_space<vmem>>)
    %add3A_45 = arith.constant 48 : i32
    %add3A_46 = arith.addi %mul3A_2, %add3A_45 : i32
    "tpu.region"() ({
      %run_scoped3A = tpu.sem_alloc : memref<!tpu.dma_semaphore, #tpu.memory_space<semaphore_mem>>
      %dma_start3A_133 = arith.constant 0 : i32
      %dma_start3A_134 = tpu.memref_slice %arg4[%add3A_46, %dma_start3A_133] : memref<8448x1024xf32, #tpu.memory_space<hbm>> -> memref<24x1024xf32, #tpu.memory_space<hbm>>
      %dma_start3A_135 = arith.constant 0 : i32
      %dma_start3A_136 = tpu.memref_slice %arg4[%add3A_46, %dma_start3A_135] : memref<8448x1024xf32, #tpu.memory_space<hbm>> -> memref<24x1024xf32, #tpu.memory_space<hbm>>
      tpu.enqueue_dma source(%arg8 : memref<24x1024xf32, #tpu.memory_space<vmem>>) target(%dma_start3A_136 : memref<24x1024xf32, #tpu.memory_space<hbm>>) target_semaphore(%run_scoped3A : memref<!tpu.dma_semaphore, #tpu.memory_space<semaphore_mem>>)
      %dma_wait3A_137 = arith.constant 0 : i32
      %dma_wait3A_138 = tpu.memref_slice %arg4[%add3A_46, %dma_wait3A_137] : memref<8448x1024xf32, #tpu.memory_space<hbm>> -> memref<24x1024xf32, #tpu.memory_space<hbm>>
      %dma_wait3A_139 = arith.constant 0 : i32
      %dma_wait3A_140 = tpu.memref_slice %arg4[%add3A_46, %dma_wait3A_139] : memref<8448x1024xf32, #tpu.memory_space<hbm>> -> memref<24x1024xf32, #tpu.memory_space<hbm>>
      tpu.wait_dma2 semaphore(%run_scoped3A : memref<!tpu.dma_semaphore, #tpu.memory_space<semaphore_mem>>) src(%arg8 : memref<24x1024xf32, #tpu.memory_space<vmem>>) dst(%dma_wait3A_140 : memref<24x1024xf32, #tpu.memory_space<hbm>>)
      tpu.yield
    }) : () -> ()
    %dma_start3A_47 = arith.constant 120 : i32
    %dma_start3A_48 = tpu.memref_slice %arg5[%dma_start3A_47] : memref<264xi32, #tpu.memory_space<vmem>> -> memref<24xi32, #tpu.memory_space<vmem>>
    %dma_start3A_49 = arith.constant 0 : i32
    %dma_start3A_50 = arith.constant 0 : i32
    %dma_start3A_51 = tpu.memref_slice %arg2[%dma_start3A_49, %dma_start3A_50] : memref<8192x1024xf32, #tpu.memory_space<hbm>> -> memref<8192x1024xf32, #tpu.memory_space<hbm>>
    tpu.enqueue_indirect_dma source(%dma_start3A_51 : memref<8192x1024xf32, #tpu.memory_space<hbm>>) target(%arg8 : memref<24x1024xf32, #tpu.memory_space<vmem>>) offsets(%dma_start3A_48 : memref<24xi32, #tpu.memory_space<vmem>>) semaphore(%arg11 : memref<!tpu.dma_semaphore, #tpu.memory_space<semaphore_mem>>)
    %dma_wait3A_52 = arith.constant 72 : i32
    %dma_wait3A_53 = tpu.memref_slice %arg5[%dma_wait3A_52] : memref<264xi32, #tpu.memory_space<vmem>> -> memref<24xi32, #tpu.memory_space<vmem>>
    %dma_wait3A_54 = arith.constant 0 : i32
    %dma_wait3A_55 = arith.constant 0 : i32
    %dma_wait3A_56 = tpu.memref_slice %arg2[%dma_wait3A_54, %dma_wait3A_55] : memref<8192x1024xf32, #tpu.memory_space<hbm>> -> memref<8192x1024xf32, #tpu.memory_space<hbm>>
    tpu.wait_indirect_dma semaphore(%arg9 : memref<!tpu.dma_semaphore, #tpu.memory_space<semaphore_mem>>) src(%dma_wait3A_56 : memref<8192x1024xf32, #tpu.memory_space<hbm>>) dst(%arg6 : memref<24x1024xf32, #tpu.memory_space<vmem>>)
    %add3A_57 = arith.constant 72 : i32
    %add3A_58 = arith.addi %mul3A_2, %add3A_57 : i32
    "tpu.region"() ({
      %run_scoped3A = tpu.sem_alloc : memref<!tpu.dma_semaphore, #tpu.memory_space<semaphore_mem>>
      %dma_start3A_133 = arith.constant 0 : i32
      %dma_start3A_134 = tpu.memref_slice %arg4[%add3A_58, %dma_start3A_133] : memref<8448x1024xf32, #tpu.memory_space<hbm>> -> memref<24x1024xf32, #tpu.memory_space<hbm>>
      %dma_start3A_135 = arith.constant 0 : i32
      %dma_start3A_136 = tpu.memref_slice %arg4[%add3A_58, %dma_start3A_135] : memref<8448x1024xf32, #tpu.memory_space<hbm>> -> memref<24x1024xf32, #tpu.memory_space<hbm>>
      tpu.enqueue_dma source(%arg6 : memref<24x1024xf32, #tpu.memory_space<vmem>>) target(%dma_start3A_136 : memref<24x1024xf32, #tpu.memory_space<hbm>>) target_semaphore(%run_scoped3A : memref<!tpu.dma_semaphore, #tpu.memory_space<semaphore_mem>>)
      %dma_wait3A_137 = arith.constant 0 : i32
      %dma_wait3A_138 = tpu.memref_slice %arg4[%add3A_58, %dma_wait3A_137] : memref<8448x1024xf32, #tpu.memory_space<hbm>> -> memref<24x1024xf32, #tpu.memory_space<hbm>>
      %dma_wait3A_139 = arith.constant 0 : i32
      %dma_wait3A_140 = tpu.memref_slice %arg4[%add3A_58, %dma_wait3A_139] : memref<8448x1024xf32, #tpu.memory_space<hbm>> -> memref<24x1024xf32, #tpu.memory_space<hbm>>
      tpu.wait_dma2 semaphore(%run_scoped3A : memref<!tpu.dma_semaphore, #tpu.memory_space<semaphore_mem>>) src(%arg6 : memref<24x1024xf32, #tpu.memory_space<vmem>>) dst(%dma_wait3A_140 : memref<24x1024xf32, #tpu.memory_space<hbm>>)
      tpu.yield
    }) : () -> ()
    %dma_start3A_59 = arith.constant 144 : i32
    %dma_start3A_60 = tpu.memref_slice %arg5[%dma_start3A_59] : memref<264xi32, #tpu.memory_space<vmem>> -> memref<24xi32, #tpu.memory_space<vmem>>
    %dma_start3A_61 = arith.constant 0 : i32
    %dma_start3A_62 = arith.constant 0 : i32
    %dma_start3A_63 = tpu.memref_slice %arg2[%dma_start3A_61, %dma_start3A_62] : memref<8192x1024xf32, #tpu.memory_space<hbm>> -> memref<8192x1024xf32, #tpu.memory_space<hbm>>
    tpu.enqueue_indirect_dma source(%dma_start3A_63 : memref<8192x1024xf32, #tpu.memory_space<hbm>>) target(%arg6 : memref<24x1024xf32, #tpu.memory_space<vmem>>) offsets(%dma_start3A_60 : memref<24xi32, #tpu.memory_space<vmem>>) semaphore(%arg9 : memref<!tpu.dma_semaphore, #tpu.memory_space<semaphore_mem>>)
    %dma_wait3A_64 = arith.constant 96 : i32
    %dma_wait3A_65 = tpu.memref_slice %arg5[%dma_wait3A_64] : memref<264xi32, #tpu.memory_space<vmem>> -> memref<24xi32, #tpu.memory_space<vmem>>
    %dma_wait3A_66 = arith.constant 0 : i32
    %dma_wait3A_67 = arith.constant 0 : i32
    %dma_wait3A_68 = tpu.memref_slice %arg2[%dma_wait3A_66, %dma_wait3A_67] : memref<8192x1024xf32, #tpu.memory_space<hbm>> -> memref<8192x1024xf32, #tpu.memory_space<hbm>>
    tpu.wait_indirect_dma semaphore(%arg10 : memref<!tpu.dma_semaphore, #tpu.memory_space<semaphore_mem>>) src(%dma_wait3A_68 : memref<8192x1024xf32, #tpu.memory_space<hbm>>) dst(%arg7 : memref<24x1024xf32, #tpu.memory_space<vmem>>)
    %add3A_69 = arith.constant 96 : i32
    %add3A_70 = arith.addi %mul3A_2, %add3A_69 : i32
    "tpu.region"() ({
      %run_scoped3A = tpu.sem_alloc : memref<!tpu.dma_semaphore, #tpu.memory_space<semaphore_mem>>
      %dma_start3A_133 = arith.constant 0 : i32
      %dma_start3A_134 = tpu.memref_slice %arg4[%add3A_70, %dma_start3A_133] : memref<8448x1024xf32, #tpu.memory_space<hbm>> -> memref<24x1024xf32, #tpu.memory_space<hbm>>
      %dma_start3A_135 = arith.constant 0 : i32
      %dma_start3A_136 = tpu.memref_slice %arg4[%add3A_70, %dma_start3A_135] : memref<8448x1024xf32, #tpu.memory_space<hbm>> -> memref<24x1024xf32, #tpu.memory_space<hbm>>
      tpu.enqueue_dma source(%arg7 : memref<24x1024xf32, #tpu.memory_space<vmem>>) target(%dma_start3A_136 : memref<24x1024xf32, #tpu.memory_space<hbm>>) target_semaphore(%run_scoped3A : memref<!tpu.dma_semaphore, #tpu.memory_space<semaphore_mem>>)
      %dma_wait3A_137 = arith.constant 0 : i32
      %dma_wait3A_138 = tpu.memref_slice %arg4[%add3A_70, %dma_wait3A_137] : memref<8448x1024xf32, #tpu.memory_space<hbm>> -> memref<24x1024xf32, #tpu.memory_space<hbm>>
      %dma_wait3A_139 = arith.constant 0 : i32
      %dma_wait3A_140 = tpu.memref_slice %arg4[%add3A_70, %dma_wait3A_139] : memref<8448x1024xf32, #tpu.memory_space<hbm>> -> memref<24x1024xf32, #tpu.memory_space<hbm>>
      tpu.wait_dma2 semaphore(%run_scoped3A : memref<!tpu.dma_semaphore, #tpu.memory_space<semaphore_mem>>) src(%arg7 : memref<24x1024xf32, #tpu.memory_space<vmem>>) dst(%dma_wait3A_140 : memref<24x1024xf32, #tpu.memory_space<hbm>>)
      tpu.yield
    }) : () -> ()
    %dma_start3A_71 = arith.constant 168 : i32
    %dma_start3A_72 = tpu.memref_slice %arg5[%dma_start3A_71] : memref<264xi32, #tpu.memory_space<vmem>> -> memref<24xi32, #tpu.memory_space<vmem>>
    %dma_start3A_73 = arith.constant 0 : i32
    %dma_start3A_74 = arith.constant 0 : i32
    %dma_start3A_75 = tpu.memref_slice %arg2[%dma_start3A_73, %dma_start3A_74] : memref<8192x1024xf32, #tpu.memory_space<hbm>> -> memref<8192x1024xf32, #tpu.memory_space<hbm>>
    tpu.enqueue_indirect_dma source(%dma_start3A_75 : memref<8192x1024xf32, #tpu.memory_space<hbm>>) target(%arg7 : memref<24x1024xf32, #tpu.memory_space<vmem>>) offsets(%dma_start3A_72 : memref<24xi32, #tpu.memory_space<vmem>>) semaphore(%arg10 : memref<!tpu.dma_semaphore, #tpu.memory_space<semaphore_mem>>)
    %dma_wait3A_76 = arith.constant 120 : i32
    %dma_wait3A_77 = tpu.memref_slice %arg5[%dma_wait3A_76] : memref<264xi32, #tpu.memory_space<vmem>> -> memref<24xi32, #tpu.memory_space<vmem>>
    %dma_wait3A_78 = arith.constant 0 : i32
    %dma_wait3A_79 = arith.constant 0 : i32
    %dma_wait3A_80 = tpu.memref_slice %arg2[%dma_wait3A_78, %dma_wait3A_79] : memref<8192x1024xf32, #tpu.memory_space<hbm>> -> memref<8192x1024xf32, #tpu.memory_space<hbm>>
    tpu.wait_indirect_dma semaphore(%arg11 : memref<!tpu.dma_semaphore, #tpu.memory_space<semaphore_mem>>) src(%dma_wait3A_80 : memref<8192x1024xf32, #tpu.memory_space<hbm>>) dst(%arg8 : memref<24x1024xf32, #tpu.memory_space<vmem>>)
    %add3A_81 = arith.constant 120 : i32
    %add3A_82 = arith.addi %mul3A_2, %add3A_81 : i32
    "tpu.region"() ({
      %run_scoped3A = tpu.sem_alloc : memref<!tpu.dma_semaphore, #tpu.memory_space<semaphore_mem>>
      %dma_start3A_133 = arith.constant 0 : i32
      %dma_start3A_134 = tpu.memref_slice %arg4[%add3A_82, %dma_start3A_133] : memref<8448x1024xf32, #tpu.memory_space<hbm>> -> memref<24x1024xf32, #tpu.memory_space<hbm>>
      %dma_start3A_135 = arith.constant 0 : i32
      %dma_start3A_136 = tpu.memref_slice %arg4[%add3A_82, %dma_start3A_135] : memref<8448x1024xf32, #tpu.memory_space<hbm>> -> memref<24x1024xf32, #tpu.memory_space<hbm>>
      tpu.enqueue_dma source(%arg8 : memref<24x1024xf32, #tpu.memory_space<vmem>>) target(%dma_start3A_136 : memref<24x1024xf32, #tpu.memory_space<hbm>>) target_semaphore(%run_scoped3A : memref<!tpu.dma_semaphore, #tpu.memory_space<semaphore_mem>>)
      %dma_wait3A_137 = arith.constant 0 : i32
      %dma_wait3A_138 = tpu.memref_slice %arg4[%add3A_82, %dma_wait3A_137] : memref<8448x1024xf32, #tpu.memory_space<hbm>> -> memref<24x1024xf32, #tpu.memory_space<hbm>>
      %dma_wait3A_139 = arith.constant 0 : i32
      %dma_wait3A_140 = tpu.memref_slice %arg4[%add3A_82, %dma_wait3A_139] : memref<8448x1024xf32, #tpu.memory_space<hbm>> -> memref<24x1024xf32, #tpu.memory_space<hbm>>
      tpu.wait_dma2 semaphore(%run_scoped3A : memref<!tpu.dma_semaphore, #tpu.memory_space<semaphore_mem>>) src(%arg8 : memref<24x1024xf32, #tpu.memory_space<vmem>>) dst(%dma_wait3A_140 : memref<24x1024xf32, #tpu.memory_space<hbm>>)
      tpu.yield
    }) : () -> ()
    %dma_start3A_83 = arith.constant 192 : i32
    %dma_start3A_84 = tpu.memref_slice %arg5[%dma_start3A_83] : memref<264xi32, #tpu.memory_space<vmem>> -> memref<24xi32, #tpu.memory_space<vmem>>
    %dma_start3A_85 = arith.constant 0 : i32
    %dma_start3A_86 = arith.constant 0 : i32
    %dma_start3A_87 = tpu.memref_slice %arg2[%dma_start3A_85, %dma_start3A_86] : memref<8192x1024xf32, #tpu.memory_space<hbm>> -> memref<8192x1024xf32, #tpu.memory_space<hbm>>
    tpu.enqueue_indirect_dma source(%dma_start3A_87 : memref<8192x1024xf32, #tpu.memory_space<hbm>>) target(%arg8 : memref<24x1024xf32, #tpu.memory_space<vmem>>) offsets(%dma_start3A_84 : memref<24xi32, #tpu.memory_space<vmem>>) semaphore(%arg11 : memref<!tpu.dma_semaphore, #tpu.memory_space<semaphore_mem>>)
    %dma_wait3A_88 = arith.constant 144 : i32
    %dma_wait3A_89 = tpu.memref_slice %arg5[%dma_wait3A_88] : memref<264xi32, #tpu.memory_space<vmem>> -> memref<24xi32, #tpu.memory_space<vmem>>
    %dma_wait3A_90 = arith.constant 0 : i32
    %dma_wait3A_91 = arith.constant 0 : i32
    %dma_wait3A_92 = tpu.memref_slice %arg2[%dma_wait3A_90, %dma_wait3A_91] : memref<8192x1024xf32, #tpu.memory_space<hbm>> -> memref<8192x1024xf32, #tpu.memory_space<hbm>>
    tpu.wait_indirect_dma semaphore(%arg9 : memref<!tpu.dma_semaphore, #tpu.memory_space<semaphore_mem>>) src(%dma_wait3A_92 : memref<8192x1024xf32, #tpu.memory_space<hbm>>) dst(%arg6 : memref<24x1024xf32, #tpu.memory_space<vmem>>)
    %add3A_93 = arith.constant 144 : i32
    %add3A_94 = arith.addi %mul3A_2, %add3A_93 : i32
    "tpu.region"() ({
      %run_scoped3A = tpu.sem_alloc : memref<!tpu.dma_semaphore, #tpu.memory_space<semaphore_mem>>
      %dma_start3A_133 = arith.constant 0 : i32
      %dma_start3A_134 = tpu.memref_slice %arg4[%add3A_94, %dma_start3A_133] : memref<8448x1024xf32, #tpu.memory_space<hbm>> -> memref<24x1024xf32, #tpu.memory_space<hbm>>
      %dma_start3A_135 = arith.constant 0 : i32
      %dma_start3A_136 = tpu.memref_slice %arg4[%add3A_94, %dma_start3A_135] : memref<8448x1024xf32, #tpu.memory_space<hbm>> -> memref<24x1024xf32, #tpu.memory_space<hbm>>
      tpu.enqueue_dma source(%arg6 : memref<24x1024xf32, #tpu.memory_space<vmem>>) target(%dma_start3A_136 : memref<24x1024xf32, #tpu.memory_space<hbm>>) target_semaphore(%run_scoped3A : memref<!tpu.dma_semaphore, #tpu.memory_space<semaphore_mem>>)
      %dma_wait3A_137 = arith.constant 0 : i32
      %dma_wait3A_138 = tpu.memref_slice %arg4[%add3A_94, %dma_wait3A_137] : memref<8448x1024xf32, #tpu.memory_space<hbm>> -> memref<24x1024xf32, #tpu.memory_space<hbm>>
      %dma_wait3A_139 = arith.constant 0 : i32
      %dma_wait3A_140 = tpu.memref_slice %arg4[%add3A_94, %dma_wait3A_139] : memref<8448x1024xf32, #tpu.memory_space<hbm>> -> memref<24x1024xf32, #tpu.memory_space<hbm>>
      tpu.wait_dma2 semaphore(%run_scoped3A : memref<!tpu.dma_semaphore, #tpu.memory_space<semaphore_mem>>) src(%arg6 : memref<24x1024xf32, #tpu.memory_space<vmem>>) dst(%dma_wait3A_140 : memref<24x1024xf32, #tpu.memory_space<hbm>>)
      tpu.yield
    }) : () -> ()
    %dma_start3A_95 = arith.constant 216 : i32
    %dma_start3A_96 = tpu.memref_slice %arg5[%dma_start3A_95] : memref<264xi32, #tpu.memory_space<vmem>> -> memref<24xi32, #tpu.memory_space<vmem>>
    %dma_start3A_97 = arith.constant 0 : i32
    %dma_start3A_98 = arith.constant 0 : i32
    %dma_start3A_99 = tpu.memref_slice %arg2[%dma_start3A_97, %dma_start3A_98] : memref<8192x1024xf32, #tpu.memory_space<hbm>> -> memref<8192x1024xf32, #tpu.memory_space<hbm>>
    tpu.enqueue_indirect_dma source(%dma_start3A_99 : memref<8192x1024xf32, #tpu.memory_space<hbm>>) target(%arg6 : memref<24x1024xf32, #tpu.memory_space<vmem>>) offsets(%dma_start3A_96 : memref<24xi32, #tpu.memory_space<vmem>>) semaphore(%arg9 : memref<!tpu.dma_semaphore, #tpu.memory_space<semaphore_mem>>)
    %dma_wait3A_100 = arith.constant 168 : i32
    %dma_wait3A_101 = tpu.memref_slice %arg5[%dma_wait3A_100] : memref<264xi32, #tpu.memory_space<vmem>> -> memref<24xi32, #tpu.memory_space<vmem>>
    %dma_wait3A_102 = arith.constant 0 : i32
    %dma_wait3A_103 = arith.constant 0 : i32
    %dma_wait3A_104 = tpu.memref_slice %arg2[%dma_wait3A_102, %dma_wait3A_103] : memref<8192x1024xf32, #tpu.memory_space<hbm>> -> memref<8192x1024xf32, #tpu.memory_space<hbm>>
    tpu.wait_indirect_dma semaphore(%arg10 : memref<!tpu.dma_semaphore, #tpu.memory_space<semaphore_mem>>) src(%dma_wait3A_104 : memref<8192x1024xf32, #tpu.memory_space<hbm>>) dst(%arg7 : memref<24x1024xf32, #tpu.memory_space<vmem>>)
    %add3A_105 = arith.constant 168 : i32
    %add3A_106 = arith.addi %mul3A_2, %add3A_105 : i32
    "tpu.region"() ({
      %run_scoped3A = tpu.sem_alloc : memref<!tpu.dma_semaphore, #tpu.memory_space<semaphore_mem>>
      %dma_start3A_133 = arith.constant 0 : i32
      %dma_start3A_134 = tpu.memref_slice %arg4[%add3A_106, %dma_start3A_133] : memref<8448x1024xf32, #tpu.memory_space<hbm>> -> memref<24x1024xf32, #tpu.memory_space<hbm>>
      %dma_start3A_135 = arith.constant 0 : i32
      %dma_start3A_136 = tpu.memref_slice %arg4[%add3A_106, %dma_start3A_135] : memref<8448x1024xf32, #tpu.memory_space<hbm>> -> memref<24x1024xf32, #tpu.memory_space<hbm>>
      tpu.enqueue_dma source(%arg7 : memref<24x1024xf32, #tpu.memory_space<vmem>>) target(%dma_start3A_136 : memref<24x1024xf32, #tpu.memory_space<hbm>>) target_semaphore(%run_scoped3A : memref<!tpu.dma_semaphore, #tpu.memory_space<semaphore_mem>>)
      %dma_wait3A_137 = arith.constant 0 : i32
      %dma_wait3A_138 = tpu.memref_slice %arg4[%add3A_106, %dma_wait3A_137] : memref<8448x1024xf32, #tpu.memory_space<hbm>> -> memref<24x1024xf32, #tpu.memory_space<hbm>>
      %dma_wait3A_139 = arith.constant 0 : i32
      %dma_wait3A_140 = tpu.memref_slice %arg4[%add3A_106, %dma_wait3A_139] : memref<8448x1024xf32, #tpu.memory_space<hbm>> -> memref<24x1024xf32, #tpu.memory_space<hbm>>
      tpu.wait_dma2 semaphore(%run_scoped3A : memref<!tpu.dma_semaphore, #tpu.memory_space<semaphore_mem>>) src(%arg7 : memref<24x1024xf32, #tpu.memory_space<vmem>>) dst(%dma_wait3A_140 : memref<24x1024xf32, #tpu.memory_space<hbm>>)
      tpu.yield
    }) : () -> ()
    %dma_start3A_107 = arith.constant 240 : i32
    %dma_start3A_108 = tpu.memref_slice %arg5[%dma_start3A_107] : memref<264xi32, #tpu.memory_space<vmem>> -> memref<24xi32, #tpu.memory_space<vmem>>
    %dma_start3A_109 = arith.constant 0 : i32
    %dma_start3A_110 = arith.constant 0 : i32
    %dma_start3A_111 = tpu.memref_slice %arg2[%dma_start3A_109, %dma_start3A_110] : memref<8192x1024xf32, #tpu.memory_space<hbm>> -> memref<8192x1024xf32, #tpu.memory_space<hbm>>
    tpu.enqueue_indirect_dma source(%dma_start3A_111 : memref<8192x1024xf32, #tpu.memory_space<hbm>>) target(%arg7 : memref<24x1024xf32, #tpu.memory_space<vmem>>) offsets(%dma_start3A_108 : memref<24xi32, #tpu.memory_space<vmem>>) semaphore(%arg10 : memref<!tpu.dma_semaphore, #tpu.memory_space<semaphore_mem>>)
    %dma_wait3A_112 = arith.constant 192 : i32
    %dma_wait3A_113 = tpu.memref_slice %arg5[%dma_wait3A_112] : memref<264xi32, #tpu.memory_space<vmem>> -> memref<24xi32, #tpu.memory_space<vmem>>
    %dma_wait3A_114 = arith.constant 0 : i32
    %dma_wait3A_115 = arith.constant 0 : i32
    %dma_wait3A_116 = tpu.memref_slice %arg2[%dma_wait3A_114, %dma_wait3A_115] : memref<8192x1024xf32, #tpu.memory_space<hbm>> -> memref<8192x1024xf32, #tpu.memory_space<hbm>>
    tpu.wait_indirect_dma semaphore(%arg11 : memref<!tpu.dma_semaphore, #tpu.memory_space<semaphore_mem>>) src(%dma_wait3A_116 : memref<8192x1024xf32, #tpu.memory_space<hbm>>) dst(%arg8 : memref<24x1024xf32, #tpu.memory_space<vmem>>)
    %add3A_117 = arith.constant 192 : i32
    %add3A_118 = arith.addi %mul3A_2, %add3A_117 : i32
    "tpu.region"() ({
      %run_scoped3A = tpu.sem_alloc : memref<!tpu.dma_semaphore, #tpu.memory_space<semaphore_mem>>
      %dma_start3A_133 = arith.constant 0 : i32
      %dma_start3A_134 = tpu.memref_slice %arg4[%add3A_118, %dma_start3A_133] : memref<8448x1024xf32, #tpu.memory_space<hbm>> -> memref<24x1024xf32, #tpu.memory_space<hbm>>
      %dma_start3A_135 = arith.constant 0 : i32
      %dma_start3A_136 = tpu.memref_slice %arg4[%add3A_118, %dma_start3A_135] : memref<8448x1024xf32, #tpu.memory_space<hbm>> -> memref<24x1024xf32, #tpu.memory_space<hbm>>
      tpu.enqueue_dma source(%arg8 : memref<24x1024xf32, #tpu.memory_space<vmem>>) target(%dma_start3A_136 : memref<24x1024xf32, #tpu.memory_space<hbm>>) target_semaphore(%run_scoped3A : memref<!tpu.dma_semaphore, #tpu.memory_space<semaphore_mem>>)
      %dma_wait3A_137 = arith.constant 0 : i32
      %dma_wait3A_138 = tpu.memref_slice %arg4[%add3A_118, %dma_wait3A_137] : memref<8448x1024xf32, #tpu.memory_space<hbm>> -> memref<24x1024xf32, #tpu.memory_space<hbm>>
      %dma_wait3A_139 = arith.constant 0 : i32
      %dma_wait3A_140 = tpu.memref_slice %arg4[%add3A_118, %dma_wait3A_139] : memref<8448x1024xf32, #tpu.memory_space<hbm>> -> memref<24x1024xf32, #tpu.memory_space<hbm>>
      tpu.wait_dma2 semaphore(%run_scoped3A : memref<!tpu.dma_semaphore, #tpu.memory_space<semaphore_mem>>) src(%arg8 : memref<24x1024xf32, #tpu.memory_space<vmem>>) dst(%dma_wait3A_140 : memref<24x1024xf32, #tpu.memory_space<hbm>>)
      tpu.yield
    }) : () -> ()
    %dma_wait3A_119 = arith.constant 216 : i32
    %dma_wait3A_120 = tpu.memref_slice %arg5[%dma_wait3A_119] : memref<264xi32, #tpu.memory_space<vmem>> -> memref<24xi32, #tpu.memory_space<vmem>>
    %dma_wait3A_121 = arith.constant 0 : i32
    %dma_wait3A_122 = arith.constant 0 : i32
    %dma_wait3A_123 = tpu.memref_slice %arg2[%dma_wait3A_121, %dma_wait3A_122] : memref<8192x1024xf32, #tpu.memory_space<hbm>> -> memref<8192x1024xf32, #tpu.memory_space<hbm>>
    tpu.wait_indirect_dma semaphore(%arg9 : memref<!tpu.dma_semaphore, #tpu.memory_space<semaphore_mem>>) src(%dma_wait3A_123 : memref<8192x1024xf32, #tpu.memory_space<hbm>>) dst(%arg6 : memref<24x1024xf32, #tpu.memory_space<vmem>>)
    %add3A_124 = arith.constant 216 : i32
    %add3A_125 = arith.addi %mul3A_2, %add3A_124 : i32
    "tpu.region"() ({
      %run_scoped3A = tpu.sem_alloc : memref<!tpu.dma_semaphore, #tpu.memory_space<semaphore_mem>>
      %dma_start3A_133 = arith.constant 0 : i32
      %dma_start3A_134 = tpu.memref_slice %arg4[%add3A_125, %dma_start3A_133] : memref<8448x1024xf32, #tpu.memory_space<hbm>> -> memref<24x1024xf32, #tpu.memory_space<hbm>>
      %dma_start3A_135 = arith.constant 0 : i32
      %dma_start3A_136 = tpu.memref_slice %arg4[%add3A_125, %dma_start3A_135] : memref<8448x1024xf32, #tpu.memory_space<hbm>> -> memref<24x1024xf32, #tpu.memory_space<hbm>>
      tpu.enqueue_dma source(%arg6 : memref<24x1024xf32, #tpu.memory_space<vmem>>) target(%dma_start3A_136 : memref<24x1024xf32, #tpu.memory_space<hbm>>) target_semaphore(%run_scoped3A : memref<!tpu.dma_semaphore, #tpu.memory_space<semaphore_mem>>)
      %dma_wait3A_137 = arith.constant 0 : i32
      %dma_wait3A_138 = tpu.memref_slice %arg4[%add3A_125, %dma_wait3A_137] : memref<8448x1024xf32, #tpu.memory_space<hbm>> -> memref<24x1024xf32, #tpu.memory_space<hbm>>
      %dma_wait3A_139 = arith.constant 0 : i32
      %dma_wait3A_140 = tpu.memref_slice %arg4[%add3A_125, %dma_wait3A_139] : memref<8448x1024xf32, #tpu.memory_space<hbm>> -> memref<24x1024xf32, #tpu.memory_space<hbm>>
      tpu.wait_dma2 semaphore(%run_scoped3A : memref<!tpu.dma_semaphore, #tpu.memory_space<semaphore_mem>>) src(%arg6 : memref<24x1024xf32, #tpu.memory_space<vmem>>) dst(%dma_wait3A_140 : memref<24x1024xf32, #tpu.memory_space<hbm>>)
      tpu.yield
    }) : () -> ()
    %dma_wait3A_126 = arith.constant 240 : i32
    %dma_wait3A_127 = tpu.memref_slice %arg5[%dma_wait3A_126] : memref<264xi32, #tpu.memory_space<vmem>> -> memref<24xi32, #tpu.memory_space<vmem>>
    %dma_wait3A_128 = arith.constant 0 : i32
    %dma_wait3A_129 = arith.constant 0 : i32
    %dma_wait3A_130 = tpu.memref_slice %arg2[%dma_wait3A_128, %dma_wait3A_129] : memref<8192x1024xf32, #tpu.memory_space<hbm>> -> memref<8192x1024xf32, #tpu.memory_space<hbm>>
    tpu.wait_indirect_dma semaphore(%arg10 : memref<!tpu.dma_semaphore, #tpu.memory_space<semaphore_mem>>) src(%dma_wait3A_130 : memref<8192x1024xf32, #tpu.memory_space<hbm>>) dst(%arg7 : memref<24x1024xf32, #tpu.memory_space<vmem>>)
    %add3A_131 = arith.constant 240 : i32
    %add3A_132 = arith.addi %mul3A_2, %add3A_131 : i32
    "tpu.region"() ({
      %run_scoped3A = tpu.sem_alloc : memref<!tpu.dma_semaphore, #tpu.memory_space<semaphore_mem>>
      %dma_start3A_133 = arith.constant 0 : i32
      %dma_start3A_134 = tpu.memref_slice %arg4[%add3A_132, %dma_start3A_133] : memref<8448x1024xf32, #tpu.memory_space<hbm>> -> memref<24x1024xf32, #tpu.memory_space<hbm>>
      %dma_start3A_135 = arith.constant 0 : i32
      %dma_start3A_136 = tpu.memref_slice %arg4[%add3A_132, %dma_start3A_135] : memref<8448x1024xf32, #tpu.memory_space<hbm>> -> memref<24x1024xf32, #tpu.memory_space<hbm>>
      tpu.enqueue_dma source(%arg7 : memref<24x1024xf32, #tpu.memory_space<vmem>>) target(%dma_start3A_136 : memref<24x1024xf32, #tpu.memory_space<hbm>>) target_semaphore(%run_scoped3A : memref<!tpu.dma_semaphore, #tpu.memory_space<semaphore_mem>>)
      %dma_wait3A_137 = arith.constant 0 : i32
      %dma_wait3A_138 = tpu.memref_slice %arg4[%add3A_132, %dma_wait3A_137] : memref<8448x1024xf32, #tpu.memory_space<hbm>> -> memref<24x1024xf32, #tpu.memory_space<hbm>>
      %dma_wait3A_139 = arith.constant 0 : i32
      %dma_wait3A_140 = tpu.memref_slice %arg4[%add3A_132, %dma_wait3A_139] : memref<8448x1024xf32, #tpu.memory_space<hbm>> -> memref<24x1024xf32, #tpu.memory_space<hbm>>
      tpu.wait_dma2 semaphore(%run_scoped3A : memref<!tpu.dma_semaphore, #tpu.memory_space<semaphore_mem>>) src(%arg7 : memref<24x1024xf32, #tpu.memory_space<vmem>>) dst(%dma_wait3A_140 : memref<24x1024xf32, #tpu.memory_space<hbm>>)
      tpu.yield
    }) : () -> ()
    return
  }
}

module attributes {stable_mosaic.version = 14 : i64} {
  func.func @body(%arg0: i32, %arg1: i32, %arg2: memref<1x128x1024xf32, #tpu.memory_space<vmem>>, %arg3: memref<1024x2048xbf16, #tpu.memory_space<vmem>>, %arg4: memref<1x128x1024xbf16, #tpu.memory_space<vmem>>, %arg5: memref<1x128x1024xbf16, #tpu.memory_space<vmem>>) attributes {dimension_semantics = [#tpu.dimension_semantics<arbitrary>, #tpu.dimension_semantics<arbitrary>], iteration_bounds = array<i64: 2, 33>, scalar_prefetch = 0 : i64, scratch_operands = 0 : i64, tpu.core_type = #tpu.core_type<tc>, window_params = [{transform_indices = @transform_0, window_bounds = array<i64: 1, 128, 1024>}, {pipeline_mode = #tpu.pipeline_mode<synchronous>, transform_indices = @transform_1, window_bounds = array<i64: 1024, 2048>}, {transform_indices = @transform_2, window_bounds = array<i64: 1, 128, 1024>}, {transform_indices = @transform_3, window_bounds = array<i64: 1, 128, 1024>}]} {
    %get3A = arith.constant 0 : index
    %get3A_0 = arith.constant 0 : index
    %get3A_1 = arith.constant 0 : index
    %get3A_2 = vector.load %arg2[%get3A, %get3A_0, %get3A_1] : memref<1x128x1024xf32, #tpu.memory_space<vmem>>, vector<1x128x1024xf32>
    %get3A_3 = vector.shape_cast %get3A_2 : vector<1x128x1024xf32> to vector<128x1024xf32>
    %convert_element_type3A = arith.truncf %get3A_3 : vector<128x1024xf32> to vector<128x1024xbf16>
    %get3A_4 = arith.constant 0 : index
    %get3A_5 = arith.constant 0 : index
    %get3A_6 = vector.load %arg3[%get3A_4, %get3A_5] : memref<1024x2048xbf16, #tpu.memory_space<vmem>>, vector<1024x2048xbf16>
    %dot_general3A = arith.constant dense<0.000000e+00> : vector<128x2048xf32>
    %dot_general3A_7 = tpu.matmul %convert_element_type3A, %get3A_6, %dot_general3A {dimension_numbers = #tpu.dot_dimension_numbers<[1], [0], [0], [1], [0, 0, 1, 1], [], []>, transpose_lhs_hint = false} : vector<128x1024xbf16>, vector<1024x2048xbf16>, vector<128x2048xf32> -> vector<128x2048xf32>
    %convert_element_type3A_8 = arith.truncf %dot_general3A_7 : vector<128x2048xf32> to vector<128x2048xbf16>
    %slice3A = vector.extract_strided_slice %convert_element_type3A_8 {offsets = [0, 0], sizes = [128, 1024], strides = [1, 1]} : vector<128x2048xbf16> to vector<128x1024xbf16>
    %swap3A = arith.constant 0 : index
    %swap3A_9 = arith.constant 0 : index
    %swap3A_10 = arith.constant 0 : index
    %swap3A_11 = vector.load %arg4[%swap3A, %swap3A_9, %swap3A_10] : memref<1x128x1024xbf16, #tpu.memory_space<vmem>>, vector<1x128x1024xbf16>
    %swap3A_12 = vector.shape_cast %swap3A_11 : vector<1x128x1024xbf16> to vector<128x1024xbf16>
    %swap3A_13 = vector.shape_cast %slice3A : vector<128x1024xbf16> to vector<1x128x1024xbf16>
    tpu.vector_store %arg4[%swap3A, %swap3A_9, %swap3A_10], %swap3A_13 {strides = array<i32>} : memref<1x128x1024xbf16, #tpu.memory_space<vmem>>, vector<1x128x1024xbf16>,
    %slice3A_14 = vector.extract_strided_slice %convert_element_type3A_8 {offsets = [0, 1024], sizes = [128, 1024], strides = [1, 1]} : vector<128x2048xbf16> to vector<128x1024xbf16>
    %swap3A_15 = arith.constant 0 : index
    %swap3A_16 = arith.constant 0 : index
    %swap3A_17 = arith.constant 0 : index
    %swap3A_18 = vector.load %arg5[%swap3A_15, %swap3A_16, %swap3A_17] : memref<1x128x1024xbf16, #tpu.memory_space<vmem>>, vector<1x128x1024xbf16>
    %swap3A_19 = vector.shape_cast %swap3A_18 : vector<1x128x1024xbf16> to vector<128x1024xbf16>
    %swap3A_20 = vector.shape_cast %slice3A_14 : vector<128x1024xbf16> to vector<1x128x1024xbf16>
    tpu.vector_store %arg5[%swap3A_15, %swap3A_16, %swap3A_17], %swap3A_20 {strides = array<i32>} : memref<1x128x1024xbf16, #tpu.memory_space<vmem>>, vector<1x128x1024xbf16>,
    return
  }
  func.func @transform_0(%arg0: i32, %arg1: i32) -> (i32, i32, i32) {
    %c0_i32 = arith.constant 0 : i32
    %c0_i32_0 = arith.constant 0 : i32
    return %arg0, %arg1, %c0_i32 : i32, i32, i32
  }
  func.func @transform_1(%arg0: i32, %arg1: i32) -> (i32, i32) {
    %c0_i32 = arith.constant 0 : i32
    %c0_i32_0 = arith.constant 0 : i32
    %c0_i32_1 = arith.constant 0 : i32
    return %c0_i32, %c0_i32_0 : i32, i32
  }
  func.func @transform_2(%arg0: i32, %arg1: i32) -> (i32, i32, i32) {
    %c0_i32 = arith.constant 0 : i32
    %c0_i32_0 = arith.constant 0 : i32
    return %arg0, %arg1, %c0_i32 : i32, i32, i32
  }
  func.func @transform_3(%arg0: i32, %arg1: i32) -> (i32, i32, i32) {
    %c0_i32 = arith.constant 0 : i32
    %c0_i32_0 = arith.constant 0 : i32
    return %arg0, %arg1, %c0_i32 : i32, i32, i32
  }
}

module attributes {stable_mosaic.version = 14 : i64} {
  func.func @body(%arg0: i32, %arg1: i32, %arg2: memref<1x128x1024xf32, #tpu.memory_space<vmem>>, %arg3: memref<1x128x1024xbf16, #tpu.memory_space<vmem>>, %arg4: memref<1x128x1024xbf16, #tpu.memory_space<vmem>>, %arg5: memref<1x128x1024xbf16, #tpu.memory_space<vmem>>, %arg6: memref<1x128x1024xbf16, #tpu.memory_space<vmem>>, %arg7: memref<16x128x64xbf16, #tpu.memory_space<vmem>>, %arg8: memref<16x128x64xbf16, #tpu.memory_space<vmem>>, %arg9: memref<1024x1024xbf16, #tpu.memory_space<vmem>>, %arg10: memref<1024x1024xbf16, #tpu.memory_space<vmem>>, %arg11: memref<128x128xbf16, #tpu.memory_space<vmem>>, %arg12: memref<1x1x16x128x256xf32, #tpu.memory_space<vmem>>, %arg13: memref<1x128x1024xf32, #tpu.memory_space<vmem>>, %arg14: memref<128x1024xf32, #tpu.memory_space<vmem>>) attributes {dimension_semantics = [#tpu.dimension_semantics<arbitrary>, #tpu.dimension_semantics<arbitrary>], iteration_bounds = array<i64: 2, 32>, scalar_prefetch = 0 : i64, scratch_operands = 1 : i64, tpu.core_type = #tpu.core_type<tc>, window_params = [{transform_indices = @transform_0, window_bounds = array<i64: 1, 128, 1024>}, {transform_indices = @transform_1, window_bounds = array<i64: 1, 128, 1024>}, {transform_indices = @transform_2, window_bounds = array<i64: 1, 128, 1024>}, {transform_indices = @transform_3, window_bounds = array<i64: 1, 128, 1024>}, {transform_indices = @transform_4, window_bounds = array<i64: 1, 128, 1024>}, {pipeline_mode = #tpu.pipeline_mode<synchronous>, transform_indices = @transform_5, window_bounds = array<i64: 16, 128, 64>}, {pipeline_mode = #tpu.pipeline_mode<synchronous>, transform_indices = @transform_6, window_bounds = array<i64: 16, 128, 64>}, {pipeline_mode = #tpu.pipeline_mode<synchronous>, transform_indices = @transform_7, window_bounds = array<i64: 1024, 1024>}, {pipeline_mode = #tpu.pipeline_mode<synchronous>, transform_indices = @transform_8, window_bounds = array<i64: 1024, 1024>}, {pipeline_mode = #tpu.pipeline_mode<synchronous>, transform_indices = @transform_9, window_bounds = array<i64: 128, 128>}, {transform_indices = @transform_10, window_bounds = array<i64: 1, 1, 16, 128, 256>}, {transform_indices = @transform_11, window_bounds = array<i64: 1, 128, 1024>}]} {
    %get3A = arith.constant 0 : index
    %get3A_0 = arith.constant 0 : index
    %get3A_1 = arith.constant 0 : index
    %get3A_2 = vector.load %arg2[%get3A, %get3A_0, %get3A_1] : memref<1x128x1024xf32, #tpu.memory_space<vmem>>, vector<1x128x1024xf32>
    %get3A_3 = vector.shape_cast %get3A_2 : vector<1x128x1024xf32> to vector<128x1024xf32>
    %convert_element_type3A = arith.truncf %get3A_3 : vector<128x1024xf32> to vector<128x1024xbf16>
    %get3A_4 = arith.constant 0 : index
    %get3A_5 = arith.constant 0 : index
    %get3A_6 = vector.load %arg9[%get3A_4, %get3A_5] : memref<1024x1024xbf16, #tpu.memory_space<vmem>>, vector<1024x1024xbf16>
    %dot_general3A = arith.constant dense<0.000000e+00> : vector<128x1024xf32>
    %dot_general3A_7 = tpu.matmul %convert_element_type3A, %get3A_6, %dot_general3A {dimension_numbers = #tpu.dot_dimension_numbers<[1], [0], [0], [1], [0, 0, 1, 1], [], []>, transpose_lhs_hint = false} : vector<128x1024xbf16>, vector<1024x1024xbf16>, vector<128x1024xf32> -> vector<128x1024xf32>
    %convert_element_type3A_8 = arith.truncf %dot_general3A_7 : vector<128x1024xf32> to vector<128x1024xbf16>
    %get3A_9 = arith.constant 0 : index
    %get3A_10 = arith.constant 0 : index
    %get3A_11 = vector.load %arg11[%get3A_9, %get3A_10] : memref<128x128xbf16, #tpu.memory_space<vmem>>, vector<128x128xbf16>
    %slice3A = vector.extract_strided_slice %convert_element_type3A_8 {offsets = [0, 0], sizes = [128, 64], strides = [1, 1]} : vector<128x1024xbf16> to vector<128x64xbf16>
    %get3A_12 = arith.constant 0 : index
    %get3A_13 = arith.constant 0 : index
    %get3A_14 = arith.constant 0 : index
    %get3A_15 = vector.load %arg3[%get3A_12, %get3A_13, %get3A_14] : memref<1x128x1024xbf16, #tpu.memory_space<vmem>>, vector<1x128x1024xbf16>
    %get3A_16 = vector.shape_cast %get3A_15 : vector<1x128x1024xbf16> to vector<128x1024xbf16>
    %slice3A_17 = vector.extract_strided_slice %get3A_16 {offsets = [0, 0], sizes = [128, 64], strides = [1, 1]} : vector<128x1024xbf16> to vector<128x64xbf16>
    %dot_general3A_18 = arith.constant dense<0.000000e+00> : vector<128x128xf32>
    %dot_general3A_19 = tpu.matmul %slice3A, %slice3A_17, %dot_general3A_18 {dimension_numbers = #tpu.dot_dimension_numbers<[1], [1], [0], [0], [0, 0, 1, 0], [], []>, transpose_lhs_hint = false} : vector<128x64xbf16>, vector<128x64xbf16>, vector<128x128xf32> -> vector<128x128xf32>
    %get3A_20 = arith.constant 0 : index
    %get3A_21 = arith.constant 0 : index
    %get3A_22 = arith.constant 0 : index
    %get3A_23 = vector.load %arg4[%get3A_20, %get3A_21, %get3A_22] : memref<1x128x1024xbf16, #tpu.memory_space<vmem>>, vector<1x128x1024xbf16>
    %get3A_24 = vector.shape_cast %get3A_23 : vector<1x128x1024xbf16> to vector<128x1024xbf16>
    %slice3A_25 = vector.extract_strided_slice %get3A_24 {offsets = [0, 0], sizes = [128, 64], strides = [1, 1]} : vector<128x1024xbf16> to vector<128x64xbf16>
    %dot_general3A_26 = arith.constant dense<0.000000e+00> : vector<128x128xf32>
    %dot_general3A_27 = tpu.matmul %slice3A, %slice3A_25, %dot_general3A_26 {dimension_numbers = #tpu.dot_dimension_numbers<[1], [1], [0], [0], [0, 0, 1, 0], [], []>, transpose_lhs_hint = false} : vector<128x64xbf16>, vector<128x64xbf16>, vector<128x128xf32> -> vector<128x128xf32>
    %get3A_28 = arith.constant 0 : index
    %get3A_29 = arith.constant 0 : index
    %get3A_30 = arith.constant 0 : index
    %get3A_31 = vector.load %arg7[%get3A_28, %get3A_29, %get3A_30] : memref<16x128x64xbf16, #tpu.memory_space<vmem>>, vector<1x128x64xbf16>
    %get3A_32 = vector.shape_cast %get3A_31 : vector<1x128x64xbf16> to vector<128x64xbf16>
    %dot_general3A_33 = arith.constant dense<0.000000e+00> : vector<128x128xf32>
    %dot_general3A_34 = tpu.matmul %slice3A, %get3A_32, %dot_general3A_33 {dimension_numbers = #tpu.dot_dimension_numbers<[1], [1], [0], [0], [0, 0, 1, 0], [], []>, transpose_lhs_hint = false} : vector<128x64xbf16>, vector<128x64xbf16>, vector<128x128xf32> -> vector<128x128xf32>
    %slice3A_35 = vector.extract_strided_slice %convert_element_type3A_8 {offsets = [0, 64], sizes = [128, 64], strides = [1, 1]} : vector<128x1024xbf16> to vector<128x64xbf16>
    %get3A_36 = arith.constant 0 : index
    %get3A_37 = arith.constant 0 : index
    %get3A_38 = arith.constant 0 : index
    %get3A_39 = vector.load %arg3[%get3A_36, %get3A_37, %get3A_38] : memref<1x128x1024xbf16, #tpu.memory_space<vmem>>, vector<1x128x1024xbf16>
    %get3A_40 = vector.shape_cast %get3A_39 : vector<1x128x1024xbf16> to vector<128x1024xbf16>
    %slice3A_41 = vector.extract_strided_slice %get3A_40 {offsets = [0, 64], sizes = [128, 64], strides = [1, 1]} : vector<128x1024xbf16> to vector<128x64xbf16>
    %dot_general3A_42 = arith.constant dense<0.000000e+00> : vector<128x128xf32>
    %dot_general3A_43 = tpu.matmul %slice3A_35, %slice3A_41, %dot_general3A_42 {dimension_numbers = #tpu.dot_dimension_numbers<[1], [1], [0], [0], [0, 0, 1, 0], [], []>, transpose_lhs_hint = false} : vector<128x64xbf16>, vector<128x64xbf16>, vector<128x128xf32> -> vector<128x128xf32>
    %get3A_44 = arith.constant 0 : index
    %get3A_45 = arith.constant 0 : index
    %get3A_46 = arith.constant 0 : index
    %get3A_47 = vector.load %arg4[%get3A_44, %get3A_45, %get3A_46] : memref<1x128x1024xbf16, #tpu.memory_space<vmem>>, vector<1x128x1024xbf16>
    %get3A_48 = vector.shape_cast %get3A_47 : vector<1x128x1024xbf16> to vector<128x1024xbf16>
    %slice3A_49 = vector.extract_strided_slice %get3A_48 {offsets = [0, 64], sizes = [128, 64], strides = [1, 1]} : vector<128x1024xbf16> to vector<128x64xbf16>
    %dot_general3A_50 = arith.constant dense<0.000000e+00> : vector<128x128xf32>
    %dot_general3A_51 = tpu.matmul %slice3A_35, %slice3A_49, %dot_general3A_50 {dimension_numbers = #tpu.dot_dimension_numbers<[1], [1], [0], [0], [0, 0, 1, 0], [], []>, transpose_lhs_hint = false} : vector<128x64xbf16>, vector<128x64xbf16>, vector<128x128xf32> -> vector<128x128xf32>
    %get3A_52 = arith.constant 1 : index
    %get3A_53 = arith.constant 0 : index
    %get3A_54 = arith.constant 0 : index
    %get3A_55 = vector.load %arg7[%get3A_52, %get3A_53, %get3A_54] : memref<16x128x64xbf16, #tpu.memory_space<vmem>>, vector<1x128x64xbf16>
    %get3A_56 = vector.shape_cast %get3A_55 : vector<1x128x64xbf16> to vector<128x64xbf16>
    %dot_general3A_57 = arith.constant dense<0.000000e+00> : vector<128x128xf32>
    %dot_general3A_58 = tpu.matmul %slice3A_35, %get3A_56, %dot_general3A_57 {dimension_numbers = #tpu.dot_dimension_numbers<[1], [1], [0], [0], [0, 0, 1, 0], [], []>, transpose_lhs_hint = false} : vector<128x64xbf16>, vector<128x64xbf16>, vector<128x128xf32> -> vector<128x128xf32>
    %slice3A_59 = vector.extract_strided_slice %convert_element_type3A_8 {offsets = [0, 128], sizes = [128, 64], strides = [1, 1]} : vector<128x1024xbf16> to vector<128x64xbf16>
    %get3A_60 = arith.constant 0 : index
    %get3A_61 = arith.constant 0 : index
    %get3A_62 = arith.constant 0 : index
    %get3A_63 = vector.load %arg3[%get3A_60, %get3A_61, %get3A_62] : memref<1x128x1024xbf16, #tpu.memory_space<vmem>>, vector<1x128x1024xbf16>
    %get3A_64 = vector.shape_cast %get3A_63 : vector<1x128x1024xbf16> to vector<128x1024xbf16>
    %slice3A_65 = vector.extract_strided_slice %get3A_64 {offsets = [0, 128], sizes = [128, 64], strides = [1, 1]} : vector<128x1024xbf16> to vector<128x64xbf16>
    %dot_general3A_66 = arith.constant dense<0.000000e+00> : vector<128x128xf32>
    %dot_general3A_67 = tpu.matmul %slice3A_59, %slice3A_65, %dot_general3A_66 {dimension_numbers = #tpu.dot_dimension_numbers<[1], [1], [0], [0], [0, 0, 1, 0], [], []>, transpose_lhs_hint = false} : vector<128x64xbf16>, vector<128x64xbf16>, vector<128x128xf32> -> vector<128x128xf32>
    %get3A_68 = arith.constant 0 : index
    %get3A_69 = arith.constant 0 : index
    %get3A_70 = arith.constant 0 : index
    %get3A_71 = vector.load %arg4[%get3A_68, %get3A_69, %get3A_70] : memref<1x128x1024xbf16, #tpu.memory_space<vmem>>, vector<1x128x1024xbf16>
    %get3A_72 = vector.shape_cast %get3A_71 : vector<1x128x1024xbf16> to vector<128x1024xbf16>
    %slice3A_73 = vector.extract_strided_slice %get3A_72 {offsets = [0, 128], sizes = [128, 64], strides = [1, 1]} : vector<128x1024xbf16> to vector<128x64xbf16>
    %dot_general3A_74 = arith.constant dense<0.000000e+00> : vector<128x128xf32>
    %dot_general3A_75 = tpu.matmul %slice3A_59, %slice3A_73, %dot_general3A_74 {dimension_numbers = #tpu.dot_dimension_numbers<[1], [1], [0], [0], [0, 0, 1, 0], [], []>, transpose_lhs_hint = false} : vector<128x64xbf16>, vector<128x64xbf16>, vector<128x128xf32> -> vector<128x128xf32>
    %get3A_76 = arith.constant 2 : index
    %get3A_77 = arith.constant 0 : index
    %get3A_78 = arith.constant 0 : index
    %get3A_79 = vector.load %arg7[%get3A_76, %get3A_77, %get3A_78] : memref<16x128x64xbf16, #tpu.memory_space<vmem>>, vector<1x128x64xbf16>
    %get3A_80 = vector.shape_cast %get3A_79 : vector<1x128x64xbf16> to vector<128x64xbf16>
    %dot_general3A_81 = arith.constant dense<0.000000e+00> : vector<128x128xf32>
    %dot_general3A_82 = tpu.matmul %slice3A_59, %get3A_80, %dot_general3A_81 {dimension_numbers = #tpu.dot_dimension_numbers<[1], [1], [0], [0], [0, 0, 1, 0], [], []>, transpose_lhs_hint = false} : vector<128x64xbf16>, vector<128x64xbf16>, vector<128x128xf32> -> vector<128x128xf32>
    %slice3A_83 = vector.extract_strided_slice %convert_element_type3A_8 {offsets = [0, 192], sizes = [128, 64], strides = [1, 1]} : vector<128x1024xbf16> to vector<128x64xbf16>
    %get3A_84 = arith.constant 0 : index
    %get3A_85 = arith.constant 0 : index
    %get3A_86 = arith.constant 0 : index
    %get3A_87 = vector.load %arg3[%get3A_84, %get3A_85, %get3A_86] : memref<1x128x1024xbf16, #tpu.memory_space<vmem>>, vector<1x128x1024xbf16>
    %get3A_88 = vector.shape_cast %get3A_87 : vector<1x128x1024xbf16> to vector<128x1024xbf16>
    %slice3A_89 = vector.extract_strided_slice %get3A_88 {offsets = [0, 192], sizes = [128, 64], strides = [1, 1]} : vector<128x1024xbf16> to vector<128x64xbf16>
    %dot_general3A_90 = arith.constant dense<0.000000e+00> : vector<128x128xf32>
    %dot_general3A_91 = tpu.matmul %slice3A_83, %slice3A_89, %dot_general3A_90 {dimension_numbers = #tpu.dot_dimension_numbers<[1], [1], [0], [0], [0, 0, 1, 0], [], []>, transpose_lhs_hint = false} : vector<128x64xbf16>, vector<128x64xbf16>, vector<128x128xf32> -> vector<128x128xf32>
    %get3A_92 = arith.constant 0 : index
    %get3A_93 = arith.constant 0 : index
    %get3A_94 = arith.constant 0 : index
    %get3A_95 = vector.load %arg4[%get3A_92, %get3A_93, %get3A_94] : memref<1x128x1024xbf16, #tpu.memory_space<vmem>>, vector<1x128x1024xbf16>
    %get3A_96 = vector.shape_cast %get3A_95 : vector<1x128x1024xbf16> to vector<128x1024xbf16>
    %slice3A_97 = vector.extract_strided_slice %get3A_96 {offsets = [0, 192], sizes = [128, 64], strides = [1, 1]} : vector<128x1024xbf16> to vector<128x64xbf16>
    %dot_general3A_98 = arith.constant dense<0.000000e+00> : vector<128x128xf32>
    %dot_general3A_99 = tpu.matmul %slice3A_83, %slice3A_97, %dot_general3A_98 {dimension_numbers = #tpu.dot_dimension_numbers<[1], [1], [0], [0], [0, 0, 1, 0], [], []>, transpose_lhs_hint = false} : vector<128x64xbf16>, vector<128x64xbf16>, vector<128x128xf32> -> vector<128x128xf32>
    %get3A_100 = arith.constant 3 : index
    %get3A_101 = arith.constant 0 : index
    %get3A_102 = arith.constant 0 : index
    %get3A_103 = vector.load %arg7[%get3A_100, %get3A_101, %get3A_102] : memref<16x128x64xbf16, #tpu.memory_space<vmem>>, vector<1x128x64xbf16>
    %get3A_104 = vector.shape_cast %get3A_103 : vector<1x128x64xbf16> to vector<128x64xbf16>
    %dot_general3A_105 = arith.constant dense<0.000000e+00> : vector<128x128xf32>
    %dot_general3A_106 = tpu.matmul %slice3A_83, %get3A_104, %dot_general3A_105 {dimension_numbers = #tpu.dot_dimension_numbers<[1], [1], [0], [0], [0, 0, 1, 0], [], []>, transpose_lhs_hint = false} : vector<128x64xbf16>, vector<128x64xbf16>, vector<128x128xf32> -> vector<128x128xf32>
    %mul3A = arith.constant 0.180336878 : f32
    %mul3A_107 = vector.broadcast %mul3A : f32 to vector<128x128xf32>
    %mul3A_108 = arith.mulf %dot_general3A_19, %mul3A_107 : vector<128x128xf32>
    %exp23A = math.exp2 %mul3A_108 : vector<128x128xf32>
    %mul3A_109 = arith.constant 0.180336878 : f32
    %mul3A_110 = vector.broadcast %mul3A_109 : f32 to vector<128x128xf32>
    %mul3A_111 = arith.mulf %dot_general3A_27, %mul3A_110 : vector<128x128xf32>
    %exp23A_112 = math.exp2 %mul3A_111 : vector<128x128xf32>
    %add3A = arith.addf %exp23A, %exp23A_112 : vector<128x128xf32>
    %convert_element_type3A_113 = arith.truncf %add3A : vector<128x128xf32> to vector<128x128xbf16>
    %dot_general3A_114 = arith.constant dense<0.000000e+00> : vector<128x128xf32>
    %dot_general3A_115 = tpu.matmul %convert_element_type3A_113, %get3A_11, %dot_general3A_114 {dimension_numbers = #tpu.dot_dimension_numbers<[1], [0], [0], [1], [0, 0, 1, 1], [], []>, transpose_lhs_hint = false} : vector<128x128xbf16>, vector<128x128xbf16>, vector<128x128xf32> -> vector<128x128xf32>
    %div3A = arith.constant 1.000000e+00 : f32
    %div3A_116 = vector.broadcast %div3A : f32 to vector<128x128xf32>
    %div3A_117 = arith.divf %div3A_116, %dot_general3A_115 : vector<128x128xf32>
    %mul3A_118 = arith.mulf %exp23A, %div3A_117 : vector<128x128xf32>
    %swap3A = arith.constant 0 : index
    %swap3A_119 = arith.constant 0 : index
    %swap3A_120 = arith.constant 0 : index
    %swap3A_121 = arith.constant 0 : index
    %swap3A_122 = arith.constant 0 : index
    %swap3A_123 = vector.load %arg12[%swap3A, %swap3A_119, %swap3A_120, %swap3A_121, %swap3A_122] : memref<1x1x16x128x256xf32, #tpu.memory_space<vmem>>, vector<1x1x1x128x128xf32>
    %swap3A_124 = vector.shape_cast %swap3A_123 : vector<1x1x1x128x128xf32> to vector<128x128xf32>
    %swap3A_125 = vector.shape_cast %mul3A_118 : vector<128x128xf32> to vector<1x1x1x128x128xf32>
    tpu.vector_store %arg12[%swap3A, %swap3A_119, %swap3A_120, %swap3A_121, %swap3A_122], %swap3A_125 {strides = array<i32>} : memref<1x1x16x128x256xf32, #tpu.memory_space<vmem>>, vector<1x1x1x128x128xf32>,
    %mul3A_126 = arith.mulf %exp23A_112, %div3A_117 : vector<128x128xf32>
    %swap3A_127 = arith.constant 0 : index
    %swap3A_128 = arith.constant 0 : index
    %swap3A_129 = arith.constant 0 : index
    %swap3A_130 = arith.constant 0 : index
    %swap3A_131 = arith.constant 128 : index
    %swap3A_132 = vector.load %arg12[%swap3A_127, %swap3A_128, %swap3A_129, %swap3A_130, %swap3A_131] : memref<1x1x16x128x256xf32, #tpu.memory_space<vmem>>, vector<1x1x1x128x128xf32>
    %swap3A_133 = vector.shape_cast %swap3A_132 : vector<1x1x1x128x128xf32> to vector<128x128xf32>
    %swap3A_134 = vector.shape_cast %mul3A_126 : vector<128x128xf32> to vector<1x1x1x128x128xf32>
    tpu.vector_store %arg12[%swap3A_127, %swap3A_128, %swap3A_129, %swap3A_130, %swap3A_131], %swap3A_134 {strides = array<i32>} : memref<1x1x16x128x256xf32, #tpu.memory_space<vmem>>, vector<1x1x1x128x128xf32>,
    %convert_element_type3A_135 = arith.truncf %exp23A : vector<128x128xf32> to vector<128x128xbf16>
    %get3A_136 = arith.constant 0 : index
    %get3A_137 = arith.constant 0 : index
    %get3A_138 = arith.constant 0 : index
    %get3A_139 = vector.load %arg5[%get3A_136, %get3A_137, %get3A_138] : memref<1x128x1024xbf16, #tpu.memory_space<vmem>>, vector<1x128x1024xbf16>
    %get3A_140 = vector.shape_cast %get3A_139 : vector<1x128x1024xbf16> to vector<128x1024xbf16>
    %slice3A_141 = vector.extract_strided_slice %get3A_140 {offsets = [0, 0], sizes = [128, 64], strides = [1, 1]} : vector<128x1024xbf16> to vector<128x64xbf16>
    %dot_general3A_142 = arith.constant dense<0.000000e+00> : vector<128x64xf32>
    %dot_general3A_143 = tpu.matmul %convert_element_type3A_135, %slice3A_141, %dot_general3A_142 {dimension_numbers = #tpu.dot_dimension_numbers<[1], [0], [0], [1], [0, 0, 1, 1], [], []>, transpose_lhs_hint = false} : vector<128x128xbf16>, vector<128x64xbf16>, vector<128x64xf32> -> vector<128x64xf32>
    %convert_element_type3A_144 = arith.truncf %exp23A_112 : vector<128x128xf32> to vector<128x128xbf16>
    %get3A_145 = arith.constant 0 : index
    %get3A_146 = arith.constant 0 : index
    %get3A_147 = arith.constant 0 : index
    %get3A_148 = vector.load %arg6[%get3A_145, %get3A_146, %get3A_147] : memref<1x128x1024xbf16, #tpu.memory_space<vmem>>, vector<1x128x1024xbf16>
    %get3A_149 = vector.shape_cast %get3A_148 : vector<1x128x1024xbf16> to vector<128x1024xbf16>
    %slice3A_150 = vector.extract_strided_slice %get3A_149 {offsets = [0, 0], sizes = [128, 64], strides = [1, 1]} : vector<128x1024xbf16> to vector<128x64xbf16>
    %dot_general3A_151 = arith.constant dense<0.000000e+00> : vector<128x64xf32>
    %dot_general3A_152 = tpu.matmul %convert_element_type3A_144, %slice3A_150, %dot_general3A_151 {dimension_numbers = #tpu.dot_dimension_numbers<[1], [0], [0], [1], [0, 0, 1, 1], [], []>, transpose_lhs_hint = false} : vector<128x128xbf16>, vector<128x64xbf16>, vector<128x64xf32> -> vector<128x64xf32>
    %add3A_153 = arith.addf %dot_general3A_143, %dot_general3A_152 : vector<128x64xf32>
    %slice3A_154 = vector.extract_strided_slice %div3A_117 {offsets = [0, 0], sizes = [128, 64], strides = [1, 1]} : vector<128x128xf32> to vector<128x64xf32>
    %mul3A_155 = arith.mulf %add3A_153, %slice3A_154 : vector<128x64xf32>
    %mul3A_156 = arith.constant 0.180336878 : f32
    %mul3A_157 = vector.broadcast %mul3A_156 : f32 to vector<128x128xf32>
    %mul3A_158 = arith.mulf %dot_general3A_34, %mul3A_157 : vector<128x128xf32>
    %exp23A_159 = math.exp2 %mul3A_158 : vector<128x128xf32>
    %convert_element_type3A_160 = arith.truncf %exp23A_159 : vector<128x128xf32> to vector<128x128xbf16>
    %dot_general3A_161 = arith.constant dense<0.000000e+00> : vector<128x128xf32>
    %dot_general3A_162 = tpu.matmul %convert_element_type3A_160, %get3A_11, %dot_general3A_161 {dimension_numbers = #tpu.dot_dimension_numbers<[1], [0], [0], [1], [0, 0, 1, 1], [], []>, transpose_lhs_hint = false} : vector<128x128xbf16>, vector<128x128xbf16>, vector<128x128xf32> -> vector<128x128xf32>
    %get3A_163 = arith.constant 0 : index
    %get3A_164 = arith.constant 0 : index
    %get3A_165 = arith.constant 0 : index
    %get3A_166 = vector.load %arg8[%get3A_163, %get3A_164, %get3A_165] : memref<16x128x64xbf16, #tpu.memory_space<vmem>>, vector<1x128x64xbf16>
    %get3A_167 = vector.shape_cast %get3A_166 : vector<1x128x64xbf16> to vector<128x64xbf16>
    %dot_general3A_168 = arith.constant dense<0.000000e+00> : vector<128x64xf32>
    %dot_general3A_169 = tpu.matmul %convert_element_type3A_160, %get3A_167, %dot_general3A_168 {dimension_numbers = #tpu.dot_dimension_numbers<[1], [0], [0], [1], [0, 0, 1, 1], [], []>, transpose_lhs_hint = false} : vector<128x128xbf16>, vector<128x64xbf16>, vector<128x64xf32> -> vector<128x64xf32>
    %slice3A_170 = vector.extract_strided_slice %dot_general3A_162 {offsets = [0, 0], sizes = [128, 64], strides = [1, 1]} : vector<128x128xf32> to vector<128x64xf32>
    %div3A_171 = arith.divf %dot_general3A_169, %slice3A_170 : vector<128x64xf32>
    %add3A_172 = arith.addf %mul3A_155, %div3A_171 : vector<128x64xf32>
    %swap3A_173 = arith.constant 0 : index
    %swap3A_174 = arith.constant 0 : index
    %swap3A_175 = vector.load %arg14[%swap3A_173, %swap3A_174] : memref<128x1024xf32, #tpu.memory_space<vmem>>, vector<128x64xf32>
    tpu.vector_store %arg14[%swap3A_173, %swap3A_174], %add3A_172 {strides = array<i32>} : memref<128x1024xf32, #tpu.memory_space<vmem>>, vector<128x64xf32>,
    %slice3A_176 = vector.extract_strided_slice %convert_element_type3A_8 {offsets = [0, 256], sizes = [128, 64], strides = [1, 1]} : vector<128x1024xbf16> to vector<128x64xbf16>
    %get3A_177 = arith.constant 0 : index
    %get3A_178 = arith.constant 0 : index
    %get3A_179 = arith.constant 0 : index
    %get3A_180 = vector.load %arg3[%get3A_177, %get3A_178, %get3A_179] : memref<1x128x1024xbf16, #tpu.memory_space<vmem>>, vector<1x128x1024xbf16>
    %get3A_181 = vector.shape_cast %get3A_180 : vector<1x128x1024xbf16> to vector<128x1024xbf16>
    %slice3A_182 = vector.extract_strided_slice %get3A_181 {offsets = [0, 256], sizes = [128, 64], strides = [1, 1]} : vector<128x1024xbf16> to vector<128x64xbf16>
    %dot_general3A_183 = arith.constant dense<0.000000e+00> : vector<128x128xf32>
    %dot_general3A_184 = tpu.matmul %slice3A_176, %slice3A_182, %dot_general3A_183 {dimension_numbers = #tpu.dot_dimension_numbers<[1], [1], [0], [0], [0, 0, 1, 0], [], []>, transpose_lhs_hint = false} : vector<128x64xbf16>, vector<128x64xbf16>, vector<128x128xf32> -> vector<128x128xf32>
    %get3A_185 = arith.constant 0 : index
    %get3A_186 = arith.constant 0 : index
    %get3A_187 = arith.constant 0 : index
    %get3A_188 = vector.load %arg4[%get3A_185, %get3A_186, %get3A_187] : memref<1x128x1024xbf16, #tpu.memory_space<vmem>>, vector<1x128x1024xbf16>
    %get3A_189 = vector.shape_cast %get3A_188 : vector<1x128x1024xbf16> to vector<128x1024xbf16>
    %slice3A_190 = vector.extract_strided_slice %get3A_189 {offsets = [0, 256], sizes = [128, 64], strides = [1, 1]} : vector<128x1024xbf16> to vector<128x64xbf16>
    %dot_general3A_191 = arith.constant dense<0.000000e+00> : vector<128x128xf32>
    %dot_general3A_192 = tpu.matmul %slice3A_176, %slice3A_190, %dot_general3A_191 {dimension_numbers = #tpu.dot_dimension_numbers<[1], [1], [0], [0], [0, 0, 1, 0], [], []>, transpose_lhs_hint = false} : vector<128x64xbf16>, vector<128x64xbf16>, vector<128x128xf32> -> vector<128x128xf32>
    %get3A_193 = arith.constant 4 : index
    %get3A_194 = arith.constant 0 : index
    %get3A_195 = arith.constant 0 : index
    %get3A_196 = vector.load %arg7[%get3A_193, %get3A_194, %get3A_195] : memref<16x128x64xbf16, #tpu.memory_space<vmem>>, vector<1x128x64xbf16>
    %get3A_197 = vector.shape_cast %get3A_196 : vector<1x128x64xbf16> to vector<128x64xbf16>
    %dot_general3A_198 = arith.constant dense<0.000000e+00> : vector<128x128xf32>
    %dot_general3A_199 = tpu.matmul %slice3A_176, %get3A_197, %dot_general3A_198 {dimension_numbers = #tpu.dot_dimension_numbers<[1], [1], [0], [0], [0, 0, 1, 0], [], []>, transpose_lhs_hint = false} : vector<128x64xbf16>, vector<128x64xbf16>, vector<128x128xf32> -> vector<128x128xf32>
    %mul3A_200 = arith.constant 0.180336878 : f32
    %mul3A_201 = vector.broadcast %mul3A_200 : f32 to vector<128x128xf32>
    %mul3A_202 = arith.mulf %dot_general3A_43, %mul3A_201 : vector<128x128xf32>
    %exp23A_203 = math.exp2 %mul3A_202 : vector<128x128xf32>
    %mul3A_204 = arith.constant 0.180336878 : f32
    %mul3A_205 = vector.broadcast %mul3A_204 : f32 to vector<128x128xf32>
    %mul3A_206 = arith.mulf %dot_general3A_51, %mul3A_205 : vector<128x128xf32>
    %exp23A_207 = math.exp2 %mul3A_206 : vector<128x128xf32>
    %add3A_208 = arith.addf %exp23A_203, %exp23A_207 : vector<128x128xf32>
    %convert_element_type3A_209 = arith.truncf %add3A_208 : vector<128x128xf32> to vector<128x128xbf16>
    %dot_general3A_210 = arith.constant dense<0.000000e+00> : vector<128x128xf32>
    %dot_general3A_211 = tpu.matmul %convert_element_type3A_209, %get3A_11, %dot_general3A_210 {dimension_numbers = #tpu.dot_dimension_numbers<[1], [0], [0], [1], [0, 0, 1, 1], [], []>, transpose_lhs_hint = false} : vector<128x128xbf16>, vector<128x128xbf16>, vector<128x128xf32> -> vector<128x128xf32>
    %div3A_212 = arith.constant 1.000000e+00 : f32
    %div3A_213 = vector.broadcast %div3A_212 : f32 to vector<128x128xf32>
    %div3A_214 = arith.divf %div3A_213, %dot_general3A_211 : vector<128x128xf32>
    %mul3A_215 = arith.mulf %exp23A_203, %div3A_214 : vector<128x128xf32>
    %swap3A_216 = arith.constant 0 : index
    %swap3A_217 = arith.constant 0 : index
    %swap3A_218 = arith.constant 1 : index
    %swap3A_219 = arith.constant 0 : index
    %swap3A_220 = arith.constant 0 : index
    %swap3A_221 = vector.load %arg12[%swap3A_216, %swap3A_217, %swap3A_218, %swap3A_219, %swap3A_220] : memref<1x1x16x128x256xf32, #tpu.memory_space<vmem>>, vector<1x1x1x128x128xf32>
    %swap3A_222 = vector.shape_cast %swap3A_221 : vector<1x1x1x128x128xf32> to vector<128x128xf32>
    %swap3A_223 = vector.shape_cast %mul3A_215 : vector<128x128xf32> to vector<1x1x1x128x128xf32>
    tpu.vector_store %arg12[%swap3A_216, %swap3A_217, %swap3A_218, %swap3A_219, %swap3A_220], %swap3A_223 {strides = array<i32>} : memref<1x1x16x128x256xf32, #tpu.memory_space<vmem>>, vector<1x1x1x128x128xf32>,
    %mul3A_224 = arith.mulf %exp23A_207, %div3A_214 : vector<128x128xf32>
    %swap3A_225 = arith.constant 0 : index
    %swap3A_226 = arith.constant 0 : index
    %swap3A_227 = arith.constant 1 : index
    %swap3A_228 = arith.constant 0 : index
    %swap3A_229 = arith.constant 128 : index
    %swap3A_230 = vector.load %arg12[%swap3A_225, %swap3A_226, %swap3A_227, %swap3A_228, %swap3A_229] : memref<1x1x16x128x256xf32, #tpu.memory_space<vmem>>, vector<1x1x1x128x128xf32>
    %swap3A_231 = vector.shape_cast %swap3A_230 : vector<1x1x1x128x128xf32> to vector<128x128xf32>
    %swap3A_232 = vector.shape_cast %mul3A_224 : vector<128x128xf32> to vector<1x1x1x128x128xf32>
    tpu.vector_store %arg12[%swap3A_225, %swap3A_226, %swap3A_227, %swap3A_228, %swap3A_229], %swap3A_232 {strides = array<i32>} : memref<1x1x16x128x256xf32, #tpu.memory_space<vmem>>, vector<1x1x1x128x128xf32>,
    %convert_element_type3A_233 = arith.truncf %exp23A_203 : vector<128x128xf32> to vector<128x128xbf16>
    %get3A_234 = arith.constant 0 : index
    %get3A_235 = arith.constant 0 : index
    %get3A_236 = arith.constant 0 : index
    %get3A_237 = vector.load %arg5[%get3A_234, %get3A_235, %get3A_236] : memref<1x128x1024xbf16, #tpu.memory_space<vmem>>, vector<1x128x1024xbf16>
    %get3A_238 = vector.shape_cast %get3A_237 : vector<1x128x1024xbf16> to vector<128x1024xbf16>
    %slice3A_239 = vector.extract_strided_slice %get3A_238 {offsets = [0, 64], sizes = [128, 64], strides = [1, 1]} : vector<128x1024xbf16> to vector<128x64xbf16>
    %dot_general3A_240 = arith.constant dense<0.000000e+00> : vector<128x64xf32>
    %dot_general3A_241 = tpu.matmul %convert_element_type3A_233, %slice3A_239, %dot_general3A_240 {dimension_numbers = #tpu.dot_dimension_numbers<[1], [0], [0], [1], [0, 0, 1, 1], [], []>, transpose_lhs_hint = false} : vector<128x128xbf16>, vector<128x64xbf16>, vector<128x64xf32> -> vector<128x64xf32>
    %convert_element_type3A_242 = arith.truncf %exp23A_207 : vector<128x128xf32> to vector<128x128xbf16>
    %get3A_243 = arith.constant 0 : index
    %get3A_244 = arith.constant 0 : index
    %get3A_245 = arith.constant 0 : index
    %get3A_246 = vector.load %arg6[%get3A_243, %get3A_244, %get3A_245] : memref<1x128x1024xbf16, #tpu.memory_space<vmem>>, vector<1x128x1024xbf16>
    %get3A_247 = vector.shape_cast %get3A_246 : vector<1x128x1024xbf16> to vector<128x1024xbf16>
    %slice3A_248 = vector.extract_strided_slice %get3A_247 {offsets = [0, 64], sizes = [128, 64], strides = [1, 1]} : vector<128x1024xbf16> to vector<128x64xbf16>
    %dot_general3A_249 = arith.constant dense<0.000000e+00> : vector<128x64xf32>
    %dot_general3A_250 = tpu.matmul %convert_element_type3A_242, %slice3A_248, %dot_general3A_249 {dimension_numbers = #tpu.dot_dimension_numbers<[1], [0], [0], [1], [0, 0, 1, 1], [], []>, transpose_lhs_hint = false} : vector<128x128xbf16>, vector<128x64xbf16>, vector<128x64xf32> -> vector<128x64xf32>
    %add3A_251 = arith.addf %dot_general3A_241, %dot_general3A_250 : vector<128x64xf32>
    %slice3A_252 = vector.extract_strided_slice %div3A_214 {offsets = [0, 0], sizes = [128, 64], strides = [1, 1]} : vector<128x128xf32> to vector<128x64xf32>
    %mul3A_253 = arith.mulf %add3A_251, %slice3A_252 : vector<128x64xf32>
    %mul3A_254 = arith.constant 0.180336878 : f32
    %mul3A_255 = vector.broadcast %mul3A_254 : f32 to vector<128x128xf32>
    %mul3A_256 = arith.mulf %dot_general3A_58, %mul3A_255 : vector<128x128xf32>
    %exp23A_257 = math.exp2 %mul3A_256 : vector<128x128xf32>
    %convert_element_type3A_258 = arith.truncf %exp23A_257 : vector<128x128xf32> to vector<128x128xbf16>
    %dot_general3A_259 = arith.constant dense<0.000000e+00> : vector<128x128xf32>
    %dot_general3A_260 = tpu.matmul %convert_element_type3A_258, %get3A_11, %dot_general3A_259 {dimension_numbers = #tpu.dot_dimension_numbers<[1], [0], [0], [1], [0, 0, 1, 1], [], []>, transpose_lhs_hint = false} : vector<128x128xbf16>, vector<128x128xbf16>, vector<128x128xf32> -> vector<128x128xf32>
    %get3A_261 = arith.constant 1 : index
    %get3A_262 = arith.constant 0 : index
    %get3A_263 = arith.constant 0 : index
    %get3A_264 = vector.load %arg8[%get3A_261, %get3A_262, %get3A_263] : memref<16x128x64xbf16, #tpu.memory_space<vmem>>, vector<1x128x64xbf16>
    %get3A_265 = vector.shape_cast %get3A_264 : vector<1x128x64xbf16> to vector<128x64xbf16>
    %dot_general3A_266 = arith.constant dense<0.000000e+00> : vector<128x64xf32>
    %dot_general3A_267 = tpu.matmul %convert_element_type3A_258, %get3A_265, %dot_general3A_266 {dimension_numbers = #tpu.dot_dimension_numbers<[1], [0], [0], [1], [0, 0, 1, 1], [], []>, transpose_lhs_hint = false} : vector<128x128xbf16>, vector<128x64xbf16>, vector<128x64xf32> -> vector<128x64xf32>
    %slice3A_268 = vector.extract_strided_slice %dot_general3A_260 {offsets = [0, 0], sizes = [128, 64], strides = [1, 1]} : vector<128x128xf32> to vector<128x64xf32>
    %div3A_269 = arith.divf %dot_general3A_267, %slice3A_268 : vector<128x64xf32>
    %add3A_270 = arith.addf %mul3A_253, %div3A_269 : vector<128x64xf32>
    %swap3A_271 = arith.constant 0 : index
    %swap3A_272 = arith.constant 64 : index
    %swap3A_273 = vector.load %arg14[%swap3A_271, %swap3A_272] : memref<128x1024xf32, #tpu.memory_space<vmem>>, vector<128x64xf32>
    tpu.vector_store %arg14[%swap3A_271, %swap3A_272], %add3A_270 {strides = array<i32>} : memref<128x1024xf32, #tpu.memory_space<vmem>>, vector<128x64xf32>,
    %slice3A_274 = vector.extract_strided_slice %convert_element_type3A_8 {offsets = [0, 320], sizes = [128, 64], strides = [1, 1]} : vector<128x1024xbf16> to vector<128x64xbf16>
    %get3A_275 = arith.constant 0 : index
    %get3A_276 = arith.constant 0 : index
    %get3A_277 = arith.constant 0 : index
    %get3A_278 = vector.load %arg3[%get3A_275, %get3A_276, %get3A_277] : memref<1x128x1024xbf16, #tpu.memory_space<vmem>>, vector<1x128x1024xbf16>
    %get3A_279 = vector.shape_cast %get3A_278 : vector<1x128x1024xbf16> to vector<128x1024xbf16>
    %slice3A_280 = vector.extract_strided_slice %get3A_279 {offsets = [0, 320], sizes = [128, 64], strides = [1, 1]} : vector<128x1024xbf16> to vector<128x64xbf16>
    %dot_general3A_281 = arith.constant dense<0.000000e+00> : vector<128x128xf32>
    %dot_general3A_282 = tpu.matmul %slice3A_274, %slice3A_280, %dot_general3A_281 {dimension_numbers = #tpu.dot_dimension_numbers<[1], [1], [0], [0], [0, 0, 1, 0], [], []>, transpose_lhs_hint = false} : vector<128x64xbf16>, vector<128x64xbf16>, vector<128x128xf32> -> vector<128x128xf32>
    %get3A_283 = arith.constant 0 : index
    %get3A_284 = arith.constant 0 : index
    %get3A_285 = arith.constant 0 : index
    %get3A_286 = vector.load %arg4[%get3A_283, %get3A_284, %get3A_285] : memref<1x128x1024xbf16, #tpu.memory_space<vmem>>, vector<1x128x1024xbf16>
    %get3A_287 = vector.shape_cast %get3A_286 : vector<1x128x1024xbf16> to vector<128x1024xbf16>
    %slice3A_288 = vector.extract_strided_slice %get3A_287 {offsets = [0, 320], sizes = [128, 64], strides = [1, 1]} : vector<128x1024xbf16> to vector<128x64xbf16>
    %dot_general3A_289 = arith.constant dense<0.000000e+00> : vector<128x128xf32>
    %dot_general3A_290 = tpu.matmul %slice3A_274, %slice3A_288, %dot_general3A_289 {dimension_numbers = #tpu.dot_dimension_numbers<[1], [1], [0], [0], [0, 0, 1, 0], [], []>, transpose_lhs_hint = false} : vector<128x64xbf16>, vector<128x64xbf16>, vector<128x128xf32> -> vector<128x128xf32>
    %get3A_291 = arith.constant 5 : index
    %get3A_292 = arith.constant 0 : index
    %get3A_293 = arith.constant 0 : index
    %get3A_294 = vector.load %arg7[%get3A_291, %get3A_292, %get3A_293] : memref<16x128x64xbf16, #tpu.memory_space<vmem>>, vector<1x128x64xbf16>
    %get3A_295 = vector.shape_cast %get3A_294 : vector<1x128x64xbf16> to vector<128x64xbf16>
    %dot_general3A_296 = arith.constant dense<0.000000e+00> : vector<128x128xf32>
    %dot_general3A_297 = tpu.matmul %slice3A_274, %get3A_295, %dot_general3A_296 {dimension_numbers = #tpu.dot_dimension_numbers<[1], [1], [0], [0], [0, 0, 1, 0], [], []>, transpose_lhs_hint = false} : vector<128x64xbf16>, vector<128x64xbf16>, vector<128x128xf32> -> vector<128x128xf32>
    %mul3A_298 = arith.constant 0.180336878 : f32
    %mul3A_299 = vector.broadcast %mul3A_298 : f32 to vector<128x128xf32>
    %mul3A_300 = arith.mulf %dot_general3A_67, %mul3A_299 : vector<128x128xf32>
    %exp23A_301 = math.exp2 %mul3A_300 : vector<128x128xf32>
    %mul3A_302 = arith.constant 0.180336878 : f32
    %mul3A_303 = vector.broadcast %mul3A_302 : f32 to vector<128x128xf32>
    %mul3A_304 = arith.mulf %dot_general3A_75, %mul3A_303 : vector<128x128xf32>
    %exp23A_305 = math.exp2 %mul3A_304 : vector<128x128xf32>
    %add3A_306 = arith.addf %exp23A_301, %exp23A_305 : vector<128x128xf32>
    %convert_element_type3A_307 = arith.truncf %add3A_306 : vector<128x128xf32> to vector<128x128xbf16>
    %dot_general3A_308 = arith.constant dense<0.000000e+00> : vector<128x128xf32>
    %dot_general3A_309 = tpu.matmul %convert_element_type3A_307, %get3A_11, %dot_general3A_308 {dimension_numbers = #tpu.dot_dimension_numbers<[1], [0], [0], [1], [0, 0, 1, 1], [], []>, transpose_lhs_hint = false} : vector<128x128xbf16>, vector<128x128xbf16>, vector<128x128xf32> -> vector<128x128xf32>
    %div3A_310 = arith.constant 1.000000e+00 : f32
    %div3A_311 = vector.broadcast %div3A_310 : f32 to vector<128x128xf32>
    %div3A_312 = arith.divf %div3A_311, %dot_general3A_309 : vector<128x128xf32>
    %mul3A_313 = arith.mulf %exp23A_301, %div3A_312 : vector<128x128xf32>
    %swap3A_314 = arith.constant 0 : index
    %swap3A_315 = arith.constant 0 : index
    %swap3A_316 = arith.constant 2 : index
    %swap3A_317 = arith.constant 0 : index
    %swap3A_318 = arith.constant 0 : index
    %swap3A_319 = vector.load %arg12[%swap3A_314, %swap3A_315, %swap3A_316, %swap3A_317, %swap3A_318] : memref<1x1x16x128x256xf32, #tpu.memory_space<vmem>>, vector<1x1x1x128x128xf32>
    %swap3A_320 = vector.shape_cast %swap3A_319 : vector<1x1x1x128x128xf32> to vector<128x128xf32>
    %swap3A_321 = vector.shape_cast %mul3A_313 : vector<128x128xf32> to vector<1x1x1x128x128xf32>
    tpu.vector_store %arg12[%swap3A_314, %swap3A_315, %swap3A_316, %swap3A_317, %swap3A_318], %swap3A_321 {strides = array<i32>} : memref<1x1x16x128x256xf32, #tpu.memory_space<vmem>>, vector<1x1x1x128x128xf32>,
    %mul3A_322 = arith.mulf %exp23A_305, %div3A_312 : vector<128x128xf32>
    %swap3A_323 = arith.constant 0 : index
    %swap3A_324 = arith.constant 0 : index
    %swap3A_325 = arith.constant 2 : index
    %swap3A_326 = arith.constant 0 : index
    %swap3A_327 = arith.constant 128 : index
    %swap3A_328 = vector.load %arg12[%swap3A_323, %swap3A_324, %swap3A_325, %swap3A_326, %swap3A_327] : memref<1x1x16x128x256xf32, #tpu.memory_space<vmem>>, vector<1x1x1x128x128xf32>
    %swap3A_329 = vector.shape_cast %swap3A_328 : vector<1x1x1x128x128xf32> to vector<128x128xf32>
    %swap3A_330 = vector.shape_cast %mul3A_322 : vector<128x128xf32> to vector<1x1x1x128x128xf32>
    tpu.vector_store %arg12[%swap3A_323, %swap3A_324, %swap3A_325, %swap3A_326, %swap3A_327], %swap3A_330 {strides = array<i32>} : memref<1x1x16x128x256xf32, #tpu.memory_space<vmem>>, vector<1x1x1x128x128xf32>,
    %convert_element_type3A_331 = arith.truncf %exp23A_301 : vector<128x128xf32> to vector<128x128xbf16>
    %get3A_332 = arith.constant 0 : index
    %get3A_333 = arith.constant 0 : index
    %get3A_334 = arith.constant 0 : index
    %get3A_335 = vector.load %arg5[%get3A_332, %get3A_333, %get3A_334] : memref<1x128x1024xbf16, #tpu.memory_space<vmem>>, vector<1x128x1024xbf16>
    %get3A_336 = vector.shape_cast %get3A_335 : vector<1x128x1024xbf16> to vector<128x1024xbf16>
    %slice3A_337 = vector.extract_strided_slice %get3A_336 {offsets = [0, 128], sizes = [128, 64], strides = [1, 1]} : vector<128x1024xbf16> to vector<128x64xbf16>
    %dot_general3A_338 = arith.constant dense<0.000000e+00> : vector<128x64xf32>
    %dot_general3A_339 = tpu.matmul %convert_element_type3A_331, %slice3A_337, %dot_general3A_338 {dimension_numbers = #tpu.dot_dimension_numbers<[1], [0], [0], [1], [0, 0, 1, 1], [], []>, transpose_lhs_hint = false} : vector<128x128xbf16>, vector<128x64xbf16>, vector<128x64xf32> -> vector<128x64xf32>
    %convert_element_type3A_340 = arith.truncf %exp23A_305 : vector<128x128xf32> to vector<128x128xbf16>
    %get3A_341 = arith.constant 0 : index
    %get3A_342 = arith.constant 0 : index
    %get3A_343 = arith.constant 0 : index
    %get3A_344 = vector.load %arg6[%get3A_341, %get3A_342, %get3A_343] : memref<1x128x1024xbf16, #tpu.memory_space<vmem>>, vector<1x128x1024xbf16>
    %get3A_345 = vector.shape_cast %get3A_344 : vector<1x128x1024xbf16> to vector<128x1024xbf16>
    %slice3A_346 = vector.extract_strided_slice %get3A_345 {offsets = [0, 128], sizes = [128, 64], strides = [1, 1]} : vector<128x1024xbf16> to vector<128x64xbf16>
    %dot_general3A_347 = arith.constant dense<0.000000e+00> : vector<128x64xf32>
    %dot_general3A_348 = tpu.matmul %convert_element_type3A_340, %slice3A_346, %dot_general3A_347 {dimension_numbers = #tpu.dot_dimension_numbers<[1], [0], [0], [1], [0, 0, 1, 1], [], []>, transpose_lhs_hint = false} : vector<128x128xbf16>, vector<128x64xbf16>, vector<128x64xf32> -> vector<128x64xf32>
    %add3A_349 = arith.addf %dot_general3A_339, %dot_general3A_348 : vector<128x64xf32>
    %slice3A_350 = vector.extract_strided_slice %div3A_312 {offsets = [0, 0], sizes = [128, 64], strides = [1, 1]} : vector<128x128xf32> to vector<128x64xf32>
    %mul3A_351 = arith.mulf %add3A_349, %slice3A_350 : vector<128x64xf32>
    %mul3A_352 = arith.constant 0.180336878 : f32
    %mul3A_353 = vector.broadcast %mul3A_352 : f32 to vector<128x128xf32>
    %mul3A_354 = arith.mulf %dot_general3A_82, %mul3A_353 : vector<128x128xf32>
    %exp23A_355 = math.exp2 %mul3A_354 : vector<128x128xf32>
    %convert_element_type3A_356 = arith.truncf %exp23A_355 : vector<128x128xf32> to vector<128x128xbf16>
    %dot_general3A_357 = arith.constant dense<0.000000e+00> : vector<128x128xf32>
    %dot_general3A_358 = tpu.matmul %convert_element_type3A_356, %get3A_11, %dot_general3A_357 {dimension_numbers = #tpu.dot_dimension_numbers<[1], [0], [0], [1], [0, 0, 1, 1], [], []>, transpose_lhs_hint = false} : vector<128x128xbf16>, vector<128x128xbf16>, vector<128x128xf32> -> vector<128x128xf32>
    %get3A_359 = arith.constant 2 : index
    %get3A_360 = arith.constant 0 : index
    %get3A_361 = arith.constant 0 : index
    %get3A_362 = vector.load %arg8[%get3A_359, %get3A_360, %get3A_361] : memref<16x128x64xbf16, #tpu.memory_space<vmem>>, vector<1x128x64xbf16>
    %get3A_363 = vector.shape_cast %get3A_362 : vector<1x128x64xbf16> to vector<128x64xbf16>
    %dot_general3A_364 = arith.constant dense<0.000000e+00> : vector<128x64xf32>
    %dot_general3A_365 = tpu.matmul %convert_element_type3A_356, %get3A_363, %dot_general3A_364 {dimension_numbers = #tpu.dot_dimension_numbers<[1], [0], [0], [1], [0, 0, 1, 1], [], []>, transpose_lhs_hint = false} : vector<128x128xbf16>, vector<128x64xbf16>, vector<128x64xf32> -> vector<128x64xf32>
    %slice3A_366 = vector.extract_strided_slice %dot_general3A_358 {offsets = [0, 0], sizes = [128, 64], strides = [1, 1]} : vector<128x128xf32> to vector<128x64xf32>
    %div3A_367 = arith.divf %dot_general3A_365, %slice3A_366 : vector<128x64xf32>
    %add3A_368 = arith.addf %mul3A_351, %div3A_367 : vector<128x64xf32>
    %swap3A_369 = arith.constant 0 : index
    %swap3A_370 = arith.constant 128 : index
    %swap3A_371 = vector.load %arg14[%swap3A_369, %swap3A_370] : memref<128x1024xf32, #tpu.memory_space<vmem>>, vector<128x64xf32>
    tpu.vector_store %arg14[%swap3A_369, %swap3A_370], %add3A_368 {strides = array<i32>} : memref<128x1024xf32, #tpu.memory_space<vmem>>, vector<128x64xf32>,
    %slice3A_372 = vector.extract_strided_slice %convert_element_type3A_8 {offsets = [0, 384], sizes = [128, 64], strides = [1, 1]} : vector<128x1024xbf16> to vector<128x64xbf16>
    %get3A_373 = arith.constant 0 : index
    %get3A_374 = arith.constant 0 : index
    %get3A_375 = arith.constant 0 : index
    %get3A_376 = vector.load %arg3[%get3A_373, %get3A_374, %get3A_375] : memref<1x128x1024xbf16, #tpu.memory_space<vmem>>, vector<1x128x1024xbf16>
    %get3A_377 = vector.shape_cast %get3A_376 : vector<1x128x1024xbf16> to vector<128x1024xbf16>
    %slice3A_378 = vector.extract_strided_slice %get3A_377 {offsets = [0, 384], sizes = [128, 64], strides = [1, 1]} : vector<128x1024xbf16> to vector<128x64xbf16>
    %dot_general3A_379 = arith.constant dense<0.000000e+00> : vector<128x128xf32>
    %dot_general3A_380 = tpu.matmul %slice3A_372, %slice3A_378, %dot_general3A_379 {dimension_numbers = #tpu.dot_dimension_numbers<[1], [1], [0], [0], [0, 0, 1, 0], [], []>, transpose_lhs_hint = false} : vector<128x64xbf16>, vector<128x64xbf16>, vector<128x128xf32> -> vector<128x128xf32>
    %get3A_381 = arith.constant 0 : index
    %get3A_382 = arith.constant 0 : index
    %get3A_383 = arith.constant 0 : index
    %get3A_384 = vector.load %arg4[%get3A_381, %get3A_382, %get3A_383] : memref<1x128x1024xbf16, #tpu.memory_space<vmem>>, vector<1x128x1024xbf16>
    %get3A_385 = vector.shape_cast %get3A_384 : vector<1x128x1024xbf16> to vector<128x1024xbf16>
    %slice3A_386 = vector.extract_strided_slice %get3A_385 {offsets = [0, 384], sizes = [128, 64], strides = [1, 1]} : vector<128x1024xbf16> to vector<128x64xbf16>
    %dot_general3A_387 = arith.constant dense<0.000000e+00> : vector<128x128xf32>
    %dot_general3A_388 = tpu.matmul %slice3A_372, %slice3A_386, %dot_general3A_387 {dimension_numbers = #tpu.dot_dimension_numbers<[1], [1], [0], [0], [0, 0, 1, 0], [], []>, transpose_lhs_hint = false} : vector<128x64xbf16>, vector<128x64xbf16>, vector<128x128xf32> -> vector<128x128xf32>
    %get3A_389 = arith.constant 6 : index
    %get3A_390 = arith.constant 0 : index
    %get3A_391 = arith.constant 0 : index
    %get3A_392 = vector.load %arg7[%get3A_389, %get3A_390, %get3A_391] : memref<16x128x64xbf16, #tpu.memory_space<vmem>>, vector<1x128x64xbf16>
    %get3A_393 = vector.shape_cast %get3A_392 : vector<1x128x64xbf16> to vector<128x64xbf16>
    %dot_general3A_394 = arith.constant dense<0.000000e+00> : vector<128x128xf32>
    %dot_general3A_395 = tpu.matmul %slice3A_372, %get3A_393, %dot_general3A_394 {dimension_numbers = #tpu.dot_dimension_numbers<[1], [1], [0], [0], [0, 0, 1, 0], [], []>, transpose_lhs_hint = false} : vector<128x64xbf16>, vector<128x64xbf16>, vector<128x128xf32> -> vector<128x128xf32>
    %mul3A_396 = arith.constant 0.180336878 : f32
    %mul3A_397 = vector.broadcast %mul3A_396 : f32 to vector<128x128xf32>
    %mul3A_398 = arith.mulf %dot_general3A_91, %mul3A_397 : vector<128x128xf32>
    %exp23A_399 = math.exp2 %mul3A_398 : vector<128x128xf32>
    %mul3A_400 = arith.constant 0.180336878 : f32
    %mul3A_401 = vector.broadcast %mul3A_400 : f32 to vector<128x128xf32>
    %mul3A_402 = arith.mulf %dot_general3A_99, %mul3A_401 : vector<128x128xf32>
    %exp23A_403 = math.exp2 %mul3A_402 : vector<128x128xf32>
    %add3A_404 = arith.addf %exp23A_399, %exp23A_403 : vector<128x128xf32>
    %convert_element_type3A_405 = arith.truncf %add3A_404 : vector<128x128xf32> to vector<128x128xbf16>
    %dot_general3A_406 = arith.constant dense<0.000000e+00> : vector<128x128xf32>
    %dot_general3A_407 = tpu.matmul %convert_element_type3A_405, %get3A_11, %dot_general3A_406 {dimension_numbers = #tpu.dot_dimension_numbers<[1], [0], [0], [1], [0, 0, 1, 1], [], []>, transpose_lhs_hint = false} : vector<128x128xbf16>, vector<128x128xbf16>, vector<128x128xf32> -> vector<128x128xf32>
    %div3A_408 = arith.constant 1.000000e+00 : f32
    %div3A_409 = vector.broadcast %div3A_408 : f32 to vector<128x128xf32>
    %div3A_410 = arith.divf %div3A_409, %dot_general3A_407 : vector<128x128xf32>
    %mul3A_411 = arith.mulf %exp23A_399, %div3A_410 : vector<128x128xf32>
    %swap3A_412 = arith.constant 0 : index
    %swap3A_413 = arith.constant 0 : index
    %swap3A_414 = arith.constant 3 : index
    %swap3A_415 = arith.constant 0 : index
    %swap3A_416 = arith.constant 0 : index
    %swap3A_417 = vector.load %arg12[%swap3A_412, %swap3A_413, %swap3A_414, %swap3A_415, %swap3A_416] : memref<1x1x16x128x256xf32, #tpu.memory_space<vmem>>, vector<1x1x1x128x128xf32>
    %swap3A_418 = vector.shape_cast %swap3A_417 : vector<1x1x1x128x128xf32> to vector<128x128xf32>
    %swap3A_419 = vector.shape_cast %mul3A_411 : vector<128x128xf32> to vector<1x1x1x128x128xf32>
    tpu.vector_store %arg12[%swap3A_412, %swap3A_413, %swap3A_414, %swap3A_415, %swap3A_416], %swap3A_419 {strides = array<i32>} : memref<1x1x16x128x256xf32, #tpu.memory_space<vmem>>, vector<1x1x1x128x128xf32>,
    %mul3A_420 = arith.mulf %exp23A_403, %div3A_410 : vector<128x128xf32>
    %swap3A_421 = arith.constant 0 : index
    %swap3A_422 = arith.constant 0 : index
    %swap3A_423 = arith.constant 3 : index
    %swap3A_424 = arith.constant 0 : index
    %swap3A_425 = arith.constant 128 : index
    %swap3A_426 = vector.load %arg12[%swap3A_421, %swap3A_422, %swap3A_423, %swap3A_424, %swap3A_425] : memref<1x1x16x128x256xf32, #tpu.memory_space<vmem>>, vector<1x1x1x128x128xf32>
    %swap3A_427 = vector.shape_cast %swap3A_426 : vector<1x1x1x128x128xf32> to vector<128x128xf32>
    %swap3A_428 = vector.shape_cast %mul3A_420 : vector<128x128xf32> to vector<1x1x1x128x128xf32>
    tpu.vector_store %arg12[%swap3A_421, %swap3A_422, %swap3A_423, %swap3A_424, %swap3A_425], %swap3A_428 {strides = array<i32>} : memref<1x1x16x128x256xf32, #tpu.memory_space<vmem>>, vector<1x1x1x128x128xf32>,
    %convert_element_type3A_429 = arith.truncf %exp23A_399 : vector<128x128xf32> to vector<128x128xbf16>
    %get3A_430 = arith.constant 0 : index
    %get3A_431 = arith.constant 0 : index
    %get3A_432 = arith.constant 0 : index
    %get3A_433 = vector.load %arg5[%get3A_430, %get3A_431, %get3A_432] : memref<1x128x1024xbf16, #tpu.memory_space<vmem>>, vector<1x128x1024xbf16>
    %get3A_434 = vector.shape_cast %get3A_433 : vector<1x128x1024xbf16> to vector<128x1024xbf16>
    %slice3A_435 = vector.extract_strided_slice %get3A_434 {offsets = [0, 192], sizes = [128, 64], strides = [1, 1]} : vector<128x1024xbf16> to vector<128x64xbf16>
    %dot_general3A_436 = arith.constant dense<0.000000e+00> : vector<128x64xf32>
    %dot_general3A_437 = tpu.matmul %convert_element_type3A_429, %slice3A_435, %dot_general3A_436 {dimension_numbers = #tpu.dot_dimension_numbers<[1], [0], [0], [1], [0, 0, 1, 1], [], []>, transpose_lhs_hint = false} : vector<128x128xbf16>, vector<128x64xbf16>, vector<128x64xf32> -> vector<128x64xf32>
    %convert_element_type3A_438 = arith.truncf %exp23A_403 : vector<128x128xf32> to vector<128x128xbf16>
    %get3A_439 = arith.constant 0 : index
    %get3A_440 = arith.constant 0 : index
    %get3A_441 = arith.constant 0 : index
    %get3A_442 = vector.load %arg6[%get3A_439, %get3A_440, %get3A_441] : memref<1x128x1024xbf16, #tpu.memory_space<vmem>>, vector<1x128x1024xbf16>
    %get3A_443 = vector.shape_cast %get3A_442 : vector<1x128x1024xbf16> to vector<128x1024xbf16>
    %slice3A_444 = vector.extract_strided_slice %get3A_443 {offsets = [0, 192], sizes = [128, 64], strides = [1, 1]} : vector<128x1024xbf16> to vector<128x64xbf16>
    %dot_general3A_445 = arith.constant dense<0.000000e+00> : vector<128x64xf32>
    %dot_general3A_446 = tpu.matmul %convert_element_type3A_438, %slice3A_444, %dot_general3A_445 {dimension_numbers = #tpu.dot_dimension_numbers<[1], [0], [0], [1], [0, 0, 1, 1], [], []>, transpose_lhs_hint = false} : vector<128x128xbf16>, vector<128x64xbf16>, vector<128x64xf32> -> vector<128x64xf32>
    %add3A_447 = arith.addf %dot_general3A_437, %dot_general3A_446 : vector<128x64xf32>
    %slice3A_448 = vector.extract_strided_slice %div3A_410 {offsets = [0, 0], sizes = [128, 64], strides = [1, 1]} : vector<128x128xf32> to vector<128x64xf32>
    %mul3A_449 = arith.mulf %add3A_447, %slice3A_448 : vector<128x64xf32>
    %mul3A_450 = arith.constant 0.180336878 : f32
    %mul3A_451 = vector.broadcast %mul3A_450 : f32 to vector<128x128xf32>
    %mul3A_452 = arith.mulf %dot_general3A_106, %mul3A_451 : vector<128x128xf32>
    %exp23A_453 = math.exp2 %mul3A_452 : vector<128x128xf32>
    %convert_element_type3A_454 = arith.truncf %exp23A_453 : vector<128x128xf32> to vector<128x128xbf16>
    %dot_general3A_455 = arith.constant dense<0.000000e+00> : vector<128x128xf32>
    %dot_general3A_456 = tpu.matmul %convert_element_type3A_454, %get3A_11, %dot_general3A_455 {dimension_numbers = #tpu.dot_dimension_numbers<[1], [0], [0], [1], [0, 0, 1, 1], [], []>, transpose_lhs_hint = false} : vector<128x128xbf16>, vector<128x128xbf16>, vector<128x128xf32> -> vector<128x128xf32>
    %get3A_457 = arith.constant 3 : index
    %get3A_458 = arith.constant 0 : index
    %get3A_459 = arith.constant 0 : index
    %get3A_460 = vector.load %arg8[%get3A_457, %get3A_458, %get3A_459] : memref<16x128x64xbf16, #tpu.memory_space<vmem>>, vector<1x128x64xbf16>
    %get3A_461 = vector.shape_cast %get3A_460 : vector<1x128x64xbf16> to vector<128x64xbf16>
    %dot_general3A_462 = arith.constant dense<0.000000e+00> : vector<128x64xf32>
    %dot_general3A_463 = tpu.matmul %convert_element_type3A_454, %get3A_461, %dot_general3A_462 {dimension_numbers = #tpu.dot_dimension_numbers<[1], [0], [0], [1], [0, 0, 1, 1], [], []>, transpose_lhs_hint = false} : vector<128x128xbf16>, vector<128x64xbf16>, vector<128x64xf32> -> vector<128x64xf32>
    %slice3A_464 = vector.extract_strided_slice %dot_general3A_456 {offsets = [0, 0], sizes = [128, 64], strides = [1, 1]} : vector<128x128xf32> to vector<128x64xf32>
    %div3A_465 = arith.divf %dot_general3A_463, %slice3A_464 : vector<128x64xf32>
    %add3A_466 = arith.addf %mul3A_449, %div3A_465 : vector<128x64xf32>
    %swap3A_467 = arith.constant 0 : index
    %swap3A_468 = arith.constant 192 : index
    %swap3A_469 = vector.load %arg14[%swap3A_467, %swap3A_468] : memref<128x1024xf32, #tpu.memory_space<vmem>>, vector<128x64xf32>
    tpu.vector_store %arg14[%swap3A_467, %swap3A_468], %add3A_466 {strides = array<i32>} : memref<128x1024xf32, #tpu.memory_space<vmem>>, vector<128x64xf32>,
    %slice3A_470 = vector.extract_strided_slice %convert_element_type3A_8 {offsets = [0, 448], sizes = [128, 64], strides = [1, 1]} : vector<128x1024xbf16> to vector<128x64xbf16>
    %get3A_471 = arith.constant 0 : index
    %get3A_472 = arith.constant 0 : index
    %get3A_473 = arith.constant 0 : index
    %get3A_474 = vector.load %arg3[%get3A_471, %get3A_472, %get3A_473] : memref<1x128x1024xbf16, #tpu.memory_space<vmem>>, vector<1x128x1024xbf16>
    %get3A_475 = vector.shape_cast %get3A_474 : vector<1x128x1024xbf16> to vector<128x1024xbf16>
    %slice3A_476 = vector.extract_strided_slice %get3A_475 {offsets = [0, 448], sizes = [128, 64], strides = [1, 1]} : vector<128x1024xbf16> to vector<128x64xbf16>
    %dot_general3A_477 = arith.constant dense<0.000000e+00> : vector<128x128xf32>
    %dot_general3A_478 = tpu.matmul %slice3A_470, %slice3A_476, %dot_general3A_477 {dimension_numbers = #tpu.dot_dimension_numbers<[1], [1], [0], [0], [0, 0, 1, 0], [], []>, transpose_lhs_hint = false} : vector<128x64xbf16>, vector<128x64xbf16>, vector<128x128xf32> -> vector<128x128xf32>
    %get3A_479 = arith.constant 0 : index
    %get3A_480 = arith.constant 0 : index
    %get3A_481 = arith.constant 0 : index
    %get3A_482 = vector.load %arg4[%get3A_479, %get3A_480, %get3A_481] : memref<1x128x1024xbf16, #tpu.memory_space<vmem>>, vector<1x128x1024xbf16>
    %get3A_483 = vector.shape_cast %get3A_482 : vector<1x128x1024xbf16> to vector<128x1024xbf16>
    %slice3A_484 = vector.extract_strided_slice %get3A_483 {offsets = [0, 448], sizes = [128, 64], strides = [1, 1]} : vector<128x1024xbf16> to vector<128x64xbf16>
    %dot_general3A_485 = arith.constant dense<0.000000e+00> : vector<128x128xf32>
    %dot_general3A_486 = tpu.matmul %slice3A_470, %slice3A_484, %dot_general3A_485 {dimension_numbers = #tpu.dot_dimension_numbers<[1], [1], [0], [0], [0, 0, 1, 0], [], []>, transpose_lhs_hint = false} : vector<128x64xbf16>, vector<128x64xbf16>, vector<128x128xf32> -> vector<128x128xf32>
    %get3A_487 = arith.constant 7 : index
    %get3A_488 = arith.constant 0 : index
    %get3A_489 = arith.constant 0 : index
    %get3A_490 = vector.load %arg7[%get3A_487, %get3A_488, %get3A_489] : memref<16x128x64xbf16, #tpu.memory_space<vmem>>, vector<1x128x64xbf16>
    %get3A_491 = vector.shape_cast %get3A_490 : vector<1x128x64xbf16> to vector<128x64xbf16>
    %dot_general3A_492 = arith.constant dense<0.000000e+00> : vector<128x128xf32>
    %dot_general3A_493 = tpu.matmul %slice3A_470, %get3A_491, %dot_general3A_492 {dimension_numbers = #tpu.dot_dimension_numbers<[1], [1], [0], [0], [0, 0, 1, 0], [], []>, transpose_lhs_hint = false} : vector<128x64xbf16>, vector<128x64xbf16>, vector<128x128xf32> -> vector<128x128xf32>
    %mul3A_494 = arith.constant 0.180336878 : f32
    %mul3A_495 = vector.broadcast %mul3A_494 : f32 to vector<128x128xf32>
    %mul3A_496 = arith.mulf %dot_general3A_184, %mul3A_495 : vector<128x128xf32>
    %exp23A_497 = math.exp2 %mul3A_496 : vector<128x128xf32>
    %mul3A_498 = arith.constant 0.180336878 : f32
    %mul3A_499 = vector.broadcast %mul3A_498 : f32 to vector<128x128xf32>
    %mul3A_500 = arith.mulf %dot_general3A_192, %mul3A_499 : vector<128x128xf32>
    %exp23A_501 = math.exp2 %mul3A_500 : vector<128x128xf32>
    %add3A_502 = arith.addf %exp23A_497, %exp23A_501 : vector<128x128xf32>
    %convert_element_type3A_503 = arith.truncf %add3A_502 : vector<128x128xf32> to vector<128x128xbf16>
    %dot_general3A_504 = arith.constant dense<0.000000e+00> : vector<128x128xf32>
    %dot_general3A_505 = tpu.matmul %convert_element_type3A_503, %get3A_11, %dot_general3A_504 {dimension_numbers = #tpu.dot_dimension_numbers<[1], [0], [0], [1], [0, 0, 1, 1], [], []>, transpose_lhs_hint = false} : vector<128x128xbf16>, vector<128x128xbf16>, vector<128x128xf32> -> vector<128x128xf32>
    %div3A_506 = arith.constant 1.000000e+00 : f32
    %div3A_507 = vector.broadcast %div3A_506 : f32 to vector<128x128xf32>
    %div3A_508 = arith.divf %div3A_507, %dot_general3A_505 : vector<128x128xf32>
    %mul3A_509 = arith.mulf %exp23A_497, %div3A_508 : vector<128x128xf32>
    %swap3A_510 = arith.constant 0 : index
    %swap3A_511 = arith.constant 0 : index
    %swap3A_512 = arith.constant 4 : index
    %swap3A_513 = arith.constant 0 : index
    %swap3A_514 = arith.constant 0 : index
    %swap3A_515 = vector.load %arg12[%swap3A_510, %swap3A_511, %swap3A_512, %swap3A_513, %swap3A_514] : memref<1x1x16x128x256xf32, #tpu.memory_space<vmem>>, vector<1x1x1x128x128xf32>
    %swap3A_516 = vector.shape_cast %swap3A_515 : vector<1x1x1x128x128xf32> to vector<128x128xf32>
    %swap3A_517 = vector.shape_cast %mul3A_509 : vector<128x128xf32> to vector<1x1x1x128x128xf32>
    tpu.vector_store %arg12[%swap3A_510, %swap3A_511, %swap3A_512, %swap3A_513, %swap3A_514], %swap3A_517 {strides = array<i32>} : memref<1x1x16x128x256xf32, #tpu.memory_space<vmem>>, vector<1x1x1x128x128xf32>,
    %mul3A_518 = arith.mulf %exp23A_501, %div3A_508 : vector<128x128xf32>
    %swap3A_519 = arith.constant 0 : index
    %swap3A_520 = arith.constant 0 : index
    %swap3A_521 = arith.constant 4 : index
    %swap3A_522 = arith.constant 0 : index
    %swap3A_523 = arith.constant 128 : index
    %swap3A_524 = vector.load %arg12[%swap3A_519, %swap3A_520, %swap3A_521, %swap3A_522, %swap3A_523] : memref<1x1x16x128x256xf32, #tpu.memory_space<vmem>>, vector<1x1x1x128x128xf32>
    %swap3A_525 = vector.shape_cast %swap3A_524 : vector<1x1x1x128x128xf32> to vector<128x128xf32>
    %swap3A_526 = vector.shape_cast %mul3A_518 : vector<128x128xf32> to vector<1x1x1x128x128xf32>
    tpu.vector_store %arg12[%swap3A_519, %swap3A_520, %swap3A_521, %swap3A_522, %swap3A_523], %swap3A_526 {strides = array<i32>} : memref<1x1x16x128x256xf32, #tpu.memory_space<vmem>>, vector<1x1x1x128x128xf32>,
    %convert_element_type3A_527 = arith.truncf %exp23A_497 : vector<128x128xf32> to vector<128x128xbf16>
    %get3A_528 = arith.constant 0 : index
    %get3A_529 = arith.constant 0 : index
    %get3A_530 = arith.constant 0 : index
    %get3A_531 = vector.load %arg5[%get3A_528, %get3A_529, %get3A_530] : memref<1x128x1024xbf16, #tpu.memory_space<vmem>>, vector<1x128x1024xbf16>
    %get3A_532 = vector.shape_cast %get3A_531 : vector<1x128x1024xbf16> to vector<128x1024xbf16>
    %slice3A_533 = vector.extract_strided_slice %get3A_532 {offsets = [0, 256], sizes = [128, 64], strides = [1, 1]} : vector<128x1024xbf16> to vector<128x64xbf16>
    %dot_general3A_534 = arith.constant dense<0.000000e+00> : vector<128x64xf32>
    %dot_general3A_535 = tpu.matmul %convert_element_type3A_527, %slice3A_533, %dot_general3A_534 {dimension_numbers = #tpu.dot_dimension_numbers<[1], [0], [0], [1], [0, 0, 1, 1], [], []>, transpose_lhs_hint = false} : vector<128x128xbf16>, vector<128x64xbf16>, vector<128x64xf32> -> vector<128x64xf32>
    %convert_element_type3A_536 = arith.truncf %exp23A_501 : vector<128x128xf32> to vector<128x128xbf16>
    %get3A_537 = arith.constant 0 : index
    %get3A_538 = arith.constant 0 : index
    %get3A_539 = arith.constant 0 : index
    %get3A_540 = vector.load %arg6[%get3A_537, %get3A_538, %get3A_539] : memref<1x128x1024xbf16, #tpu.memory_space<vmem>>, vector<1x128x1024xbf16>
    %get3A_541 = vector.shape_cast %get3A_540 : vector<1x128x1024xbf16> to vector<128x1024xbf16>
    %slice3A_542 = vector.extract_strided_slice %get3A_541 {offsets = [0, 256], sizes = [128, 64], strides = [1, 1]} : vector<128x1024xbf16> to vector<128x64xbf16>
    %dot_general3A_543 = arith.constant dense<0.000000e+00> : vector<128x64xf32>
    %dot_general3A_544 = tpu.matmul %convert_element_type3A_536, %slice3A_542, %dot_general3A_543 {dimension_numbers = #tpu.dot_dimension_numbers<[1], [0], [0], [1], [0, 0, 1, 1], [], []>, transpose_lhs_hint = false} : vector<128x128xbf16>, vector<128x64xbf16>, vector<128x64xf32> -> vector<128x64xf32>
    %add3A_545 = arith.addf %dot_general3A_535, %dot_general3A_544 : vector<128x64xf32>
    %slice3A_546 = vector.extract_strided_slice %div3A_508 {offsets = [0, 0], sizes = [128, 64], strides = [1, 1]} : vector<128x128xf32> to vector<128x64xf32>
    %mul3A_547 = arith.mulf %add3A_545, %slice3A_546 : vector<128x64xf32>
    %mul3A_548 = arith.constant 0.180336878 : f32
    %mul3A_549 = vector.broadcast %mul3A_548 : f32 to vector<128x128xf32>
    %mul3A_550 = arith.mulf %dot_general3A_199, %mul3A_549 : vector<128x128xf32>
    %exp23A_551 = math.exp2 %mul3A_550 : vector<128x128xf32>
    %convert_element_type3A_552 = arith.truncf %exp23A_551 : vector<128x128xf32> to vector<128x128xbf16>
    %dot_general3A_553 = arith.constant dense<0.000000e+00> : vector<128x128xf32>
    %dot_general3A_554 = tpu.matmul %convert_element_type3A_552, %get3A_11, %dot_general3A_553 {dimension_numbers = #tpu.dot_dimension_numbers<[1], [0], [0], [1], [0, 0, 1, 1], [], []>, transpose_lhs_hint = false} : vector<128x128xbf16>, vector<128x128xbf16>, vector<128x128xf32> -> vector<128x128xf32>
    %get3A_555 = arith.constant 4 : index
    %get3A_556 = arith.constant 0 : index
    %get3A_557 = arith.constant 0 : index
    %get3A_558 = vector.load %arg8[%get3A_555, %get3A_556, %get3A_557] : memref<16x128x64xbf16, #tpu.memory_space<vmem>>, vector<1x128x64xbf16>
    %get3A_559 = vector.shape_cast %get3A_558 : vector<1x128x64xbf16> to vector<128x64xbf16>
    %dot_general3A_560 = arith.constant dense<0.000000e+00> : vector<128x64xf32>
    %dot_general3A_561 = tpu.matmul %convert_element_type3A_552, %get3A_559, %dot_general3A_560 {dimension_numbers = #tpu.dot_dimension_numbers<[1], [0], [0], [1], [0, 0, 1, 1], [], []>, transpose_lhs_hint = false} : vector<128x128xbf16>, vector<128x64xbf16>, vector<128x64xf32> -> vector<128x64xf32>
    %slice3A_562 = vector.extract_strided_slice %dot_general3A_554 {offsets = [0, 0], sizes = [128, 64], strides = [1, 1]} : vector<128x128xf32> to vector<128x64xf32>
    %div3A_563 = arith.divf %dot_general3A_561, %slice3A_562 : vector<128x64xf32>
    %add3A_564 = arith.addf %mul3A_547, %div3A_563 : vector<128x64xf32>
    %swap3A_565 = arith.constant 0 : index
    %swap3A_566 = arith.constant 256 : index
    %swap3A_567 = vector.load %arg14[%swap3A_565, %swap3A_566] : memref<128x1024xf32, #tpu.memory_space<vmem>>, vector<128x64xf32>
    tpu.vector_store %arg14[%swap3A_565, %swap3A_566], %add3A_564 {strides = array<i32>} : memref<128x1024xf32, #tpu.memory_space<vmem>>, vector<128x64xf32>,
    %slice3A_568 = vector.extract_strided_slice %convert_element_type3A_8 {offsets = [0, 512], sizes = [128, 64], strides = [1, 1]} : vector<128x1024xbf16> to vector<128x64xbf16>
    %get3A_569 = arith.constant 0 : index
    %get3A_570 = arith.constant 0 : index
    %get3A_571 = arith.constant 0 : index
    %get3A_572 = vector.load %arg3[%get3A_569, %get3A_570, %get3A_571] : memref<1x128x1024xbf16, #tpu.memory_space<vmem>>, vector<1x128x1024xbf16>
    %get3A_573 = vector.shape_cast %get3A_572 : vector<1x128x1024xbf16> to vector<128x1024xbf16>
    %slice3A_574 = vector.extract_strided_slice %get3A_573 {offsets = [0, 512], sizes = [128, 64], strides = [1, 1]} : vector<128x1024xbf16> to vector<128x64xbf16>
    %dot_general3A_575 = arith.constant dense<0.000000e+00> : vector<128x128xf32>
    %dot_general3A_576 = tpu.matmul %slice3A_568, %slice3A_574, %dot_general3A_575 {dimension_numbers = #tpu.dot_dimension_numbers<[1], [1], [0], [0], [0, 0, 1, 0], [], []>, transpose_lhs_hint = false} : vector<128x64xbf16>, vector<128x64xbf16>, vector<128x128xf32> -> vector<128x128xf32>
    %get3A_577 = arith.constant 0 : index
    %get3A_578 = arith.constant 0 : index
    %get3A_579 = arith.constant 0 : index
    %get3A_580 = vector.load %arg4[%get3A_577, %get3A_578, %get3A_579] : memref<1x128x1024xbf16, #tpu.memory_space<vmem>>, vector<1x128x1024xbf16>
    %get3A_581 = vector.shape_cast %get3A_580 : vector<1x128x1024xbf16> to vector<128x1024xbf16>
    %slice3A_582 = vector.extract_strided_slice %get3A_581 {offsets = [0, 512], sizes = [128, 64], strides = [1, 1]} : vector<128x1024xbf16> to vector<128x64xbf16>
    %dot_general3A_583 = arith.constant dense<0.000000e+00> : vector<128x128xf32>
    %dot_general3A_584 = tpu.matmul %slice3A_568, %slice3A_582, %dot_general3A_583 {dimension_numbers = #tpu.dot_dimension_numbers<[1], [1], [0], [0], [0, 0, 1, 0], [], []>, transpose_lhs_hint = false} : vector<128x64xbf16>, vector<128x64xbf16>, vector<128x128xf32> -> vector<128x128xf32>
    %get3A_585 = arith.constant 8 : index
    %get3A_586 = arith.constant 0 : index
    %get3A_587 = arith.constant 0 : index
    %get3A_588 = vector.load %arg7[%get3A_585, %get3A_586, %get3A_587] : memref<16x128x64xbf16, #tpu.memory_space<vmem>>, vector<1x128x64xbf16>
    %get3A_589 = vector.shape_cast %get3A_588 : vector<1x128x64xbf16> to vector<128x64xbf16>
    %dot_general3A_590 = arith.constant dense<0.000000e+00> : vector<128x128xf32>
    %dot_general3A_591 = tpu.matmul %slice3A_568, %get3A_589, %dot_general3A_590 {dimension_numbers = #tpu.dot_dimension_numbers<[1], [1], [0], [0], [0, 0, 1, 0], [], []>, transpose_lhs_hint = false} : vector<128x64xbf16>, vector<128x64xbf16>, vector<128x128xf32> -> vector<128x128xf32>
    %mul3A_592 = arith.constant 0.180336878 : f32
    %mul3A_593 = vector.broadcast %mul3A_592 : f32 to vector<128x128xf32>
    %mul3A_594 = arith.mulf %dot_general3A_282, %mul3A_593 : vector<128x128xf32>
    %exp23A_595 = math.exp2 %mul3A_594 : vector<128x128xf32>
    %mul3A_596 = arith.constant 0.180336878 : f32
    %mul3A_597 = vector.broadcast %mul3A_596 : f32 to vector<128x128xf32>
    %mul3A_598 = arith.mulf %dot_general3A_290, %mul3A_597 : vector<128x128xf32>
    %exp23A_599 = math.exp2 %mul3A_598 : vector<128x128xf32>
    %add3A_600 = arith.addf %exp23A_595, %exp23A_599 : vector<128x128xf32>
    %convert_element_type3A_601 = arith.truncf %add3A_600 : vector<128x128xf32> to vector<128x128xbf16>
    %dot_general3A_602 = arith.constant dense<0.000000e+00> : vector<128x128xf32>
    %dot_general3A_603 = tpu.matmul %convert_element_type3A_601, %get3A_11, %dot_general3A_602 {dimension_numbers = #tpu.dot_dimension_numbers<[1], [0], [0], [1], [0, 0, 1, 1], [], []>, transpose_lhs_hint = false} : vector<128x128xbf16>, vector<128x128xbf16>, vector<128x128xf32> -> vector<128x128xf32>
    %div3A_604 = arith.constant 1.000000e+00 : f32
    %div3A_605 = vector.broadcast %div3A_604 : f32 to vector<128x128xf32>
    %div3A_606 = arith.divf %div3A_605, %dot_general3A_603 : vector<128x128xf32>
    %mul3A_607 = arith.mulf %exp23A_595, %div3A_606 : vector<128x128xf32>
    %swap3A_608 = arith.constant 0 : index
    %swap3A_609 = arith.constant 0 : index
    %swap3A_610 = arith.constant 5 : index
    %swap3A_611 = arith.constant 0 : index
    %swap3A_612 = arith.constant 0 : index
    %swap3A_613 = vector.load %arg12[%swap3A_608, %swap3A_609, %swap3A_610, %swap3A_611, %swap3A_612] : memref<1x1x16x128x256xf32, #tpu.memory_space<vmem>>, vector<1x1x1x128x128xf32>
    %swap3A_614 = vector.shape_cast %swap3A_613 : vector<1x1x1x128x128xf32> to vector<128x128xf32>
    %swap3A_615 = vector.shape_cast %mul3A_607 : vector<128x128xf32> to vector<1x1x1x128x128xf32>
    tpu.vector_store %arg12[%swap3A_608, %swap3A_609, %swap3A_610, %swap3A_611, %swap3A_612], %swap3A_615 {strides = array<i32>} : memref<1x1x16x128x256xf32, #tpu.memory_space<vmem>>, vector<1x1x1x128x128xf32>,
    %mul3A_616 = arith.mulf %exp23A_599, %div3A_606 : vector<128x128xf32>
    %swap3A_617 = arith.constant 0 : index
    %swap3A_618 = arith.constant 0 : index
    %swap3A_619 = arith.constant 5 : index
    %swap3A_620 = arith.constant 0 : index
    %swap3A_621 = arith.constant 128 : index
    %swap3A_622 = vector.load %arg12[%swap3A_617, %swap3A_618, %swap3A_619, %swap3A_620, %swap3A_621] : memref<1x1x16x128x256xf32, #tpu.memory_space<vmem>>, vector<1x1x1x128x128xf32>
    %swap3A_623 = vector.shape_cast %swap3A_622 : vector<1x1x1x128x128xf32> to vector<128x128xf32>
    %swap3A_624 = vector.shape_cast %mul3A_616 : vector<128x128xf32> to vector<1x1x1x128x128xf32>
    tpu.vector_store %arg12[%swap3A_617, %swap3A_618, %swap3A_619, %swap3A_620, %swap3A_621], %swap3A_624 {strides = array<i32>} : memref<1x1x16x128x256xf32, #tpu.memory_space<vmem>>, vector<1x1x1x128x128xf32>,
    %convert_element_type3A_625 = arith.truncf %exp23A_595 : vector<128x128xf32> to vector<128x128xbf16>
    %get3A_626 = arith.constant 0 : index
    %get3A_627 = arith.constant 0 : index
    %get3A_628 = arith.constant 0 : index
    %get3A_629 = vector.load %arg5[%get3A_626, %get3A_627, %get3A_628] : memref<1x128x1024xbf16, #tpu.memory_space<vmem>>, vector<1x128x1024xbf16>
    %get3A_630 = vector.shape_cast %get3A_629 : vector<1x128x1024xbf16> to vector<128x1024xbf16>
    %slice3A_631 = vector.extract_strided_slice %get3A_630 {offsets = [0, 320], sizes = [128, 64], strides = [1, 1]} : vector<128x1024xbf16> to vector<128x64xbf16>
    %dot_general3A_632 = arith.constant dense<0.000000e+00> : vector<128x64xf32>
    %dot_general3A_633 = tpu.matmul %convert_element_type3A_625, %slice3A_631, %dot_general3A_632 {dimension_numbers = #tpu.dot_dimension_numbers<[1], [0], [0], [1], [0, 0, 1, 1], [], []>, transpose_lhs_hint = false} : vector<128x128xbf16>, vector<128x64xbf16>, vector<128x64xf32> -> vector<128x64xf32>
    %convert_element_type3A_634 = arith.truncf %exp23A_599 : vector<128x128xf32> to vector<128x128xbf16>
    %get3A_635 = arith.constant 0 : index
    %get3A_636 = arith.constant 0 : index
    %get3A_637 = arith.constant 0 : index
    %get3A_638 = vector.load %arg6[%get3A_635, %get3A_636, %get3A_637] : memref<1x128x1024xbf16, #tpu.memory_space<vmem>>, vector<1x128x1024xbf16>
    %get3A_639 = vector.shape_cast %get3A_638 : vector<1x128x1024xbf16> to vector<128x1024xbf16>
    %slice3A_640 = vector.extract_strided_slice %get3A_639 {offsets = [0, 320], sizes = [128, 64], strides = [1, 1]} : vector<128x1024xbf16> to vector<128x64xbf16>
    %dot_general3A_641 = arith.constant dense<0.000000e+00> : vector<128x64xf32>
    %dot_general3A_642 = tpu.matmul %convert_element_type3A_634, %slice3A_640, %dot_general3A_641 {dimension_numbers = #tpu.dot_dimension_numbers<[1], [0], [0], [1], [0, 0, 1, 1], [], []>, transpose_lhs_hint = false} : vector<128x128xbf16>, vector<128x64xbf16>, vector<128x64xf32> -> vector<128x64xf32>
    %add3A_643 = arith.addf %dot_general3A_633, %dot_general3A_642 : vector<128x64xf32>
    %slice3A_644 = vector.extract_strided_slice %div3A_606 {offsets = [0, 0], sizes = [128, 64], strides = [1, 1]} : vector<128x128xf32> to vector<128x64xf32>
    %mul3A_645 = arith.mulf %add3A_643, %slice3A_644 : vector<128x64xf32>
    %mul3A_646 = arith.constant 0.180336878 : f32
    %mul3A_647 = vector.broadcast %mul3A_646 : f32 to vector<128x128xf32>
    %mul3A_648 = arith.mulf %dot_general3A_297, %mul3A_647 : vector<128x128xf32>
    %exp23A_649 = math.exp2 %mul3A_648 : vector<128x128xf32>
    %convert_element_type3A_650 = arith.truncf %exp23A_649 : vector<128x128xf32> to vector<128x128xbf16>
    %dot_general3A_651 = arith.constant dense<0.000000e+00> : vector<128x128xf32>
    %dot_general3A_652 = tpu.matmul %convert_element_type3A_650, %get3A_11, %dot_general3A_651 {dimension_numbers = #tpu.dot_dimension_numbers<[1], [0], [0], [1], [0, 0, 1, 1], [], []>, transpose_lhs_hint = false} : vector<128x128xbf16>, vector<128x128xbf16>, vector<128x128xf32> -> vector<128x128xf32>
    %get3A_653 = arith.constant 5 : index
    %get3A_654 = arith.constant 0 : index
    %get3A_655 = arith.constant 0 : index
    %get3A_656 = vector.load %arg8[%get3A_653, %get3A_654, %get3A_655] : memref<16x128x64xbf16, #tpu.memory_space<vmem>>, vector<1x128x64xbf16>
    %get3A_657 = vector.shape_cast %get3A_656 : vector<1x128x64xbf16> to vector<128x64xbf16>
    %dot_general3A_658 = arith.constant dense<0.000000e+00> : vector<128x64xf32>
    %dot_general3A_659 = tpu.matmul %convert_element_type3A_650, %get3A_657, %dot_general3A_658 {dimension_numbers = #tpu.dot_dimension_numbers<[1], [0], [0], [1], [0, 0, 1, 1], [], []>, transpose_lhs_hint = false} : vector<128x128xbf16>, vector<128x64xbf16>, vector<128x64xf32> -> vector<128x64xf32>
    %slice3A_660 = vector.extract_strided_slice %dot_general3A_652 {offsets = [0, 0], sizes = [128, 64], strides = [1, 1]} : vector<128x128xf32> to vector<128x64xf32>
    %div3A_661 = arith.divf %dot_general3A_659, %slice3A_660 : vector<128x64xf32>
    %add3A_662 = arith.addf %mul3A_645, %div3A_661 : vector<128x64xf32>
    %swap3A_663 = arith.constant 0 : index
    %swap3A_664 = arith.constant 320 : index
    %swap3A_665 = vector.load %arg14[%swap3A_663, %swap3A_664] : memref<128x1024xf32, #tpu.memory_space<vmem>>, vector<128x64xf32>
    tpu.vector_store %arg14[%swap3A_663, %swap3A_664], %add3A_662 {strides = array<i32>} : memref<128x1024xf32, #tpu.memory_space<vmem>>, vector<128x64xf32>,
    %slice3A_666 = vector.extract_strided_slice %convert_element_type3A_8 {offsets = [0, 576], sizes = [128, 64], strides = [1, 1]} : vector<128x1024xbf16> to vector<128x64xbf16>
    %get3A_667 = arith.constant 0 : index
    %get3A_668 = arith.constant 0 : index
    %get3A_669 = arith.constant 0 : index
    %get3A_670 = vector.load %arg3[%get3A_667, %get3A_668, %get3A_669] : memref<1x128x1024xbf16, #tpu.memory_space<vmem>>, vector<1x128x1024xbf16>
    %get3A_671 = vector.shape_cast %get3A_670 : vector<1x128x1024xbf16> to vector<128x1024xbf16>
    %slice3A_672 = vector.extract_strided_slice %get3A_671 {offsets = [0, 576], sizes = [128, 64], strides = [1, 1]} : vector<128x1024xbf16> to vector<128x64xbf16>
    %dot_general3A_673 = arith.constant dense<0.000000e+00> : vector<128x128xf32>
    %dot_general3A_674 = tpu.matmul %slice3A_666, %slice3A_672, %dot_general3A_673 {dimension_numbers = #tpu.dot_dimension_numbers<[1], [1], [0], [0], [0, 0, 1, 0], [], []>, transpose_lhs_hint = false} : vector<128x64xbf16>, vector<128x64xbf16>, vector<128x128xf32> -> vector<128x128xf32>
    %get3A_675 = arith.constant 0 : index
    %get3A_676 = arith.constant 0 : index
    %get3A_677 = arith.constant 0 : index
    %get3A_678 = vector.load %arg4[%get3A_675, %get3A_676, %get3A_677] : memref<1x128x1024xbf16, #tpu.memory_space<vmem>>, vector<1x128x1024xbf16>
    %get3A_679 = vector.shape_cast %get3A_678 : vector<1x128x1024xbf16> to vector<128x1024xbf16>
    %slice3A_680 = vector.extract_strided_slice %get3A_679 {offsets = [0, 576], sizes = [128, 64], strides = [1, 1]} : vector<128x1024xbf16> to vector<128x64xbf16>
    %dot_general3A_681 = arith.constant dense<0.000000e+00> : vector<128x128xf32>
    %dot_general3A_682 = tpu.matmul %slice3A_666, %slice3A_680, %dot_general3A_681 {dimension_numbers = #tpu.dot_dimension_numbers<[1], [1], [0], [0], [0, 0, 1, 0], [], []>, transpose_lhs_hint = false} : vector<128x64xbf16>, vector<128x64xbf16>, vector<128x128xf32> -> vector<128x128xf32>
    %get3A_683 = arith.constant 9 : index
    %get3A_684 = arith.constant 0 : index
    %get3A_685 = arith.constant 0 : index
    %get3A_686 = vector.load %arg7[%get3A_683, %get3A_684, %get3A_685] : memref<16x128x64xbf16, #tpu.memory_space<vmem>>, vector<1x128x64xbf16>
    %get3A_687 = vector.shape_cast %get3A_686 : vector<1x128x64xbf16> to vector<128x64xbf16>
    %dot_general3A_688 = arith.constant dense<0.000000e+00> : vector<128x128xf32>
    %dot_general3A_689 = tpu.matmul %slice3A_666, %get3A_687, %dot_general3A_688 {dimension_numbers = #tpu.dot_dimension_numbers<[1], [1], [0], [0], [0, 0, 1, 0], [], []>, transpose_lhs_hint = false} : vector<128x64xbf16>, vector<128x64xbf16>, vector<128x128xf32> -> vector<128x128xf32>
    %mul3A_690 = arith.constant 0.180336878 : f32
    %mul3A_691 = vector.broadcast %mul3A_690 : f32 to vector<128x128xf32>
    %mul3A_692 = arith.mulf %dot_general3A_380, %mul3A_691 : vector<128x128xf32>
    %exp23A_693 = math.exp2 %mul3A_692 : vector<128x128xf32>
    %mul3A_694 = arith.constant 0.180336878 : f32
    %mul3A_695 = vector.broadcast %mul3A_694 : f32 to vector<128x128xf32>
    %mul3A_696 = arith.mulf %dot_general3A_388, %mul3A_695 : vector<128x128xf32>
    %exp23A_697 = math.exp2 %mul3A_696 : vector<128x128xf32>
    %add3A_698 = arith.addf %exp23A_693, %exp23A_697 : vector<128x128xf32>
    %convert_element_type3A_699 = arith.truncf %add3A_698 : vector<128x128xf32> to vector<128x128xbf16>
    %dot_general3A_700 = arith.constant dense<0.000000e+00> : vector<128x128xf32>
    %dot_general3A_701 = tpu.matmul %convert_element_type3A_699, %get3A_11, %dot_general3A_700 {dimension_numbers = #tpu.dot_dimension_numbers<[1], [0], [0], [1], [0, 0, 1, 1], [], []>, transpose_lhs_hint = false} : vector<128x128xbf16>, vector<128x128xbf16>, vector<128x128xf32> -> vector<128x128xf32>
    %div3A_702 = arith.constant 1.000000e+00 : f32
    %div3A_703 = vector.broadcast %div3A_702 : f32 to vector<128x128xf32>
    %div3A_704 = arith.divf %div3A_703, %dot_general3A_701 : vector<128x128xf32>
    %mul3A_705 = arith.mulf %exp23A_693, %div3A_704 : vector<128x128xf32>
    %swap3A_706 = arith.constant 0 : index
    %swap3A_707 = arith.constant 0 : index
    %swap3A_708 = arith.constant 6 : index
    %swap3A_709 = arith.constant 0 : index
    %swap3A_710 = arith.constant 0 : index
    %swap3A_711 = vector.load %arg12[%swap3A_706, %swap3A_707, %swap3A_708, %swap3A_709, %swap3A_710] : memref<1x1x16x128x256xf32, #tpu.memory_space<vmem>>, vector<1x1x1x128x128xf32>
    %swap3A_712 = vector.shape_cast %swap3A_711 : vector<1x1x1x128x128xf32> to vector<128x128xf32>
    %swap3A_713 = vector.shape_cast %mul3A_705 : vector<128x128xf32> to vector<1x1x1x128x128xf32>
    tpu.vector_store %arg12[%swap3A_706, %swap3A_707, %swap3A_708, %swap3A_709, %swap3A_710], %swap3A_713 {strides = array<i32>} : memref<1x1x16x128x256xf32, #tpu.memory_space<vmem>>, vector<1x1x1x128x128xf32>,
    %mul3A_714 = arith.mulf %exp23A_697, %div3A_704 : vector<128x128xf32>
    %swap3A_715 = arith.constant 0 : index
    %swap3A_716 = arith.constant 0 : index
    %swap3A_717 = arith.constant 6 : index
    %swap3A_718 = arith.constant 0 : index
    %swap3A_719 = arith.constant 128 : index
    %swap3A_720 = vector.load %arg12[%swap3A_715, %swap3A_716, %swap3A_717, %swap3A_718, %swap3A_719] : memref<1x1x16x128x256xf32, #tpu.memory_space<vmem>>, vector<1x1x1x128x128xf32>
    %swap3A_721 = vector.shape_cast %swap3A_720 : vector<1x1x1x128x128xf32> to vector<128x128xf32>
    %swap3A_722 = vector.shape_cast %mul3A_714 : vector<128x128xf32> to vector<1x1x1x128x128xf32>
    tpu.vector_store %arg12[%swap3A_715, %swap3A_716, %swap3A_717, %swap3A_718, %swap3A_719], %swap3A_722 {strides = array<i32>} : memref<1x1x16x128x256xf32, #tpu.memory_space<vmem>>, vector<1x1x1x128x128xf32>,
    %convert_element_type3A_723 = arith.truncf %exp23A_693 : vector<128x128xf32> to vector<128x128xbf16>
    %get3A_724 = arith.constant 0 : index
    %get3A_725 = arith.constant 0 : index
    %get3A_726 = arith.constant 0 : index
    %get3A_727 = vector.load %arg5[%get3A_724, %get3A_725, %get3A_726] : memref<1x128x1024xbf16, #tpu.memory_space<vmem>>, vector<1x128x1024xbf16>
    %get3A_728 = vector.shape_cast %get3A_727 : vector<1x128x1024xbf16> to vector<128x1024xbf16>
    %slice3A_729 = vector.extract_strided_slice %get3A_728 {offsets = [0, 384], sizes = [128, 64], strides = [1, 1]} : vector<128x1024xbf16> to vector<128x64xbf16>
    %dot_general3A_730 = arith.constant dense<0.000000e+00> : vector<128x64xf32>
    %dot_general3A_731 = tpu.matmul %convert_element_type3A_723, %slice3A_729, %dot_general3A_730 {dimension_numbers = #tpu.dot_dimension_numbers<[1], [0], [0], [1], [0, 0, 1, 1], [], []>, transpose_lhs_hint = false} : vector<128x128xbf16>, vector<128x64xbf16>, vector<128x64xf32> -> vector<128x64xf32>
    %convert_element_type3A_732 = arith.truncf %exp23A_697 : vector<128x128xf32> to vector<128x128xbf16>
    %get3A_733 = arith.constant 0 : index
    %get3A_734 = arith.constant 0 : index
    %get3A_735 = arith.constant 0 : index
    %get3A_736 = vector.load %arg6[%get3A_733, %get3A_734, %get3A_735] : memref<1x128x1024xbf16, #tpu.memory_space<vmem>>, vector<1x128x1024xbf16>
    %get3A_737 = vector.shape_cast %get3A_736 : vector<1x128x1024xbf16> to vector<128x1024xbf16>
    %slice3A_738 = vector.extract_strided_slice %get3A_737 {offsets = [0, 384], sizes = [128, 64], strides = [1, 1]} : vector<128x1024xbf16> to vector<128x64xbf16>
    %dot_general3A_739 = arith.constant dense<0.000000e+00> : vector<128x64xf32>
    %dot_general3A_740 = tpu.matmul %convert_element_type3A_732, %slice3A_738, %dot_general3A_739 {dimension_numbers = #tpu.dot_dimension_numbers<[1], [0], [0], [1], [0, 0, 1, 1], [], []>, transpose_lhs_hint = false} : vector<128x128xbf16>, vector<128x64xbf16>, vector<128x64xf32> -> vector<128x64xf32>
    %add3A_741 = arith.addf %dot_general3A_731, %dot_general3A_740 : vector<128x64xf32>
    %slice3A_742 = vector.extract_strided_slice %div3A_704 {offsets = [0, 0], sizes = [128, 64], strides = [1, 1]} : vector<128x128xf32> to vector<128x64xf32>
    %mul3A_743 = arith.mulf %add3A_741, %slice3A_742 : vector<128x64xf32>
    %mul3A_744 = arith.constant 0.180336878 : f32
    %mul3A_745 = vector.broadcast %mul3A_744 : f32 to vector<128x128xf32>
    %mul3A_746 = arith.mulf %dot_general3A_395, %mul3A_745 : vector<128x128xf32>
    %exp23A_747 = math.exp2 %mul3A_746 : vector<128x128xf32>
    %convert_element_type3A_748 = arith.truncf %exp23A_747 : vector<128x128xf32> to vector<128x128xbf16>
    %dot_general3A_749 = arith.constant dense<0.000000e+00> : vector<128x128xf32>
    %dot_general3A_750 = tpu.matmul %convert_element_type3A_748, %get3A_11, %dot_general3A_749 {dimension_numbers = #tpu.dot_dimension_numbers<[1], [0], [0], [1], [0, 0, 1, 1], [], []>, transpose_lhs_hint = false} : vector<128x128xbf16>, vector<128x128xbf16>, vector<128x128xf32> -> vector<128x128xf32>
    %get3A_751 = arith.constant 6 : index
    %get3A_752 = arith.constant 0 : index
    %get3A_753 = arith.constant 0 : index
    %get3A_754 = vector.load %arg8[%get3A_751, %get3A_752, %get3A_753] : memref<16x128x64xbf16, #tpu.memory_space<vmem>>, vector<1x128x64xbf16>
    %get3A_755 = vector.shape_cast %get3A_754 : vector<1x128x64xbf16> to vector<128x64xbf16>
    %dot_general3A_756 = arith.constant dense<0.000000e+00> : vector<128x64xf32>
    %dot_general3A_757 = tpu.matmul %convert_element_type3A_748, %get3A_755, %dot_general3A_756 {dimension_numbers = #tpu.dot_dimension_numbers<[1], [0], [0], [1], [0, 0, 1, 1], [], []>, transpose_lhs_hint = false} : vector<128x128xbf16>, vector<128x64xbf16>, vector<128x64xf32> -> vector<128x64xf32>
    %slice3A_758 = vector.extract_strided_slice %dot_general3A_750 {offsets = [0, 0], sizes = [128, 64], strides = [1, 1]} : vector<128x128xf32> to vector<128x64xf32>
    %div3A_759 = arith.divf %dot_general3A_757, %slice3A_758 : vector<128x64xf32>
    %add3A_760 = arith.addf %mul3A_743, %div3A_759 : vector<128x64xf32>
    %swap3A_761 = arith.constant 0 : index
    %swap3A_762 = arith.constant 384 : index
    %swap3A_763 = vector.load %arg14[%swap3A_761, %swap3A_762] : memref<128x1024xf32, #tpu.memory_space<vmem>>, vector<128x64xf32>
    tpu.vector_store %arg14[%swap3A_761, %swap3A_762], %add3A_760 {strides = array<i32>} : memref<128x1024xf32, #tpu.memory_space<vmem>>, vector<128x64xf32>,
    %slice3A_764 = vector.extract_strided_slice %convert_element_type3A_8 {offsets = [0, 640], sizes = [128, 64], strides = [1, 1]} : vector<128x1024xbf16> to vector<128x64xbf16>
    %get3A_765 = arith.constant 0 : index
    %get3A_766 = arith.constant 0 : index
    %get3A_767 = arith.constant 0 : index
    %get3A_768 = vector.load %arg3[%get3A_765, %get3A_766, %get3A_767] : memref<1x128x1024xbf16, #tpu.memory_space<vmem>>, vector<1x128x1024xbf16>
    %get3A_769 = vector.shape_cast %get3A_768 : vector<1x128x1024xbf16> to vector<128x1024xbf16>
    %slice3A_770 = vector.extract_strided_slice %get3A_769 {offsets = [0, 640], sizes = [128, 64], strides = [1, 1]} : vector<128x1024xbf16> to vector<128x64xbf16>
    %dot_general3A_771 = arith.constant dense<0.000000e+00> : vector<128x128xf32>
    %dot_general3A_772 = tpu.matmul %slice3A_764, %slice3A_770, %dot_general3A_771 {dimension_numbers = #tpu.dot_dimension_numbers<[1], [1], [0], [0], [0, 0, 1, 0], [], []>, transpose_lhs_hint = false} : vector<128x64xbf16>, vector<128x64xbf16>, vector<128x128xf32> -> vector<128x128xf32>
    %get3A_773 = arith.constant 0 : index
    %get3A_774 = arith.constant 0 : index
    %get3A_775 = arith.constant 0 : index
    %get3A_776 = vector.load %arg4[%get3A_773, %get3A_774, %get3A_775] : memref<1x128x1024xbf16, #tpu.memory_space<vmem>>, vector<1x128x1024xbf16>
    %get3A_777 = vector.shape_cast %get3A_776 : vector<1x128x1024xbf16> to vector<128x1024xbf16>
    %slice3A_778 = vector.extract_strided_slice %get3A_777 {offsets = [0, 640], sizes = [128, 64], strides = [1, 1]} : vector<128x1024xbf16> to vector<128x64xbf16>
    %dot_general3A_779 = arith.constant dense<0.000000e+00> : vector<128x128xf32>
    %dot_general3A_780 = tpu.matmul %slice3A_764, %slice3A_778, %dot_general3A_779 {dimension_numbers = #tpu.dot_dimension_numbers<[1], [1], [0], [0], [0, 0, 1, 0], [], []>, transpose_lhs_hint = false} : vector<128x64xbf16>, vector<128x64xbf16>, vector<128x128xf32> -> vector<128x128xf32>
    %get3A_781 = arith.constant 10 : index
    %get3A_782 = arith.constant 0 : index
    %get3A_783 = arith.constant 0 : index
    %get3A_784 = vector.load %arg7[%get3A_781, %get3A_782, %get3A_783] : memref<16x128x64xbf16, #tpu.memory_space<vmem>>, vector<1x128x64xbf16>
    %get3A_785 = vector.shape_cast %get3A_784 : vector<1x128x64xbf16> to vector<128x64xbf16>
    %dot_general3A_786 = arith.constant dense<0.000000e+00> : vector<128x128xf32>
    %dot_general3A_787 = tpu.matmul %slice3A_764, %get3A_785, %dot_general3A_786 {dimension_numbers = #tpu.dot_dimension_numbers<[1], [1], [0], [0], [0, 0, 1, 0], [], []>, transpose_lhs_hint = false} : vector<128x64xbf16>, vector<128x64xbf16>, vector<128x128xf32> -> vector<128x128xf32>
    %mul3A_788 = arith.constant 0.180336878 : f32
    %mul3A_789 = vector.broadcast %mul3A_788 : f32 to vector<128x128xf32>
    %mul3A_790 = arith.mulf %dot_general3A_478, %mul3A_789 : vector<128x128xf32>
    %exp23A_791 = math.exp2 %mul3A_790 : vector<128x128xf32>
    %mul3A_792 = arith.constant 0.180336878 : f32
    %mul3A_793 = vector.broadcast %mul3A_792 : f32 to vector<128x128xf32>
    %mul3A_794 = arith.mulf %dot_general3A_486, %mul3A_793 : vector<128x128xf32>
    %exp23A_795 = math.exp2 %mul3A_794 : vector<128x128xf32>
    %add3A_796 = arith.addf %exp23A_791, %exp23A_795 : vector<128x128xf32>
    %convert_element_type3A_797 = arith.truncf %add3A_796 : vector<128x128xf32> to vector<128x128xbf16>
    %dot_general3A_798 = arith.constant dense<0.000000e+00> : vector<128x128xf32>
    %dot_general3A_799 = tpu.matmul %convert_element_type3A_797, %get3A_11, %dot_general3A_798 {dimension_numbers = #tpu.dot_dimension_numbers<[1], [0], [0], [1], [0, 0, 1, 1], [], []>, transpose_lhs_hint = false} : vector<128x128xbf16>, vector<128x128xbf16>, vector<128x128xf32> -> vector<128x128xf32>
    %div3A_800 = arith.constant 1.000000e+00 : f32
    %div3A_801 = vector.broadcast %div3A_800 : f32 to vector<128x128xf32>
    %div3A_802 = arith.divf %div3A_801, %dot_general3A_799 : vector<128x128xf32>
    %mul3A_803 = arith.mulf %exp23A_791, %div3A_802 : vector<128x128xf32>
    %swap3A_804 = arith.constant 0 : index
    %swap3A_805 = arith.constant 0 : index
    %swap3A_806 = arith.constant 7 : index
    %swap3A_807 = arith.constant 0 : index
    %swap3A_808 = arith.constant 0 : index
    %swap3A_809 = vector.load %arg12[%swap3A_804, %swap3A_805, %swap3A_806, %swap3A_807, %swap3A_808] : memref<1x1x16x128x256xf32, #tpu.memory_space<vmem>>, vector<1x1x1x128x128xf32>
    %swap3A_810 = vector.shape_cast %swap3A_809 : vector<1x1x1x128x128xf32> to vector<128x128xf32>
    %swap3A_811 = vector.shape_cast %mul3A_803 : vector<128x128xf32> to vector<1x1x1x128x128xf32>
    tpu.vector_store %arg12[%swap3A_804, %swap3A_805, %swap3A_806, %swap3A_807, %swap3A_808], %swap3A_811 {strides = array<i32>} : memref<1x1x16x128x256xf32, #tpu.memory_space<vmem>>, vector<1x1x1x128x128xf32>,
    %mul3A_812 = arith.mulf %exp23A_795, %div3A_802 : vector<128x128xf32>
    %swap3A_813 = arith.constant 0 : index
    %swap3A_814 = arith.constant 0 : index
    %swap3A_815 = arith.constant 7 : index
    %swap3A_816 = arith.constant 0 : index
    %swap3A_817 = arith.constant 128 : index
    %swap3A_818 = vector.load %arg12[%swap3A_813, %swap3A_814, %swap3A_815, %swap3A_816, %swap3A_817] : memref<1x1x16x128x256xf32, #tpu.memory_space<vmem>>, vector<1x1x1x128x128xf32>
    %swap3A_819 = vector.shape_cast %swap3A_818 : vector<1x1x1x128x128xf32> to vector<128x128xf32>
    %swap3A_820 = vector.shape_cast %mul3A_812 : vector<128x128xf32> to vector<1x1x1x128x128xf32>
    tpu.vector_store %arg12[%swap3A_813, %swap3A_814, %swap3A_815, %swap3A_816, %swap3A_817], %swap3A_820 {strides = array<i32>} : memref<1x1x16x128x256xf32, #tpu.memory_space<vmem>>, vector<1x1x1x128x128xf32>,
    %convert_element_type3A_821 = arith.truncf %exp23A_791 : vector<128x128xf32> to vector<128x128xbf16>
    %get3A_822 = arith.constant 0 : index
    %get3A_823 = arith.constant 0 : index
    %get3A_824 = arith.constant 0 : index
    %get3A_825 = vector.load %arg5[%get3A_822, %get3A_823, %get3A_824] : memref<1x128x1024xbf16, #tpu.memory_space<vmem>>, vector<1x128x1024xbf16>
    %get3A_826 = vector.shape_cast %get3A_825 : vector<1x128x1024xbf16> to vector<128x1024xbf16>
    %slice3A_827 = vector.extract_strided_slice %get3A_826 {offsets = [0, 448], sizes = [128, 64], strides = [1, 1]} : vector<128x1024xbf16> to vector<128x64xbf16>
    %dot_general3A_828 = arith.constant dense<0.000000e+00> : vector<128x64xf32>
    %dot_general3A_829 = tpu.matmul %convert_element_type3A_821, %slice3A_827, %dot_general3A_828 {dimension_numbers = #tpu.dot_dimension_numbers<[1], [0], [0], [1], [0, 0, 1, 1], [], []>, transpose_lhs_hint = false} : vector<128x128xbf16>, vector<128x64xbf16>, vector<128x64xf32> -> vector<128x64xf32>
    %convert_element_type3A_830 = arith.truncf %exp23A_795 : vector<128x128xf32> to vector<128x128xbf16>
    %get3A_831 = arith.constant 0 : index
    %get3A_832 = arith.constant 0 : index
    %get3A_833 = arith.constant 0 : index
    %get3A_834 = vector.load %arg6[%get3A_831, %get3A_832, %get3A_833] : memref<1x128x1024xbf16, #tpu.memory_space<vmem>>, vector<1x128x1024xbf16>
    %get3A_835 = vector.shape_cast %get3A_834 : vector<1x128x1024xbf16> to vector<128x1024xbf16>
    %slice3A_836 = vector.extract_strided_slice %get3A_835 {offsets = [0, 448], sizes = [128, 64], strides = [1, 1]} : vector<128x1024xbf16> to vector<128x64xbf16>
    %dot_general3A_837 = arith.constant dense<0.000000e+00> : vector<128x64xf32>
    %dot_general3A_838 = tpu.matmul %convert_element_type3A_830, %slice3A_836, %dot_general3A_837 {dimension_numbers = #tpu.dot_dimension_numbers<[1], [0], [0], [1], [0, 0, 1, 1], [], []>, transpose_lhs_hint = false} : vector<128x128xbf16>, vector<128x64xbf16>, vector<128x64xf32> -> vector<128x64xf32>
    %add3A_839 = arith.addf %dot_general3A_829, %dot_general3A_838 : vector<128x64xf32>
    %slice3A_840 = vector.extract_strided_slice %div3A_802 {offsets = [0, 0], sizes = [128, 64], strides = [1, 1]} : vector<128x128xf32> to vector<128x64xf32>
    %mul3A_841 = arith.mulf %add3A_839, %slice3A_840 : vector<128x64xf32>
    %mul3A_842 = arith.constant 0.180336878 : f32
    %mul3A_843 = vector.broadcast %mul3A_842 : f32 to vector<128x128xf32>
    %mul3A_844 = arith.mulf %dot_general3A_493, %mul3A_843 : vector<128x128xf32>
    %exp23A_845 = math.exp2 %mul3A_844 : vector<128x128xf32>
    %convert_element_type3A_846 = arith.truncf %exp23A_845 : vector<128x128xf32> to vector<128x128xbf16>
    %dot_general3A_847 = arith.constant dense<0.000000e+00> : vector<128x128xf32>
    %dot_general3A_848 = tpu.matmul %convert_element_type3A_846, %get3A_11, %dot_general3A_847 {dimension_numbers = #tpu.dot_dimension_numbers<[1], [0], [0], [1], [0, 0, 1, 1], [], []>, transpose_lhs_hint = false} : vector<128x128xbf16>, vector<128x128xbf16>, vector<128x128xf32> -> vector<128x128xf32>
    %get3A_849 = arith.constant 7 : index
    %get3A_850 = arith.constant 0 : index
    %get3A_851 = arith.constant 0 : index
    %get3A_852 = vector.load %arg8[%get3A_849, %get3A_850, %get3A_851] : memref<16x128x64xbf16, #tpu.memory_space<vmem>>, vector<1x128x64xbf16>
    %get3A_853 = vector.shape_cast %get3A_852 : vector<1x128x64xbf16> to vector<128x64xbf16>
    %dot_general3A_854 = arith.constant dense<0.000000e+00> : vector<128x64xf32>
    %dot_general3A_855 = tpu.matmul %convert_element_type3A_846, %get3A_853, %dot_general3A_854 {dimension_numbers = #tpu.dot_dimension_numbers<[1], [0], [0], [1], [0, 0, 1, 1], [], []>, transpose_lhs_hint = false} : vector<128x128xbf16>, vector<128x64xbf16>, vector<128x64xf32> -> vector<128x64xf32>
    %slice3A_856 = vector.extract_strided_slice %dot_general3A_848 {offsets = [0, 0], sizes = [128, 64], strides = [1, 1]} : vector<128x128xf32> to vector<128x64xf32>
    %div3A_857 = arith.divf %dot_general3A_855, %slice3A_856 : vector<128x64xf32>
    %add3A_858 = arith.addf %mul3A_841, %div3A_857 : vector<128x64xf32>
    %swap3A_859 = arith.constant 0 : index
    %swap3A_860 = arith.constant 448 : index
    %swap3A_861 = vector.load %arg14[%swap3A_859, %swap3A_860] : memref<128x1024xf32, #tpu.memory_space<vmem>>, vector<128x64xf32>
    tpu.vector_store %arg14[%swap3A_859, %swap3A_860], %add3A_858 {strides = array<i32>} : memref<128x1024xf32, #tpu.memory_space<vmem>>, vector<128x64xf32>,
    %slice3A_862 = vector.extract_strided_slice %convert_element_type3A_8 {offsets = [0, 704], sizes = [128, 64], strides = [1, 1]} : vector<128x1024xbf16> to vector<128x64xbf16>
    %get3A_863 = arith.constant 0 : index
    %get3A_864 = arith.constant 0 : index
    %get3A_865 = arith.constant 0 : index
    %get3A_866 = vector.load %arg3[%get3A_863, %get3A_864, %get3A_865] : memref<1x128x1024xbf16, #tpu.memory_space<vmem>>, vector<1x128x1024xbf16>
    %get3A_867 = vector.shape_cast %get3A_866 : vector<1x128x1024xbf16> to vector<128x1024xbf16>
    %slice3A_868 = vector.extract_strided_slice %get3A_867 {offsets = [0, 704], sizes = [128, 64], strides = [1, 1]} : vector<128x1024xbf16> to vector<128x64xbf16>
    %dot_general3A_869 = arith.constant dense<0.000000e+00> : vector<128x128xf32>
    %dot_general3A_870 = tpu.matmul %slice3A_862, %slice3A_868, %dot_general3A_869 {dimension_numbers = #tpu.dot_dimension_numbers<[1], [1], [0], [0], [0, 0, 1, 0], [], []>, transpose_lhs_hint = false} : vector<128x64xbf16>, vector<128x64xbf16>, vector<128x128xf32> -> vector<128x128xf32>
    %get3A_871 = arith.constant 0 : index
    %get3A_872 = arith.constant 0 : index
    %get3A_873 = arith.constant 0 : index
    %get3A_874 = vector.load %arg4[%get3A_871, %get3A_872, %get3A_873] : memref<1x128x1024xbf16, #tpu.memory_space<vmem>>, vector<1x128x1024xbf16>
    %get3A_875 = vector.shape_cast %get3A_874 : vector<1x128x1024xbf16> to vector<128x1024xbf16>
    %slice3A_876 = vector.extract_strided_slice %get3A_875 {offsets = [0, 704], sizes = [128, 64], strides = [1, 1]} : vector<128x1024xbf16> to vector<128x64xbf16>
    %dot_general3A_877 = arith.constant dense<0.000000e+00> : vector<128x128xf32>
    %dot_general3A_878 = tpu.matmul %slice3A_862, %slice3A_876, %dot_general3A_877 {dimension_numbers = #tpu.dot_dimension_numbers<[1], [1], [0], [0], [0, 0, 1, 0], [], []>, transpose_lhs_hint = false} : vector<128x64xbf16>, vector<128x64xbf16>, vector<128x128xf32> -> vector<128x128xf32>
    %get3A_879 = arith.constant 11 : index
    %get3A_880 = arith.constant 0 : index
    %get3A_881 = arith.constant 0 : index
    %get3A_882 = vector.load %arg7[%get3A_879, %get3A_880, %get3A_881] : memref<16x128x64xbf16, #tpu.memory_space<vmem>>, vector<1x128x64xbf16>
    %get3A_883 = vector.shape_cast %get3A_882 : vector<1x128x64xbf16> to vector<128x64xbf16>
    %dot_general3A_884 = arith.constant dense<0.000000e+00> : vector<128x128xf32>
    %dot_general3A_885 = tpu.matmul %slice3A_862, %get3A_883, %dot_general3A_884 {dimension_numbers = #tpu.dot_dimension_numbers<[1], [1], [0], [0], [0, 0, 1, 0], [], []>, transpose_lhs_hint = false} : vector<128x64xbf16>, vector<128x64xbf16>, vector<128x128xf32> -> vector<128x128xf32>
    %mul3A_886 = arith.constant 0.180336878 : f32
    %mul3A_887 = vector.broadcast %mul3A_886 : f32 to vector<128x128xf32>
    %mul3A_888 = arith.mulf %dot_general3A_576, %mul3A_887 : vector<128x128xf32>
    %exp23A_889 = math.exp2 %mul3A_888 : vector<128x128xf32>
    %mul3A_890 = arith.constant 0.180336878 : f32
    %mul3A_891 = vector.broadcast %mul3A_890 : f32 to vector<128x128xf32>
    %mul3A_892 = arith.mulf %dot_general3A_584, %mul3A_891 : vector<128x128xf32>
    %exp23A_893 = math.exp2 %mul3A_892 : vector<128x128xf32>
    %add3A_894 = arith.addf %exp23A_889, %exp23A_893 : vector<128x128xf32>
    %convert_element_type3A_895 = arith.truncf %add3A_894 : vector<128x128xf32> to vector<128x128xbf16>
    %dot_general3A_896 = arith.constant dense<0.000000e+00> : vector<128x128xf32>
    %dot_general3A_897 = tpu.matmul %convert_element_type3A_895, %get3A_11, %dot_general3A_896 {dimension_numbers = #tpu.dot_dimension_numbers<[1], [0], [0], [1], [0, 0, 1, 1], [], []>, transpose_lhs_hint = false} : vector<128x128xbf16>, vector<128x128xbf16>, vector<128x128xf32> -> vector<128x128xf32>
    %div3A_898 = arith.constant 1.000000e+00 : f32
    %div3A_899 = vector.broadcast %div3A_898 : f32 to vector<128x128xf32>
    %div3A_900 = arith.divf %div3A_899, %dot_general3A_897 : vector<128x128xf32>
    %mul3A_901 = arith.mulf %exp23A_889, %div3A_900 : vector<128x128xf32>
    %swap3A_902 = arith.constant 0 : index
    %swap3A_903 = arith.constant 0 : index
    %swap3A_904 = arith.constant 8 : index
    %swap3A_905 = arith.constant 0 : index
    %swap3A_906 = arith.constant 0 : index
    %swap3A_907 = vector.load %arg12[%swap3A_902, %swap3A_903, %swap3A_904, %swap3A_905, %swap3A_906] : memref<1x1x16x128x256xf32, #tpu.memory_space<vmem>>, vector<1x1x1x128x128xf32>
    %swap3A_908 = vector.shape_cast %swap3A_907 : vector<1x1x1x128x128xf32> to vector<128x128xf32>
    %swap3A_909 = vector.shape_cast %mul3A_901 : vector<128x128xf32> to vector<1x1x1x128x128xf32>
    tpu.vector_store %arg12[%swap3A_902, %swap3A_903, %swap3A_904, %swap3A_905, %swap3A_906], %swap3A_909 {strides = array<i32>} : memref<1x1x16x128x256xf32, #tpu.memory_space<vmem>>, vector<1x1x1x128x128xf32>,
    %mul3A_910 = arith.mulf %exp23A_893, %div3A_900 : vector<128x128xf32>
    %swap3A_911 = arith.constant 0 : index
    %swap3A_912 = arith.constant 0 : index
    %swap3A_913 = arith.constant 8 : index
    %swap3A_914 = arith.constant 0 : index
    %swap3A_915 = arith.constant 128 : index
    %swap3A_916 = vector.load %arg12[%swap3A_911, %swap3A_912, %swap3A_913, %swap3A_914, %swap3A_915] : memref<1x1x16x128x256xf32, #tpu.memory_space<vmem>>, vector<1x1x1x128x128xf32>
    %swap3A_917 = vector.shape_cast %swap3A_916 : vector<1x1x1x128x128xf32> to vector<128x128xf32>
    %swap3A_918 = vector.shape_cast %mul3A_910 : vector<128x128xf32> to vector<1x1x1x128x128xf32>
    tpu.vector_store %arg12[%swap3A_911, %swap3A_912, %swap3A_913, %swap3A_914, %swap3A_915], %swap3A_918 {strides = array<i32>} : memref<1x1x16x128x256xf32, #tpu.memory_space<vmem>>, vector<1x1x1x128x128xf32>,
    %convert_element_type3A_919 = arith.truncf %exp23A_889 : vector<128x128xf32> to vector<128x128xbf16>
    %get3A_920 = arith.constant 0 : index
    %get3A_921 = arith.constant 0 : index
    %get3A_922 = arith.constant 0 : index
    %get3A_923 = vector.load %arg5[%get3A_920, %get3A_921, %get3A_922] : memref<1x128x1024xbf16, #tpu.memory_space<vmem>>, vector<1x128x1024xbf16>
    %get3A_924 = vector.shape_cast %get3A_923 : vector<1x128x1024xbf16> to vector<128x1024xbf16>
    %slice3A_925 = vector.extract_strided_slice %get3A_924 {offsets = [0, 512], sizes = [128, 64], strides = [1, 1]} : vector<128x1024xbf16> to vector<128x64xbf16>
    %dot_general3A_926 = arith.constant dense<0.000000e+00> : vector<128x64xf32>
    %dot_general3A_927 = tpu.matmul %convert_element_type3A_919, %slice3A_925, %dot_general3A_926 {dimension_numbers = #tpu.dot_dimension_numbers<[1], [0], [0], [1], [0, 0, 1, 1], [], []>, transpose_lhs_hint = false} : vector<128x128xbf16>, vector<128x64xbf16>, vector<128x64xf32> -> vector<128x64xf32>
    %convert_element_type3A_928 = arith.truncf %exp23A_893 : vector<128x128xf32> to vector<128x128xbf16>
    %get3A_929 = arith.constant 0 : index
    %get3A_930 = arith.constant 0 : index
    %get3A_931 = arith.constant 0 : index
    %get3A_932 = vector.load %arg6[%get3A_929, %get3A_930, %get3A_931] : memref<1x128x1024xbf16, #tpu.memory_space<vmem>>, vector<1x128x1024xbf16>
    %get3A_933 = vector.shape_cast %get3A_932 : vector<1x128x1024xbf16> to vector<128x1024xbf16>
    %slice3A_934 = vector.extract_strided_slice %get3A_933 {offsets = [0, 512], sizes = [128, 64], strides = [1, 1]} : vector<128x1024xbf16> to vector<128x64xbf16>
    %dot_general3A_935 = arith.constant dense<0.000000e+00> : vector<128x64xf32>
    %dot_general3A_936 = tpu.matmul %convert_element_type3A_928, %slice3A_934, %dot_general3A_935 {dimension_numbers = #tpu.dot_dimension_numbers<[1], [0], [0], [1], [0, 0, 1, 1], [], []>, transpose_lhs_hint = false} : vector<128x128xbf16>, vector<128x64xbf16>, vector<128x64xf32> -> vector<128x64xf32>
    %add3A_937 = arith.addf %dot_general3A_927, %dot_general3A_936 : vector<128x64xf32>
    %slice3A_938 = vector.extract_strided_slice %div3A_900 {offsets = [0, 0], sizes = [128, 64], strides = [1, 1]} : vector<128x128xf32> to vector<128x64xf32>
    %mul3A_939 = arith.mulf %add3A_937, %slice3A_938 : vector<128x64xf32>
    %mul3A_940 = arith.constant 0.180336878 : f32
    %mul3A_941 = vector.broadcast %mul3A_940 : f32 to vector<128x128xf32>
    %mul3A_942 = arith.mulf %dot_general3A_591, %mul3A_941 : vector<128x128xf32>
    %exp23A_943 = math.exp2 %mul3A_942 : vector<128x128xf32>
    %convert_element_type3A_944 = arith.truncf %exp23A_943 : vector<128x128xf32> to vector<128x128xbf16>
    %dot_general3A_945 = arith.constant dense<0.000000e+00> : vector<128x128xf32>
    %dot_general3A_946 = tpu.matmul %convert_element_type3A_944, %get3A_11, %dot_general3A_945 {dimension_numbers = #tpu.dot_dimension_numbers<[1], [0], [0], [1], [0, 0, 1, 1], [], []>, transpose_lhs_hint = false} : vector<128x128xbf16>, vector<128x128xbf16>, vector<128x128xf32> -> vector<128x128xf32>
    %get3A_947 = arith.constant 8 : index
    %get3A_948 = arith.constant 0 : index
    %get3A_949 = arith.constant 0 : index
    %get3A_950 = vector.load %arg8[%get3A_947, %get3A_948, %get3A_949] : memref<16x128x64xbf16, #tpu.memory_space<vmem>>, vector<1x128x64xbf16>
    %get3A_951 = vector.shape_cast %get3A_950 : vector<1x128x64xbf16> to vector<128x64xbf16>
    %dot_general3A_952 = arith.constant dense<0.000000e+00> : vector<128x64xf32>
    %dot_general3A_953 = tpu.matmul %convert_element_type3A_944, %get3A_951, %dot_general3A_952 {dimension_numbers = #tpu.dot_dimension_numbers<[1], [0], [0], [1], [0, 0, 1, 1], [], []>, transpose_lhs_hint = false} : vector<128x128xbf16>, vector<128x64xbf16>, vector<128x64xf32> -> vector<128x64xf32>
    %slice3A_954 = vector.extract_strided_slice %dot_general3A_946 {offsets = [0, 0], sizes = [128, 64], strides = [1, 1]} : vector<128x128xf32> to vector<128x64xf32>
    %div3A_955 = arith.divf %dot_general3A_953, %slice3A_954 : vector<128x64xf32>
    %add3A_956 = arith.addf %mul3A_939, %div3A_955 : vector<128x64xf32>
    %swap3A_957 = arith.constant 0 : index
    %swap3A_958 = arith.constant 512 : index
    %swap3A_959 = vector.load %arg14[%swap3A_957, %swap3A_958] : memref<128x1024xf32, #tpu.memory_space<vmem>>, vector<128x64xf32>
    tpu.vector_store %arg14[%swap3A_957, %swap3A_958], %add3A_956 {strides = array<i32>} : memref<128x1024xf32, #tpu.memory_space<vmem>>, vector<128x64xf32>,
    %slice3A_960 = vector.extract_strided_slice %convert_element_type3A_8 {offsets = [0, 768], sizes = [128, 64], strides = [1, 1]} : vector<128x1024xbf16> to vector<128x64xbf16>
    %get3A_961 = arith.constant 0 : index
    %get3A_962 = arith.constant 0 : index
    %get3A_963 = arith.constant 0 : index
    %get3A_964 = vector.load %arg3[%get3A_961, %get3A_962, %get3A_963] : memref<1x128x1024xbf16, #tpu.memory_space<vmem>>, vector<1x128x1024xbf16>
    %get3A_965 = vector.shape_cast %get3A_964 : vector<1x128x1024xbf16> to vector<128x1024xbf16>
    %slice3A_966 = vector.extract_strided_slice %get3A_965 {offsets = [0, 768], sizes = [128, 64], strides = [1, 1]} : vector<128x1024xbf16> to vector<128x64xbf16>
    %dot_general3A_967 = arith.constant dense<0.000000e+00> : vector<128x128xf32>
    %dot_general3A_968 = tpu.matmul %slice3A_960, %slice3A_966, %dot_general3A_967 {dimension_numbers = #tpu.dot_dimension_numbers<[1], [1], [0], [0], [0, 0, 1, 0], [], []>, transpose_lhs_hint = false} : vector<128x64xbf16>, vector<128x64xbf16>, vector<128x128xf32> -> vector<128x128xf32>
    %get3A_969 = arith.constant 0 : index
    %get3A_970 = arith.constant 0 : index
    %get3A_971 = arith.constant 0 : index
    %get3A_972 = vector.load %arg4[%get3A_969, %get3A_970, %get3A_971] : memref<1x128x1024xbf16, #tpu.memory_space<vmem>>, vector<1x128x1024xbf16>
    %get3A_973 = vector.shape_cast %get3A_972 : vector<1x128x1024xbf16> to vector<128x1024xbf16>
    %slice3A_974 = vector.extract_strided_slice %get3A_973 {offsets = [0, 768], sizes = [128, 64], strides = [1, 1]} : vector<128x1024xbf16> to vector<128x64xbf16>
    %dot_general3A_975 = arith.constant dense<0.000000e+00> : vector<128x128xf32>
    %dot_general3A_976 = tpu.matmul %slice3A_960, %slice3A_974, %dot_general3A_975 {dimension_numbers = #tpu.dot_dimension_numbers<[1], [1], [0], [0], [0, 0, 1, 0], [], []>, transpose_lhs_hint = false} : vector<128x64xbf16>, vector<128x64xbf16>, vector<128x128xf32> -> vector<128x128xf32>
    %get3A_977 = arith.constant 12 : index
    %get3A_978 = arith.constant 0 : index
    %get3A_979 = arith.constant 0 : index
    %get3A_980 = vector.load %arg7[%get3A_977, %get3A_978, %get3A_979] : memref<16x128x64xbf16, #tpu.memory_space<vmem>>, vector<1x128x64xbf16>
    %get3A_981 = vector.shape_cast %get3A_980 : vector<1x128x64xbf16> to vector<128x64xbf16>
    %dot_general3A_982 = arith.constant dense<0.000000e+00> : vector<128x128xf32>
    %dot_general3A_983 = tpu.matmul %slice3A_960, %get3A_981, %dot_general3A_982 {dimension_numbers = #tpu.dot_dimension_numbers<[1], [1], [0], [0], [0, 0, 1, 0], [], []>, transpose_lhs_hint = false} : vector<128x64xbf16>, vector<128x64xbf16>, vector<128x128xf32> -> vector<128x128xf32>
    %mul3A_984 = arith.constant 0.180336878 : f32
    %mul3A_985 = vector.broadcast %mul3A_984 : f32 to vector<128x128xf32>
    %mul3A_986 = arith.mulf %dot_general3A_674, %mul3A_985 : vector<128x128xf32>
    %exp23A_987 = math.exp2 %mul3A_986 : vector<128x128xf32>
    %mul3A_988 = arith.constant 0.180336878 : f32
    %mul3A_989 = vector.broadcast %mul3A_988 : f32 to vector<128x128xf32>
    %mul3A_990 = arith.mulf %dot_general3A_682, %mul3A_989 : vector<128x128xf32>
    %exp23A_991 = math.exp2 %mul3A_990 : vector<128x128xf32>
    %add3A_992 = arith.addf %exp23A_987, %exp23A_991 : vector<128x128xf32>
    %convert_element_type3A_993 = arith.truncf %add3A_992 : vector<128x128xf32> to vector<128x128xbf16>
    %dot_general3A_994 = arith.constant dense<0.000000e+00> : vector<128x128xf32>
    %dot_general3A_995 = tpu.matmul %convert_element_type3A_993, %get3A_11, %dot_general3A_994 {dimension_numbers = #tpu.dot_dimension_numbers<[1], [0], [0], [1], [0, 0, 1, 1], [], []>, transpose_lhs_hint = false} : vector<128x128xbf16>, vector<128x128xbf16>, vector<128x128xf32> -> vector<128x128xf32>
    %div3A_996 = arith.constant 1.000000e+00 : f32
    %div3A_997 = vector.broadcast %div3A_996 : f32 to vector<128x128xf32>
    %div3A_998 = arith.divf %div3A_997, %dot_general3A_995 : vector<128x128xf32>
    %mul3A_999 = arith.mulf %exp23A_987, %div3A_998 : vector<128x128xf32>
    %swap3A_1000 = arith.constant 0 : index
    %swap3A_1001 = arith.constant 0 : index
    %swap3A_1002 = arith.constant 9 : index
    %swap3A_1003 = arith.constant 0 : index
    %swap3A_1004 = arith.constant 0 : index
    %swap3A_1005 = vector.load %arg12[%swap3A_1000, %swap3A_1001, %swap3A_1002, %swap3A_1003, %swap3A_1004] : memref<1x1x16x128x256xf32, #tpu.memory_space<vmem>>, vector<1x1x1x128x128xf32>
    %swap3A_1006 = vector.shape_cast %swap3A_1005 : vector<1x1x1x128x128xf32> to vector<128x128xf32>
    %swap3A_1007 = vector.shape_cast %mul3A_999 : vector<128x128xf32> to vector<1x1x1x128x128xf32>
    tpu.vector_store %arg12[%swap3A_1000, %swap3A_1001, %swap3A_1002, %swap3A_1003, %swap3A_1004], %swap3A_1007 {strides = array<i32>} : memref<1x1x16x128x256xf32, #tpu.memory_space<vmem>>, vector<1x1x1x128x128xf32>,
    %mul3A_1008 = arith.mulf %exp23A_991, %div3A_998 : vector<128x128xf32>
    %swap3A_1009 = arith.constant 0 : index
    %swap3A_1010 = arith.constant 0 : index
    %swap3A_1011 = arith.constant 9 : index
    %swap3A_1012 = arith.constant 0 : index
    %swap3A_1013 = arith.constant 128 : index
    %swap3A_1014 = vector.load %arg12[%swap3A_1009, %swap3A_1010, %swap3A_1011, %swap3A_1012, %swap3A_1013] : memref<1x1x16x128x256xf32, #tpu.memory_space<vmem>>, vector<1x1x1x128x128xf32>
    %swap3A_1015 = vector.shape_cast %swap3A_1014 : vector<1x1x1x128x128xf32> to vector<128x128xf32>
    %swap3A_1016 = vector.shape_cast %mul3A_1008 : vector<128x128xf32> to vector<1x1x1x128x128xf32>
    tpu.vector_store %arg12[%swap3A_1009, %swap3A_1010, %swap3A_1011, %swap3A_1012, %swap3A_1013], %swap3A_1016 {strides = array<i32>} : memref<1x1x16x128x256xf32, #tpu.memory_space<vmem>>, vector<1x1x1x128x128xf32>,
    %convert_element_type3A_1017 = arith.truncf %exp23A_987 : vector<128x128xf32> to vector<128x128xbf16>
    %get3A_1018 = arith.constant 0 : index
    %get3A_1019 = arith.constant 0 : index
    %get3A_1020 = arith.constant 0 : index
    %get3A_1021 = vector.load %arg5[%get3A_1018, %get3A_1019, %get3A_1020] : memref<1x128x1024xbf16, #tpu.memory_space<vmem>>, vector<1x128x1024xbf16>
    %get3A_1022 = vector.shape_cast %get3A_1021 : vector<1x128x1024xbf16> to vector<128x1024xbf16>
    %slice3A_1023 = vector.extract_strided_slice %get3A_1022 {offsets = [0, 576], sizes = [128, 64], strides = [1, 1]} : vector<128x1024xbf16> to vector<128x64xbf16>
    %dot_general3A_1024 = arith.constant dense<0.000000e+00> : vector<128x64xf32>
    %dot_general3A_1025 = tpu.matmul %convert_element_type3A_1017, %slice3A_1023, %dot_general3A_1024 {dimension_numbers = #tpu.dot_dimension_numbers<[1], [0], [0], [1], [0, 0, 1, 1], [], []>, transpose_lhs_hint = false} : vector<128x128xbf16>, vector<128x64xbf16>, vector<128x64xf32> -> vector<128x64xf32>
    %convert_element_type3A_1026 = arith.truncf %exp23A_991 : vector<128x128xf32> to vector<128x128xbf16>
    %get3A_1027 = arith.constant 0 : index
    %get3A_1028 = arith.constant 0 : index
    %get3A_1029 = arith.constant 0 : index
    %get3A_1030 = vector.load %arg6[%get3A_1027, %get3A_1028, %get3A_1029] : memref<1x128x1024xbf16, #tpu.memory_space<vmem>>, vector<1x128x1024xbf16>
    %get3A_1031 = vector.shape_cast %get3A_1030 : vector<1x128x1024xbf16> to vector<128x1024xbf16>
    %slice3A_1032 = vector.extract_strided_slice %get3A_1031 {offsets = [0, 576], sizes = [128, 64], strides = [1, 1]} : vector<128x1024xbf16> to vector<128x64xbf16>
    %dot_general3A_1033 = arith.constant dense<0.000000e+00> : vector<128x64xf32>
    %dot_general3A_1034 = tpu.matmul %convert_element_type3A_1026, %slice3A_1032, %dot_general3A_1033 {dimension_numbers = #tpu.dot_dimension_numbers<[1], [0], [0], [1], [0, 0, 1, 1], [], []>, transpose_lhs_hint = false} : vector<128x128xbf16>, vector<128x64xbf16>, vector<128x64xf32> -> vector<128x64xf32>
    %add3A_1035 = arith.addf %dot_general3A_1025, %dot_general3A_1034 : vector<128x64xf32>
    %slice3A_1036 = vector.extract_strided_slice %div3A_998 {offsets = [0, 0], sizes = [128, 64], strides = [1, 1]} : vector<128x128xf32> to vector<128x64xf32>
    %mul3A_1037 = arith.mulf %add3A_1035, %slice3A_1036 : vector<128x64xf32>
    %mul3A_1038 = arith.constant 0.180336878 : f32
    %mul3A_1039 = vector.broadcast %mul3A_1038 : f32 to vector<128x128xf32>
    %mul3A_1040 = arith.mulf %dot_general3A_689, %mul3A_1039 : vector<128x128xf32>
    %exp23A_1041 = math.exp2 %mul3A_1040 : vector<128x128xf32>
    %convert_element_type3A_1042 = arith.truncf %exp23A_1041 : vector<128x128xf32> to vector<128x128xbf16>
    %dot_general3A_1043 = arith.constant dense<0.000000e+00> : vector<128x128xf32>
    %dot_general3A_1044 = tpu.matmul %convert_element_type3A_1042, %get3A_11, %dot_general3A_1043 {dimension_numbers = #tpu.dot_dimension_numbers<[1], [0], [0], [1], [0, 0, 1, 1], [], []>, transpose_lhs_hint = false} : vector<128x128xbf16>, vector<128x128xbf16>, vector<128x128xf32> -> vector<128x128xf32>
    %get3A_1045 = arith.constant 9 : index
    %get3A_1046 = arith.constant 0 : index
    %get3A_1047 = arith.constant 0 : index
    %get3A_1048 = vector.load %arg8[%get3A_1045, %get3A_1046, %get3A_1047] : memref<16x128x64xbf16, #tpu.memory_space<vmem>>, vector<1x128x64xbf16>
    %get3A_1049 = vector.shape_cast %get3A_1048 : vector<1x128x64xbf16> to vector<128x64xbf16>
    %dot_general3A_1050 = arith.constant dense<0.000000e+00> : vector<128x64xf32>
    %dot_general3A_1051 = tpu.matmul %convert_element_type3A_1042, %get3A_1049, %dot_general3A_1050 {dimension_numbers = #tpu.dot_dimension_numbers<[1], [0], [0], [1], [0, 0, 1, 1], [], []>, transpose_lhs_hint = false} : vector<128x128xbf16>, vector<128x64xbf16>, vector<128x64xf32> -> vector<128x64xf32>
    %slice3A_1052 = vector.extract_strided_slice %dot_general3A_1044 {offsets = [0, 0], sizes = [128, 64], strides = [1, 1]} : vector<128x128xf32> to vector<128x64xf32>
    %div3A_1053 = arith.divf %dot_general3A_1051, %slice3A_1052 : vector<128x64xf32>
    %add3A_1054 = arith.addf %mul3A_1037, %div3A_1053 : vector<128x64xf32>
    %swap3A_1055 = arith.constant 0 : index
    %swap3A_1056 = arith.constant 576 : index
    %swap3A_1057 = vector.load %arg14[%swap3A_1055, %swap3A_1056] : memref<128x1024xf32, #tpu.memory_space<vmem>>, vector<128x64xf32>
    tpu.vector_store %arg14[%swap3A_1055, %swap3A_1056], %add3A_1054 {strides = array<i32>} : memref<128x1024xf32, #tpu.memory_space<vmem>>, vector<128x64xf32>,
    %slice3A_1058 = vector.extract_strided_slice %convert_element_type3A_8 {offsets = [0, 832], sizes = [128, 64], strides = [1, 1]} : vector<128x1024xbf16> to vector<128x64xbf16>
    %get3A_1059 = arith.constant 0 : index
    %get3A_1060 = arith.constant 0 : index
    %get3A_1061 = arith.constant 0 : index
    %get3A_1062 = vector.load %arg3[%get3A_1059, %get3A_1060, %get3A_1061] : memref<1x128x1024xbf16, #tpu.memory_space<vmem>>, vector<1x128x1024xbf16>
    %get3A_1063 = vector.shape_cast %get3A_1062 : vector<1x128x1024xbf16> to vector<128x1024xbf16>
    %slice3A_1064 = vector.extract_strided_slice %get3A_1063 {offsets = [0, 832], sizes = [128, 64], strides = [1, 1]} : vector<128x1024xbf16> to vector<128x64xbf16>
    %dot_general3A_1065 = arith.constant dense<0.000000e+00> : vector<128x128xf32>
    %dot_general3A_1066 = tpu.matmul %slice3A_1058, %slice3A_1064, %dot_general3A_1065 {dimension_numbers = #tpu.dot_dimension_numbers<[1], [1], [0], [0], [0, 0, 1, 0], [], []>, transpose_lhs_hint = false} : vector<128x64xbf16>, vector<128x64xbf16>, vector<128x128xf32> -> vector<128x128xf32>
    %get3A_1067 = arith.constant 0 : index
    %get3A_1068 = arith.constant 0 : index
    %get3A_1069 = arith.constant 0 : index
    %get3A_1070 = vector.load %arg4[%get3A_1067, %get3A_1068, %get3A_1069] : memref<1x128x1024xbf16, #tpu.memory_space<vmem>>, vector<1x128x1024xbf16>
    %get3A_1071 = vector.shape_cast %get3A_1070 : vector<1x128x1024xbf16> to vector<128x1024xbf16>
    %slice3A_1072 = vector.extract_strided_slice %get3A_1071 {offsets = [0, 832], sizes = [128, 64], strides = [1, 1]} : vector<128x1024xbf16> to vector<128x64xbf16>
    %dot_general3A_1073 = arith.constant dense<0.000000e+00> : vector<128x128xf32>
    %dot_general3A_1074 = tpu.matmul %slice3A_1058, %slice3A_1072, %dot_general3A_1073 {dimension_numbers = #tpu.dot_dimension_numbers<[1], [1], [0], [0], [0, 0, 1, 0], [], []>, transpose_lhs_hint = false} : vector<128x64xbf16>, vector<128x64xbf16>, vector<128x128xf32> -> vector<128x128xf32>
    %get3A_1075 = arith.constant 13 : index
    %get3A_1076 = arith.constant 0 : index
    %get3A_1077 = arith.constant 0 : index
    %get3A_1078 = vector.load %arg7[%get3A_1075, %get3A_1076, %get3A_1077] : memref<16x128x64xbf16, #tpu.memory_space<vmem>>, vector<1x128x64xbf16>
    %get3A_1079 = vector.shape_cast %get3A_1078 : vector<1x128x64xbf16> to vector<128x64xbf16>
    %dot_general3A_1080 = arith.constant dense<0.000000e+00> : vector<128x128xf32>
    %dot_general3A_1081 = tpu.matmul %slice3A_1058, %get3A_1079, %dot_general3A_1080 {dimension_numbers = #tpu.dot_dimension_numbers<[1], [1], [0], [0], [0, 0, 1, 0], [], []>, transpose_lhs_hint = false} : vector<128x64xbf16>, vector<128x64xbf16>, vector<128x128xf32> -> vector<128x128xf32>
    %mul3A_1082 = arith.constant 0.180336878 : f32
    %mul3A_1083 = vector.broadcast %mul3A_1082 : f32 to vector<128x128xf32>
    %mul3A_1084 = arith.mulf %dot_general3A_772, %mul3A_1083 : vector<128x128xf32>
    %exp23A_1085 = math.exp2 %mul3A_1084 : vector<128x128xf32>
    %mul3A_1086 = arith.constant 0.180336878 : f32
    %mul3A_1087 = vector.broadcast %mul3A_1086 : f32 to vector<128x128xf32>
    %mul3A_1088 = arith.mulf %dot_general3A_780, %mul3A_1087 : vector<128x128xf32>
    %exp23A_1089 = math.exp2 %mul3A_1088 : vector<128x128xf32>
    %add3A_1090 = arith.addf %exp23A_1085, %exp23A_1089 : vector<128x128xf32>
    %convert_element_type3A_1091 = arith.truncf %add3A_1090 : vector<128x128xf32> to vector<128x128xbf16>
    %dot_general3A_1092 = arith.constant dense<0.000000e+00> : vector<128x128xf32>
    %dot_general3A_1093 = tpu.matmul %convert_element_type3A_1091, %get3A_11, %dot_general3A_1092 {dimension_numbers = #tpu.dot_dimension_numbers<[1], [0], [0], [1], [0, 0, 1, 1], [], []>, transpose_lhs_hint = false} : vector<128x128xbf16>, vector<128x128xbf16>, vector<128x128xf32> -> vector<128x128xf32>
    %div3A_1094 = arith.constant 1.000000e+00 : f32
    %div3A_1095 = vector.broadcast %div3A_1094 : f32 to vector<128x128xf32>
    %div3A_1096 = arith.divf %div3A_1095, %dot_general3A_1093 : vector<128x128xf32>
    %mul3A_1097 = arith.mulf %exp23A_1085, %div3A_1096 : vector<128x128xf32>
    %swap3A_1098 = arith.constant 0 : index
    %swap3A_1099 = arith.constant 0 : index
    %swap3A_1100 = arith.constant 10 : index
    %swap3A_1101 = arith.constant 0 : index
    %swap3A_1102 = arith.constant 0 : index
    %swap3A_1103 = vector.load %arg12[%swap3A_1098, %swap3A_1099, %swap3A_1100, %swap3A_1101, %swap3A_1102] : memref<1x1x16x128x256xf32, #tpu.memory_space<vmem>>, vector<1x1x1x128x128xf32>
    %swap3A_1104 = vector.shape_cast %swap3A_1103 : vector<1x1x1x128x128xf32> to vector<128x128xf32>
    %swap3A_1105 = vector.shape_cast %mul3A_1097 : vector<128x128xf32> to vector<1x1x1x128x128xf32>
    tpu.vector_store %arg12[%swap3A_1098, %swap3A_1099, %swap3A_1100, %swap3A_1101, %swap3A_1102], %swap3A_1105 {strides = array<i32>} : memref<1x1x16x128x256xf32, #tpu.memory_space<vmem>>, vector<1x1x1x128x128xf32>,
    %mul3A_1106 = arith.mulf %exp23A_1089, %div3A_1096 : vector<128x128xf32>
    %swap3A_1107 = arith.constant 0 : index
    %swap3A_1108 = arith.constant 0 : index
    %swap3A_1109 = arith.constant 10 : index
    %swap3A_1110 = arith.constant 0 : index
    %swap3A_1111 = arith.constant 128 : index
    %swap3A_1112 = vector.load %arg12[%swap3A_1107, %swap3A_1108, %swap3A_1109, %swap3A_1110, %swap3A_1111] : memref<1x1x16x128x256xf32, #tpu.memory_space<vmem>>, vector<1x1x1x128x128xf32>
    %swap3A_1113 = vector.shape_cast %swap3A_1112 : vector<1x1x1x128x128xf32> to vector<128x128xf32>
    %swap3A_1114 = vector.shape_cast %mul3A_1106 : vector<128x128xf32> to vector<1x1x1x128x128xf32>
    tpu.vector_store %arg12[%swap3A_1107, %swap3A_1108, %swap3A_1109, %swap3A_1110, %swap3A_1111], %swap3A_1114 {strides = array<i32>} : memref<1x1x16x128x256xf32, #tpu.memory_space<vmem>>, vector<1x1x1x128x128xf32>,
    %convert_element_type3A_1115 = arith.truncf %exp23A_1085 : vector<128x128xf32> to vector<128x128xbf16>
    %get3A_1116 = arith.constant 0 : index
    %get3A_1117 = arith.constant 0 : index
    %get3A_1118 = arith.constant 0 : index
    %get3A_1119 = vector.load %arg5[%get3A_1116, %get3A_1117, %get3A_1118] : memref<1x128x1024xbf16, #tpu.memory_space<vmem>>, vector<1x128x1024xbf16>
    %get3A_1120 = vector.shape_cast %get3A_1119 : vector<1x128x1024xbf16> to vector<128x1024xbf16>
    %slice3A_1121 = vector.extract_strided_slice %get3A_1120 {offsets = [0, 640], sizes = [128, 64], strides = [1, 1]} : vector<128x1024xbf16> to vector<128x64xbf16>
    %dot_general3A_1122 = arith.constant dense<0.000000e+00> : vector<128x64xf32>
    %dot_general3A_1123 = tpu.matmul %convert_element_type3A_1115, %slice3A_1121, %dot_general3A_1122 {dimension_numbers = #tpu.dot_dimension_numbers<[1], [0], [0], [1], [0, 0, 1, 1], [], []>, transpose_lhs_hint = false} : vector<128x128xbf16>, vector<128x64xbf16>, vector<128x64xf32> -> vector<128x64xf32>
    %convert_element_type3A_1124 = arith.truncf %exp23A_1089 : vector<128x128xf32> to vector<128x128xbf16>
    %get3A_1125 = arith.constant 0 : index
    %get3A_1126 = arith.constant 0 : index
    %get3A_1127 = arith.constant 0 : index
    %get3A_1128 = vector.load %arg6[%get3A_1125, %get3A_1126, %get3A_1127] : memref<1x128x1024xbf16, #tpu.memory_space<vmem>>, vector<1x128x1024xbf16>
    %get3A_1129 = vector.shape_cast %get3A_1128 : vector<1x128x1024xbf16> to vector<128x1024xbf16>
    %slice3A_1130 = vector.extract_strided_slice %get3A_1129 {offsets = [0, 640], sizes = [128, 64], strides = [1, 1]} : vector<128x1024xbf16> to vector<128x64xbf16>
    %dot_general3A_1131 = arith.constant dense<0.000000e+00> : vector<128x64xf32>
    %dot_general3A_1132 = tpu.matmul %convert_element_type3A_1124, %slice3A_1130, %dot_general3A_1131 {dimension_numbers = #tpu.dot_dimension_numbers<[1], [0], [0], [1], [0, 0, 1, 1], [], []>, transpose_lhs_hint = false} : vector<128x128xbf16>, vector<128x64xbf16>, vector<128x64xf32> -> vector<128x64xf32>
    %add3A_1133 = arith.addf %dot_general3A_1123, %dot_general3A_1132 : vector<128x64xf32>
    %slice3A_1134 = vector.extract_strided_slice %div3A_1096 {offsets = [0, 0], sizes = [128, 64], strides = [1, 1]} : vector<128x128xf32> to vector<128x64xf32>
    %mul3A_1135 = arith.mulf %add3A_1133, %slice3A_1134 : vector<128x64xf32>
    %mul3A_1136 = arith.constant 0.180336878 : f32
    %mul3A_1137 = vector.broadcast %mul3A_1136 : f32 to vector<128x128xf32>
    %mul3A_1138 = arith.mulf %dot_general3A_787, %mul3A_1137 : vector<128x128xf32>
    %exp23A_1139 = math.exp2 %mul3A_1138 : vector<128x128xf32>
    %convert_element_type3A_1140 = arith.truncf %exp23A_1139 : vector<128x128xf32> to vector<128x128xbf16>
    %dot_general3A_1141 = arith.constant dense<0.000000e+00> : vector<128x128xf32>
    %dot_general3A_1142 = tpu.matmul %convert_element_type3A_1140, %get3A_11, %dot_general3A_1141 {dimension_numbers = #tpu.dot_dimension_numbers<[1], [0], [0], [1], [0, 0, 1, 1], [], []>, transpose_lhs_hint = false} : vector<128x128xbf16>, vector<128x128xbf16>, vector<128x128xf32> -> vector<128x128xf32>
    %get3A_1143 = arith.constant 10 : index
    %get3A_1144 = arith.constant 0 : index
    %get3A_1145 = arith.constant 0 : index
    %get3A_1146 = vector.load %arg8[%get3A_1143, %get3A_1144, %get3A_1145] : memref<16x128x64xbf16, #tpu.memory_space<vmem>>, vector<1x128x64xbf16>
    %get3A_1147 = vector.shape_cast %get3A_1146 : vector<1x128x64xbf16> to vector<128x64xbf16>
    %dot_general3A_1148 = arith.constant dense<0.000000e+00> : vector<128x64xf32>
    %dot_general3A_1149 = tpu.matmul %convert_element_type3A_1140, %get3A_1147, %dot_general3A_1148 {dimension_numbers = #tpu.dot_dimension_numbers<[1], [0], [0], [1], [0, 0, 1, 1], [], []>, transpose_lhs_hint = false} : vector<128x128xbf16>, vector<128x64xbf16>, vector<128x64xf32> -> vector<128x64xf32>
    %slice3A_1150 = vector.extract_strided_slice %dot_general3A_1142 {offsets = [0, 0], sizes = [128, 64], strides = [1, 1]} : vector<128x128xf32> to vector<128x64xf32>
    %div3A_1151 = arith.divf %dot_general3A_1149, %slice3A_1150 : vector<128x64xf32>
    %add3A_1152 = arith.addf %mul3A_1135, %div3A_1151 : vector<128x64xf32>
    %swap3A_1153 = arith.constant 0 : index
    %swap3A_1154 = arith.constant 640 : index
    %swap3A_1155 = vector.load %arg14[%swap3A_1153, %swap3A_1154] : memref<128x1024xf32, #tpu.memory_space<vmem>>, vector<128x64xf32>
    tpu.vector_store %arg14[%swap3A_1153, %swap3A_1154], %add3A_1152 {strides = array<i32>} : memref<128x1024xf32, #tpu.memory_space<vmem>>, vector<128x64xf32>,
    %slice3A_1156 = vector.extract_strided_slice %convert_element_type3A_8 {offsets = [0, 896], sizes = [128, 64], strides = [1, 1]} : vector<128x1024xbf16> to vector<128x64xbf16>
    %get3A_1157 = arith.constant 0 : index
    %get3A_1158 = arith.constant 0 : index
    %get3A_1159 = arith.constant 0 : index
    %get3A_1160 = vector.load %arg3[%get3A_1157, %get3A_1158, %get3A_1159] : memref<1x128x1024xbf16, #tpu.memory_space<vmem>>, vector<1x128x1024xbf16>
    %get3A_1161 = vector.shape_cast %get3A_1160 : vector<1x128x1024xbf16> to vector<128x1024xbf16>
    %slice3A_1162 = vector.extract_strided_slice %get3A_1161 {offsets = [0, 896], sizes = [128, 64], strides = [1, 1]} : vector<128x1024xbf16> to vector<128x64xbf16>
    %dot_general3A_1163 = arith.constant dense<0.000000e+00> : vector<128x128xf32>
    %dot_general3A_1164 = tpu.matmul %slice3A_1156, %slice3A_1162, %dot_general3A_1163 {dimension_numbers = #tpu.dot_dimension_numbers<[1], [1], [0], [0], [0, 0, 1, 0], [], []>, transpose_lhs_hint = false} : vector<128x64xbf16>, vector<128x64xbf16>, vector<128x128xf32> -> vector<128x128xf32>
    %get3A_1165 = arith.constant 0 : index
    %get3A_1166 = arith.constant 0 : index
    %get3A_1167 = arith.constant 0 : index
    %get3A_1168 = vector.load %arg4[%get3A_1165, %get3A_1166, %get3A_1167] : memref<1x128x1024xbf16, #tpu.memory_space<vmem>>, vector<1x128x1024xbf16>
    %get3A_1169 = vector.shape_cast %get3A_1168 : vector<1x128x1024xbf16> to vector<128x1024xbf16>
    %slice3A_1170 = vector.extract_strided_slice %get3A_1169 {offsets = [0, 896], sizes = [128, 64], strides = [1, 1]} : vector<128x1024xbf16> to vector<128x64xbf16>
    %dot_general3A_1171 = arith.constant dense<0.000000e+00> : vector<128x128xf32>
    %dot_general3A_1172 = tpu.matmul %slice3A_1156, %slice3A_1170, %dot_general3A_1171 {dimension_numbers = #tpu.dot_dimension_numbers<[1], [1], [0], [0], [0, 0, 1, 0], [], []>, transpose_lhs_hint = false} : vector<128x64xbf16>, vector<128x64xbf16>, vector<128x128xf32> -> vector<128x128xf32>
    %get3A_1173 = arith.constant 14 : index
    %get3A_1174 = arith.constant 0 : index
    %get3A_1175 = arith.constant 0 : index
    %get3A_1176 = vector.load %arg7[%get3A_1173, %get3A_1174, %get3A_1175] : memref<16x128x64xbf16, #tpu.memory_space<vmem>>, vector<1x128x64xbf16>
    %get3A_1177 = vector.shape_cast %get3A_1176 : vector<1x128x64xbf16> to vector<128x64xbf16>
    %dot_general3A_1178 = arith.constant dense<0.000000e+00> : vector<128x128xf32>
    %dot_general3A_1179 = tpu.matmul %slice3A_1156, %get3A_1177, %dot_general3A_1178 {dimension_numbers = #tpu.dot_dimension_numbers<[1], [1], [0], [0], [0, 0, 1, 0], [], []>, transpose_lhs_hint = false} : vector<128x64xbf16>, vector<128x64xbf16>, vector<128x128xf32> -> vector<128x128xf32>
    %mul3A_1180 = arith.constant 0.180336878 : f32
    %mul3A_1181 = vector.broadcast %mul3A_1180 : f32 to vector<128x128xf32>
    %mul3A_1182 = arith.mulf %dot_general3A_870, %mul3A_1181 : vector<128x128xf32>
    %exp23A_1183 = math.exp2 %mul3A_1182 : vector<128x128xf32>
    %mul3A_1184 = arith.constant 0.180336878 : f32
    %mul3A_1185 = vector.broadcast %mul3A_1184 : f32 to vector<128x128xf32>
    %mul3A_1186 = arith.mulf %dot_general3A_878, %mul3A_1185 : vector<128x128xf32>
    %exp23A_1187 = math.exp2 %mul3A_1186 : vector<128x128xf32>
    %add3A_1188 = arith.addf %exp23A_1183, %exp23A_1187 : vector<128x128xf32>
    %convert_element_type3A_1189 = arith.truncf %add3A_1188 : vector<128x128xf32> to vector<128x128xbf16>
    %dot_general3A_1190 = arith.constant dense<0.000000e+00> : vector<128x128xf32>
    %dot_general3A_1191 = tpu.matmul %convert_element_type3A_1189, %get3A_11, %dot_general3A_1190 {dimension_numbers = #tpu.dot_dimension_numbers<[1], [0], [0], [1], [0, 0, 1, 1], [], []>, transpose_lhs_hint = false} : vector<128x128xbf16>, vector<128x128xbf16>, vector<128x128xf32> -> vector<128x128xf32>
    %div3A_1192 = arith.constant 1.000000e+00 : f32
    %div3A_1193 = vector.broadcast %div3A_1192 : f32 to vector<128x128xf32>
    %div3A_1194 = arith.divf %div3A_1193, %dot_general3A_1191 : vector<128x128xf32>
    %mul3A_1195 = arith.mulf %exp23A_1183, %div3A_1194 : vector<128x128xf32>
    %swap3A_1196 = arith.constant 0 : index
    %swap3A_1197 = arith.constant 0 : index
    %swap3A_1198 = arith.constant 11 : index
    %swap3A_1199 = arith.constant 0 : index
    %swap3A_1200 = arith.constant 0 : index
    %swap3A_1201 = vector.load %arg12[%swap3A_1196, %swap3A_1197, %swap3A_1198, %swap3A_1199, %swap3A_1200] : memref<1x1x16x128x256xf32, #tpu.memory_space<vmem>>, vector<1x1x1x128x128xf32>
    %swap3A_1202 = vector.shape_cast %swap3A_1201 : vector<1x1x1x128x128xf32> to vector<128x128xf32>
    %swap3A_1203 = vector.shape_cast %mul3A_1195 : vector<128x128xf32> to vector<1x1x1x128x128xf32>
    tpu.vector_store %arg12[%swap3A_1196, %swap3A_1197, %swap3A_1198, %swap3A_1199, %swap3A_1200], %swap3A_1203 {strides = array<i32>} : memref<1x1x16x128x256xf32, #tpu.memory_space<vmem>>, vector<1x1x1x128x128xf32>,
    %mul3A_1204 = arith.mulf %exp23A_1187, %div3A_1194 : vector<128x128xf32>
    %swap3A_1205 = arith.constant 0 : index
    %swap3A_1206 = arith.constant 0 : index
    %swap3A_1207 = arith.constant 11 : index
    %swap3A_1208 = arith.constant 0 : index
    %swap3A_1209 = arith.constant 128 : index
    %swap3A_1210 = vector.load %arg12[%swap3A_1205, %swap3A_1206, %swap3A_1207, %swap3A_1208, %swap3A_1209] : memref<1x1x16x128x256xf32, #tpu.memory_space<vmem>>, vector<1x1x1x128x128xf32>
    %swap3A_1211 = vector.shape_cast %swap3A_1210 : vector<1x1x1x128x128xf32> to vector<128x128xf32>
    %swap3A_1212 = vector.shape_cast %mul3A_1204 : vector<128x128xf32> to vector<1x1x1x128x128xf32>
    tpu.vector_store %arg12[%swap3A_1205, %swap3A_1206, %swap3A_1207, %swap3A_1208, %swap3A_1209], %swap3A_1212 {strides = array<i32>} : memref<1x1x16x128x256xf32, #tpu.memory_space<vmem>>, vector<1x1x1x128x128xf32>,
    %convert_element_type3A_1213 = arith.truncf %exp23A_1183 : vector<128x128xf32> to vector<128x128xbf16>
    %get3A_1214 = arith.constant 0 : index
    %get3A_1215 = arith.constant 0 : index
    %get3A_1216 = arith.constant 0 : index
    %get3A_1217 = vector.load %arg5[%get3A_1214, %get3A_1215, %get3A_1216] : memref<1x128x1024xbf16, #tpu.memory_space<vmem>>, vector<1x128x1024xbf16>
    %get3A_1218 = vector.shape_cast %get3A_1217 : vector<1x128x1024xbf16> to vector<128x1024xbf16>
    %slice3A_1219 = vector.extract_strided_slice %get3A_1218 {offsets = [0, 704], sizes = [128, 64], strides = [1, 1]} : vector<128x1024xbf16> to vector<128x64xbf16>
    %dot_general3A_1220 = arith.constant dense<0.000000e+00> : vector<128x64xf32>
    %dot_general3A_1221 = tpu.matmul %convert_element_type3A_1213, %slice3A_1219, %dot_general3A_1220 {dimension_numbers = #tpu.dot_dimension_numbers<[1], [0], [0], [1], [0, 0, 1, 1], [], []>, transpose_lhs_hint = false} : vector<128x128xbf16>, vector<128x64xbf16>, vector<128x64xf32> -> vector<128x64xf32>
    %convert_element_type3A_1222 = arith.truncf %exp23A_1187 : vector<128x128xf32> to vector<128x128xbf16>
    %get3A_1223 = arith.constant 0 : index
    %get3A_1224 = arith.constant 0 : index
    %get3A_1225 = arith.constant 0 : index
    %get3A_1226 = vector.load %arg6[%get3A_1223, %get3A_1224, %get3A_1225] : memref<1x128x1024xbf16, #tpu.memory_space<vmem>>, vector<1x128x1024xbf16>
    %get3A_1227 = vector.shape_cast %get3A_1226 : vector<1x128x1024xbf16> to vector<128x1024xbf16>
    %slice3A_1228 = vector.extract_strided_slice %get3A_1227 {offsets = [0, 704], sizes = [128, 64], strides = [1, 1]} : vector<128x1024xbf16> to vector<128x64xbf16>
    %dot_general3A_1229 = arith.constant dense<0.000000e+00> : vector<128x64xf32>
    %dot_general3A_1230 = tpu.matmul %convert_element_type3A_1222, %slice3A_1228, %dot_general3A_1229 {dimension_numbers = #tpu.dot_dimension_numbers<[1], [0], [0], [1], [0, 0, 1, 1], [], []>, transpose_lhs_hint = false} : vector<128x128xbf16>, vector<128x64xbf16>, vector<128x64xf32> -> vector<128x64xf32>
    %add3A_1231 = arith.addf %dot_general3A_1221, %dot_general3A_1230 : vector<128x64xf32>
    %slice3A_1232 = vector.extract_strided_slice %div3A_1194 {offsets = [0, 0], sizes = [128, 64], strides = [1, 1]} : vector<128x128xf32> to vector<128x64xf32>
    %mul3A_1233 = arith.mulf %add3A_1231, %slice3A_1232 : vector<128x64xf32>
    %mul3A_1234 = arith.constant 0.180336878 : f32
    %mul3A_1235 = vector.broadcast %mul3A_1234 : f32 to vector<128x128xf32>
    %mul3A_1236 = arith.mulf %dot_general3A_885, %mul3A_1235 : vector<128x128xf32>
    %exp23A_1237 = math.exp2 %mul3A_1236 : vector<128x128xf32>
    %convert_element_type3A_1238 = arith.truncf %exp23A_1237 : vector<128x128xf32> to vector<128x128xbf16>
    %dot_general3A_1239 = arith.constant dense<0.000000e+00> : vector<128x128xf32>
    %dot_general3A_1240 = tpu.matmul %convert_element_type3A_1238, %get3A_11, %dot_general3A_1239 {dimension_numbers = #tpu.dot_dimension_numbers<[1], [0], [0], [1], [0, 0, 1, 1], [], []>, transpose_lhs_hint = false} : vector<128x128xbf16>, vector<128x128xbf16>, vector<128x128xf32> -> vector<128x128xf32>
    %get3A_1241 = arith.constant 11 : index
    %get3A_1242 = arith.constant 0 : index
    %get3A_1243 = arith.constant 0 : index
    %get3A_1244 = vector.load %arg8[%get3A_1241, %get3A_1242, %get3A_1243] : memref<16x128x64xbf16, #tpu.memory_space<vmem>>, vector<1x128x64xbf16>
    %get3A_1245 = vector.shape_cast %get3A_1244 : vector<1x128x64xbf16> to vector<128x64xbf16>
    %dot_general3A_1246 = arith.constant dense<0.000000e+00> : vector<128x64xf32>
    %dot_general3A_1247 = tpu.matmul %convert_element_type3A_1238, %get3A_1245, %dot_general3A_1246 {dimension_numbers = #tpu.dot_dimension_numbers<[1], [0], [0], [1], [0, 0, 1, 1], [], []>, transpose_lhs_hint = false} : vector<128x128xbf16>, vector<128x64xbf16>, vector<128x64xf32> -> vector<128x64xf32>
    %slice3A_1248 = vector.extract_strided_slice %dot_general3A_1240 {offsets = [0, 0], sizes = [128, 64], strides = [1, 1]} : vector<128x128xf32> to vector<128x64xf32>
    %div3A_1249 = arith.divf %dot_general3A_1247, %slice3A_1248 : vector<128x64xf32>
    %add3A_1250 = arith.addf %mul3A_1233, %div3A_1249 : vector<128x64xf32>
    %swap3A_1251 = arith.constant 0 : index
    %swap3A_1252 = arith.constant 704 : index
    %swap3A_1253 = vector.load %arg14[%swap3A_1251, %swap3A_1252] : memref<128x1024xf32, #tpu.memory_space<vmem>>, vector<128x64xf32>
    tpu.vector_store %arg14[%swap3A_1251, %swap3A_1252], %add3A_1250 {strides = array<i32>} : memref<128x1024xf32, #tpu.memory_space<vmem>>, vector<128x64xf32>,
    %slice3A_1254 = vector.extract_strided_slice %convert_element_type3A_8 {offsets = [0, 960], sizes = [128, 64], strides = [1, 1]} : vector<128x1024xbf16> to vector<128x64xbf16>
    %get3A_1255 = arith.constant 0 : index
    %get3A_1256 = arith.constant 0 : index
    %get3A_1257 = arith.constant 0 : index
    %get3A_1258 = vector.load %arg3[%get3A_1255, %get3A_1256, %get3A_1257] : memref<1x128x1024xbf16, #tpu.memory_space<vmem>>, vector<1x128x1024xbf16>
    %get3A_1259 = vector.shape_cast %get3A_1258 : vector<1x128x1024xbf16> to vector<128x1024xbf16>
    %slice3A_1260 = vector.extract_strided_slice %get3A_1259 {offsets = [0, 960], sizes = [128, 64], strides = [1, 1]} : vector<128x1024xbf16> to vector<128x64xbf16>
    %dot_general3A_1261 = arith.constant dense<0.000000e+00> : vector<128x128xf32>
    %dot_general3A_1262 = tpu.matmul %slice3A_1254, %slice3A_1260, %dot_general3A_1261 {dimension_numbers = #tpu.dot_dimension_numbers<[1], [1], [0], [0], [0, 0, 1, 0], [], []>, transpose_lhs_hint = false} : vector<128x64xbf16>, vector<128x64xbf16>, vector<128x128xf32> -> vector<128x128xf32>
    %get3A_1263 = arith.constant 0 : index
    %get3A_1264 = arith.constant 0 : index
    %get3A_1265 = arith.constant 0 : index
    %get3A_1266 = vector.load %arg4[%get3A_1263, %get3A_1264, %get3A_1265] : memref<1x128x1024xbf16, #tpu.memory_space<vmem>>, vector<1x128x1024xbf16>
    %get3A_1267 = vector.shape_cast %get3A_1266 : vector<1x128x1024xbf16> to vector<128x1024xbf16>
    %slice3A_1268 = vector.extract_strided_slice %get3A_1267 {offsets = [0, 960], sizes = [128, 64], strides = [1, 1]} : vector<128x1024xbf16> to vector<128x64xbf16>
    %dot_general3A_1269 = arith.constant dense<0.000000e+00> : vector<128x128xf32>
    %dot_general3A_1270 = tpu.matmul %slice3A_1254, %slice3A_1268, %dot_general3A_1269 {dimension_numbers = #tpu.dot_dimension_numbers<[1], [1], [0], [0], [0, 0, 1, 0], [], []>, transpose_lhs_hint = false} : vector<128x64xbf16>, vector<128x64xbf16>, vector<128x128xf32> -> vector<128x128xf32>
    %get3A_1271 = arith.constant 15 : index
    %get3A_1272 = arith.constant 0 : index
    %get3A_1273 = arith.constant 0 : index
    %get3A_1274 = vector.load %arg7[%get3A_1271, %get3A_1272, %get3A_1273] : memref<16x128x64xbf16, #tpu.memory_space<vmem>>, vector<1x128x64xbf16>
    %get3A_1275 = vector.shape_cast %get3A_1274 : vector<1x128x64xbf16> to vector<128x64xbf16>
    %dot_general3A_1276 = arith.constant dense<0.000000e+00> : vector<128x128xf32>
    %dot_general3A_1277 = tpu.matmul %slice3A_1254, %get3A_1275, %dot_general3A_1276 {dimension_numbers = #tpu.dot_dimension_numbers<[1], [1], [0], [0], [0, 0, 1, 0], [], []>, transpose_lhs_hint = false} : vector<128x64xbf16>, vector<128x64xbf16>, vector<128x128xf32> -> vector<128x128xf32>
    %mul3A_1278 = arith.constant 0.180336878 : f32
    %mul3A_1279 = vector.broadcast %mul3A_1278 : f32 to vector<128x128xf32>
    %mul3A_1280 = arith.mulf %dot_general3A_968, %mul3A_1279 : vector<128x128xf32>
    %exp23A_1281 = math.exp2 %mul3A_1280 : vector<128x128xf32>
    %mul3A_1282 = arith.constant 0.180336878 : f32
    %mul3A_1283 = vector.broadcast %mul3A_1282 : f32 to vector<128x128xf32>
    %mul3A_1284 = arith.mulf %dot_general3A_976, %mul3A_1283 : vector<128x128xf32>
    %exp23A_1285 = math.exp2 %mul3A_1284 : vector<128x128xf32>
    %add3A_1286 = arith.addf %exp23A_1281, %exp23A_1285 : vector<128x128xf32>
    %convert_element_type3A_1287 = arith.truncf %add3A_1286 : vector<128x128xf32> to vector<128x128xbf16>
    %dot_general3A_1288 = arith.constant dense<0.000000e+00> : vector<128x128xf32>
    %dot_general3A_1289 = tpu.matmul %convert_element_type3A_1287, %get3A_11, %dot_general3A_1288 {dimension_numbers = #tpu.dot_dimension_numbers<[1], [0], [0], [1], [0, 0, 1, 1], [], []>, transpose_lhs_hint = false} : vector<128x128xbf16>, vector<128x128xbf16>, vector<128x128xf32> -> vector<128x128xf32>
    %div3A_1290 = arith.constant 1.000000e+00 : f32
    %div3A_1291 = vector.broadcast %div3A_1290 : f32 to vector<128x128xf32>
    %div3A_1292 = arith.divf %div3A_1291, %dot_general3A_1289 : vector<128x128xf32>
    %mul3A_1293 = arith.mulf %exp23A_1281, %div3A_1292 : vector<128x128xf32>
    %swap3A_1294 = arith.constant 0 : index
    %swap3A_1295 = arith.constant 0 : index
    %swap3A_1296 = arith.constant 12 : index
    %swap3A_1297 = arith.constant 0 : index
    %swap3A_1298 = arith.constant 0 : index
    %swap3A_1299 = vector.load %arg12[%swap3A_1294, %swap3A_1295, %swap3A_1296, %swap3A_1297, %swap3A_1298] : memref<1x1x16x128x256xf32, #tpu.memory_space<vmem>>, vector<1x1x1x128x128xf32>
    %swap3A_1300 = vector.shape_cast %swap3A_1299 : vector<1x1x1x128x128xf32> to vector<128x128xf32>
    %swap3A_1301 = vector.shape_cast %mul3A_1293 : vector<128x128xf32> to vector<1x1x1x128x128xf32>
    tpu.vector_store %arg12[%swap3A_1294, %swap3A_1295, %swap3A_1296, %swap3A_1297, %swap3A_1298], %swap3A_1301 {strides = array<i32>} : memref<1x1x16x128x256xf32, #tpu.memory_space<vmem>>, vector<1x1x1x128x128xf32>,
    %mul3A_1302 = arith.mulf %exp23A_1285, %div3A_1292 : vector<128x128xf32>
    %swap3A_1303 = arith.constant 0 : index
    %swap3A_1304 = arith.constant 0 : index
    %swap3A_1305 = arith.constant 12 : index
    %swap3A_1306 = arith.constant 0 : index
    %swap3A_1307 = arith.constant 128 : index
    %swap3A_1308 = vector.load %arg12[%swap3A_1303, %swap3A_1304, %swap3A_1305, %swap3A_1306, %swap3A_1307] : memref<1x1x16x128x256xf32, #tpu.memory_space<vmem>>, vector<1x1x1x128x128xf32>
    %swap3A_1309 = vector.shape_cast %swap3A_1308 : vector<1x1x1x128x128xf32> to vector<128x128xf32>
    %swap3A_1310 = vector.shape_cast %mul3A_1302 : vector<128x128xf32> to vector<1x1x1x128x128xf32>
    tpu.vector_store %arg12[%swap3A_1303, %swap3A_1304, %swap3A_1305, %swap3A_1306, %swap3A_1307], %swap3A_1310 {strides = array<i32>} : memref<1x1x16x128x256xf32, #tpu.memory_space<vmem>>, vector<1x1x1x128x128xf32>,
    %convert_element_type3A_1311 = arith.truncf %exp23A_1281 : vector<128x128xf32> to vector<128x128xbf16>
    %get3A_1312 = arith.constant 0 : index
    %get3A_1313 = arith.constant 0 : index
    %get3A_1314 = arith.constant 0 : index
    %get3A_1315 = vector.load %arg5[%get3A_1312, %get3A_1313, %get3A_1314] : memref<1x128x1024xbf16, #tpu.memory_space<vmem>>, vector<1x128x1024xbf16>
    %get3A_1316 = vector.shape_cast %get3A_1315 : vector<1x128x1024xbf16> to vector<128x1024xbf16>
    %slice3A_1317 = vector.extract_strided_slice %get3A_1316 {offsets = [0, 768], sizes = [128, 64], strides = [1, 1]} : vector<128x1024xbf16> to vector<128x64xbf16>
    %dot_general3A_1318 = arith.constant dense<0.000000e+00> : vector<128x64xf32>
    %dot_general3A_1319 = tpu.matmul %convert_element_type3A_1311, %slice3A_1317, %dot_general3A_1318 {dimension_numbers = #tpu.dot_dimension_numbers<[1], [0], [0], [1], [0, 0, 1, 1], [], []>, transpose_lhs_hint = false} : vector<128x128xbf16>, vector<128x64xbf16>, vector<128x64xf32> -> vector<128x64xf32>
    %convert_element_type3A_1320 = arith.truncf %exp23A_1285 : vector<128x128xf32> to vector<128x128xbf16>
    %get3A_1321 = arith.constant 0 : index
    %get3A_1322 = arith.constant 0 : index
    %get3A_1323 = arith.constant 0 : index
    %get3A_1324 = vector.load %arg6[%get3A_1321, %get3A_1322, %get3A_1323] : memref<1x128x1024xbf16, #tpu.memory_space<vmem>>, vector<1x128x1024xbf16>
    %get3A_1325 = vector.shape_cast %get3A_1324 : vector<1x128x1024xbf16> to vector<128x1024xbf16>
    %slice3A_1326 = vector.extract_strided_slice %get3A_1325 {offsets = [0, 768], sizes = [128, 64], strides = [1, 1]} : vector<128x1024xbf16> to vector<128x64xbf16>
    %dot_general3A_1327 = arith.constant dense<0.000000e+00> : vector<128x64xf32>
    %dot_general3A_1328 = tpu.matmul %convert_element_type3A_1320, %slice3A_1326, %dot_general3A_1327 {dimension_numbers = #tpu.dot_dimension_numbers<[1], [0], [0], [1], [0, 0, 1, 1], [], []>, transpose_lhs_hint = false} : vector<128x128xbf16>, vector<128x64xbf16>, vector<128x64xf32> -> vector<128x64xf32>
    %add3A_1329 = arith.addf %dot_general3A_1319, %dot_general3A_1328 : vector<128x64xf32>
    %slice3A_1330 = vector.extract_strided_slice %div3A_1292 {offsets = [0, 0], sizes = [128, 64], strides = [1, 1]} : vector<128x128xf32> to vector<128x64xf32>
    %mul3A_1331 = arith.mulf %add3A_1329, %slice3A_1330 : vector<128x64xf32>
    %mul3A_1332 = arith.constant 0.180336878 : f32
    %mul3A_1333 = vector.broadcast %mul3A_1332 : f32 to vector<128x128xf32>
    %mul3A_1334 = arith.mulf %dot_general3A_983, %mul3A_1333 : vector<128x128xf32>
    %exp23A_1335 = math.exp2 %mul3A_1334 : vector<128x128xf32>
    %convert_element_type3A_1336 = arith.truncf %exp23A_1335 : vector<128x128xf32> to vector<128x128xbf16>
    %dot_general3A_1337 = arith.constant dense<0.000000e+00> : vector<128x128xf32>
    %dot_general3A_1338 = tpu.matmul %convert_element_type3A_1336, %get3A_11, %dot_general3A_1337 {dimension_numbers = #tpu.dot_dimension_numbers<[1], [0], [0], [1], [0, 0, 1, 1], [], []>, transpose_lhs_hint = false} : vector<128x128xbf16>, vector<128x128xbf16>, vector<128x128xf32> -> vector<128x128xf32>
    %get3A_1339 = arith.constant 12 : index
    %get3A_1340 = arith.constant 0 : index
    %get3A_1341 = arith.constant 0 : index
    %get3A_1342 = vector.load %arg8[%get3A_1339, %get3A_1340, %get3A_1341] : memref<16x128x64xbf16, #tpu.memory_space<vmem>>, vector<1x128x64xbf16>
    %get3A_1343 = vector.shape_cast %get3A_1342 : vector<1x128x64xbf16> to vector<128x64xbf16>
    %dot_general3A_1344 = arith.constant dense<0.000000e+00> : vector<128x64xf32>
    %dot_general3A_1345 = tpu.matmul %convert_element_type3A_1336, %get3A_1343, %dot_general3A_1344 {dimension_numbers = #tpu.dot_dimension_numbers<[1], [0], [0], [1], [0, 0, 1, 1], [], []>, transpose_lhs_hint = false} : vector<128x128xbf16>, vector<128x64xbf16>, vector<128x64xf32> -> vector<128x64xf32>
    %slice3A_1346 = vector.extract_strided_slice %dot_general3A_1338 {offsets = [0, 0], sizes = [128, 64], strides = [1, 1]} : vector<128x128xf32> to vector<128x64xf32>
    %div3A_1347 = arith.divf %dot_general3A_1345, %slice3A_1346 : vector<128x64xf32>
    %add3A_1348 = arith.addf %mul3A_1331, %div3A_1347 : vector<128x64xf32>
    %swap3A_1349 = arith.constant 0 : index
    %swap3A_1350 = arith.constant 768 : index
    %swap3A_1351 = vector.load %arg14[%swap3A_1349, %swap3A_1350] : memref<128x1024xf32, #tpu.memory_space<vmem>>, vector<128x64xf32>
    tpu.vector_store %arg14[%swap3A_1349, %swap3A_1350], %add3A_1348 {strides = array<i32>} : memref<128x1024xf32, #tpu.memory_space<vmem>>, vector<128x64xf32>,
    %mul3A_1352 = arith.constant 0.180336878 : f32
    %mul3A_1353 = vector.broadcast %mul3A_1352 : f32 to vector<128x128xf32>
    %mul3A_1354 = arith.mulf %dot_general3A_1066, %mul3A_1353 : vector<128x128xf32>
    %exp23A_1355 = math.exp2 %mul3A_1354 : vector<128x128xf32>
    %mul3A_1356 = arith.constant 0.180336878 : f32
    %mul3A_1357 = vector.broadcast %mul3A_1356 : f32 to vector<128x128xf32>
    %mul3A_1358 = arith.mulf %dot_general3A_1074, %mul3A_1357 : vector<128x128xf32>
    %exp23A_1359 = math.exp2 %mul3A_1358 : vector<128x128xf32>
    %add3A_1360 = arith.addf %exp23A_1355, %exp23A_1359 : vector<128x128xf32>
    %convert_element_type3A_1361 = arith.truncf %add3A_1360 : vector<128x128xf32> to vector<128x128xbf16>
    %dot_general3A_1362 = arith.constant dense<0.000000e+00> : vector<128x128xf32>
    %dot_general3A_1363 = tpu.matmul %convert_element_type3A_1361, %get3A_11, %dot_general3A_1362 {dimension_numbers = #tpu.dot_dimension_numbers<[1], [0], [0], [1], [0, 0, 1, 1], [], []>, transpose_lhs_hint = false} : vector<128x128xbf16>, vector<128x128xbf16>, vector<128x128xf32> -> vector<128x128xf32>
    %div3A_1364 = arith.constant 1.000000e+00 : f32
    %div3A_1365 = vector.broadcast %div3A_1364 : f32 to vector<128x128xf32>
    %div3A_1366 = arith.divf %div3A_1365, %dot_general3A_1363 : vector<128x128xf32>
    %mul3A_1367 = arith.mulf %exp23A_1355, %div3A_1366 : vector<128x128xf32>
    %swap3A_1368 = arith.constant 0 : index
    %swap3A_1369 = arith.constant 0 : index
    %swap3A_1370 = arith.constant 13 : index
    %swap3A_1371 = arith.constant 0 : index
    %swap3A_1372 = arith.constant 0 : index
    %swap3A_1373 = vector.load %arg12[%swap3A_1368, %swap3A_1369, %swap3A_1370, %swap3A_1371, %swap3A_1372] : memref<1x1x16x128x256xf32, #tpu.memory_space<vmem>>, vector<1x1x1x128x128xf32>
    %swap3A_1374 = vector.shape_cast %swap3A_1373 : vector<1x1x1x128x128xf32> to vector<128x128xf32>
    %swap3A_1375 = vector.shape_cast %mul3A_1367 : vector<128x128xf32> to vector<1x1x1x128x128xf32>
    tpu.vector_store %arg12[%swap3A_1368, %swap3A_1369, %swap3A_1370, %swap3A_1371, %swap3A_1372], %swap3A_1375 {strides = array<i32>} : memref<1x1x16x128x256xf32, #tpu.memory_space<vmem>>, vector<1x1x1x128x128xf32>,
    %mul3A_1376 = arith.mulf %exp23A_1359, %div3A_1366 : vector<128x128xf32>
    %swap3A_1377 = arith.constant 0 : index
    %swap3A_1378 = arith.constant 0 : index
    %swap3A_1379 = arith.constant 13 : index
    %swap3A_1380 = arith.constant 0 : index
    %swap3A_1381 = arith.constant 128 : index
    %swap3A_1382 = vector.load %arg12[%swap3A_1377, %swap3A_1378, %swap3A_1379, %swap3A_1380, %swap3A_1381] : memref<1x1x16x128x256xf32, #tpu.memory_space<vmem>>, vector<1x1x1x128x128xf32>
    %swap3A_1383 = vector.shape_cast %swap3A_1382 : vector<1x1x1x128x128xf32> to vector<128x128xf32>
    %swap3A_1384 = vector.shape_cast %mul3A_1376 : vector<128x128xf32> to vector<1x1x1x128x128xf32>
    tpu.vector_store %arg12[%swap3A_1377, %swap3A_1378, %swap3A_1379, %swap3A_1380, %swap3A_1381], %swap3A_1384 {strides = array<i32>} : memref<1x1x16x128x256xf32, #tpu.memory_space<vmem>>, vector<1x1x1x128x128xf32>,
    %convert_element_type3A_1385 = arith.truncf %exp23A_1355 : vector<128x128xf32> to vector<128x128xbf16>
    %get3A_1386 = arith.constant 0 : index
    %get3A_1387 = arith.constant 0 : index
    %get3A_1388 = arith.constant 0 : index
    %get3A_1389 = vector.load %arg5[%get3A_1386, %get3A_1387, %get3A_1388] : memref<1x128x1024xbf16, #tpu.memory_space<vmem>>, vector<1x128x1024xbf16>
    %get3A_1390 = vector.shape_cast %get3A_1389 : vector<1x128x1024xbf16> to vector<128x1024xbf16>
    %slice3A_1391 = vector.extract_strided_slice %get3A_1390 {offsets = [0, 832], sizes = [128, 64], strides = [1, 1]} : vector<128x1024xbf16> to vector<128x64xbf16>
    %dot_general3A_1392 = arith.constant dense<0.000000e+00> : vector<128x64xf32>
    %dot_general3A_1393 = tpu.matmul %convert_element_type3A_1385, %slice3A_1391, %dot_general3A_1392 {dimension_numbers = #tpu.dot_dimension_numbers<[1], [0], [0], [1], [0, 0, 1, 1], [], []>, transpose_lhs_hint = false} : vector<128x128xbf16>, vector<128x64xbf16>, vector<128x64xf32> -> vector<128x64xf32>
    %convert_element_type3A_1394 = arith.truncf %exp23A_1359 : vector<128x128xf32> to vector<128x128xbf16>
    %get3A_1395 = arith.constant 0 : index
    %get3A_1396 = arith.constant 0 : index
    %get3A_1397 = arith.constant 0 : index
    %get3A_1398 = vector.load %arg6[%get3A_1395, %get3A_1396, %get3A_1397] : memref<1x128x1024xbf16, #tpu.memory_space<vmem>>, vector<1x128x1024xbf16>
    %get3A_1399 = vector.shape_cast %get3A_1398 : vector<1x128x1024xbf16> to vector<128x1024xbf16>
    %slice3A_1400 = vector.extract_strided_slice %get3A_1399 {offsets = [0, 832], sizes = [128, 64], strides = [1, 1]} : vector<128x1024xbf16> to vector<128x64xbf16>
    %dot_general3A_1401 = arith.constant dense<0.000000e+00> : vector<128x64xf32>
    %dot_general3A_1402 = tpu.matmul %convert_element_type3A_1394, %slice3A_1400, %dot_general3A_1401 {dimension_numbers = #tpu.dot_dimension_numbers<[1], [0], [0], [1], [0, 0, 1, 1], [], []>, transpose_lhs_hint = false} : vector<128x128xbf16>, vector<128x64xbf16>, vector<128x64xf32> -> vector<128x64xf32>
    %add3A_1403 = arith.addf %dot_general3A_1393, %dot_general3A_1402 : vector<128x64xf32>
    %slice3A_1404 = vector.extract_strided_slice %div3A_1366 {offsets = [0, 0], sizes = [128, 64], strides = [1, 1]} : vector<128x128xf32> to vector<128x64xf32>
    %mul3A_1405 = arith.mulf %add3A_1403, %slice3A_1404 : vector<128x64xf32>
    %mul3A_1406 = arith.constant 0.180336878 : f32
    %mul3A_1407 = vector.broadcast %mul3A_1406 : f32 to vector<128x128xf32>
    %mul3A_1408 = arith.mulf %dot_general3A_1081, %mul3A_1407 : vector<128x128xf32>
    %exp23A_1409 = math.exp2 %mul3A_1408 : vector<128x128xf32>
    %convert_element_type3A_1410 = arith.truncf %exp23A_1409 : vector<128x128xf32> to vector<128x128xbf16>
    %dot_general3A_1411 = arith.constant dense<0.000000e+00> : vector<128x128xf32>
    %dot_general3A_1412 = tpu.matmul %convert_element_type3A_1410, %get3A_11, %dot_general3A_1411 {dimension_numbers = #tpu.dot_dimension_numbers<[1], [0], [0], [1], [0, 0, 1, 1], [], []>, transpose_lhs_hint = false} : vector<128x128xbf16>, vector<128x128xbf16>, vector<128x128xf32> -> vector<128x128xf32>
    %get3A_1413 = arith.constant 13 : index
    %get3A_1414 = arith.constant 0 : index
    %get3A_1415 = arith.constant 0 : index
    %get3A_1416 = vector.load %arg8[%get3A_1413, %get3A_1414, %get3A_1415] : memref<16x128x64xbf16, #tpu.memory_space<vmem>>, vector<1x128x64xbf16>
    %get3A_1417 = vector.shape_cast %get3A_1416 : vector<1x128x64xbf16> to vector<128x64xbf16>
    %dot_general3A_1418 = arith.constant dense<0.000000e+00> : vector<128x64xf32>
    %dot_general3A_1419 = tpu.matmul %convert_element_type3A_1410, %get3A_1417, %dot_general3A_1418 {dimension_numbers = #tpu.dot_dimension_numbers<[1], [0], [0], [1], [0, 0, 1, 1], [], []>, transpose_lhs_hint = false} : vector<128x128xbf16>, vector<128x64xbf16>, vector<128x64xf32> -> vector<128x64xf32>
    %slice3A_1420 = vector.extract_strided_slice %dot_general3A_1412 {offsets = [0, 0], sizes = [128, 64], strides = [1, 1]} : vector<128x128xf32> to vector<128x64xf32>
    %div3A_1421 = arith.divf %dot_general3A_1419, %slice3A_1420 : vector<128x64xf32>
    %add3A_1422 = arith.addf %mul3A_1405, %div3A_1421 : vector<128x64xf32>
    %swap3A_1423 = arith.constant 0 : index
    %swap3A_1424 = arith.constant 832 : index
    %swap3A_1425 = vector.load %arg14[%swap3A_1423, %swap3A_1424] : memref<128x1024xf32, #tpu.memory_space<vmem>>, vector<128x64xf32>
    tpu.vector_store %arg14[%swap3A_1423, %swap3A_1424], %add3A_1422 {strides = array<i32>} : memref<128x1024xf32, #tpu.memory_space<vmem>>, vector<128x64xf32>,
    %mul3A_1426 = arith.constant 0.180336878 : f32
    %mul3A_1427 = vector.broadcast %mul3A_1426 : f32 to vector<128x128xf32>
    %mul3A_1428 = arith.mulf %dot_general3A_1164, %mul3A_1427 : vector<128x128xf32>
    %exp23A_1429 = math.exp2 %mul3A_1428 : vector<128x128xf32>
    %mul3A_1430 = arith.constant 0.180336878 : f32
    %mul3A_1431 = vector.broadcast %mul3A_1430 : f32 to vector<128x128xf32>
    %mul3A_1432 = arith.mulf %dot_general3A_1172, %mul3A_1431 : vector<128x128xf32>
    %exp23A_1433 = math.exp2 %mul3A_1432 : vector<128x128xf32>
    %add3A_1434 = arith.addf %exp23A_1429, %exp23A_1433 : vector<128x128xf32>
    %convert_element_type3A_1435 = arith.truncf %add3A_1434 : vector<128x128xf32> to vector<128x128xbf16>
    %dot_general3A_1436 = arith.constant dense<0.000000e+00> : vector<128x128xf32>
    %dot_general3A_1437 = tpu.matmul %convert_element_type3A_1435, %get3A_11, %dot_general3A_1436 {dimension_numbers = #tpu.dot_dimension_numbers<[1], [0], [0], [1], [0, 0, 1, 1], [], []>, transpose_lhs_hint = false} : vector<128x128xbf16>, vector<128x128xbf16>, vector<128x128xf32> -> vector<128x128xf32>
    %div3A_1438 = arith.constant 1.000000e+00 : f32
    %div3A_1439 = vector.broadcast %div3A_1438 : f32 to vector<128x128xf32>
    %div3A_1440 = arith.divf %div3A_1439, %dot_general3A_1437 : vector<128x128xf32>
    %mul3A_1441 = arith.mulf %exp23A_1429, %div3A_1440 : vector<128x128xf32>
    %swap3A_1442 = arith.constant 0 : index
    %swap3A_1443 = arith.constant 0 : index
    %swap3A_1444 = arith.constant 14 : index
    %swap3A_1445 = arith.constant 0 : index
    %swap3A_1446 = arith.constant 0 : index
    %swap3A_1447 = vector.load %arg12[%swap3A_1442, %swap3A_1443, %swap3A_1444, %swap3A_1445, %swap3A_1446] : memref<1x1x16x128x256xf32, #tpu.memory_space<vmem>>, vector<1x1x1x128x128xf32>
    %swap3A_1448 = vector.shape_cast %swap3A_1447 : vector<1x1x1x128x128xf32> to vector<128x128xf32>
    %swap3A_1449 = vector.shape_cast %mul3A_1441 : vector<128x128xf32> to vector<1x1x1x128x128xf32>
    tpu.vector_store %arg12[%swap3A_1442, %swap3A_1443, %swap3A_1444, %swap3A_1445, %swap3A_1446], %swap3A_1449 {strides = array<i32>} : memref<1x1x16x128x256xf32, #tpu.memory_space<vmem>>, vector<1x1x1x128x128xf32>,
    %mul3A_1450 = arith.mulf %exp23A_1433, %div3A_1440 : vector<128x128xf32>
    %swap3A_1451 = arith.constant 0 : index
    %swap3A_1452 = arith.constant 0 : index
    %swap3A_1453 = arith.constant 14 : index
    %swap3A_1454 = arith.constant 0 : index
    %swap3A_1455 = arith.constant 128 : index
    %swap3A_1456 = vector.load %arg12[%swap3A_1451, %swap3A_1452, %swap3A_1453, %swap3A_1454, %swap3A_1455] : memref<1x1x16x128x256xf32, #tpu.memory_space<vmem>>, vector<1x1x1x128x128xf32>
    %swap3A_1457 = vector.shape_cast %swap3A_1456 : vector<1x1x1x128x128xf32> to vector<128x128xf32>
    %swap3A_1458 = vector.shape_cast %mul3A_1450 : vector<128x128xf32> to vector<1x1x1x128x128xf32>
    tpu.vector_store %arg12[%swap3A_1451, %swap3A_1452, %swap3A_1453, %swap3A_1454, %swap3A_1455], %swap3A_1458 {strides = array<i32>} : memref<1x1x16x128x256xf32, #tpu.memory_space<vmem>>, vector<1x1x1x128x128xf32>,
    %convert_element_type3A_1459 = arith.truncf %exp23A_1429 : vector<128x128xf32> to vector<128x128xbf16>
    %get3A_1460 = arith.constant 0 : index
    %get3A_1461 = arith.constant 0 : index
    %get3A_1462 = arith.constant 0 : index
    %get3A_1463 = vector.load %arg5[%get3A_1460, %get3A_1461, %get3A_1462] : memref<1x128x1024xbf16, #tpu.memory_space<vmem>>, vector<1x128x1024xbf16>
    %get3A_1464 = vector.shape_cast %get3A_1463 : vector<1x128x1024xbf16> to vector<128x1024xbf16>
    %slice3A_1465 = vector.extract_strided_slice %get3A_1464 {offsets = [0, 896], sizes = [128, 64], strides = [1, 1]} : vector<128x1024xbf16> to vector<128x64xbf16>
    %dot_general3A_1466 = arith.constant dense<0.000000e+00> : vector<128x64xf32>
    %dot_general3A_1467 = tpu.matmul %convert_element_type3A_1459, %slice3A_1465, %dot_general3A_1466 {dimension_numbers = #tpu.dot_dimension_numbers<[1], [0], [0], [1], [0, 0, 1, 1], [], []>, transpose_lhs_hint = false} : vector<128x128xbf16>, vector<128x64xbf16>, vector<128x64xf32> -> vector<128x64xf32>
    %convert_element_type3A_1468 = arith.truncf %exp23A_1433 : vector<128x128xf32> to vector<128x128xbf16>
    %get3A_1469 = arith.constant 0 : index
    %get3A_1470 = arith.constant 0 : index
    %get3A_1471 = arith.constant 0 : index
    %get3A_1472 = vector.load %arg6[%get3A_1469, %get3A_1470, %get3A_1471] : memref<1x128x1024xbf16, #tpu.memory_space<vmem>>, vector<1x128x1024xbf16>
    %get3A_1473 = vector.shape_cast %get3A_1472 : vector<1x128x1024xbf16> to vector<128x1024xbf16>
    %slice3A_1474 = vector.extract_strided_slice %get3A_1473 {offsets = [0, 896], sizes = [128, 64], strides = [1, 1]} : vector<128x1024xbf16> to vector<128x64xbf16>
    %dot_general3A_1475 = arith.constant dense<0.000000e+00> : vector<128x64xf32>
    %dot_general3A_1476 = tpu.matmul %convert_element_type3A_1468, %slice3A_1474, %dot_general3A_1475 {dimension_numbers = #tpu.dot_dimension_numbers<[1], [0], [0], [1], [0, 0, 1, 1], [], []>, transpose_lhs_hint = false} : vector<128x128xbf16>, vector<128x64xbf16>, vector<128x64xf32> -> vector<128x64xf32>
    %add3A_1477 = arith.addf %dot_general3A_1467, %dot_general3A_1476 : vector<128x64xf32>
    %slice3A_1478 = vector.extract_strided_slice %div3A_1440 {offsets = [0, 0], sizes = [128, 64], strides = [1, 1]} : vector<128x128xf32> to vector<128x64xf32>
    %mul3A_1479 = arith.mulf %add3A_1477, %slice3A_1478 : vector<128x64xf32>
    %mul3A_1480 = arith.constant 0.180336878 : f32
    %mul3A_1481 = vector.broadcast %mul3A_1480 : f32 to vector<128x128xf32>
    %mul3A_1482 = arith.mulf %dot_general3A_1179, %mul3A_1481 : vector<128x128xf32>
    %exp23A_1483 = math.exp2 %mul3A_1482 : vector<128x128xf32>
    %convert_element_type3A_1484 = arith.truncf %exp23A_1483 : vector<128x128xf32> to vector<128x128xbf16>
    %dot_general3A_1485 = arith.constant dense<0.000000e+00> : vector<128x128xf32>
    %dot_general3A_1486 = tpu.matmul %convert_element_type3A_1484, %get3A_11, %dot_general3A_1485 {dimension_numbers = #tpu.dot_dimension_numbers<[1], [0], [0], [1], [0, 0, 1, 1], [], []>, transpose_lhs_hint = false} : vector<128x128xbf16>, vector<128x128xbf16>, vector<128x128xf32> -> vector<128x128xf32>
    %get3A_1487 = arith.constant 14 : index
    %get3A_1488 = arith.constant 0 : index
    %get3A_1489 = arith.constant 0 : index
    %get3A_1490 = vector.load %arg8[%get3A_1487, %get3A_1488, %get3A_1489] : memref<16x128x64xbf16, #tpu.memory_space<vmem>>, vector<1x128x64xbf16>
    %get3A_1491 = vector.shape_cast %get3A_1490 : vector<1x128x64xbf16> to vector<128x64xbf16>
    %dot_general3A_1492 = arith.constant dense<0.000000e+00> : vector<128x64xf32>
    %dot_general3A_1493 = tpu.matmul %convert_element_type3A_1484, %get3A_1491, %dot_general3A_1492 {dimension_numbers = #tpu.dot_dimension_numbers<[1], [0], [0], [1], [0, 0, 1, 1], [], []>, transpose_lhs_hint = false} : vector<128x128xbf16>, vector<128x64xbf16>, vector<128x64xf32> -> vector<128x64xf32>
    %slice3A_1494 = vector.extract_strided_slice %dot_general3A_1486 {offsets = [0, 0], sizes = [128, 64], strides = [1, 1]} : vector<128x128xf32> to vector<128x64xf32>
    %div3A_1495 = arith.divf %dot_general3A_1493, %slice3A_1494 : vector<128x64xf32>
    %add3A_1496 = arith.addf %mul3A_1479, %div3A_1495 : vector<128x64xf32>
    %swap3A_1497 = arith.constant 0 : index
    %swap3A_1498 = arith.constant 896 : index
    %swap3A_1499 = vector.load %arg14[%swap3A_1497, %swap3A_1498] : memref<128x1024xf32, #tpu.memory_space<vmem>>, vector<128x64xf32>
    tpu.vector_store %arg14[%swap3A_1497, %swap3A_1498], %add3A_1496 {strides = array<i32>} : memref<128x1024xf32, #tpu.memory_space<vmem>>, vector<128x64xf32>,
    %mul3A_1500 = arith.constant 0.180336878 : f32
    %mul3A_1501 = vector.broadcast %mul3A_1500 : f32 to vector<128x128xf32>
    %mul3A_1502 = arith.mulf %dot_general3A_1262, %mul3A_1501 : vector<128x128xf32>
    %exp23A_1503 = math.exp2 %mul3A_1502 : vector<128x128xf32>
    %mul3A_1504 = arith.constant 0.180336878 : f32
    %mul3A_1505 = vector.broadcast %mul3A_1504 : f32 to vector<128x128xf32>
    %mul3A_1506 = arith.mulf %dot_general3A_1270, %mul3A_1505 : vector<128x128xf32>
    %exp23A_1507 = math.exp2 %mul3A_1506 : vector<128x128xf32>
    %add3A_1508 = arith.addf %exp23A_1503, %exp23A_1507 : vector<128x128xf32>
    %convert_element_type3A_1509 = arith.truncf %add3A_1508 : vector<128x128xf32> to vector<128x128xbf16>
    %dot_general3A_1510 = arith.constant dense<0.000000e+00> : vector<128x128xf32>
    %dot_general3A_1511 = tpu.matmul %convert_element_type3A_1509, %get3A_11, %dot_general3A_1510 {dimension_numbers = #tpu.dot_dimension_numbers<[1], [0], [0], [1], [0, 0, 1, 1], [], []>, transpose_lhs_hint = false} : vector<128x128xbf16>, vector<128x128xbf16>, vector<128x128xf32> -> vector<128x128xf32>
    %div3A_1512 = arith.constant 1.000000e+00 : f32
    %div3A_1513 = vector.broadcast %div3A_1512 : f32 to vector<128x128xf32>
    %div3A_1514 = arith.divf %div3A_1513, %dot_general3A_1511 : vector<128x128xf32>
    %mul3A_1515 = arith.mulf %exp23A_1503, %div3A_1514 : vector<128x128xf32>
    %swap3A_1516 = arith.constant 0 : index
    %swap3A_1517 = arith.constant 0 : index
    %swap3A_1518 = arith.constant 15 : index
    %swap3A_1519 = arith.constant 0 : index
    %swap3A_1520 = arith.constant 0 : index
    %swap3A_1521 = vector.load %arg12[%swap3A_1516, %swap3A_1517, %swap3A_1518, %swap3A_1519, %swap3A_1520] : memref<1x1x16x128x256xf32, #tpu.memory_space<vmem>>, vector<1x1x1x128x128xf32>
    %swap3A_1522 = vector.shape_cast %swap3A_1521 : vector<1x1x1x128x128xf32> to vector<128x128xf32>
    %swap3A_1523 = vector.shape_cast %mul3A_1515 : vector<128x128xf32> to vector<1x1x1x128x128xf32>
    tpu.vector_store %arg12[%swap3A_1516, %swap3A_1517, %swap3A_1518, %swap3A_1519, %swap3A_1520], %swap3A_1523 {strides = array<i32>} : memref<1x1x16x128x256xf32, #tpu.memory_space<vmem>>, vector<1x1x1x128x128xf32>,
    %mul3A_1524 = arith.mulf %exp23A_1507, %div3A_1514 : vector<128x128xf32>
    %swap3A_1525 = arith.constant 0 : index
    %swap3A_1526 = arith.constant 0 : index
    %swap3A_1527 = arith.constant 15 : index
    %swap3A_1528 = arith.constant 0 : index
    %swap3A_1529 = arith.constant 128 : index
    %swap3A_1530 = vector.load %arg12[%swap3A_1525, %swap3A_1526, %swap3A_1527, %swap3A_1528, %swap3A_1529] : memref<1x1x16x128x256xf32, #tpu.memory_space<vmem>>, vector<1x1x1x128x128xf32>
    %swap3A_1531 = vector.shape_cast %swap3A_1530 : vector<1x1x1x128x128xf32> to vector<128x128xf32>
    %swap3A_1532 = vector.shape_cast %mul3A_1524 : vector<128x128xf32> to vector<1x1x1x128x128xf32>
    tpu.vector_store %arg12[%swap3A_1525, %swap3A_1526, %swap3A_1527, %swap3A_1528, %swap3A_1529], %swap3A_1532 {strides = array<i32>} : memref<1x1x16x128x256xf32, #tpu.memory_space<vmem>>, vector<1x1x1x128x128xf32>,
    %convert_element_type3A_1533 = arith.truncf %exp23A_1503 : vector<128x128xf32> to vector<128x128xbf16>
    %get3A_1534 = arith.constant 0 : index
    %get3A_1535 = arith.constant 0 : index
    %get3A_1536 = arith.constant 0 : index
    %get3A_1537 = vector.load %arg5[%get3A_1534, %get3A_1535, %get3A_1536] : memref<1x128x1024xbf16, #tpu.memory_space<vmem>>, vector<1x128x1024xbf16>
    %get3A_1538 = vector.shape_cast %get3A_1537 : vector<1x128x1024xbf16> to vector<128x1024xbf16>
    %slice3A_1539 = vector.extract_strided_slice %get3A_1538 {offsets = [0, 960], sizes = [128, 64], strides = [1, 1]} : vector<128x1024xbf16> to vector<128x64xbf16>
    %dot_general3A_1540 = arith.constant dense<0.000000e+00> : vector<128x64xf32>
    %dot_general3A_1541 = tpu.matmul %convert_element_type3A_1533, %slice3A_1539, %dot_general3A_1540 {dimension_numbers = #tpu.dot_dimension_numbers<[1], [0], [0], [1], [0, 0, 1, 1], [], []>, transpose_lhs_hint = false} : vector<128x128xbf16>, vector<128x64xbf16>, vector<128x64xf32> -> vector<128x64xf32>
    %convert_element_type3A_1542 = arith.truncf %exp23A_1507 : vector<128x128xf32> to vector<128x128xbf16>
    %get3A_1543 = arith.constant 0 : index
    %get3A_1544 = arith.constant 0 : index
    %get3A_1545 = arith.constant 0 : index
    %get3A_1546 = vector.load %arg6[%get3A_1543, %get3A_1544, %get3A_1545] : memref<1x128x1024xbf16, #tpu.memory_space<vmem>>, vector<1x128x1024xbf16>
    %get3A_1547 = vector.shape_cast %get3A_1546 : vector<1x128x1024xbf16> to vector<128x1024xbf16>
    %slice3A_1548 = vector.extract_strided_slice %get3A_1547 {offsets = [0, 960], sizes = [128, 64], strides = [1, 1]} : vector<128x1024xbf16> to vector<128x64xbf16>
    %dot_general3A_1549 = arith.constant dense<0.000000e+00> : vector<128x64xf32>
    %dot_general3A_1550 = tpu.matmul %convert_element_type3A_1542, %slice3A_1548, %dot_general3A_1549 {dimension_numbers = #tpu.dot_dimension_numbers<[1], [0], [0], [1], [0, 0, 1, 1], [], []>, transpose_lhs_hint = false} : vector<128x128xbf16>, vector<128x64xbf16>, vector<128x64xf32> -> vector<128x64xf32>
    %add3A_1551 = arith.addf %dot_general3A_1541, %dot_general3A_1550 : vector<128x64xf32>
    %slice3A_1552 = vector.extract_strided_slice %div3A_1514 {offsets = [0, 0], sizes = [128, 64], strides = [1, 1]} : vector<128x128xf32> to vector<128x64xf32>
    %mul3A_1553 = arith.mulf %add3A_1551, %slice3A_1552 : vector<128x64xf32>
    %mul3A_1554 = arith.constant 0.180336878 : f32
    %mul3A_1555 = vector.broadcast %mul3A_1554 : f32 to vector<128x128xf32>
    %mul3A_1556 = arith.mulf %dot_general3A_1277, %mul3A_1555 : vector<128x128xf32>
    %exp23A_1557 = math.exp2 %mul3A_1556 : vector<128x128xf32>
    %convert_element_type3A_1558 = arith.truncf %exp23A_1557 : vector<128x128xf32> to vector<128x128xbf16>
    %dot_general3A_1559 = arith.constant dense<0.000000e+00> : vector<128x128xf32>
    %dot_general3A_1560 = tpu.matmul %convert_element_type3A_1558, %get3A_11, %dot_general3A_1559 {dimension_numbers = #tpu.dot_dimension_numbers<[1], [0], [0], [1], [0, 0, 1, 1], [], []>, transpose_lhs_hint = false} : vector<128x128xbf16>, vector<128x128xbf16>, vector<128x128xf32> -> vector<128x128xf32>
    %get3A_1561 = arith.constant 15 : index
    %get3A_1562 = arith.constant 0 : index
    %get3A_1563 = arith.constant 0 : index
    %get3A_1564 = vector.load %arg8[%get3A_1561, %get3A_1562, %get3A_1563] : memref<16x128x64xbf16, #tpu.memory_space<vmem>>, vector<1x128x64xbf16>
    %get3A_1565 = vector.shape_cast %get3A_1564 : vector<1x128x64xbf16> to vector<128x64xbf16>
    %dot_general3A_1566 = arith.constant dense<0.000000e+00> : vector<128x64xf32>
    %dot_general3A_1567 = tpu.matmul %convert_element_type3A_1558, %get3A_1565, %dot_general3A_1566 {dimension_numbers = #tpu.dot_dimension_numbers<[1], [0], [0], [1], [0, 0, 1, 1], [], []>, transpose_lhs_hint = false} : vector<128x128xbf16>, vector<128x64xbf16>, vector<128x64xf32> -> vector<128x64xf32>
    %slice3A_1568 = vector.extract_strided_slice %dot_general3A_1560 {offsets = [0, 0], sizes = [128, 64], strides = [1, 1]} : vector<128x128xf32> to vector<128x64xf32>
    %div3A_1569 = arith.divf %dot_general3A_1567, %slice3A_1568 : vector<128x64xf32>
    %add3A_1570 = arith.addf %mul3A_1553, %div3A_1569 : vector<128x64xf32>
    %swap3A_1571 = arith.constant 0 : index
    %swap3A_1572 = arith.constant 960 : index
    %swap3A_1573 = vector.load %arg14[%swap3A_1571, %swap3A_1572] : memref<128x1024xf32, #tpu.memory_space<vmem>>, vector<128x64xf32>
    tpu.vector_store %arg14[%swap3A_1571, %swap3A_1572], %add3A_1570 {strides = array<i32>} : memref<128x1024xf32, #tpu.memory_space<vmem>>, vector<128x64xf32>,
    %get3A_1574 = arith.constant 0 : index
    %get3A_1575 = arith.constant 0 : index
    %get3A_1576 = vector.load %arg14[%get3A_1574, %get3A_1575] : memref<128x1024xf32, #tpu.memory_space<vmem>>, vector<128x1024xf32>
    %convert_element_type3A_1577 = arith.truncf %get3A_1576 : vector<128x1024xf32> to vector<128x1024xbf16>
    %get3A_1578 = arith.constant 0 : index
    %get3A_1579 = arith.constant 0 : index
    %get3A_1580 = vector.load %arg10[%get3A_1578, %get3A_1579] : memref<1024x1024xbf16, #tpu.memory_space<vmem>>, vector<1024x1024xbf16>
    %dot_general3A_1581 = arith.constant dense<0.000000e+00> : vector<128x1024xf32>
    %dot_general3A_1582 = tpu.matmul %convert_element_type3A_1577, %get3A_1580, %dot_general3A_1581 {dimension_numbers = #tpu.dot_dimension_numbers<[1], [0], [0], [1], [0, 0, 1, 1], [], []>, transpose_lhs_hint = false} : vector<128x1024xbf16>, vector<1024x1024xbf16>, vector<128x1024xf32> -> vector<128x1024xf32>
    %swap3A_1583 = arith.constant 0 : index
    %swap3A_1584 = arith.constant 0 : index
    %swap3A_1585 = arith.constant 0 : index
    %swap3A_1586 = vector.load %arg13[%swap3A_1583, %swap3A_1584, %swap3A_1585] : memref<1x128x1024xf32, #tpu.memory_space<vmem>>, vector<1x128x1024xf32>
    %swap3A_1587 = vector.shape_cast %swap3A_1586 : vector<1x128x1024xf32> to vector<128x1024xf32>
    %swap3A_1588 = vector.shape_cast %dot_general3A_1582 : vector<128x1024xf32> to vector<1x128x1024xf32>
    tpu.vector_store %arg13[%swap3A_1583, %swap3A_1584, %swap3A_1585], %swap3A_1588 {strides = array<i32>} : memref<1x128x1024xf32, #tpu.memory_space<vmem>>, vector<1x128x1024xf32>,
    return
  }
  func.func @transform_0(%arg0: i32, %arg1: i32) -> (i32, i32, i32) {
    %c0_i32 = arith.constant 0 : i32
    %c0_i32_0 = arith.constant 0 : i32
    return %arg0, %arg1, %c0_i32 : i32, i32, i32
  }
  func.func @transform_1(%arg0: i32, %arg1: i32) -> (i32, i32, i32) {
    %c0_i32 = arith.constant 0 : i32
    %c0_i32_0 = arith.constant 0 : i32
    return %arg0, %arg1, %c0_i32 : i32, i32, i32
  }
  func.func @transform_2(%arg0: i32, %arg1: i32) -> (i32, i32, i32) {
    %add3A = arith.constant 1 : i32
    %add3A_0 = arith.addi %arg1, %add3A : i32
    %c0_i32 = arith.constant 0 : i32
    %c0_i32_1 = arith.constant 0 : i32
    return %arg0, %add3A_0, %c0_i32 : i32, i32, i32
  }
  func.func @transform_3(%arg0: i32, %arg1: i32) -> (i32, i32, i32) {
    %c0_i32 = arith.constant 0 : i32
    %c0_i32_0 = arith.constant 0 : i32
    return %arg0, %arg1, %c0_i32 : i32, i32, i32
  }
  func.func @transform_4(%arg0: i32, %arg1: i32) -> (i32, i32, i32) {
    %add3A = arith.constant 1 : i32
    %add3A_0 = arith.addi %arg1, %add3A : i32
    %c0_i32 = arith.constant 0 : i32
    %c0_i32_1 = arith.constant 0 : i32
    return %arg0, %add3A_0, %c0_i32 : i32, i32, i32
  }
  func.func @transform_5(%arg0: i32, %arg1: i32) -> (i32, i32, i32) {
    %c0_i32 = arith.constant 0 : i32
    %c0_i32_0 = arith.constant 0 : i32
    %c0_i32_1 = arith.constant 0 : i32
    %c0_i32_2 = arith.constant 0 : i32
    return %c0_i32, %c0_i32_0, %c0_i32_1 : i32, i32, i32
  }
  func.func @transform_6(%arg0: i32, %arg1: i32) -> (i32, i32, i32) {
    %c0_i32 = arith.constant 0 : i32
    %c0_i32_0 = arith.constant 0 : i32
    %c0_i32_1 = arith.constant 0 : i32
    %c0_i32_2 = arith.constant 0 : i32
    return %c0_i32, %c0_i32_0, %c0_i32_1 : i32, i32, i32
  }
  func.func @transform_7(%arg0: i32, %arg1: i32) -> (i32, i32) {
    %c0_i32 = arith.constant 0 : i32
    %c0_i32_0 = arith.constant 0 : i32
    %c0_i32_1 = arith.constant 0 : i32
    return %c0_i32, %c0_i32_0 : i32, i32
  }
  func.func @transform_8(%arg0: i32, %arg1: i32) -> (i32, i32) {
    %c0_i32 = arith.constant 0 : i32
    %c0_i32_0 = arith.constant 0 : i32
    %c0_i32_1 = arith.constant 0 : i32
    return %c0_i32, %c0_i32_0 : i32, i32
  }
  func.func @transform_9(%arg0: i32, %arg1: i32) -> (i32, i32) {
    %c0_i32 = arith.constant 0 : i32
    %c0_i32_0 = arith.constant 0 : i32
    %c0_i32_1 = arith.constant 0 : i32
    return %c0_i32, %c0_i32_0 : i32, i32
  }
  func.func @transform_10(%arg0: i32, %arg1: i32) -> (i32, i32, i32, i32, i32) {
    %c0_i32 = arith.constant 0 : i32
    %c0_i32_0 = arith.constant 0 : i32
    %c0_i32_1 = arith.constant 0 : i32
    %c0_i32_2 = arith.constant 0 : i32
    return %arg0, %arg1, %c0_i32, %c0_i32_0, %c0_i32_1 : i32, i32, i32, i32, i32
  }
  func.func @transform_11(%arg0: i32, %arg1: i32) -> (i32, i32, i32) {
    %c0_i32 = arith.constant 0 : i32
    %c0_i32_0 = arith.constant 0 : i32
    return %arg0, %arg1, %c0_i32 : i32, i32, i32
  }
}

</mosaic_0001>

<sc_bundles>
// kernel: kernel.6.cloned.1.call-start
scs
__scs_entry_jumppad:
0x0: {  	(pc) =	sbr.rel $0x88, $3  }
0x1: {  	(tag) =	ssettag $0x0;
	lr =	simm.s32 $0x1  }
0x2: {  	[smem:$0x3F99] =	sst lr;
	_ =	strace $0xD0000000  }
0x3: {  	_ = 	snop  }
0x4: {  	_ = 	snop  }
0x5: {  	_ = 	snop  }
0x6: {  	_ = 	snop  }
0x7: {  	_ = 	snop  }
__scs_overlays_trampoline_lowered:
0x8: {  	[smem:$0x3FA8] =	sst s0  }
0x9: {  	[smem:$0x3FA9] =	sst s1  }
0xa: {  	[smem:$0x3FAA] =	sst s2  }
0xb: {  	[smem:$0x3FAB] =	sst s3  }
0xc: {  	[smem:$0x3FAC] =	sst s4  }
0xd: {  	[smem:$0x3FAD] =	sst s5  }
0xe: {  	[smem:$0x3FAE] =	sst s6  }
0xf: {  	[smem:$0x3FAF] =	sst s7  }
0x10: {  	[smem:$0x3FB0] =	sst s8  }
0x11: {  	[smem:$0x3FB1] =	sst s9;
	s0 =	simm.s32 @!p0 $0x0  }
0x12: {  	s1 =	sld [smem:$0x3F97];
	s0 =	simm.s32 @p0 $0x1  }
0x13: {  	[smem:$0x3FB2] =	sst s0;
	s0 =	simm.s32 @!p1 $0x0  }
0x14: {  	s2 =	sld [smem:$0x3F96];
	s0 =	simm.s32 @p1 $0x1  }
0x15: {  	[smem:$0x3FB3] =	sst s0;
	s0 =	simm.s32 @!p2 $0x0  }
0x16: {  	s3 =	sld [smem:$0x3FDB];
	s0 =	simm.s32 @p2 $0x1  }
0x17: {  	s4 =	simm.s32 $0x1BF5;
	[smem:$0x3FB5] =	sst s0  }
0x18: {  	s0 =	sld [smem:$0x3F98];
	_ =	swait.ge [sflag:s4], $0x0  }
0x19: {  	s7 =	sld [smem:$0x3F99]  }
0x1a: {  	s8 =	sadd.s32 $0xFFFFE003, lr  }
0x1b: {  	s9 =	sadd.s32 $0xFFFFFEF7, lr;
	s5 =	simm.s32 $0xFFFFFFFF;
	p2 =	slt.u32 s8, $0xFFFFF086  }
0x1c: {  	p1 =	slt.u32 s9, $0xF7A;
	s5 =	simm.s32 @!p2 $0x0  }
0x1d: {  	s5 =	simm.s32 @p1 $0x1;
	p0 =	seq.s32 s7, s2  }
0x1e: {  	s7 =	smul.u32 @!p0 $0xF7A, s2;
	p2 =	seq.s32 @!p0 s5, $0x0  }
0x1f: {  	s9 =	smul.u32 $0xF7A, s1;
	s8 =	simm.s32 @!p0 $0x1BF5;
	p2 =	por !p2, p0  }
0x20: {  	[sflag:s8] =	ssyncset.s32 @!p0 $0xFFFFF086;
	s6 =	sadd.s32 @!p0 s3, s7;
	s7 =	simm.s32 @!p0 $0x108  }
0x21: {  	s3 =	sadd.s32 s3, s9;
	s6 =	sadd.s32 @!p0 $0x88, s6;
	s7 =	simm.s32 @p2 $0x1082  }
0x22: {  	[simem:s7], [sflag:s8] =	dma.local @!p0 [hbm:s6], $0xF7A  }
0x23: {  	s9 =	sor.u32 $0xD0000000, s2;
	s6 =	simm.s32 $0x108;
	_ =	swait.ge @!p0 [sflag:s8], $0x0  }
0x24: {  	s3 =	sadd.s32 $0x88, s3;
	s6 =	simm.s32 @!p1 $0x1082;
	[sflag:s4] =	ssyncset.s32 $0xFFFFF086  }
0x25: {  	[simem:s6], [sflag:s4] =	dma.local [hbm:s3], $0xF7A  }
0x26: {  	[smem:$0x3F99] =	sst s1;
	(tag) =	ssettag s2;
	_ =	strace s9  }
0x27: {  	s1 =	sld [smem:$0x3FA9]  }
0x28: {  	s2 =	sld [smem:$0x3FAA]  }
0x29: {  	s4 =	sld [smem:$0x3FAC]  }
0x2a: {  	p0 =	seq.s32 s5, $0x0;
	s5 =	sld [smem:$0x3FAD]  }
0x2b: {  	s6 =	sld [smem:$0x3FAE]  }
0x2c: {  	s7 =	sld [smem:$0x3FAF]  }
0x2d: {  	s3 =	simm.s32 $0x108;
	s8 =	sld [smem:$0x3FB0]  }
0x2e: {  	s3 =	simm.s32 @!p0 $0x1082;
	s9 =	sld [smem:$0x3FB1]  }
0x2f: {  	lr =	sadd.s32 s0, s3;
	s0 =	sld [smem:$0x3FA8]  }
0x30: {  	s3 =	sld [smem:$0x3FAB]  }
0x31: {  	[smem:$0x3FB4] =	sst s10  }
0x32: {  	s10 =	sld [smem:$0x3FB2];
	_ =	sdelay $0x3  }
0x33: {  	p0 =	seq.s32 s10, $0x1;
	s10 =	sld [smem:$0x3FB4];
	_ =	sdelay $0x3  }
0x34: {  	[smem:$0x3FB4] =	sst s10  }
0x35: {  	s10 =	sld [smem:$0x3FB3];
	_ =	sdelay $0x3  }
0x36: {  	p1 =	seq.s32 s10, $0x1;
	s10 =	sld [smem:$0x3FB4];
	_ =	sdelay $0x3  }
0x37: {  	[smem:$0x3FB4] =	sst s10  }
0x38: {  	s10 =	sld [smem:$0x3FB5]  }
0x39: {  	_ = 	snop;
	(pc) =	sbr.ind lr, $3  }
0x3a: {  	_ = 	snop  }
0x3b: {  	_ = 	snop  }
0x3c: {  	p2 =	seq.s32 s10, $0x1;
	s10 =	sld [smem:$0x3FB4]  }
0x3d: {  	_ =	shalt  }
0x3e: {  	_ =	shalt  }
0x3f: {  	_ =	shalt  }
0x40: {  	_ =	shalt  }
0x41: {  	_ =	shalt  }
0x42: {  	_ =	shalt  }
0x43: {  	_ =	shalt  }
0x44: {  	_ =	shalt  }
0x45: {  	_ =	shalt  }
0x46: {  	_ =	shalt  }
0x47: {  	_ =	shalt  }
0x48: {  	_ =	shalt  }
0x49: {  	_ =	shalt  }
0x4a: {  	_ =	shalt  }
0x4b: {  	_ =	shalt  }
0x4c: {  	_ =	shalt  }
0x4d: {  	_ =	shalt  }
0x4e: {  	_ =	shalt  }
0x4f: {  	_ =	shalt  }
0x50: {  	_ =	shalt  }
0x51: {  	_ =	shalt  }
0x52: {  	_ =	shalt  }
0x53: {  	_ =	shalt  }
0x54: {  	_ =	shalt  }
0x55: {  	_ =	shalt  }
0x56: {  	_ =	shalt  }
0x57: {  	_ =	shalt  }
0x58: {  	_ =	shalt  }
0x59: {  	_ =	shalt  }
0x5a: {  	_ =	shalt  }
0x5b: {  	_ =	shalt  }
0x5c: {  	_ =	shalt  }
0x5d: {  	_ =	shalt  }
0x5e: {  	_ =	shalt  }
0x5f: {  	_ =	shalt  }
0x60: {  	_ =	shalt  }
0x61: {  	_ =	shalt  }
0x62: {  	_ =	shalt  }
0x63: {  	_ =	shalt  }
0x64: {  	_ =	shalt  }
0x65: {  	_ =	shalt  }
0x66: {  	_ =	shalt  }
0x67: {  	_ =	shalt  }
0x68: {  	_ =	shalt  }
0x69: {  	_ =	shalt  }
0x6a: {  	_ =	shalt  }
0x6b: {  	_ =	shalt  }
0x6c: {  	_ =	shalt  }
0x6d: {  	_ =	shalt  }
0x6e: {  	_ =	shalt  }
0x6f: {  	_ =	shalt  }
0x70: {  	_ =	shalt  }
0x71: {  	_ =	shalt  }
0x72: {  	_ =	shalt  }
0x73: {  	_ =	shalt  }
0x74: {  	_ =	shalt  }
0x75: {  	_ =	shalt  }
0x76: {  	_ =	shalt  }
0x77: {  	_ =	shalt  }
0x78: {  	_ =	shalt  }
0x79: {  	_ =	shalt  }
0x7a: {  	_ =	shalt  }
0x7b: {  	_ =	shalt  }
0x7c: {  	_ =	shalt  }
0x7d: {  	_ =	shalt  }
0x7e: {  	_ =	shalt  }
0x7f: {  	_ =	shalt  }
0x80: {  	_ =	shalt  }
0x81: {  	_ =	shalt  }
0x82: {  	_ =	shalt  }
0x83: {  	_ =	shalt  }
0x84: {  	_ =	shalt  }
0x85: {  	_ =	shalt  }
0x86: {  	_ =	shalt  }
0x87: {  	_ =	shalt  }
.Lfunc_end0:
.L_simem_size_0:
called_computation.1_lowered:
.L_overlay_start_0:
0x88: {  	s2 =	sld [smem:$0x3FD9]  }
0x89: {  	s3 =	sld [smem:$0x3FFE];
	_ =	sdelay $0x1  }
0x8a: {  	s1 =	srdreg.scid  }
0x8b: {  	s0 =	sand.u32 $0x1, s1  }
0x8c: {  	s14 =	sshll.u32 s0, $0xA;
	s2 =	sadd.s32 s3, s2  }
0x8d: {  	s2 =	sadd.s32 s2, s14  }
0x8e: {  	[smem:$0x3FC0] =	sst s2  }
0x8f: {  	_ = 	snop  }
0x90: {  	s2 =	sld [smem:$0x3FD0];
	_ =	sdelay $0x2  }
0x91: {  	s4 =	simm.s32 $0xA;
	s5 =	simm.s32 $0x10;
	s15 =	sld [smem:$0x3FC9]  }
0x92: {  	[smem:s5], [sflag:s4] =	dma.local [hbm:s2], $0x1  }
0x93: {  	_ =	swait.eq [sflag:s4], $0x1  }
0x94: {  	[sflag:s4] =	ssyncset.done $0x0  }
0x95: {  	[sflag:s4] =	ssyncadd.s32 $0xFFFFFFFF  }
0x96: {  	s16 =	sld [smem:$0x10];
	(tm) =	ssettm $0x1  }
0x97: {  	s17 =	sld [smem:$0x3FFB];
	_ =	sdelay $0x3  }
0x98: {  	_ =	strace s17  }
0x99: {  	s4 =	sld [smem:$0x3FFC];
	_ =	sdelay $0x3  }
0x9a: {  	_ =	strace s4  }
0x9b: {  	s4 =	sld [smem:$0x3FFD];
	_ =	sdelay $0x3  }
0x9c: {  	_ =	strace s4  }
0x9d: {  	_ =	strace $0x8FFFFFFF  }
0x9e: {  	s18 =	sld [smem:$0x3FDB];
	_ =	sdelay $0x1  }
0x9f: {  	s19 =	simm.s32 $_scs_section_size  }
0xa0: {  	s6 =	simm.s32 $_size__tile_overlayer_lowered;
	s7 =	simm.s32 $_tile_overlayer_lowered  }
0xa1: {  	s22 =	simm.s32 $0x1BFF;
	s21 =	sshll.u32 s7, $0x1;
	s4 =	sadd.s32 s19, s18  }
0xa2: {  	s8 =	simm.s32 $0x0;
	s20 =	sshll.u32 s6, $0x1;
	s6 =	sadd.s32 s21, s4  }
0xa3: {  	[timem:s8], [sflag:s22] =	dma.local [hbm:s6], s20  }
0xa4: {  	_ =	swait.ge [sflag:s22], s20  }
0xa5: {  	s5 =	ssub.s32 $0x0, s20;
	[sflag:s22] =	ssyncset.done $0x0  }
0xa6: {  	[sflag:s22] =	ssyncadd.s32 s5;
	_ =	sdelay $0x1  }
0xa7: {  	s23 =	simm.s32 $0x1B8B  }
0xa8: {  	_ =	swait.ge [sflag:s23], $0x1  }
0xa9: {  	[sflag:s23] =	ssyncset.done $0x0  }
0xaa: {  	s25 =	simm.s32 $0x1B8E;
	s24 =	sld [smem:$0x3FFE];
	[sflag:s23] =	ssyncadd.s32 $0xFFFFFFFF  }
0xab: {  	s26 =	simm.s32 $execute0_lowered;
	[smem:$0x3FD2] =	sst s25  }
0xac: {  	s6 =	sshll.u32 s26, $0x1;
	_ =	strace $0x80000046;
	[dreg:$0x1] =	wrdreg $0xFFFFFFFF  }
0xad: {  	s28 =	simm.s32 $_size_execute0_lowered;
	s4 =	sadd.s32 s4, s6;
	[dreg:$0x0] =	wrdreg $0x0  }
0xae: {  	s6 =	sshll.u32 s28, $0x1;
	[dreg:$0x2] =	wrdreg s4  }
0xaf: {  	[dreg:$0x3] =	wrdreg s6  }
0xb0: {  	[dreg:$0x4] =	wrdreg $0xC0  }
0xb1: {  	_ =	task [dreg:s8], $0x5FFFF  }
0xb2: {  	[dreg:$0x1] =	wrdreg $0xFFFFFFFF  }
0xb3: {  	[dreg:$0x0] =	wrdreg $0x60  }
0xb4: {  	[dreg:$0x2] =	wrdreg s15  }
0xb5: {  	[dreg:$0x3] =	wrdreg s16  }
0xb6: {  	[dreg:$0x4] =	wrdreg s24  }
0xb7: {  	[dreg:$0x5] =	wrdreg $0x9  }
0xb8: {  	_ =	task.clear_ibuf [dreg:s8], $0x6FFFF;
	_ =	strace $0x90000046  }
0xb9: {  	s29 =	simm.s32 $0x9;
	_ =	strace $0x80000048  }
0xba: {  	_ =	swait.ge [sflag:s29], $0x1  }
0xbb: {  	[sflag:s29] =	ssyncadd.s32 $0xFFFFFFFF  }
0xbc: {  	_ =	strace $0x90000048  }
0xbd: {  	_ =	sfence  }
0xbe: {  	s30 =	sld [smem:$0x0];
	_ =	sdelay $0x2  }
0xbf: {  	s31 =	sshll.u32 s1, $0xD;
	s1 =	sshrl.u32 s1, $0x2  }
0xc0: {  	s3 =	sand.u32 $0x4000, s31;
	s1 =	sadd.s32 s1, s30  }
0xc1: {  	s0 =	sor.u32 s3, s0;
	s1 =	sshll.u32 s1, $0x11  }
0xc2: {  	s0 =	sor.u32 s1, s0  }
0xc3: {  	s0 =	sadd.s32 $0x8F2B, s0  }
0xc4: {  	[sflag:s0] =	ssyncadd.remote.s32 $0x1  }
0xc5: {  	_ =	sfence.sel $0xFFFF  }
0xc6: {  	[dreg:$0x0] =	wrdreg $0xFFFFFFFF;
	(pc) =	sbr.abs _section_cstart, $3  }
0xc7: {  	[dreg:$0x1] =	wrdreg $0xFFFFFFFF  }
0xc8: {  	_ =	task.clear_ibuf [dreg:s8], $0x2FFFF;
	_ =	strace $0x9FFFFFFF  }
0xc9: {  	(tm) =	ssettm $0x7FFFFFFF  }
tec
execute0_lowered:
.L_overlay_start_1:
0x0: {  	(tag) =	ssettag $0x1  }
0x1: {  	s1 =	rddreg [dreg:$0x0]  }
0x2: {  	s0 =	srdreg.scid;
	s3 =	stileid.u32  }
0x3: {  	s2 =	rddreg [dreg:$0x1];
	s0 =	sand.u32 $0x1, s0;
	s3 =	sshll.u32 s3, $0x1  }
0x4: {  	s4 =	rddreg [dreg:$0x2];
	s8 =	simm.s32 $0x4;
	s5 =	sor.u32 s0, s3  }
0x5: {  	s17 =	simm.s32 $0x180;
	s11 =	simm.s32 $0x1;
	s6 =	smul.u32 $0x21, s5  }
0x6: {  	s12 =	simm.s32 $0x2;
	s3 =	simm.s32 $0x0;
	s7 =	smul.u32 $0x42000, s5  }
0x7: {  	s4 =	sadd.s32 $0x1400, s4;
	[smem:$0x7FF] =	sst s3;
	s5 =	smul.u32 $0x8400, s5  }
0x8: {  	_ =	strace $0x80000047;
	s2 =	sadd.s32 s2, s6;
	s18 =	sshrl.u32 s7, $0x3  }
0x9: {  	s19 =	sadd.s32 s4, s5;
	[dreg:$0x4] =	wrdreg s2;
	s7 =	sadd.s32 s4, s18  }
0xa: {  	s13 =	simm.s32 $0x3;
	[dreg:$0x5] =	wrdreg s19;
	s20 =	sadd.s32 $0xC00, s7  }
0xb: {  	s0 =	ssub.s32 $0x2, s0;
	s21 =	sadd.s32 $0x1800, s7;
	[dreg:$0x6] =	wrdreg s20  }
0xc: {  	s25 =	sshrl.u32 s0, $0x1;
	s22 =	sadd.s32 $0x2400, s7;
	[dreg:$0x7] =	wrdreg s21  }
0xd: {  	s0 =	ssub.s32 s0, s25;
	s23 =	sadd.s32 $0x3000, s7;
	[dreg:$0x8] =	wrdreg s22  }
0xe: {  	s5 =	sadd.s32 $0x200, s1;
	s24 =	sadd.s32 $0x3C00, s7;
	[dreg:$0x9] =	wrdreg s23  }
0xf: {  	s6 =	sadd.s32 $0x300, s1;
	s26 =	sadd.s32 $0x4800, s7;
	[dreg:$0xa] =	wrdreg s24  }
0x10: {  	s4 =	sadd.s32 $0x100, s1;
	s28 =	sadd.s32 $0x5400, s7;
	[dreg:$0xb] =	wrdreg s26  }
0x11: {  	s18 =	simm.s32 $0xF180;
	s29 =	sadd.s32 $0x6000, s7;
	[dreg:$0xc] =	wrdreg s28  }
0x12: {  	s19 =	simm.s32 $0xF980;
	s30 =	sadd.s32 $0x6C00, s7;
	[dreg:$0xd] =	wrdreg s29  }
0x13: {  	v2 =	vlaneseq.u32;
	s31 =	sadd.s32 $0x7800, s7;
	s7 =	smax.u32 s0, $0x1;
	[dreg:$0xe] =	wrdreg s30  }
0x14: {  	vm0 =	vmmov $0xffff;
	v1 =	vshrl.u32 v2, $0x3;
	[dreg:$0xf] =	wrdreg s31;
	s21 =	simm.s32 $0x6180;
	s20 =	simm.s32 $0x10180  }
0x15: {  	v0 =	vand.u32 $0x7, v2;
	v2 =	vor.u32 $0x8, v2;
	v1 =	vmul.u32 $0x8, v1;
	s22 =	simm.s32 $0x10980;
	s23 =	simm.s32 $0x11180;
	s24 =	simm.s32 $0x11980  }
.LBB2_1:
0x16: {  	s14 =	rddreg [dreg:$0x4]  }
0x17: {  	[tilespmem:s3], [sflag:$0x4] =	stream.linear.gather [hbm4b:s14+s3], $0x108, $0x38;
	[tilespmem:$0x12180] =	vst v63  }
0x18: {  	_ =	swait.ge [sflag:s8], $0x108  }
0x19: {  	[sflag:s8] =	ssyncset.done $0x0  }
0x1a: {  	[sflag:s8] =	ssyncadd.s32 $0xFFFFFEF8  }
0x1b: {  	v3 =	vld [tilespmem:$0x0];
	_ =	sdelay $0x4  }
0x1c: {  	v4 =	vshll.u32 v3, $0x3  }
0x1d: {  	v3 =	vand.u32 $0x7, v3;
	v4 =	vand.u32 $0xFFFFFFC0, v4  }
0x1e: {  	v3 =	vor.u32 v3, v4  }
0x1f: {  	v4 =	vperm.xlane v3, v0;
	_ =	sdelay $0x1  }
0x20: {  	v4 =	vadd.s32 v1, v4;
	_ =	sdelay $0x4  }
0x21: {  	[tilespmem:s17], [sflag:$0x1] =	stream.indirect_vreg.gather [hbm4b:s1+s3], $0x80, v4, vm0, $0xb8;
	[tilespmem:$0x12180] =	vst v63  }
0x22: {  	s0 =	simm.s32 $0x980;
	v3 =	vperm.xlane v3, v2  }
0x23: {  	[tilespmem:s0], [sflag:$0x1] =	stream.indirect_vreg.gather [hbm4b:s4+s3], $0x80, v4, vm0, $0xb8;
	[tilespmem:$0x12180] =	vst v63  }
0x24: {  	s26 =	simm.s32 $0x1180;
	v3 =	vadd.s32 v1, v3  }
0x25: {  	[tilespmem:s26], [sflag:$0x1] =	stream.indirect_vreg.gather [hbm4b:s5+s3], $0x80, v4, vm0, $0xb8;
	[tilespmem:$0x12180] =	vst v63  }
0x26: {  	s28 =	simm.s32 $0x1980  }
0x27: {  	[tilespmem:s28], [sflag:$0x1] =	stream.indirect_vreg.gather [hbm4b:s6+s3], $0x80, v4, vm0, $0xb8;
	[tilespmem:$0x12180] =	vst v63  }
0x28: {  	s29 =	simm.s32 $0x2180  }
0x29: {  	[tilespmem:s29], [sflag:$0x1] =	stream.indirect_vreg.gather [hbm4b:s1+s3], $0x80, v3, vm0, $0xb8;
	[tilespmem:$0x12180] =	vst v63  }
0x2a: {  	s30 =	simm.s32 $0x2980  }
0x2b: {  	[tilespmem:s30], [sflag:$0x1] =	stream.indirect_vreg.gather [hbm4b:s4+s3], $0x80, v3, vm0, $0xb8;
	[tilespmem:$0x12180] =	vst v63  }
0x2c: {  	s31 =	simm.s32 $0x3180  }
0x2d: {  	[tilespmem:s31], [sflag:$0x1] =	stream.indirect_vreg.gather [hbm4b:s5+s3], $0x80, v3, vm0, $0xb8;
	[tilespmem:$0x12180] =	vst v63  }
0x2e: {  	s2 =	simm.s32 $0x3980  }
0x2f: {  	[tilespmem:s2], [sflag:$0x1] =	stream.indirect_vreg.gather [hbm4b:s6+s3], $0x80, v3, vm0, $0xb8;
	[tilespmem:$0x12180] =	vst v63  }
0x30: {  	v3 =	vld.msk [tilespmem:$0x10], $0xff;
	_ =	sdelay $0x4  }
0x31: {  	v43 =	vshll.u32 v3, $0x3  }
0x32: {  	v3 =	vand.u32 $0x7, v3;
	v4 =	vand.u32 $0xFFFFFFC0, v43  }
0x33: {  	v3 =	vor.u32 v3, v4  }
0x34: {  	v3 =	vperm.xlane v3, v0;
	_ =	sdelay $0x1  }
0x35: {  	v3 =	vadd.s32 v1, v3;
	_ =	sdelay $0x3  }
0x36: {  	s14 =	simm.s32 $0x4180  }
0x37: {  	[tilespmem:s14], [sflag:$0x1] =	stream.indirect_vreg.gather [hbm4b:s1+s3], $0x80, v3, vm0, $0xb8;
	[tilespmem:$0x12180] =	vst v63  }
0x38: {  	s16 =	simm.s32 $0x4980  }
0x39: {  	[tilespmem:s16], [sflag:$0x1] =	stream.indirect_vreg.gather [hbm4b:s4+s3], $0x80, v3, vm0, $0xb8;
	[tilespmem:$0x12180] =	vst v63  }
0x3a: {  	s30 =	simm.s32 $0x5180  }
0x3b: {  	[tilespmem:s30], [sflag:$0x1] =	stream.indirect_vreg.gather [hbm4b:s5+s3], $0x80, v3, vm0, $0xb8;
	[tilespmem:$0x12180] =	vst v63  }
0x3c: {  	s2 =	simm.s32 $0x5980  }
0x3d: {  	[tilespmem:s2], [sflag:$0x1] =	stream.indirect_vreg.gather [hbm4b:s6+s3], $0x80, v3, vm0, $0xb8;
	[tilespmem:$0x12180] =	vst v63  }
0x3e: {  	v3 =	vld [tilespmem:$0x18];
	_ =	sdelay $0x4  }
0x3f: {  	v44 =	vshll.u32 v3, $0x3  }
0x40: {  	v3 =	vand.u32 $0x7, v3;
	v4 =	vand.u32 $0xFFFFFFC0, v44  }
0x41: {  	v3 =	vor.u32 v3, v4  }
0x42: {  	v4 =	vperm.xlane v3, v0;
	_ =	sdelay $0x1  }
0x43: {  	v4 =	vadd.s32 v1, v4;
	_ =	sdelay $0x4  }
0x44: {  	[tilespmem:s21], [sflag:$0x2] =	stream.indirect_vreg.gather [hbm4b:s1+s3], $0x80, v4, vm0, $0xb8;
	[tilespmem:$0x12180] =	vst v63  }
0x45: {  	s14 =	simm.s32 $0x6980;
	v3 =	vperm.xlane v3, v2  }
0x46: {  	[tilespmem:s14], [sflag:$0x2] =	stream.indirect_vreg.gather [hbm4b:s4+s3], $0x80, v4, vm0, $0xb8;
	[tilespmem:$0x12180] =	vst v63  }
0x47: {  	s16 =	simm.s32 $0x7180;
	v3 =	vadd.s32 v1, v3  }
0x48: {  	[tilespmem:s16], [sflag:$0x2] =	stream.indirect_vreg.gather [hbm4b:s5+s3], $0x80, v4, vm0, $0xb8;
	[tilespmem:$0x12180] =	vst v63  }
0x49: {  	s30 =	simm.s32 $0x7980  }
0x4a: {  	[tilespmem:s30], [sflag:$0x2] =	stream.indirect_vreg.gather [hbm4b:s6+s3], $0x80, v4, vm0, $0xb8;
	[tilespmem:$0x12180] =	vst v63  }
0x4b: {  	s14 =	simm.s32 $0x8180  }
0x4c: {  	[tilespmem:s14], [sflag:$0x2] =	stream.indirect_vreg.gather [hbm4b:s1+s3], $0x80, v3, vm0, $0xb8;
	[tilespmem:$0x12180] =	vst v63  }
0x4d: {  	s16 =	simm.s32 $0x8980  }
0x4e: {  	[tilespmem:s16], [sflag:$0x2] =	stream.indirect_vreg.gather [hbm4b:s4+s3], $0x80, v3, vm0, $0xb8;
	[tilespmem:$0x12180] =	vst v63  }
0x4f: {  	s30 =	simm.s32 $0x9180  }
0x50: {  	[tilespmem:s30], [sflag:$0x2] =	stream.indirect_vreg.gather [hbm4b:s5+s3], $0x80, v3, vm0, $0xb8;
	[tilespmem:$0x12180] =	vst v63  }
0x51: {  	s14 =	simm.s32 $0x9980  }
0x52: {  	[tilespmem:s14], [sflag:$0x2] =	stream.indirect_vreg.gather [hbm4b:s6+s3], $0x80, v3, vm0, $0xb8;
	[tilespmem:$0x12180] =	vst v63  }
0x53: {  	v3 =	vld.msk [tilespmem:$0x28], $0xff;
	_ =	sdelay $0x4  }
0x54: {  	v45 =	vshll.u32 v3, $0x3  }
0x55: {  	v3 =	vand.u32 $0x7, v3;
	v4 =	vand.u32 $0xFFFFFFC0, v45  }
0x56: {  	v3 =	vor.u32 v3, v4  }
0x57: {  	v3 =	vperm.xlane v3, v0;
	_ =	sdelay $0x1  }
0x58: {  	v3 =	vadd.s32 v1, v3;
	_ =	sdelay $0x3  }
0x59: {  	s16 =	simm.s32 $0xA180  }
0x5a: {  	[tilespmem:s16], [sflag:$0x2] =	stream.indirect_vreg.gather [hbm4b:s1+s3], $0x80, v3, vm0, $0xb8;
	[tilespmem:$0x12180] =	vst v63  }
0x5b: {  	s14 =	simm.s32 $0xA980  }
0x5c: {  	[tilespmem:s14], [sflag:$0x2] =	stream.indirect_vreg.gather [hbm4b:s4+s3], $0x80, v3, vm0, $0xb8;
	[tilespmem:$0x12180] =	vst v63  }
0x5d: {  	s16 =	simm.s32 $0xB180  }
0x5e: {  	[tilespmem:s16], [sflag:$0x2] =	stream.indirect_vreg.gather [hbm4b:s5+s3], $0x80, v3, vm0, $0xb8;
	[tilespmem:$0x12180] =	vst v63  }
0x5f: {  	s14 =	simm.s32 $0xB980  }
0x60: {  	[tilespmem:s14], [sflag:$0x2] =	stream.indirect_vreg.gather [hbm4b:s6+s3], $0x80, v3, vm0, $0xb8;
	[tilespmem:$0x12180] =	vst v63  }
0x61: {  	v3 =	vld [tilespmem:$0x30];
	_ =	sdelay $0x4  }
0x62: {  	v46 =	vshll.u32 v3, $0x3  }
0x63: {  	v3 =	vand.u32 $0x7, v3;
	v4 =	vand.u32 $0xFFFFFFC0, v46  }
0x64: {  	v3 =	vor.u32 v3, v4  }
0x65: {  	v4 =	vperm.xlane v3, v0;
	_ =	sdelay $0x1  }
0x66: {  	v4 =	vadd.s32 v1, v4;
	_ =	sdelay $0x3  }
0x67: {  	s0 =	simm.s32 $0xC180  }
0x68: {  	[tilespmem:s0], [sflag:$0x3] =	stream.indirect_vreg.gather [hbm4b:s1+s3], $0x80, v4, vm0, $0xb8;
	[tilespmem:$0x12180] =	vst v63  }
0x69: {  	s16 =	simm.s32 $0xC980;
	v3 =	vperm.xlane v3, v2  }
0x6a: {  	[tilespmem:s16], [sflag:$0x3] =	stream.indirect_vreg.gather [hbm4b:s4+s3], $0x80, v4, vm0, $0xb8;
	[tilespmem:$0x12180] =	vst v63  }
0x6b: {  	v3 =	vadd.s32 v1, v3;
	s16 =	simm.s32 $0xD180  }
0x6c: {  	[tilespmem:s16], [sflag:$0x3] =	stream.indirect_vreg.gather [hbm4b:s5+s3], $0x80, v4, vm0, $0xb8;
	[tilespmem:$0x12180] =	vst v63  }
0x6d: {  	s16 =	simm.s32 $0xD980  }
0x6e: {  	[tilespmem:s16], [sflag:$0x3] =	stream.indirect_vreg.gather [hbm4b:s6+s3], $0x80, v4, vm0, $0xb8;
	[tilespmem:$0x12180] =	vst v63  }
0x6f: {  	s16 =	simm.s32 $0xE180  }
0x70: {  	[tilespmem:s16], [sflag:$0x3] =	stream.indirect_vreg.gather [hbm4b:s1+s3], $0x80, v3, vm0, $0xb8;
	[tilespmem:$0x12180] =	vst v63  }
0x71: {  	s16 =	simm.s32 $0xE980  }
0x72: {  	[tilespmem:s16], [sflag:$0x3] =	stream.indirect_vreg.gather [hbm4b:s4+s3], $0x80, v3, vm0, $0xb8;
	[tilespmem:$0x12180] =	vst v63  }
0x73: {  	_ = 	snop  }
0x74: {  	[tilespmem:s18], [sflag:$0x3] =	stream.indirect_vreg.gather [hbm4b:s5+s3], $0x80, v3, vm0, $0xb8;
	[tilespmem:$0x12180] =	vst v63  }
0x75: {  	_ = 	snop  }
0x76: {  	[tilespmem:s19], [sflag:$0x3] =	stream.indirect_vreg.gather [hbm4b:s6+s3], $0x80, v3, vm0, $0xb8;
	[tilespmem:$0x12180] =	vst v63  }
0x77: {  	v3 =	vld.msk [tilespmem:$0x40], $0xff;
	_ =	sdelay $0x4  }
0x78: {  	v47 =	vshll.u32 v3, $0x3  }
0x79: {  	v3 =	vand.u32 $0x7, v3;
	v4 =	vand.u32 $0xFFFFFFC0, v47  }
0x7a: {  	v3 =	vor.u32 v3, v4  }
0x7b: {  	v3 =	vperm.xlane v3, v0;
	_ =	sdelay $0x1  }
0x7c: {  	v3 =	vadd.s32 v1, v3;
	_ =	sdelay $0x4  }
0x7d: {  	[tilespmem:s20], [sflag:$0x3] =	stream.indirect_vreg.gather [hbm4b:s1+s3], $0x80, v3, vm0, $0xb8;
	[tilespmem:$0x12180] =	vst v63  }
0x7e: {  	_ = 	snop  }
0x7f: {  	[tilespmem:s22], [sflag:$0x3] =	stream.indirect_vreg.gather [hbm4b:s4+s3], $0x80, v3, vm0, $0xb8;
	[tilespmem:$0x12180] =	vst v63  }
0x80: {  	_ = 	snop  }
0x81: {  	[tilespmem:s23], [sflag:$0x3] =	stream.indirect_vreg.gather [hbm4b:s5+s3], $0x80, v3, vm0, $0xb8;
	[tilespmem:$0x12180] =	vst v63  }
0x82: {  	_ = 	snop  }
0x83: {  	[tilespmem:s24], [sflag:$0x3] =	stream.indirect_vreg.gather [hbm4b:s6+s3], $0x80, v3, vm0, $0xb8;
	[tilespmem:$0x12180] =	vst v63  }
0x84: {  	_ =	swait.ge [sflag:s11], $0x6000  }
0x85: {  	[sflag:s11] =	ssyncset.done $0x0  }
0x86: {  	s16 =	rddreg [dreg:$0x5];
	[sflag:s11] =	ssyncadd.s32 $0xFFFFA000  }
0x87: {  	[hbm4b:s16+s3] =	stream.linear.scatter [tilespmem:s17], [sflag:$0x4], $0x6000, $0x38;
	[tilespmem:$0x12180] =	vst v63  }
0x88: {  	_ =	swait.ge [sflag:s8], $0x6000  }
0x89: {  	[sflag:s8] =	ssyncset.done $0x0  }
0x8a: {  	[sflag:s8] =	ssyncadd.s32 $0xFFFFA000  }
0x8b: {  	v3 =	vld [tilespmem:$0x48];
	_ =	sdelay $0x4  }
0x8c: {  	v48 =	vshll.u32 v3, $0x3  }
0x8d: {  	v3 =	vand.u32 $0x7, v3;
	v4 =	vand.u32 $0xFFFFFFC0, v48  }
0x8e: {  	v3 =	vor.u32 v3, v4  }
0x8f: {  	v4 =	vperm.xlane v3, v0;
	_ =	sdelay $0x1  }
0x90: {  	v4 =	vadd.s32 v1, v4;
	_ =	sdelay $0x4  }
0x91: {  	[tilespmem:s17], [sflag:$0x1] =	stream.indirect_vreg.gather [hbm4b:s1+s3], $0x80, v4, vm0, $0xb8;
	[tilespmem:$0x12180] =	vst v63  }
0x92: {  	s10 =	simm.s32 $0x980;
	v3 =	vperm.xlane v3, v2  }
0x93: {  	[tilespmem:s10], [sflag:$0x1] =	stream.indirect_vreg.gather [hbm4b:s4+s3], $0x80, v4, vm0, $0xb8;
	[tilespmem:$0x12180] =	vst v63  }
0x94: {  	s9 =	simm.s32 $0x1180;
	v3 =	vadd.s32 v1, v3  }
0x95: {  	[tilespmem:s9], [sflag:$0x1] =	stream.indirect_vreg.gather [hbm4b:s5+s3], $0x80, v4, vm0, $0xb8;
	[tilespmem:$0x12180] =	vst v63  }
0x96: {  	s25 =	simm.s32 $0x1980  }
0x97: {  	[tilespmem:s25], [sflag:$0x1] =	stream.indirect_vreg.gather [hbm4b:s6+s3], $0x80, v4, vm0, $0xb8;
	[tilespmem:$0x12180] =	vst v63  }
0x98: {  	s26 =	simm.s32 $0x2180  }
0x99: {  	[tilespmem:s26], [sflag:$0x1] =	stream.indirect_vreg.gather [hbm4b:s1+s3], $0x80, v3, vm0, $0xb8;
	[tilespmem:$0x12180] =	vst v63  }
0x9a: {  	s28 =	simm.s32 $0x2980  }
0x9b: {  	[tilespmem:s28], [sflag:$0x1] =	stream.indirect_vreg.gather [hbm4b:s4+s3], $0x80, v3, vm0, $0xb8;
	[tilespmem:$0x12180] =	vst v63  }
0x9c: {  	s29 =	simm.s32 $0x3180  }
0x9d: {  	[tilespmem:s29], [sflag:$0x1] =	stream.indirect_vreg.gather [hbm4b:s5+s3], $0x80, v3, vm0, $0xb8;
	[tilespmem:$0x12180] =	vst v63  }
0x9e: {  	s15 =	simm.s32 $0x3980  }
0x9f: {  	[tilespmem:s15], [sflag:$0x1] =	stream.indirect_vreg.gather [hbm4b:s6+s3], $0x80, v3, vm0, $0xb8;
	[tilespmem:$0x12180] =	vst v63  }
0xa0: {  	v3 =	vld.msk [tilespmem:$0x58], $0xff;
	_ =	sdelay $0x4  }
0xa1: {  	v49 =	vshll.u32 v3, $0x3  }
0xa2: {  	v3 =	vand.u32 $0x7, v3;
	v4 =	vand.u32 $0xFFFFFFC0, v49  }
0xa3: {  	v3 =	vor.u32 v3, v4  }
0xa4: {  	v3 =	vperm.xlane v3, v0;
	_ =	sdelay $0x1  }
0xa5: {  	v3 =	vadd.s32 v1, v3;
	_ =	sdelay $0x3  }
0xa6: {  	s31 =	simm.s32 $0x4180  }
0xa7: {  	[tilespmem:s31], [sflag:$0x1] =	stream.indirect_vreg.gather [hbm4b:s1+s3], $0x80, v3, vm0, $0xb8;
	[tilespmem:$0x12180] =	vst v63  }
0xa8: {  	s10 =	simm.s32 $0x4980  }
0xa9: {  	[tilespmem:s10], [sflag:$0x1] =	stream.indirect_vreg.gather [hbm4b:s4+s3], $0x80, v3, vm0, $0xb8;
	[tilespmem:$0x12180] =	vst v63  }
0xaa: {  	s15 =	simm.s32 $0x5180  }
0xab: {  	[tilespmem:s15], [sflag:$0x1] =	stream.indirect_vreg.gather [hbm4b:s5+s3], $0x80, v3, vm0, $0xb8;
	[tilespmem:$0x12180] =	vst v63  }
0xac: {  	s16 =	simm.s32 $0x5980  }
0xad: {  	[tilespmem:s16], [sflag:$0x1] =	stream.indirect_vreg.gather [hbm4b:s6+s3], $0x80, v3, vm0, $0xb8;
	[tilespmem:$0x12180] =	vst v63  }
0xae: {  	_ =	swait.ge [sflag:s12], $0x6000  }
0xaf: {  	[sflag:s12] =	ssyncset.done $0x0  }
0xb0: {  	s9 =	rddreg [dreg:$0x6];
	[sflag:s12] =	ssyncadd.s32 $0xFFFFA000  }
0xb1: {  	[hbm4b:s9+s3] =	stream.linear.scatter [tilespmem:s21], [sflag:$0x4], $0x6000, $0x38;
	[tilespmem:$0x12180] =	vst v63  }
0xb2: {  	_ =	swait.ge [sflag:s8], $0x6000  }
0xb3: {  	[sflag:s8] =	ssyncset.done $0x0  }
0xb4: {  	[sflag:s8] =	ssyncadd.s32 $0xFFFFA000  }
0xb5: {  	v3 =	vld [tilespmem:$0x60];
	_ =	sdelay $0x4  }
0xb6: {  	v50 =	vshll.u32 v3, $0x3  }
0xb7: {  	v3 =	vand.u32 $0x7, v3;
	v4 =	vand.u32 $0xFFFFFFC0, v50  }
0xb8: {  	v3 =	vor.u32 v3, v4  }
0xb9: {  	v4 =	vperm.xlane v3, v0;
	_ =	sdelay $0x1  }
0xba: {  	v4 =	vadd.s32 v1, v4;
	_ =	sdelay $0x4  }
0xbb: {  	[tilespmem:s21], [sflag:$0x2] =	stream.indirect_vreg.gather [hbm4b:s1+s3], $0x80, v4, vm0, $0xb8;
	[tilespmem:$0x12180] =	vst v63  }
0xbc: {  	s2 =	simm.s32 $0x6980;
	v3 =	vperm.xlane v3, v2  }
0xbd: {  	[tilespmem:s2], [sflag:$0x2] =	stream.indirect_vreg.gather [hbm4b:s4+s3], $0x80, v4, vm0, $0xb8;
	[tilespmem:$0x12180] =	vst v63  }
0xbe: {  	s9 =	simm.s32 $0x7180;
	v3 =	vadd.s32 v1, v3  }
0xbf: {  	[tilespmem:s9], [sflag:$0x2] =	stream.indirect_vreg.gather [hbm4b:s5+s3], $0x80, v4, vm0, $0xb8;
	[tilespmem:$0x12180] =	vst v63  }
0xc0: {  	s25 =	simm.s32 $0x7980  }
0xc1: {  	[tilespmem:s25], [sflag:$0x2] =	stream.indirect_vreg.gather [hbm4b:s6+s3], $0x80, v4, vm0, $0xb8;
	[tilespmem:$0x12180] =	vst v63  }
0xc2: {  	s26 =	simm.s32 $0x8180  }
0xc3: {  	[tilespmem:s26], [sflag:$0x2] =	stream.indirect_vreg.gather [hbm4b:s1+s3], $0x80, v3, vm0, $0xb8;
	[tilespmem:$0x12180] =	vst v63  }
0xc4: {  	s28 =	simm.s32 $0x8980  }
0xc5: {  	[tilespmem:s28], [sflag:$0x2] =	stream.indirect_vreg.gather [hbm4b:s4+s3], $0x80, v3, vm0, $0xb8;
	[tilespmem:$0x12180] =	vst v63  }
0xc6: {  	s29 =	simm.s32 $0x9180  }
0xc7: {  	[tilespmem:s29], [sflag:$0x2] =	stream.indirect_vreg.gather [hbm4b:s5+s3], $0x80, v3, vm0, $0xb8;
	[tilespmem:$0x12180] =	vst v63  }
0xc8: {  	s30 =	simm.s32 $0x9980  }
0xc9: {  	[tilespmem:s30], [sflag:$0x2] =	stream.indirect_vreg.gather [hbm4b:s6+s3], $0x80, v3, vm0, $0xb8;
	[tilespmem:$0x12180] =	vst v63  }
0xca: {  	v3 =	vld.msk [tilespmem:$0x70], $0xff;
	_ =	sdelay $0x4  }
0xcb: {  	v51 =	vshll.u32 v3, $0x3  }
0xcc: {  	v3 =	vand.u32 $0x7, v3;
	v4 =	vand.u32 $0xFFFFFFC0, v51  }
0xcd: {  	v3 =	vor.u32 v3, v4  }
0xce: {  	v3 =	vperm.xlane v3, v0;
	_ =	sdelay $0x1  }
0xcf: {  	v3 =	vadd.s32 v1, v3;
	_ =	sdelay $0x3  }
0xd0: {  	s30 =	simm.s32 $0xA180  }
0xd1: {  	[tilespmem:s30], [sflag:$0x2] =	stream.indirect_vreg.gather [hbm4b:s1+s3], $0x80, v3, vm0, $0xb8;
	[tilespmem:$0x12180] =	vst v63  }
0xd2: {  	s31 =	simm.s32 $0xA980  }
0xd3: {  	[tilespmem:s31], [sflag:$0x2] =	stream.indirect_vreg.gather [hbm4b:s4+s3], $0x80, v3, vm0, $0xb8;
	[tilespmem:$0x12180] =	vst v63  }
0xd4: {  	s2 =	simm.s32 $0xB180  }
0xd5: {  	[tilespmem:s2], [sflag:$0x2] =	stream.indirect_vreg.gather [hbm4b:s5+s3], $0x80, v3, vm0, $0xb8;
	[tilespmem:$0x12180] =	vst v63  }
0xd6: {  	s14 =	simm.s32 $0xB980  }
0xd7: {  	[tilespmem:s14], [sflag:$0x2] =	stream.indirect_vreg.gather [hbm4b:s6+s3], $0x80, v3, vm0, $0xb8;
	[tilespmem:$0x12180] =	vst v63  }
0xd8: {  	_ =	swait.ge [sflag:s13], $0x6000  }
0xd9: {  	[sflag:s13] =	ssyncset.done $0x0  }
0xda: {  	s14 =	rddreg [dreg:$0x7];
	[sflag:s13] =	ssyncadd.s32 $0xFFFFA000  }
0xdb: {  	[hbm4b:s14+s3] =	stream.linear.scatter [tilespmem:s0], [sflag:$0x4], $0x6000, $0x38;
	[tilespmem:$0x12180] =	vst v63  }
0xdc: {  	_ =	swait.ge [sflag:s8], $0x6000  }
0xdd: {  	[sflag:s8] =	ssyncset.done $0x0  }
0xde: {  	[sflag:s8] =	ssyncadd.s32 $0xFFFFA000  }
0xdf: {  	v3 =	vld [tilespmem:$0x78];
	_ =	sdelay $0x4  }
0xe0: {  	v52 =	vshll.u32 v3, $0x3  }
0xe1: {  	v3 =	vand.u32 $0x7, v3;
	v4 =	vand.u32 $0xFFFFFFC0, v52  }
0xe2: {  	v3 =	vor.u32 v3, v4  }
0xe3: {  	v4 =	vperm.xlane v3, v0;
	_ =	sdelay $0x1  }
0xe4: {  	v4 =	vadd.s32 v1, v4;
	_ =	sdelay $0x4  }
0xe5: {  	[tilespmem:s0], [sflag:$0x3] =	stream.indirect_vreg.gather [hbm4b:s1+s3], $0x80, v4, vm0, $0xb8;
	[tilespmem:$0x12180] =	vst v63  }
0xe6: {  	s14 =	simm.s32 $0xC980;
	v3 =	vperm.xlane v3, v2  }
0xe7: {  	[tilespmem:s14], [sflag:$0x3] =	stream.indirect_vreg.gather [hbm4b:s4+s3], $0x80, v4, vm0, $0xb8;
	[tilespmem:$0x12180] =	vst v63  }
0xe8: {  	v3 =	vadd.s32 v1, v3;
	s14 =	simm.s32 $0xD180  }
0xe9: {  	[tilespmem:s14], [sflag:$0x3] =	stream.indirect_vreg.gather [hbm4b:s5+s3], $0x80, v4, vm0, $0xb8;
	[tilespmem:$0x12180] =	vst v63  }
0xea: {  	s14 =	simm.s32 $0xD980  }
0xeb: {  	[tilespmem:s14], [sflag:$0x3] =	stream.indirect_vreg.gather [hbm4b:s6+s3], $0x80, v4, vm0, $0xb8;
	[tilespmem:$0x12180] =	vst v63  }
0xec: {  	s14 =	simm.s32 $0xE180  }
0xed: {  	[tilespmem:s14], [sflag:$0x3] =	stream.indirect_vreg.gather [hbm4b:s1+s3], $0x80, v3, vm0, $0xb8;
	[tilespmem:$0x12180] =	vst v63  }
0xee: {  	s14 =	simm.s32 $0xE980  }
0xef: {  	[tilespmem:s14], [sflag:$0x3] =	stream.indirect_vreg.gather [hbm4b:s4+s3], $0x80, v3, vm0, $0xb8;
	[tilespmem:$0x12180] =	vst v63  }
0xf0: {  	_ = 	snop  }
0xf1: {  	[tilespmem:s18], [sflag:$0x3] =	stream.indirect_vreg.gather [hbm4b:s5+s3], $0x80, v3, vm0, $0xb8;
	[tilespmem:$0x12180] =	vst v63  }
0xf2: {  	_ = 	snop  }
0xf3: {  	[tilespmem:s19], [sflag:$0x3] =	stream.indirect_vreg.gather [hbm4b:s6+s3], $0x80, v3, vm0, $0xb8;
	[tilespmem:$0x12180] =	vst v63  }
0xf4: {  	v3 =	vld.msk [tilespmem:$0x88], $0xff;
	_ =	sdelay $0x4  }
0xf5: {  	v53 =	vshll.u32 v3, $0x3  }
0xf6: {  	v3 =	vand.u32 $0x7, v3;
	v4 =	vand.u32 $0xFFFFFFC0, v53  }
0xf7: {  	v3 =	vor.u32 v3, v4  }
0xf8: {  	v3 =	vperm.xlane v3, v0;
	_ =	sdelay $0x1  }
0xf9: {  	v3 =	vadd.s32 v1, v3;
	_ =	sdelay $0x4  }
0xfa: {  	[tilespmem:s20], [sflag:$0x3] =	stream.indirect_vreg.gather [hbm4b:s1+s3], $0x80, v3, vm0, $0xb8;
	[tilespmem:$0x12180] =	vst v63  }
0xfb: {  	_ = 	snop  }
0xfc: {  	[tilespmem:s22], [sflag:$0x3] =	stream.indirect_vreg.gather [hbm4b:s4+s3], $0x80, v3, vm0, $0xb8;
	[tilespmem:$0x12180] =	vst v63  }
0xfd: {  	_ = 	snop  }
0xfe: {  	[tilespmem:s23], [sflag:$0x3] =	stream.indirect_vreg.gather [hbm4b:s5+s3], $0x80, v3, vm0, $0xb8;
	[tilespmem:$0x12180] =	vst v63  }
0xff: {  	_ = 	snop  }
0x100: {  	[tilespmem:s24], [sflag:$0x3] =	stream.indirect_vreg.gather [hbm4b:s6+s3], $0x80, v3, vm0, $0xb8;
	[tilespmem:$0x12180] =	vst v63  }
0x101: {  	_ =	swait.ge [sflag:s11], $0x6000  }
0x102: {  	[sflag:s11] =	ssyncset.done $0x0  }
0x103: {  	s14 =	rddreg [dreg:$0x8];
	[sflag:s11] =	ssyncadd.s32 $0xFFFFA000  }
0x104: {  	[hbm4b:s14+s3] =	stream.linear.scatter [tilespmem:s17], [sflag:$0x4], $0x6000, $0x38;
	[tilespmem:$0x12180] =	vst v63  }
0x105: {  	_ =	swait.ge [sflag:s8], $0x6000  }
0x106: {  	[sflag:s8] =	ssyncset.done $0x0  }
0x107: {  	[sflag:s8] =	ssyncadd.s32 $0xFFFFA000  }
0x108: {  	v3 =	vld [tilespmem:$0x90];
	_ =	sdelay $0x4  }
0x109: {  	v54 =	vshll.u32 v3, $0x3  }
0x10a: {  	v3 =	vand.u32 $0x7, v3;
	v4 =	vand.u32 $0xFFFFFFC0, v54  }
0x10b: {  	v3 =	vor.u32 v3, v4  }
0x10c: {  	v4 =	vperm.xlane v3, v0;
	_ =	sdelay $0x1  }
0x10d: {  	v4 =	vadd.s32 v1, v4;
	_ =	sdelay $0x4  }
0x10e: {  	[tilespmem:s17], [sflag:$0x1] =	stream.indirect_vreg.gather [hbm4b:s1+s3], $0x80, v4, vm0, $0xb8;
	[tilespmem:$0x12180] =	vst v63  }
0x10f: {  	s14 =	simm.s32 $0x980;
	v3 =	vperm.xlane v3, v2  }
0x110: {  	[tilespmem:s14], [sflag:$0x1] =	stream.indirect_vreg.gather [hbm4b:s4+s3], $0x80, v4, vm0, $0xb8;
	[tilespmem:$0x12180] =	vst v63  }
0x111: {  	v3 =	vadd.s32 v1, v3;
	s14 =	simm.s32 $0x1180  }
0x112: {  	[tilespmem:s14], [sflag:$0x1] =	stream.indirect_vreg.gather [hbm4b:s5+s3], $0x80, v4, vm0, $0xb8;
	[tilespmem:$0x12180] =	vst v63  }
0x113: {  	s14 =	simm.s32 $0x1980  }
0x114: {  	[tilespmem:s14], [sflag:$0x1] =	stream.indirect_vreg.gather [hbm4b:s6+s3], $0x80, v4, vm0, $0xb8;
	[tilespmem:$0x12180] =	vst v63  }
0x115: {  	s14 =	simm.s32 $0x2180  }
0x116: {  	[tilespmem:s14], [sflag:$0x1] =	stream.indirect_vreg.gather [hbm4b:s1+s3], $0x80, v3, vm0, $0xb8;
	[tilespmem:$0x12180] =	vst v63  }
0x117: {  	s14 =	simm.s32 $0x2980  }
0x118: {  	[tilespmem:s14], [sflag:$0x1] =	stream.indirect_vreg.gather [hbm4b:s4+s3], $0x80, v3, vm0, $0xb8;
	[tilespmem:$0x12180] =	vst v63  }
0x119: {  	s14 =	simm.s32 $0x3180  }
0x11a: {  	[tilespmem:s14], [sflag:$0x1] =	stream.indirect_vreg.gather [hbm4b:s5+s3], $0x80, v3, vm0, $0xb8;
	[tilespmem:$0x12180] =	vst v63  }
0x11b: {  	s14 =	simm.s32 $0x3980  }
0x11c: {  	[tilespmem:s14], [sflag:$0x1] =	stream.indirect_vreg.gather [hbm4b:s6+s3], $0x80, v3, vm0, $0xb8;
	[tilespmem:$0x12180] =	vst v63  }
0x11d: {  	v3 =	vld.msk [tilespmem:$0xA0], $0xff;
	_ =	sdelay $0x4  }
0x11e: {  	v55 =	vshll.u32 v3, $0x3  }
0x11f: {  	v3 =	vand.u32 $0x7, v3;
	v4 =	vand.u32 $0xFFFFFFC0, v55  }
0x120: {  	v3 =	vor.u32 v3, v4  }
0x121: {  	v3 =	vperm.xlane v3, v0;
	_ =	sdelay $0x1  }
0x122: {  	v3 =	vadd.s32 v1, v3;
	_ =	sdelay $0x3  }
0x123: {  	s14 =	simm.s32 $0x4180  }
0x124: {  	[tilespmem:s14], [sflag:$0x1] =	stream.indirect_vreg.gather [hbm4b:s1+s3], $0x80, v3, vm0, $0xb8;
	[tilespmem:$0x12180] =	vst v63  }
0x125: {  	_ = 	snop  }
0x126: {  	[tilespmem:s10], [sflag:$0x1] =	stream.indirect_vreg.gather [hbm4b:s4+s3], $0x80, v3, vm0, $0xb8;
	[tilespmem:$0x12180] =	vst v63  }
0x127: {  	_ = 	snop  }
0x128: {  	[tilespmem:s15], [sflag:$0x1] =	stream.indirect_vreg.gather [hbm4b:s5+s3], $0x80, v3, vm0, $0xb8;
	[tilespmem:$0x12180] =	vst v63  }
0x129: {  	_ = 	snop  }
0x12a: {  	[tilespmem:s16], [sflag:$0x1] =	stream.indirect_vreg.gather [hbm4b:s6+s3], $0x80, v3, vm0, $0xb8;
	[tilespmem:$0x12180] =	vst v63  }
0x12b: {  	_ =	swait.ge [sflag:s12], $0x6000  }
0x12c: {  	[sflag:s12] =	ssyncset.done $0x0  }
0x12d: {  	s14 =	rddreg [dreg:$0x9];
	[sflag:s12] =	ssyncadd.s32 $0xFFFFA000  }
0x12e: {  	[hbm4b:s14+s3] =	stream.linear.scatter [tilespmem:s21], [sflag:$0x4], $0x6000, $0x38;
	[tilespmem:$0x12180] =	vst v63  }
0x12f: {  	_ =	swait.ge [sflag:s8], $0x6000  }
0x130: {  	[sflag:s8] =	ssyncset.done $0x0  }
0x131: {  	[sflag:s8] =	ssyncadd.s32 $0xFFFFA000  }
0x132: {  	v3 =	vld [tilespmem:$0xA8];
	_ =	sdelay $0x4  }
0x133: {  	v56 =	vshll.u32 v3, $0x3  }
0x134: {  	v3 =	vand.u32 $0x7, v3;
	v4 =	vand.u32 $0xFFFFFFC0, v56  }
0x135: {  	v3 =	vor.u32 v3, v4  }
0x136: {  	v4 =	vperm.xlane v3, v0;
	_ =	sdelay $0x1  }
0x137: {  	v4 =	vadd.s32 v1, v4;
	_ =	sdelay $0x4  }
0x138: {  	[tilespmem:s21], [sflag:$0x2] =	stream.indirect_vreg.gather [hbm4b:s1+s3], $0x80, v4, vm0, $0xb8;
	[tilespmem:$0x12180] =	vst v63  }
0x139: {  	s14 =	simm.s32 $0x6980;
	v3 =	vperm.xlane v3, v2  }
0x13a: {  	[tilespmem:s14], [sflag:$0x2] =	stream.indirect_vreg.gather [hbm4b:s4+s3], $0x80, v4, vm0, $0xb8;
	[tilespmem:$0x12180] =	vst v63  }
0x13b: {  	v3 =	vadd.s32 v1, v3  }
0x13c: {  	[tilespmem:s9], [sflag:$0x2] =	stream.indirect_vreg.gather [hbm4b:s5+s3], $0x80, v4, vm0, $0xb8;
	[tilespmem:$0x12180] =	vst v63  }
0x13d: {  	_ = 	snop  }
0x13e: {  	[tilespmem:s25], [sflag:$0x2] =	stream.indirect_vreg.gather [hbm4b:s6+s3], $0x80, v4, vm0, $0xb8;
	[tilespmem:$0x12180] =	vst v63  }
0x13f: {  	_ = 	snop  }
0x140: {  	[tilespmem:s26], [sflag:$0x2] =	stream.indirect_vreg.gather [hbm4b:s1+s3], $0x80, v3, vm0, $0xb8;
	[tilespmem:$0x12180] =	vst v63  }
0x141: {  	_ = 	snop  }
0x142: {  	[tilespmem:s28], [sflag:$0x2] =	stream.indirect_vreg.gather [hbm4b:s4+s3], $0x80, v3, vm0, $0xb8;
	[tilespmem:$0x12180] =	vst v63  }
0x143: {  	_ = 	snop  }
0x144: {  	[tilespmem:s29], [sflag:$0x2] =	stream.indirect_vreg.gather [hbm4b:s5+s3], $0x80, v3, vm0, $0xb8;
	[tilespmem:$0x12180] =	vst v63  }
0x145: {  	s14 =	simm.s32 $0x9980  }
0x146: {  	[tilespmem:s14], [sflag:$0x2] =	stream.indirect_vreg.gather [hbm4b:s6+s3], $0x80, v3, vm0, $0xb8;
	[tilespmem:$0x12180] =	vst v63  }
0x147: {  	v3 =	vld.msk [tilespmem:$0xB8], $0xff;
	_ =	sdelay $0x4  }
0x148: {  	v57 =	vshll.u32 v3, $0x3  }
0x149: {  	v3 =	vand.u32 $0x7, v3;
	v4 =	vand.u32 $0xFFFFFFC0, v57  }
0x14a: {  	v3 =	vor.u32 v3, v4  }
0x14b: {  	v3 =	vperm.xlane v3, v0;
	_ =	sdelay $0x1  }
0x14c: {  	v3 =	vadd.s32 v1, v3;
	_ =	sdelay $0x4  }
0x14d: {  	[tilespmem:s30], [sflag:$0x2] =	stream.indirect_vreg.gather [hbm4b:s1+s3], $0x80, v3, vm0, $0xb8;
	[tilespmem:$0x12180] =	vst v63  }
0x14e: {  	_ = 	snop  }
0x14f: {  	[tilespmem:s31], [sflag:$0x2] =	stream.indirect_vreg.gather [hbm4b:s4+s3], $0x80, v3, vm0, $0xb8;
	[tilespmem:$0x12180] =	vst v63  }
0x150: {  	_ = 	snop  }
0x151: {  	[tilespmem:s2], [sflag:$0x2] =	stream.indirect_vreg.gather [hbm4b:s5+s3], $0x80, v3, vm0, $0xb8;
	[tilespmem:$0x12180] =	vst v63  }
0x152: {  	s14 =	simm.s32 $0xB980  }
0x153: {  	[tilespmem:s14], [sflag:$0x2] =	stream.indirect_vreg.gather [hbm4b:s6+s3], $0x80, v3, vm0, $0xb8;
	[tilespmem:$0x12180] =	vst v63  }
0x154: {  	_ =	swait.ge [sflag:s13], $0x6000  }
0x155: {  	[sflag:s13] =	ssyncset.done $0x0  }
0x156: {  	s14 =	rddreg [dreg:$0xa];
	[sflag:s13] =	ssyncadd.s32 $0xFFFFA000  }
0x157: {  	[hbm4b:s14+s3] =	stream.linear.scatter [tilespmem:s0], [sflag:$0x4], $0x6000, $0x38;
	[tilespmem:$0x12180] =	vst v63  }
0x158: {  	_ =	swait.ge [sflag:s8], $0x6000  }
0x159: {  	[sflag:s8] =	ssyncset.done $0x0  }
0x15a: {  	[sflag:s8] =	ssyncadd.s32 $0xFFFFA000  }
0x15b: {  	v3 =	vld [tilespmem:$0xC0];
	_ =	sdelay $0x4  }
0x15c: {  	v58 =	vshll.u32 v3, $0x3  }
0x15d: {  	v3 =	vand.u32 $0x7, v3;
	v4 =	vand.u32 $0xFFFFFFC0, v58  }
0x15e: {  	v3 =	vor.u32 v3, v4  }
0x15f: {  	v4 =	vperm.xlane v3, v0;
	_ =	sdelay $0x1  }
0x160: {  	v4 =	vadd.s32 v1, v4;
	_ =	sdelay $0x4  }
0x161: {  	[tilespmem:s0], [sflag:$0x3] =	stream.indirect_vreg.gather [hbm4b:s1+s3], $0x80, v4, vm0, $0xb8;
	[tilespmem:$0x12180] =	vst v63  }
0x162: {  	s14 =	simm.s32 $0xC980;
	v3 =	vperm.xlane v3, v2  }
0x163: {  	[tilespmem:s14], [sflag:$0x3] =	stream.indirect_vreg.gather [hbm4b:s4+s3], $0x80, v4, vm0, $0xb8;
	[tilespmem:$0x12180] =	vst v63  }
0x164: {  	v3 =	vadd.s32 v1, v3;
	s14 =	simm.s32 $0xD180  }
0x165: {  	[tilespmem:s14], [sflag:$0x3] =	stream.indirect_vreg.gather [hbm4b:s5+s3], $0x80, v4, vm0, $0xb8;
	[tilespmem:$0x12180] =	vst v63  }
0x166: {  	s14 =	simm.s32 $0xD980  }
0x167: {  	[tilespmem:s14], [sflag:$0x3] =	stream.indirect_vreg.gather [hbm4b:s6+s3], $0x80, v4, vm0, $0xb8;
	[tilespmem:$0x12180] =	vst v63  }
0x168: {  	s14 =	simm.s32 $0xE180  }
0x169: {  	[tilespmem:s14], [sflag:$0x3] =	stream.indirect_vreg.gather [hbm4b:s1+s3], $0x80, v3, vm0, $0xb8;
	[tilespmem:$0x12180] =	vst v63  }
0x16a: {  	s14 =	simm.s32 $0xE980  }
0x16b: {  	[tilespmem:s14], [sflag:$0x3] =	stream.indirect_vreg.gather [hbm4b:s4+s3], $0x80, v3, vm0, $0xb8;
	[tilespmem:$0x12180] =	vst v63  }
0x16c: {  	_ = 	snop  }
0x16d: {  	[tilespmem:s18], [sflag:$0x3] =	stream.indirect_vreg.gather [hbm4b:s5+s3], $0x80, v3, vm0, $0xb8;
	[tilespmem:$0x12180] =	vst v63  }
0x16e: {  	_ = 	snop  }
0x16f: {  	[tilespmem:s19], [sflag:$0x3] =	stream.indirect_vreg.gather [hbm4b:s6+s3], $0x80, v3, vm0, $0xb8;
	[tilespmem:$0x12180] =	vst v63  }
0x170: {  	v3 =	vld.msk [tilespmem:$0xD0], $0xff;
	_ =	sdelay $0x4  }
0x171: {  	v59 =	vshll.u32 v3, $0x3  }
0x172: {  	v3 =	vand.u32 $0x7, v3;
	v4 =	vand.u32 $0xFFFFFFC0, v59  }
0x173: {  	v3 =	vor.u32 v3, v4  }
0x174: {  	v3 =	vperm.xlane v3, v0;
	_ =	sdelay $0x1  }
0x175: {  	v3 =	vadd.s32 v1, v3;
	_ =	sdelay $0x4  }
0x176: {  	[tilespmem:s20], [sflag:$0x3] =	stream.indirect_vreg.gather [hbm4b:s1+s3], $0x80, v3, vm0, $0xb8;
	[tilespmem:$0x12180] =	vst v63  }
0x177: {  	_ = 	snop  }
0x178: {  	[tilespmem:s22], [sflag:$0x3] =	stream.indirect_vreg.gather [hbm4b:s4+s3], $0x80, v3, vm0, $0xb8;
	[tilespmem:$0x12180] =	vst v63  }
0x179: {  	_ = 	snop  }
0x17a: {  	[tilespmem:s23], [sflag:$0x3] =	stream.indirect_vreg.gather [hbm4b:s5+s3], $0x80, v3, vm0, $0xb8;
	[tilespmem:$0x12180] =	vst v63  }
0x17b: {  	_ = 	snop  }
0x17c: {  	[tilespmem:s24], [sflag:$0x3] =	stream.indirect_vreg.gather [hbm4b:s6+s3], $0x80, v3, vm0, $0xb8;
	[tilespmem:$0x12180] =	vst v63  }
0x17d: {  	_ =	swait.ge [sflag:s11], $0x6000  }
0x17e: {  	[sflag:s11] =	ssyncset.done $0x0  }
0x17f: {  	s14 =	rddreg [dreg:$0xb];
	[sflag:s11] =	ssyncadd.s32 $0xFFFFA000  }
0x180: {  	[hbm4b:s14+s3] =	stream.linear.scatter [tilespmem:s17], [sflag:$0x4], $0x6000, $0x38;
	[tilespmem:$0x12180] =	vst v63  }
0x181: {  	_ =	swait.ge [sflag:s8], $0x6000  }
0x182: {  	[sflag:s8] =	ssyncset.done $0x0  }
0x183: {  	[sflag:s8] =	ssyncadd.s32 $0xFFFFA000  }
0x184: {  	v3 =	vld [tilespmem:$0xD8];
	_ =	sdelay $0x4  }
0x185: {  	v60 =	vshll.u32 v3, $0x3  }
0x186: {  	v3 =	vand.u32 $0x7, v3;
	v4 =	vand.u32 $0xFFFFFFC0, v60  }
0x187: {  	v3 =	vor.u32 v3, v4  }
0x188: {  	v4 =	vperm.xlane v3, v0;
	_ =	sdelay $0x1  }
0x189: {  	v4 =	vadd.s32 v1, v4;
	_ =	sdelay $0x4  }
0x18a: {  	[tilespmem:s17], [sflag:$0x1] =	stream.indirect_vreg.gather [hbm4b:s1+s3], $0x80, v4, vm0, $0xb8;
	[tilespmem:$0x12180] =	vst v63  }
0x18b: {  	s14 =	simm.s32 $0x980;
	v3 =	vperm.xlane v3, v2  }
0x18c: {  	[tilespmem:s14], [sflag:$0x1] =	stream.indirect_vreg.gather [hbm4b:s4+s3], $0x80, v4, vm0, $0xb8;
	[tilespmem:$0x12180] =	vst v63  }
0x18d: {  	v3 =	vadd.s32 v1, v3;
	s14 =	simm.s32 $0x1180  }
0x18e: {  	[tilespmem:s14], [sflag:$0x1] =	stream.indirect_vreg.gather [hbm4b:s5+s3], $0x80, v4, vm0, $0xb8;
	[tilespmem:$0x12180] =	vst v63  }
0x18f: {  	s14 =	simm.s32 $0x1980  }
0x190: {  	[tilespmem:s14], [sflag:$0x1] =	stream.indirect_vreg.gather [hbm4b:s6+s3], $0x80, v4, vm0, $0xb8;
	[tilespmem:$0x12180] =	vst v63  }
0x191: {  	s14 =	simm.s32 $0x2180  }
0x192: {  	[tilespmem:s14], [sflag:$0x1] =	stream.indirect_vreg.gather [hbm4b:s1+s3], $0x80, v3, vm0, $0xb8;
	[tilespmem:$0x12180] =	vst v63  }
0x193: {  	s14 =	simm.s32 $0x2980  }
0x194: {  	[tilespmem:s14], [sflag:$0x1] =	stream.indirect_vreg.gather [hbm4b:s4+s3], $0x80, v3, vm0, $0xb8;
	[tilespmem:$0x12180] =	vst v63  }
0x195: {  	s14 =	simm.s32 $0x3180  }
0x196: {  	[tilespmem:s14], [sflag:$0x1] =	stream.indirect_vreg.gather [hbm4b:s5+s3], $0x80, v3, vm0, $0xb8;
	[tilespmem:$0x12180] =	vst v63  }
0x197: {  	s14 =	simm.s32 $0x3980  }
0x198: {  	[tilespmem:s14], [sflag:$0x1] =	stream.indirect_vreg.gather [hbm4b:s6+s3], $0x80, v3, vm0, $0xb8;
	[tilespmem:$0x12180] =	vst v63  }
0x199: {  	v3 =	vld.msk [tilespmem:$0xE8], $0xff;
	_ =	sdelay $0x4  }
0x19a: {  	v61 =	vshll.u32 v3, $0x3  }
0x19b: {  	v3 =	vand.u32 $0x7, v3;
	v4 =	vand.u32 $0xFFFFFFC0, v61  }
0x19c: {  	v3 =	vor.u32 v3, v4  }
0x19d: {  	v3 =	vperm.xlane v3, v0;
	_ =	sdelay $0x1  }
0x19e: {  	v3 =	vadd.s32 v1, v3;
	_ =	sdelay $0x3  }
0x19f: {  	s14 =	simm.s32 $0x4180  }
0x1a0: {  	[tilespmem:s14], [sflag:$0x1] =	stream.indirect_vreg.gather [hbm4b:s1+s3], $0x80, v3, vm0, $0xb8;
	[tilespmem:$0x12180] =	vst v63  }
0x1a1: {  	s10 =	simm.s32 $0x4980  }
0x1a2: {  	[tilespmem:s10], [sflag:$0x1] =	stream.indirect_vreg.gather [hbm4b:s4+s3], $0x80, v3, vm0, $0xb8;
	[tilespmem:$0x12180] =	vst v63  }
0x1a3: {  	s15 =	simm.s32 $0x5180  }
0x1a4: {  	[tilespmem:s15], [sflag:$0x1] =	stream.indirect_vreg.gather [hbm4b:s5+s3], $0x80, v3, vm0, $0xb8;
	[tilespmem:$0x12180] =	vst v63  }
0x1a5: {  	s16 =	simm.s32 $0x5980  }
0x1a6: {  	[tilespmem:s16], [sflag:$0x1] =	stream.indirect_vreg.gather [hbm4b:s6+s3], $0x80, v3, vm0, $0xb8;
	[tilespmem:$0x12180] =	vst v63  }
0x1a7: {  	_ =	swait.ge [sflag:s12], $0x6000  }
0x1a8: {  	[sflag:s12] =	ssyncset.done $0x0  }
0x1a9: {  	s15 =	rddreg [dreg:$0xc];
	[sflag:s12] =	ssyncadd.s32 $0xFFFFA000  }
0x1aa: {  	[hbm4b:s15+s3] =	stream.linear.scatter [tilespmem:s21], [sflag:$0x4], $0x6000, $0x38;
	[tilespmem:$0x12180] =	vst v63  }
0x1ab: {  	_ =	swait.ge [sflag:s8], $0x6000  }
0x1ac: {  	[sflag:s8] =	ssyncset.done $0x0  }
0x1ad: {  	[sflag:s8] =	ssyncadd.s32 $0xFFFFA000  }
0x1ae: {  	v3 =	vld [tilespmem:$0xF0];
	_ =	sdelay $0x4  }
0x1af: {  	v62 =	vshll.u32 v3, $0x3  }
0x1b0: {  	v3 =	vand.u32 $0x7, v3;
	v4 =	vand.u32 $0xFFFFFFC0, v62  }
0x1b1: {  	v3 =	vor.u32 v3, v4  }
0x1b2: {  	v4 =	vperm.xlane v3, v0;
	_ =	sdelay $0x1  }
0x1b3: {  	v4 =	vadd.s32 v1, v4;
	_ =	sdelay $0x4  }
0x1b4: {  	[tilespmem:s21], [sflag:$0x2] =	stream.indirect_vreg.gather [hbm4b:s1+s3], $0x80, v4, vm0, $0xb8;
	[tilespmem:$0x12180] =	vst v63  }
0x1b5: {  	s16 =	simm.s32 $0x6980;
	v3 =	vperm.xlane v3, v2  }
0x1b6: {  	[tilespmem:s16], [sflag:$0x2] =	stream.indirect_vreg.gather [hbm4b:s4+s3], $0x80, v4, vm0, $0xb8;
	[tilespmem:$0x12180] =	vst v63  }
0x1b7: {  	s9 =	simm.s32 $0x7180;
	v3 =	vadd.s32 v1, v3  }
0x1b8: {  	[tilespmem:s9], [sflag:$0x2] =	stream.indirect_vreg.gather [hbm4b:s5+s3], $0x80, v4, vm0, $0xb8;
	[tilespmem:$0x12180] =	vst v63  }
0x1b9: {  	s25 =	simm.s32 $0x7980  }
0x1ba: {  	[tilespmem:s25], [sflag:$0x2] =	stream.indirect_vreg.gather [hbm4b:s6+s3], $0x80, v4, vm0, $0xb8;
	[tilespmem:$0x12180] =	vst v63  }
0x1bb: {  	s26 =	simm.s32 $0x8180  }
0x1bc: {  	[tilespmem:s26], [sflag:$0x2] =	stream.indirect_vreg.gather [hbm4b:s1+s3], $0x80, v3, vm0, $0xb8;
	[tilespmem:$0x12180] =	vst v63  }
0x1bd: {  	s28 =	simm.s32 $0x8980  }
0x1be: {  	[tilespmem:s28], [sflag:$0x2] =	stream.indirect_vreg.gather [hbm4b:s4+s3], $0x80, v3, vm0, $0xb8;
	[tilespmem:$0x12180] =	vst v63  }
0x1bf: {  	s29 =	simm.s32 $0x9180  }
0x1c0: {  	[tilespmem:s29], [sflag:$0x2] =	stream.indirect_vreg.gather [hbm4b:s5+s3], $0x80, v3, vm0, $0xb8;
	[tilespmem:$0x12180] =	vst v63  }
0x1c1: {  	s26 =	simm.s32 $0x9980  }
0x1c2: {  	[tilespmem:s26], [sflag:$0x2] =	stream.indirect_vreg.gather [hbm4b:s6+s3], $0x80, v3, vm0, $0xb8;
	[tilespmem:$0x12180] =	vst v63  }
0x1c3: {  	v3 =	vld.msk [tilespmem:$0x100], $0xff;
	_ =	sdelay $0x4  }
0x1c4: {  	v63 =	vshll.u32 v3, $0x3  }
0x1c5: {  	v3 =	vand.u32 $0x7, v3;
	v4 =	vand.u32 $0xFFFFFFC0, v63  }
0x1c6: {  	v3 =	vor.u32 v3, v4  }
0x1c7: {  	v3 =	vperm.xlane v3, v0;
	_ =	sdelay $0x1  }
0x1c8: {  	v3 =	vadd.s32 v1, v3;
	_ =	sdelay $0x3  }
0x1c9: {  	s30 =	simm.s32 $0xA180  }
0x1ca: {  	[tilespmem:s30], [sflag:$0x2] =	stream.indirect_vreg.gather [hbm4b:s1+s3], $0x80, v3, vm0, $0xb8;
	[tilespmem:$0x12180] =	vst v63  }
0x1cb: {  	s31 =	simm.s32 $0xA980  }
0x1cc: {  	[tilespmem:s31], [sflag:$0x2] =	stream.indirect_vreg.gather [hbm4b:s4+s3], $0x80, v3, vm0, $0xb8;
	[tilespmem:$0x12180] =	vst v63  }
0x1cd: {  	s2 =	simm.s32 $0xB180  }
0x1ce: {  	[tilespmem:s2], [sflag:$0x2] =	stream.indirect_vreg.gather [hbm4b:s5+s3], $0x80, v3, vm0, $0xb8;
	[tilespmem:$0x12180] =	vst v63  }
0x1cf: {  	s28 =	simm.s32 $0xB980  }
0x1d0: {  	[tilespmem:s28], [sflag:$0x2] =	stream.indirect_vreg.gather [hbm4b:s6+s3], $0x80, v3, vm0, $0xb8;
	[tilespmem:$0x12180] =	vst v63  }
0x1d1: {  	_ =	swait.ge [sflag:s13], $0x6000  }
0x1d2: {  	[sflag:s13] =	ssyncset.done $0x0  }
0x1d3: {  	s29 =	rddreg [dreg:$0xd];
	[sflag:s13] =	ssyncadd.s32 $0xFFFFA000  }
0x1d4: {  	[hbm4b:s29+s3] =	stream.linear.scatter [tilespmem:s0], [sflag:$0x4], $0x6000, $0x38;
	[tilespmem:$0x12180] =	vst v63  }
0x1d5: {  	_ =	swait.ge [sflag:s8], $0x6000  }
0x1d6: {  	[sflag:s8] =	ssyncset.done $0x0  }
0x1d7: {  	[sflag:s8] =	ssyncadd.s32 $0xFFFFA000  }
0x1d8: {  	_ =	swait.ge [sflag:s11], $0x6000  }
0x1d9: {  	[sflag:s11] =	ssyncset.done $0x0  }
0x1da: {  	s30 =	rddreg [dreg:$0xe];
	[sflag:s11] =	ssyncadd.s32 $0xFFFFA000  }
0x1db: {  	[hbm4b:s30+s3] =	stream.linear.scatter [tilespmem:s17], [sflag:$0x4], $0x6000, $0x38;
	[tilespmem:$0x12180] =	vst v63  }
0x1dc: {  	_ =	swait.ge [sflag:s8], $0x6000  }
0x1dd: {  	[sflag:s8] =	ssyncset.done $0x0  }
0x1de: {  	[sflag:s8] =	ssyncadd.s32 $0xFFFFA000  }
0x1df: {  	_ =	swait.ge [sflag:s12], $0x6000  }
0x1e0: {  	p0 =	sne.s32 s7, $0x1;
	[sflag:s12] =	ssyncset.done $0x0  }
.Ltmp0:
0x1e1: {  	s31 =	rddreg [dreg:$0xf];
	[sflag:s12] =	ssyncadd.s32 $0xFFFFA000;
	(pc) =	sbr.rel @p0 .LBB2_1-.Ltmp0, $4  }
0x1e2: {  	[hbm4b:s31+s3] =	stream.linear.scatter [tilespmem:s21], [sflag:$0x4], $0x6000, $0x38;
	[tilespmem:$0x12180] =	vst v63  }
0x1e3: {  	_ =	swait.ge [sflag:s8], $0x6000  }
0x1e4: {  	[sflag:s8] =	ssyncset.done $0x0  }
0x1e5: {  	s7 =	sadd.s32 $0xFFFFFFFF, s7;
	[sflag:s8] =	ssyncadd.s32 $0xFFFFA000  }
0x1e6: {  	_ =	sfence.sel $0x180000  }
0x1e7: {  	[bflag:$0x0] =	sbarrier.arrive $0xFFFF  }
0x1e8: {  	_ =	strace $0x90000047  }
0x1e9: {  	s0 =	stileid.u32;
	[bflag:$0x2] =	sbarrier.arrive $0xFFFF  }
0x1ea: {  	p0 =	sne.s32 s0, $0x0;
	s0 =	rddreg [dreg:$0x3]  }
0x1eb: {  	s0 =	sadd.s32 @!p0 $0x100000, s0  }
0x1ec: {  	[sflag:s0] =	ssyncadd.tile.s32 @!p0 $0x1;
	_ =	shalt  }
.Lfunc_end2:
_tile_overlayer_lowered:
.L_overlay_start_2:
0x1ed: {  	(tag) =	ssettag $0x2  }
0x1ee: {  	s0 =	rddreg [dreg:$0x0];
	s2 =	stileid.u32  }
0x1ef: {  	s1 =	rddreg [dreg:$0x1];
	p0 =	sne.s32 s2, $0x0  }
0x1f0: {  	s3 =	rddreg [dreg:$0x2];
	[bflag:$0x3] =	sbarrier.arrive $0xFFFF;
	s2 =	simm.s32 @!p0 $0x1C04  }
0x1f1: {  	[timem:s3], [sflag:s2] =	dma.local @!p0 [hbm:s0], s1  }
0x1f2: {  	s0 =	simm.s32 @!p0 $0x4  }
0x1f3: {  	_ =	swait.ge @!p0 [sflag:s0], s1  }
0x1f4: {  	s1 =	ssub.s32 @!p0 $0x0, s1;
	[sflag:s0] =	ssyncset.done @!p0 $0x0  }
0x1f5: {  	[sflag:s0] =	ssyncadd.s32 @!p0 s1  }
0x1f6: {  	[bflag:$0x3] =	sbarrier.arrive $0xFFFF  }
0x1f7: {  	_ =	shalt  }

// kernel: kernel.9.cloned.1.call-start
scs
__scs_entry_jumppad:
0x0: {  	(pc) =	sbr.rel $0x88, $3  }
0x1: {  	(tag) =	ssettag $0x0;
	lr =	simm.s32 $0x1  }
0x2: {  	[smem:$0x3F99] =	sst lr;
	_ =	strace $0xD0000000  }
0x3: {  	_ = 	snop  }
0x4: {  	_ = 	snop  }
0x5: {  	_ = 	snop  }
0x6: {  	_ = 	snop  }
0x7: {  	_ = 	snop  }
__scs_overlays_trampoline_lowered:
0x8: {  	[smem:$0x3FA8] =	sst s0  }
0x9: {  	[smem:$0x3FA9] =	sst s1  }
0xa: {  	[smem:$0x3FAA] =	sst s2  }
0xb: {  	[smem:$0x3FAB] =	sst s3  }
0xc: {  	[smem:$0x3FAC] =	sst s4  }
0xd: {  	[smem:$0x3FAD] =	sst s5  }
0xe: {  	[smem:$0x3FAE] =	sst s6  }
0xf: {  	[smem:$0x3FAF] =	sst s7  }
0x10: {  	[smem:$0x3FB0] =	sst s8  }
0x11: {  	[smem:$0x3FB1] =	sst s9;
	s0 =	simm.s32 @!p0 $0x0  }
0x12: {  	s1 =	sld [smem:$0x3F97];
	s0 =	simm.s32 @p0 $0x1  }
0x13: {  	[smem:$0x3FB2] =	sst s0;
	s0 =	simm.s32 @!p1 $0x0  }
0x14: {  	s2 =	sld [smem:$0x3F96];
	s0 =	simm.s32 @p1 $0x1  }
0x15: {  	[smem:$0x3FB3] =	sst s0;
	s0 =	simm.s32 @!p2 $0x0  }
0x16: {  	s3 =	sld [smem:$0x3FDB];
	s0 =	simm.s32 @p2 $0x1  }
0x17: {  	s4 =	simm.s32 $0x1BF5;
	[smem:$0x3FB5] =	sst s0  }
0x18: {  	s0 =	sld [smem:$0x3F98];
	_ =	swait.ge [sflag:s4], $0x0  }
0x19: {  	s7 =	sld [smem:$0x3F99]  }
0x1a: {  	s8 =	sadd.s32 $0xFFFFE003, lr  }
0x1b: {  	s9 =	sadd.s32 $0xFFFFFEF7, lr;
	s5 =	simm.s32 $0xFFFFFFFF;
	p2 =	slt.u32 s8, $0xFFFFF086  }
0x1c: {  	p1 =	slt.u32 s9, $0xF7A;
	s5 =	simm.s32 @!p2 $0x0  }
0x1d: {  	s5 =	simm.s32 @p1 $0x1;
	p0 =	seq.s32 s7, s2  }
0x1e: {  	s7 =	smul.u32 @!p0 $0xF7A, s2;
	p2 =	seq.s32 @!p0 s5, $0x0  }
0x1f: {  	s9 =	smul.u32 $0xF7A, s1;
	s8 =	simm.s32 @!p0 $0x1BF5;
	p2 =	por !p2, p0  }
0x20: {  	[sflag:s8] =	ssyncset.s32 @!p0 $0xFFFFF086;
	s6 =	sadd.s32 @!p0 s3, s7;
	s7 =	simm.s32 @!p0 $0x108  }
0x21: {  	s3 =	sadd.s32 s3, s9;
	s6 =	sadd.s32 @!p0 $0x88, s6;
	s7 =	simm.s32 @p2 $0x1082  }
0x22: {  	[simem:s7], [sflag:s8] =	dma.local @!p0 [hbm:s6], $0xF7A  }
0x23: {  	s9 =	sor.u32 $0xD0000000, s2;
	s6 =	simm.s32 $0x108;
	_ =	swait.ge @!p0 [sflag:s8], $0x0  }
0x24: {  	s3 =	sadd.s32 $0x88, s3;
	s6 =	simm.s32 @!p1 $0x1082;
	[sflag:s4] =	ssyncset.s32 $0xFFFFF086  }
0x25: {  	[simem:s6], [sflag:s4] =	dma.local [hbm:s3], $0xF7A  }
0x26: {  	[smem:$0x3F99] =	sst s1;
	(tag) =	ssettag s2;
	_ =	strace s9  }
0x27: {  	s1 =	sld [smem:$0x3FA9]  }
0x28: {  	s2 =	sld [smem:$0x3FAA]  }
0x29: {  	s4 =	sld [smem:$0x3FAC]  }
0x2a: {  	p0 =	seq.s32 s5, $0x0;
	s5 =	sld [smem:$0x3FAD]  }
0x2b: {  	s6 =	sld [smem:$0x3FAE]  }
0x2c: {  	s7 =	sld [smem:$0x3FAF]  }
0x2d: {  	s3 =	simm.s32 $0x108;
	s8 =	sld [smem:$0x3FB0]  }
0x2e: {  	s3 =	simm.s32 @!p0 $0x1082;
	s9 =	sld [smem:$0x3FB1]  }
0x2f: {  	lr =	sadd.s32 s0, s3;
	s0 =	sld [smem:$0x3FA8]  }
0x30: {  	s3 =	sld [smem:$0x3FAB]  }
0x31: {  	[smem:$0x3FB4] =	sst s10  }
0x32: {  	s10 =	sld [smem:$0x3FB2];
	_ =	sdelay $0x3  }
0x33: {  	p0 =	seq.s32 s10, $0x1;
	s10 =	sld [smem:$0x3FB4];
	_ =	sdelay $0x3  }
0x34: {  	[smem:$0x3FB4] =	sst s10  }
0x35: {  	s10 =	sld [smem:$0x3FB3];
	_ =	sdelay $0x3  }
0x36: {  	p1 =	seq.s32 s10, $0x1;
	s10 =	sld [smem:$0x3FB4];
	_ =	sdelay $0x3  }
0x37: {  	[smem:$0x3FB4] =	sst s10  }
0x38: {  	s10 =	sld [smem:$0x3FB5]  }
0x39: {  	_ = 	snop;
	(pc) =	sbr.ind lr, $3  }
0x3a: {  	_ = 	snop  }
0x3b: {  	_ = 	snop  }
0x3c: {  	p2 =	seq.s32 s10, $0x1;
	s10 =	sld [smem:$0x3FB4]  }
0x3d: {  	_ =	shalt  }
0x3e: {  	_ =	shalt  }
0x3f: {  	_ =	shalt  }
0x40: {  	_ =	shalt  }
0x41: {  	_ =	shalt  }
0x42: {  	_ =	shalt  }
0x43: {  	_ =	shalt  }
0x44: {  	_ =	shalt  }
0x45: {  	_ =	shalt  }
0x46: {  	_ =	shalt  }
0x47: {  	_ =	shalt  }
0x48: {  	_ =	shalt  }
0x49: {  	_ =	shalt  }
0x4a: {  	_ =	shalt  }
0x4b: {  	_ =	shalt  }
0x4c: {  	_ =	shalt  }
0x4d: {  	_ =	shalt  }
0x4e: {  	_ =	shalt  }
0x4f: {  	_ =	shalt  }
0x50: {  	_ =	shalt  }
0x51: {  	_ =	shalt  }
0x52: {  	_ =	shalt  }
0x53: {  	_ =	shalt  }
0x54: {  	_ =	shalt  }
0x55: {  	_ =	shalt  }
0x56: {  	_ =	shalt  }
0x57: {  	_ =	shalt  }
0x58: {  	_ =	shalt  }
0x59: {  	_ =	shalt  }
0x5a: {  	_ =	shalt  }
0x5b: {  	_ =	shalt  }
0x5c: {  	_ =	shalt  }
0x5d: {  	_ =	shalt  }
0x5e: {  	_ =	shalt  }
0x5f: {  	_ =	shalt  }
0x60: {  	_ =	shalt  }
0x61: {  	_ =	shalt  }
0x62: {  	_ =	shalt  }
0x63: {  	_ =	shalt  }
0x64: {  	_ =	shalt  }
0x65: {  	_ =	shalt  }
0x66: {  	_ =	shalt  }
0x67: {  	_ =	shalt  }
0x68: {  	_ =	shalt  }
0x69: {  	_ =	shalt  }
0x6a: {  	_ =	shalt  }
0x6b: {  	_ =	shalt  }
0x6c: {  	_ =	shalt  }
0x6d: {  	_ =	shalt  }
0x6e: {  	_ =	shalt  }
0x6f: {  	_ =	shalt  }
0x70: {  	_ =	shalt  }
0x71: {  	_ =	shalt  }
0x72: {  	_ =	shalt  }
0x73: {  	_ =	shalt  }
0x74: {  	_ =	shalt  }
0x75: {  	_ =	shalt  }
0x76: {  	_ =	shalt  }
0x77: {  	_ =	shalt  }
0x78: {  	_ =	shalt  }
0x79: {  	_ =	shalt  }
0x7a: {  	_ =	shalt  }
0x7b: {  	_ =	shalt  }
0x7c: {  	_ =	shalt  }
0x7d: {  	_ =	shalt  }
0x7e: {  	_ =	shalt  }
0x7f: {  	_ =	shalt  }
0x80: {  	_ =	shalt  }
0x81: {  	_ =	shalt  }
0x82: {  	_ =	shalt  }
0x83: {  	_ =	shalt  }
0x84: {  	_ =	shalt  }
0x85: {  	_ =	shalt  }
0x86: {  	_ =	shalt  }
0x87: {  	_ =	shalt  }
.Lfunc_end0:
.L_simem_size_0:
called_computation.2_lowered:
.L_overlay_start_0:
0x88: {  	s2 =	sld [smem:$0x3FD9]  }
0x89: {  	s3 =	sld [smem:$0x3FFE];
	_ =	sdelay $0x1  }
0x8a: {  	s1 =	srdreg.scid  }
0x8b: {  	s0 =	sand.u32 $0x1, s1  }
0x8c: {  	s14 =	sshll.u32 s0, $0xA;
	s2 =	sadd.s32 s3, s2  }
0x8d: {  	s2 =	sadd.s32 s2, s14  }
0x8e: {  	[smem:$0x3FC0] =	sst s2  }
0x8f: {  	_ = 	snop  }
0x90: {  	s2 =	sld [smem:$0x3FD0];
	_ =	sdelay $0x2  }
0x91: {  	s15 =	simm.s32 $0xA;
	s4 =	simm.s32 $0x10  }
0x92: {  	[smem:s4], [sflag:s15] =	dma.local [hbm:s2], $0x1  }
0x93: {  	_ =	swait.eq [sflag:s15], $0x1  }
0x94: {  	[sflag:s15] =	ssyncset.done $0x0  }
0x95: {  	[sflag:s15] =	ssyncadd.s32 $0xFFFFFFFF  }
0x96: {  	s16 =	sld [smem:$0x10];
	(tm) =	ssettm $0x1  }
0x97: {  	s17 =	sld [smem:$0x3FFB];
	_ =	sdelay $0x3  }
0x98: {  	_ =	strace s17  }
0x99: {  	s3 =	sld [smem:$0x3FFC];
	_ =	sdelay $0x3  }
0x9a: {  	_ =	strace s3  }
0x9b: {  	s3 =	sld [smem:$0x3FFD];
	_ =	sdelay $0x3  }
0x9c: {  	_ =	strace s3  }
0x9d: {  	_ =	strace $0x8FFFFFFF  }
0x9e: {  	s18 =	sld [smem:$0x3FDB];
	_ =	sdelay $0x1  }
0x9f: {  	s19 =	simm.s32 $_scs_section_size  }
0xa0: {  	s5 =	simm.s32 $_size__tile_overlayer_lowered;
	s6 =	simm.s32 $_tile_overlayer_lowered  }
0xa1: {  	s22 =	simm.s32 $0x1BFF;
	s21 =	sshll.u32 s6, $0x1;
	s3 =	sadd.s32 s19, s18  }
0xa2: {  	s7 =	simm.s32 $0x0;
	s20 =	sshll.u32 s5, $0x1;
	s5 =	sadd.s32 s21, s3  }
0xa3: {  	[timem:s7], [sflag:s22] =	dma.local [hbm:s5], s20  }
0xa4: {  	_ =	swait.ge [sflag:s22], s20  }
0xa5: {  	s4 =	ssub.s32 $0x0, s20;
	[sflag:s22] =	ssyncset.done $0x0  }
0xa6: {  	[sflag:s22] =	ssyncadd.s32 s4;
	_ =	sdelay $0x1  }
0xa7: {  	s23 =	simm.s32 $0x1B8B  }
0xa8: {  	_ =	swait.ge [sflag:s23], $0x1  }
0xa9: {  	[sflag:s23] =	ssyncset.done $0x0  }
0xaa: {  	s25 =	simm.s32 $0x1B8E;
	s24 =	sld [smem:$0x3FFE];
	[sflag:s23] =	ssyncadd.s32 $0xFFFFFFFF  }
0xab: {  	s26 =	simm.s32 $execute0_lowered;
	[smem:$0x3FD2] =	sst s25  }
0xac: {  	s5 =	sshll.u32 s26, $0x1;
	_ =	strace $0x8000004C;
	[dreg:$0x1] =	wrdreg $0xFFFFFFFF  }
0xad: {  	s28 =	simm.s32 $_size_execute0_lowered;
	s3 =	sadd.s32 s3, s5;
	[dreg:$0x0] =	wrdreg $0x0  }
0xae: {  	s5 =	sshll.u32 s28, $0x1;
	[dreg:$0x2] =	wrdreg s3  }
0xaf: {  	[dreg:$0x3] =	wrdreg s5  }
0xb0: {  	[dreg:$0x4] =	wrdreg $0xC0  }
0xb1: {  	_ =	task [dreg:s7], $0x5FFFF  }
0xb2: {  	[dreg:$0x1] =	wrdreg $0xFFFFFFFF  }
0xb3: {  	[dreg:$0x0] =	wrdreg $0x60  }
0xb4: {  	[dreg:$0x2] =	wrdreg s24  }
0xb5: {  	[dreg:$0x3] =	wrdreg s16  }
0xb6: {  	[dreg:$0x4] =	wrdreg $0x9  }
0xb7: {  	_ =	task.clear_ibuf [dreg:s7], $0x5FFFF;
	_ =	strace $0x9000004C  }
0xb8: {  	s29 =	simm.s32 $0x9;
	_ =	strace $0x8000004E  }
0xb9: {  	_ =	swait.ge [sflag:s29], $0x1  }
0xba: {  	[sflag:s29] =	ssyncadd.s32 $0xFFFFFFFF  }
0xbb: {  	_ =	strace $0x9000004E  }
0xbc: {  	_ =	sfence  }
0xbd: {  	s30 =	sld [smem:$0x0];
	_ =	sdelay $0x2  }
0xbe: {  	s31 =	sshll.u32 s1, $0xD;
	s1 =	sshrl.u32 s1, $0x2  }
0xbf: {  	s3 =	sand.u32 $0x4000, s31;
	s1 =	sadd.s32 s1, s30  }
0xc0: {  	s0 =	sor.u32 s3, s0;
	s1 =	sshll.u32 s1, $0x11  }
0xc1: {  	s0 =	sor.u32 s1, s0  }
0xc2: {  	s0 =	sadd.s32 $0x8F2B, s0  }
0xc3: {  	[sflag:s0] =	ssyncadd.remote.s32 $0x1  }
0xc4: {  	_ =	sfence.sel $0xFFFF  }
0xc5: {  	[dreg:$0x0] =	wrdreg $0xFFFFFFFF;
	(pc) =	sbr.abs _section_cstart, $3  }
0xc6: {  	[dreg:$0x1] =	wrdreg $0xFFFFFFFF  }
0xc7: {  	_ =	task.clear_ibuf [dreg:s7], $0x2FFFF;
	_ =	strace $0x9FFFFFFF  }
0xc8: {  	(tm) =	ssettm $0x7FFFFFFF  }
0xc9: {  	_ =	shalt  }
tec
execute0_lowered:
.L_overlay_start_1:
0x0: {  	(tag) =	ssettag $0x1  }
0x1: {  	s0 =	srdreg.scid;
	s1 =	rddreg [dreg:$0x0]  }
0x2: {  	s2 =	stileid.u32;
	s4 =	rddreg [dreg:$0x1]  }
0x3: {  	s9 =	simm.s32 $0x4;
	s29 =	simm.s32 $0x3;
	s30 =	simm.s32 $0x2900  }
0x4: {  	s31 =	simm.s32 $0x3100;
	s18 =	simm.s32 $0x11100;
	s19 =	simm.s32 $0x11900  }
0x5: {  	s10 =	simm.s32 $0x12900;
	s11 =	simm.s32 $0x13100;
	s12 =	simm.s32 $0x13900  }
0x6: {  	s13 =	simm.s32 $0x14100;
	s14 =	simm.s32 $0x14900;
	s15 =	simm.s32 $0x15100  }
0x7: {  	s16 =	simm.s32 $0x15900;
	s17 =	simm.s32 $0x16100;
	s0 =	sand.u32 $0x1, s0  }
0x8: {  	s28 =	simm.s32 $0x17900;
	s2 =	sshll.u32 s2, $0x9;
	s3 =	sshll.u32 s0, $0x8  }
0x9: {  	s6 =	sadd.s32 $0x10A200, s1;
	s7 =	sadd.s32 $0x10A300, s1;
	s3 =	sor.u32 s3, s2  }
0xa: {  	s2 =	simm.s32 $0x0;
	s5 =	sshrl.u32 s3, $0x3;
	s3 =	sshll.u32 s3, $0x7  }
0xb: {  	[smem:$0x7FF] =	sst s2;
	s5 =	sadd.s32 s5, s1;
	s8 =	sadd.s32 s4, s3  }
0xc: {  	_ =	strace $0x8000004D;
	s5 =	sadd.s32 $0x1200, s5;
	[dreg:$0xb] =	wrdreg s8  }
0xd: {  	s0 =	ssub.s32 $0x2, s0;
	s3 =	sadd.s32 $0x1000, s8;
	[dreg:$0x3] =	wrdreg s5  }
0xe: {  	s21 =	sshrl.u32 s0, $0x1;
	s20 =	sadd.s32 $0x2000, s8;
	[dreg:$0x4] =	wrdreg s3  }
0xf: {  	s0 =	ssub.s32 s0, s21;
	s22 =	sadd.s32 $0x3000, s8;
	[dreg:$0x5] =	wrdreg s20  }
0x10: {  	s21 =	simm.s32 $0x2;
	s23 =	sadd.s32 $0x4000, s8;
	[dreg:$0x6] =	wrdreg s22  }
0x11: {  	s4 =	sadd.s32 $0x10A000, s1;
	s24 =	sadd.s32 $0x5000, s8;
	[dreg:$0x7] =	wrdreg s23  }
0x12: {  	s25 =	sadd.s32 $0x6000, s8;
	s26 =	sadd.s32 $0x7000, s8;
	[dreg:$0x8] =	wrdreg s24  }
0x13: {  	v2 =	vlaneseq.u32;
	s8 =	smax.u32 s0, $0x1;
	s5 =	sadd.s32 $0x10A100, s1;
	[dreg:$0x9] =	wrdreg s25  }
0x14: {  	vm0 =	vmmov $0xffff;
	v1 =	vshrl.u32 v2, $0x3;
	[dreg:$0xa] =	wrdreg s26;
	s20 =	simm.s32 $0x1;
	s26 =	simm.s32 $0x100  }
0x15: {  	v0 =	vand.u32 $0x7, v2;
	v2 =	vor.u32 $0x8, v2;
	v1 =	vmul.u32 $0x8, v1;
	s22 =	simm.s32 $0x10900;
	s24 =	simm.s32 $0x16900;
	s25 =	simm.s32 $0x17100  }
.LBB2_1:
0x16: {  	s23 =	rddreg [dreg:$0x3]  }
0x17: {  	[tilespmem:s2], [sflag:$0x4] =	stream.linear.gather [hbm4b:s23+s2], $0x100, $0x38;
	[tilespmem:$0x18100] =	vst v63  }
0x18: {  	_ =	swait.ge [sflag:s9], $0x100  }
0x19: {  	[sflag:s9] =	ssyncset.done $0x0  }
0x1a: {  	[sflag:s9] =	ssyncadd.s32 $0xFFFFFF00  }
0x1b: {  	v3 =	vld [tilespmem:$0x0];
	_ =	sdelay $0x4  }
0x1c: {  	v4 =	vshll.u32 v3, $0x3  }
0x1d: {  	v3 =	vand.u32 $0x7, v3;
	v4 =	vand.u32 $0xFFFFFFC0, v4  }
0x1e: {  	v3 =	vor.u32 v3, v4  }
0x1f: {  	v4 =	vperm.xlane v3, v0;
	_ =	sdelay $0x1  }
0x20: {  	v4 =	vadd.s32 v1, v4;
	_ =	sdelay $0x4  }
0x21: {  	[tilespmem:s26], [sflag:$0x1] =	stream.indirect_vreg.gather [hbm4b:s4+s2], $0x80, v4, vm0, $0xb8;
	[tilespmem:$0x18100] =	vst v63  }
0x22: {  	s0 =	simm.s32 $0x900;
	v3 =	vperm.xlane v3, v2  }
0x23: {  	[tilespmem:s0], [sflag:$0x1] =	stream.indirect_vreg.gather [hbm4b:s5+s2], $0x80, v4, vm0, $0xb8;
	[tilespmem:$0x18100] =	vst v63  }
0x24: {  	s3 =	simm.s32 $0x1100;
	v3 =	vadd.s32 v1, v3  }
0x25: {  	[tilespmem:s3], [sflag:$0x1] =	stream.indirect_vreg.gather [hbm4b:s6+s2], $0x80, v4, vm0, $0xb8;
	[tilespmem:$0x18100] =	vst v63  }
0x26: {  	s23 =	simm.s32 $0x1900  }
0x27: {  	[tilespmem:s23], [sflag:$0x1] =	stream.indirect_vreg.gather [hbm4b:s7+s2], $0x80, v4, vm0, $0xb8;
	[tilespmem:$0x18100] =	vst v63  }
0x28: {  	s1 =	simm.s32 $0x2100  }
0x29: {  	[tilespmem:s1], [sflag:$0x1] =	stream.indirect_vreg.gather [hbm4b:s4+s2], $0x80, v3, vm0, $0xb8;
	[tilespmem:$0x18100] =	vst v63  }
0x2a: {  	_ = 	snop  }
0x2b: {  	[tilespmem:s30], [sflag:$0x1] =	stream.indirect_vreg.gather [hbm4b:s5+s2], $0x80, v3, vm0, $0xb8;
	[tilespmem:$0x18100] =	vst v63  }
0x2c: {  	_ = 	snop  }
0x2d: {  	[tilespmem:s31], [sflag:$0x1] =	stream.indirect_vreg.gather [hbm4b:s6+s2], $0x80, v3, vm0, $0xb8;
	[tilespmem:$0x18100] =	vst v63  }
0x2e: {  	s3 =	simm.s32 $0x3900  }
0x2f: {  	[tilespmem:s3], [sflag:$0x1] =	stream.indirect_vreg.gather [hbm4b:s7+s2], $0x80, v3, vm0, $0xb8;
	[tilespmem:$0x18100] =	vst v63  }
0x30: {  	v3 =	vld [tilespmem:$0x10];
	_ =	sdelay $0x4  }
0x31: {  	v49 =	vshll.u32 v3, $0x3  }
0x32: {  	v3 =	vand.u32 $0x7, v3;
	v4 =	vand.u32 $0xFFFFFFC0, v49  }
0x33: {  	v3 =	vor.u32 v3, v4  }
0x34: {  	v4 =	vperm.xlane v3, v0;
	_ =	sdelay $0x1  }
0x35: {  	v4 =	vadd.s32 v1, v4;
	_ =	sdelay $0x3  }
0x36: {  	s23 =	simm.s32 $0x4100  }
0x37: {  	[tilespmem:s23], [sflag:$0x1] =	stream.indirect_vreg.gather [hbm4b:s4+s2], $0x80, v4, vm0, $0xb8;
	[tilespmem:$0x18100] =	vst v63  }
0x38: {  	s1 =	simm.s32 $0x4900;
	v3 =	vperm.xlane v3, v2  }
0x39: {  	[tilespmem:s1], [sflag:$0x1] =	stream.indirect_vreg.gather [hbm4b:s5+s2], $0x80, v4, vm0, $0xb8;
	[tilespmem:$0x18100] =	vst v63  }
0x3a: {  	s3 =	simm.s32 $0x5100;
	v3 =	vadd.s32 v1, v3  }
0x3b: {  	[tilespmem:s3], [sflag:$0x1] =	stream.indirect_vreg.gather [hbm4b:s6+s2], $0x80, v4, vm0, $0xb8;
	[tilespmem:$0x18100] =	vst v63  }
0x3c: {  	s23 =	simm.s32 $0x5900  }
0x3d: {  	[tilespmem:s23], [sflag:$0x1] =	stream.indirect_vreg.gather [hbm4b:s7+s2], $0x80, v4, vm0, $0xb8;
	[tilespmem:$0x18100] =	vst v63  }
0x3e: {  	s1 =	simm.s32 $0x6100  }
0x3f: {  	[tilespmem:s1], [sflag:$0x1] =	stream.indirect_vreg.gather [hbm4b:s4+s2], $0x80, v3, vm0, $0xb8;
	[tilespmem:$0x18100] =	vst v63  }
0x40: {  	s3 =	simm.s32 $0x6900  }
0x41: {  	[tilespmem:s3], [sflag:$0x1] =	stream.indirect_vreg.gather [hbm4b:s5+s2], $0x80, v3, vm0, $0xb8;
	[tilespmem:$0x18100] =	vst v63  }
0x42: {  	s23 =	simm.s32 $0x7100  }
0x43: {  	[tilespmem:s23], [sflag:$0x1] =	stream.indirect_vreg.gather [hbm4b:s6+s2], $0x80, v3, vm0, $0xb8;
	[tilespmem:$0x18100] =	vst v63  }
0x44: {  	s1 =	simm.s32 $0x7900  }
0x45: {  	[tilespmem:s1], [sflag:$0x1] =	stream.indirect_vreg.gather [hbm4b:s7+s2], $0x80, v3, vm0, $0xb8;
	[tilespmem:$0x18100] =	vst v63  }
0x46: {  	v3 =	vld [tilespmem:$0x20];
	_ =	sdelay $0x4  }
0x47: {  	v50 =	vshll.u32 v3, $0x3  }
0x48: {  	v3 =	vand.u32 $0x7, v3;
	v4 =	vand.u32 $0xFFFFFFC0, v50  }
0x49: {  	v3 =	vor.u32 v3, v4  }
0x4a: {  	v4 =	vperm.xlane v3, v0;
	_ =	sdelay $0x1  }
0x4b: {  	v4 =	vadd.s32 v1, v4;
	_ =	sdelay $0x3  }
0x4c: {  	s0 =	simm.s32 $0x8100  }
0x4d: {  	[tilespmem:s0], [sflag:$0x2] =	stream.indirect_vreg.gather [hbm4b:s4+s2], $0x80, v4, vm0, $0xb8;
	[tilespmem:$0x18100] =	vst v63  }
0x4e: {  	s1 =	simm.s32 $0x8900;
	v3 =	vperm.xlane v3, v2  }
0x4f: {  	[tilespmem:s1], [sflag:$0x2] =	stream.indirect_vreg.gather [hbm4b:s5+s2], $0x80, v4, vm0, $0xb8;
	[tilespmem:$0x18100] =	vst v63  }
0x50: {  	s3 =	simm.s32 $0x9100;
	v3 =	vadd.s32 v1, v3  }
0x51: {  	[tilespmem:s3], [sflag:$0x2] =	stream.indirect_vreg.gather [hbm4b:s6+s2], $0x80, v4, vm0, $0xb8;
	[tilespmem:$0x18100] =	vst v63  }
0x52: {  	s23 =	simm.s32 $0x9900  }
0x53: {  	[tilespmem:s23], [sflag:$0x2] =	stream.indirect_vreg.gather [hbm4b:s7+s2], $0x80, v4, vm0, $0xb8;
	[tilespmem:$0x18100] =	vst v63  }
0x54: {  	s3 =	simm.s32 $0xA100  }
0x55: {  	[tilespmem:s3], [sflag:$0x2] =	stream.indirect_vreg.gather [hbm4b:s4+s2], $0x80, v3, vm0, $0xb8;
	[tilespmem:$0x18100] =	vst v63  }
0x56: {  	s23 =	simm.s32 $0xA900  }
0x57: {  	[tilespmem:s23], [sflag:$0x2] =	stream.indirect_vreg.gather [hbm4b:s5+s2], $0x80, v3, vm0, $0xb8;
	[tilespmem:$0x18100] =	vst v63  }
0x58: {  	s3 =	simm.s32 $0xB100  }
0x59: {  	[tilespmem:s3], [sflag:$0x2] =	stream.indirect_vreg.gather [hbm4b:s6+s2], $0x80, v3, vm0, $0xb8;
	[tilespmem:$0x18100] =	vst v63  }
0x5a: {  	s23 =	simm.s32 $0xB900  }
0x5b: {  	[tilespmem:s23], [sflag:$0x2] =	stream.indirect_vreg.gather [hbm4b:s7+s2], $0x80, v3, vm0, $0xb8;
	[tilespmem:$0x18100] =	vst v63  }
0x5c: {  	v3 =	vld [tilespmem:$0x30];
	_ =	sdelay $0x4  }
0x5d: {  	v51 =	vshll.u32 v3, $0x3  }
0x5e: {  	v3 =	vand.u32 $0x7, v3;
	v4 =	vand.u32 $0xFFFFFFC0, v51  }
0x5f: {  	v3 =	vor.u32 v3, v4  }
0x60: {  	v4 =	vperm.xlane v3, v0;
	_ =	sdelay $0x1  }
0x61: {  	v4 =	vadd.s32 v1, v4;
	_ =	sdelay $0x3  }
0x62: {  	s3 =	simm.s32 $0xC100  }
0x63: {  	[tilespmem:s3], [sflag:$0x2] =	stream.indirect_vreg.gather [hbm4b:s4+s2], $0x80, v4, vm0, $0xb8;
	[tilespmem:$0x18100] =	vst v63  }
0x64: {  	s23 =	simm.s32 $0xC900;
	v3 =	vperm.xlane v3, v2  }
0x65: {  	[tilespmem:s23], [sflag:$0x2] =	stream.indirect_vreg.gather [hbm4b:s5+s2], $0x80, v4, vm0, $0xb8;
	[tilespmem:$0x18100] =	vst v63  }
0x66: {  	v3 =	vadd.s32 v1, v3;
	s3 =	simm.s32 $0xD100  }
0x67: {  	[tilespmem:s3], [sflag:$0x2] =	stream.indirect_vreg.gather [hbm4b:s6+s2], $0x80, v4, vm0, $0xb8;
	[tilespmem:$0x18100] =	vst v63  }
0x68: {  	s23 =	simm.s32 $0xD900  }
0x69: {  	[tilespmem:s23], [sflag:$0x2] =	stream.indirect_vreg.gather [hbm4b:s7+s2], $0x80, v4, vm0, $0xb8;
	[tilespmem:$0x18100] =	vst v63  }
0x6a: {  	s3 =	simm.s32 $0xE100  }
0x6b: {  	[tilespmem:s3], [sflag:$0x2] =	stream.indirect_vreg.gather [hbm4b:s4+s2], $0x80, v3, vm0, $0xb8;
	[tilespmem:$0x18100] =	vst v63  }
0x6c: {  	s23 =	simm.s32 $0xE900  }
0x6d: {  	[tilespmem:s23], [sflag:$0x2] =	stream.indirect_vreg.gather [hbm4b:s5+s2], $0x80, v3, vm0, $0xb8;
	[tilespmem:$0x18100] =	vst v63  }
0x6e: {  	s3 =	simm.s32 $0xF100  }
0x6f: {  	[tilespmem:s3], [sflag:$0x2] =	stream.indirect_vreg.gather [hbm4b:s6+s2], $0x80, v3, vm0, $0xb8;
	[tilespmem:$0x18100] =	vst v63  }
0x70: {  	s23 =	simm.s32 $0xF900  }
0x71: {  	[tilespmem:s23], [sflag:$0x2] =	stream.indirect_vreg.gather [hbm4b:s7+s2], $0x80, v3, vm0, $0xb8;
	[tilespmem:$0x18100] =	vst v63  }
0x72: {  	v3 =	vld [tilespmem:$0x40];
	_ =	sdelay $0x4  }
0x73: {  	v52 =	vshll.u32 v3, $0x3  }
0x74: {  	v3 =	vand.u32 $0x7, v3;
	v4 =	vand.u32 $0xFFFFFFC0, v52  }
0x75: {  	v3 =	vor.u32 v3, v4  }
0x76: {  	v4 =	vperm.xlane v3, v0;
	_ =	sdelay $0x1  }
0x77: {  	v4 =	vadd.s32 v1, v4;
	_ =	sdelay $0x3  }
0x78: {  	s1 =	simm.s32 $0x10100  }
0x79: {  	[tilespmem:s1], [sflag:$0x3] =	stream.indirect_vreg.gather [hbm4b:s4+s2], $0x80, v4, vm0, $0xb8;
	[tilespmem:$0x18100] =	vst v63  }
0x7a: {  	v3 =	vperm.xlane v3, v2  }
0x7b: {  	[tilespmem:s22], [sflag:$0x3] =	stream.indirect_vreg.gather [hbm4b:s5+s2], $0x80, v4, vm0, $0xb8;
	[tilespmem:$0x18100] =	vst v63  }
0x7c: {  	v3 =	vadd.s32 v1, v3  }
0x7d: {  	[tilespmem:s18], [sflag:$0x3] =	stream.indirect_vreg.gather [hbm4b:s6+s2], $0x80, v4, vm0, $0xb8;
	[tilespmem:$0x18100] =	vst v63  }
0x7e: {  	_ = 	snop  }
0x7f: {  	[tilespmem:s19], [sflag:$0x3] =	stream.indirect_vreg.gather [hbm4b:s7+s2], $0x80, v4, vm0, $0xb8;
	[tilespmem:$0x18100] =	vst v63  }
0x80: {  	s3 =	simm.s32 $0x12100  }
0x81: {  	[tilespmem:s3], [sflag:$0x3] =	stream.indirect_vreg.gather [hbm4b:s4+s2], $0x80, v3, vm0, $0xb8;
	[tilespmem:$0x18100] =	vst v63  }
0x82: {  	_ = 	snop  }
0x83: {  	[tilespmem:s10], [sflag:$0x3] =	stream.indirect_vreg.gather [hbm4b:s5+s2], $0x80, v3, vm0, $0xb8;
	[tilespmem:$0x18100] =	vst v63  }
0x84: {  	_ = 	snop  }
0x85: {  	[tilespmem:s11], [sflag:$0x3] =	stream.indirect_vreg.gather [hbm4b:s6+s2], $0x80, v3, vm0, $0xb8;
	[tilespmem:$0x18100] =	vst v63  }
0x86: {  	_ = 	snop  }
0x87: {  	[tilespmem:s12], [sflag:$0x3] =	stream.indirect_vreg.gather [hbm4b:s7+s2], $0x80, v3, vm0, $0xb8;
	[tilespmem:$0x18100] =	vst v63  }
0x88: {  	v3 =	vld [tilespmem:$0x50];
	_ =	sdelay $0x4  }
0x89: {  	v53 =	vshll.u32 v3, $0x3  }
0x8a: {  	v3 =	vand.u32 $0x7, v3;
	v4 =	vand.u32 $0xFFFFFFC0, v53  }
0x8b: {  	v3 =	vor.u32 v3, v4  }
0x8c: {  	v4 =	vperm.xlane v3, v0;
	_ =	sdelay $0x1  }
0x8d: {  	v4 =	vadd.s32 v1, v4;
	_ =	sdelay $0x4  }
0x8e: {  	[tilespmem:s13], [sflag:$0x3] =	stream.indirect_vreg.gather [hbm4b:s4+s2], $0x80, v4, vm0, $0xb8;
	[tilespmem:$0x18100] =	vst v63  }
0x8f: {  	v3 =	vperm.xlane v3, v2  }
0x90: {  	[tilespmem:s14], [sflag:$0x3] =	stream.indirect_vreg.gather [hbm4b:s5+s2], $0x80, v4, vm0, $0xb8;
	[tilespmem:$0x18100] =	vst v63  }
0x91: {  	v3 =	vadd.s32 v1, v3  }
0x92: {  	[tilespmem:s15], [sflag:$0x3] =	stream.indirect_vreg.gather [hbm4b:s6+s2], $0x80, v4, vm0, $0xb8;
	[tilespmem:$0x18100] =	vst v63  }
0x93: {  	_ = 	snop  }
0x94: {  	[tilespmem:s16], [sflag:$0x3] =	stream.indirect_vreg.gather [hbm4b:s7+s2], $0x80, v4, vm0, $0xb8;
	[tilespmem:$0x18100] =	vst v63  }
0x95: {  	_ = 	snop  }
0x96: {  	[tilespmem:s17], [sflag:$0x3] =	stream.indirect_vreg.gather [hbm4b:s4+s2], $0x80, v3, vm0, $0xb8;
	[tilespmem:$0x18100] =	vst v63  }
0x97: {  	_ = 	snop  }
0x98: {  	[tilespmem:s24], [sflag:$0x3] =	stream.indirect_vreg.gather [hbm4b:s5+s2], $0x80, v3, vm0, $0xb8;
	[tilespmem:$0x18100] =	vst v63  }
0x99: {  	_ = 	snop  }
0x9a: {  	[tilespmem:s25], [sflag:$0x3] =	stream.indirect_vreg.gather [hbm4b:s6+s2], $0x80, v3, vm0, $0xb8;
	[tilespmem:$0x18100] =	vst v63  }
0x9b: {  	_ = 	snop  }
0x9c: {  	[tilespmem:s28], [sflag:$0x3] =	stream.indirect_vreg.gather [hbm4b:s7+s2], $0x80, v3, vm0, $0xb8;
	[tilespmem:$0x18100] =	vst v63  }
0x9d: {  	_ =	swait.ge [sflag:s20], $0x8000  }
0x9e: {  	[sflag:s20] =	ssyncset.done $0x0  }
0x9f: {  	s23 =	rddreg [dreg:$0xb];
	[sflag:s20] =	ssyncadd.s32 $0xFFFF8000  }
0xa0: {  	[hbm4b:s23+s2] =	stream.linear.scatter [tilespmem:s26], [sflag:$0x4], $0x8000, $0x38;
	[tilespmem:$0x18100] =	vst v63  }
0xa1: {  	_ =	swait.ge [sflag:s9], $0x8000  }
0xa2: {  	[sflag:s9] =	ssyncset.done $0x0  }
0xa3: {  	[sflag:s9] =	ssyncadd.s32 $0xFFFF8000  }
0xa4: {  	v3 =	vld [tilespmem:$0x60];
	_ =	sdelay $0x4  }
0xa5: {  	v54 =	vshll.u32 v3, $0x3  }
0xa6: {  	v3 =	vand.u32 $0x7, v3;
	v4 =	vand.u32 $0xFFFFFFC0, v54  }
0xa7: {  	v3 =	vor.u32 v3, v4  }
0xa8: {  	v4 =	vperm.xlane v3, v0;
	_ =	sdelay $0x1  }
0xa9: {  	v4 =	vadd.s32 v1, v4;
	_ =	sdelay $0x4  }
0xaa: {  	[tilespmem:s26], [sflag:$0x1] =	stream.indirect_vreg.gather [hbm4b:s4+s2], $0x80, v4, vm0, $0xb8;
	[tilespmem:$0x18100] =	vst v63  }
0xab: {  	s23 =	simm.s32 $0x900;
	v3 =	vperm.xlane v3, v2  }
0xac: {  	[tilespmem:s23], [sflag:$0x1] =	stream.indirect_vreg.gather [hbm4b:s5+s2], $0x80, v4, vm0, $0xb8;
	[tilespmem:$0x18100] =	vst v63  }
0xad: {  	v3 =	vadd.s32 v1, v3;
	s23 =	simm.s32 $0x1100  }
0xae: {  	[tilespmem:s23], [sflag:$0x1] =	stream.indirect_vreg.gather [hbm4b:s6+s2], $0x80, v4, vm0, $0xb8;
	[tilespmem:$0x18100] =	vst v63  }
0xaf: {  	s23 =	simm.s32 $0x1900  }
0xb0: {  	[tilespmem:s23], [sflag:$0x1] =	stream.indirect_vreg.gather [hbm4b:s7+s2], $0x80, v4, vm0, $0xb8;
	[tilespmem:$0x18100] =	vst v63  }
0xb1: {  	s23 =	simm.s32 $0x2100  }
0xb2: {  	[tilespmem:s23], [sflag:$0x1] =	stream.indirect_vreg.gather [hbm4b:s4+s2], $0x80, v3, vm0, $0xb8;
	[tilespmem:$0x18100] =	vst v63  }
0xb3: {  	_ = 	snop  }
0xb4: {  	[tilespmem:s30], [sflag:$0x1] =	stream.indirect_vreg.gather [hbm4b:s5+s2], $0x80, v3, vm0, $0xb8;
	[tilespmem:$0x18100] =	vst v63  }
0xb5: {  	_ = 	snop  }
0xb6: {  	[tilespmem:s31], [sflag:$0x1] =	stream.indirect_vreg.gather [hbm4b:s6+s2], $0x80, v3, vm0, $0xb8;
	[tilespmem:$0x18100] =	vst v63  }
0xb7: {  	s23 =	simm.s32 $0x3900  }
0xb8: {  	[tilespmem:s23], [sflag:$0x1] =	stream.indirect_vreg.gather [hbm4b:s7+s2], $0x80, v3, vm0, $0xb8;
	[tilespmem:$0x18100] =	vst v63  }
0xb9: {  	v3 =	vld [tilespmem:$0x70];
	_ =	sdelay $0x4  }
0xba: {  	v55 =	vshll.u32 v3, $0x3  }
0xbb: {  	v3 =	vand.u32 $0x7, v3;
	v4 =	vand.u32 $0xFFFFFFC0, v55  }
0xbc: {  	v3 =	vor.u32 v3, v4  }
0xbd: {  	v4 =	vperm.xlane v3, v0;
	_ =	sdelay $0x1  }
0xbe: {  	v4 =	vadd.s32 v1, v4;
	_ =	sdelay $0x3  }
0xbf: {  	s23 =	simm.s32 $0x4100  }
0xc0: {  	[tilespmem:s23], [sflag:$0x1] =	stream.indirect_vreg.gather [hbm4b:s4+s2], $0x80, v4, vm0, $0xb8;
	[tilespmem:$0x18100] =	vst v63  }
0xc1: {  	v3 =	vperm.xlane v3, v2;
	s23 =	simm.s32 $0x4900  }
0xc2: {  	[tilespmem:s23], [sflag:$0x1] =	stream.indirect_vreg.gather [hbm4b:s5+s2], $0x80, v4, vm0, $0xb8;
	[tilespmem:$0x18100] =	vst v63  }
0xc3: {  	v3 =	vadd.s32 v1, v3;
	s23 =	simm.s32 $0x5100  }
0xc4: {  	[tilespmem:s23], [sflag:$0x1] =	stream.indirect_vreg.gather [hbm4b:s6+s2], $0x80, v4, vm0, $0xb8;
	[tilespmem:$0x18100] =	vst v63  }
0xc5: {  	s23 =	simm.s32 $0x5900  }
0xc6: {  	[tilespmem:s23], [sflag:$0x1] =	stream.indirect_vreg.gather [hbm4b:s7+s2], $0x80, v4, vm0, $0xb8;
	[tilespmem:$0x18100] =	vst v63  }
0xc7: {  	s23 =	simm.s32 $0x6100  }
0xc8: {  	[tilespmem:s23], [sflag:$0x1] =	stream.indirect_vreg.gather [hbm4b:s4+s2], $0x80, v3, vm0, $0xb8;
	[tilespmem:$0x18100] =	vst v63  }
0xc9: {  	s23 =	simm.s32 $0x6900  }
0xca: {  	[tilespmem:s23], [sflag:$0x1] =	stream.indirect_vreg.gather [hbm4b:s5+s2], $0x80, v3, vm0, $0xb8;
	[tilespmem:$0x18100] =	vst v63  }
0xcb: {  	s23 =	simm.s32 $0x7100  }
0xcc: {  	[tilespmem:s23], [sflag:$0x1] =	stream.indirect_vreg.gather [hbm4b:s6+s2], $0x80, v3, vm0, $0xb8;
	[tilespmem:$0x18100] =	vst v63  }
0xcd: {  	s23 =	simm.s32 $0x7900  }
0xce: {  	[tilespmem:s23], [sflag:$0x1] =	stream.indirect_vreg.gather [hbm4b:s7+s2], $0x80, v3, vm0, $0xb8;
	[tilespmem:$0x18100] =	vst v63  }
0xcf: {  	_ =	swait.ge [sflag:s21], $0x8000  }
0xd0: {  	[sflag:s21] =	ssyncset.done $0x0  }
0xd1: {  	s23 =	rddreg [dreg:$0x4];
	[sflag:s21] =	ssyncadd.s32 $0xFFFF8000  }
0xd2: {  	[hbm4b:s23+s2] =	stream.linear.scatter [tilespmem:s0], [sflag:$0x4], $0x8000, $0x38;
	[tilespmem:$0x18100] =	vst v63  }
0xd3: {  	_ =	swait.ge [sflag:s9], $0x8000  }
0xd4: {  	[sflag:s9] =	ssyncset.done $0x0  }
0xd5: {  	[sflag:s9] =	ssyncadd.s32 $0xFFFF8000  }
0xd6: {  	v3 =	vld [tilespmem:$0x80];
	_ =	sdelay $0x4  }
0xd7: {  	v56 =	vshll.u32 v3, $0x3  }
0xd8: {  	v3 =	vand.u32 $0x7, v3;
	v4 =	vand.u32 $0xFFFFFFC0, v56  }
0xd9: {  	v3 =	vor.u32 v3, v4  }
0xda: {  	v4 =	vperm.xlane v3, v0;
	_ =	sdelay $0x1  }
0xdb: {  	v4 =	vadd.s32 v1, v4;
	_ =	sdelay $0x4  }
0xdc: {  	[tilespmem:s0], [sflag:$0x2] =	stream.indirect_vreg.gather [hbm4b:s4+s2], $0x80, v4, vm0, $0xb8;
	[tilespmem:$0x18100] =	vst v63  }
0xdd: {  	s23 =	simm.s32 $0x8900;
	v3 =	vperm.xlane v3, v2  }
0xde: {  	[tilespmem:s23], [sflag:$0x2] =	stream.indirect_vreg.gather [hbm4b:s5+s2], $0x80, v4, vm0, $0xb8;
	[tilespmem:$0x18100] =	vst v63  }
0xdf: {  	v3 =	vadd.s32 v1, v3;
	s23 =	simm.s32 $0x9100  }
0xe0: {  	[tilespmem:s23], [sflag:$0x2] =	stream.indirect_vreg.gather [hbm4b:s6+s2], $0x80, v4, vm0, $0xb8;
	[tilespmem:$0x18100] =	vst v63  }
0xe1: {  	s23 =	simm.s32 $0x9900  }
0xe2: {  	[tilespmem:s23], [sflag:$0x2] =	stream.indirect_vreg.gather [hbm4b:s7+s2], $0x80, v4, vm0, $0xb8;
	[tilespmem:$0x18100] =	vst v63  }
0xe3: {  	s23 =	simm.s32 $0xA100  }
0xe4: {  	[tilespmem:s23], [sflag:$0x2] =	stream.indirect_vreg.gather [hbm4b:s4+s2], $0x80, v3, vm0, $0xb8;
	[tilespmem:$0x18100] =	vst v63  }
0xe5: {  	s23 =	simm.s32 $0xA900  }
0xe6: {  	[tilespmem:s23], [sflag:$0x2] =	stream.indirect_vreg.gather [hbm4b:s5+s2], $0x80, v3, vm0, $0xb8;
	[tilespmem:$0x18100] =	vst v63  }
0xe7: {  	s23 =	simm.s32 $0xB100  }
0xe8: {  	[tilespmem:s23], [sflag:$0x2] =	stream.indirect_vreg.gather [hbm4b:s6+s2], $0x80, v3, vm0, $0xb8;
	[tilespmem:$0x18100] =	vst v63  }
0xe9: {  	s23 =	simm.s32 $0xB900  }
0xea: {  	[tilespmem:s23], [sflag:$0x2] =	stream.indirect_vreg.gather [hbm4b:s7+s2], $0x80, v3, vm0, $0xb8;
	[tilespmem:$0x18100] =	vst v63  }
0xeb: {  	v3 =	vld [tilespmem:$0x90];
	_ =	sdelay $0x4  }
0xec: {  	v57 =	vshll.u32 v3, $0x3  }
0xed: {  	v3 =	vand.u32 $0x7, v3;
	v4 =	vand.u32 $0xFFFFFFC0, v57  }
0xee: {  	v3 =	vor.u32 v3, v4  }
0xef: {  	v4 =	vperm.xlane v3, v0;
	_ =	sdelay $0x1  }
0xf0: {  	v4 =	vadd.s32 v1, v4;
	_ =	sdelay $0x3  }
0xf1: {  	s23 =	simm.s32 $0xC100  }
0xf2: {  	[tilespmem:s23], [sflag:$0x2] =	stream.indirect_vreg.gather [hbm4b:s4+s2], $0x80, v4, vm0, $0xb8;
	[tilespmem:$0x18100] =	vst v63  }
0xf3: {  	v3 =	vperm.xlane v3, v2;
	s23 =	simm.s32 $0xC900  }
0xf4: {  	[tilespmem:s23], [sflag:$0x2] =	stream.indirect_vreg.gather [hbm4b:s5+s2], $0x80, v4, vm0, $0xb8;
	[tilespmem:$0x18100] =	vst v63  }
0xf5: {  	v3 =	vadd.s32 v1, v3;
	s23 =	simm.s32 $0xD100  }
0xf6: {  	[tilespmem:s23], [sflag:$0x2] =	stream.indirect_vreg.gather [hbm4b:s6+s2], $0x80, v4, vm0, $0xb8;
	[tilespmem:$0x18100] =	vst v63  }
0xf7: {  	s23 =	simm.s32 $0xD900  }
0xf8: {  	[tilespmem:s23], [sflag:$0x2] =	stream.indirect_vreg.gather [hbm4b:s7+s2], $0x80, v4, vm0, $0xb8;
	[tilespmem:$0x18100] =	vst v63  }
0xf9: {  	s23 =	simm.s32 $0xE100  }
0xfa: {  	[tilespmem:s23], [sflag:$0x2] =	stream.indirect_vreg.gather [hbm4b:s4+s2], $0x80, v3, vm0, $0xb8;
	[tilespmem:$0x18100] =	vst v63  }
0xfb: {  	s23 =	simm.s32 $0xE900  }
0xfc: {  	[tilespmem:s23], [sflag:$0x2] =	stream.indirect_vreg.gather [hbm4b:s5+s2], $0x80, v3, vm0, $0xb8;
	[tilespmem:$0x18100] =	vst v63  }
0xfd: {  	s23 =	simm.s32 $0xF100  }
0xfe: {  	[tilespmem:s23], [sflag:$0x2] =	stream.indirect_vreg.gather [hbm4b:s6+s2], $0x80, v3, vm0, $0xb8;
	[tilespmem:$0x18100] =	vst v63  }
0xff: {  	s23 =	simm.s32 $0xF900  }
0x100: {  	[tilespmem:s23], [sflag:$0x2] =	stream.indirect_vreg.gather [hbm4b:s7+s2], $0x80, v3, vm0, $0xb8;
	[tilespmem:$0x18100] =	vst v63  }
0x101: {  	_ =	swait.ge [sflag:s29], $0x8000  }
0x102: {  	[sflag:s29] =	ssyncset.done $0x0  }
0x103: {  	s23 =	rddreg [dreg:$0x5];
	[sflag:s29] =	ssyncadd.s32 $0xFFFF8000  }
0x104: {  	[hbm4b:s23+s2] =	stream.linear.scatter [tilespmem:s1], [sflag:$0x4], $0x8000, $0x38;
	[tilespmem:$0x18100] =	vst v63  }
0x105: {  	_ =	swait.ge [sflag:s9], $0x8000  }
0x106: {  	[sflag:s9] =	ssyncset.done $0x0  }
0x107: {  	[sflag:s9] =	ssyncadd.s32 $0xFFFF8000  }
0x108: {  	v3 =	vld [tilespmem:$0xA0];
	_ =	sdelay $0x4  }
0x109: {  	v58 =	vshll.u32 v3, $0x3  }
0x10a: {  	v3 =	vand.u32 $0x7, v3;
	v4 =	vand.u32 $0xFFFFFFC0, v58  }
0x10b: {  	v3 =	vor.u32 v3, v4  }
0x10c: {  	v4 =	vperm.xlane v3, v0;
	_ =	sdelay $0x1  }
0x10d: {  	v4 =	vadd.s32 v1, v4;
	_ =	sdelay $0x4  }
0x10e: {  	[tilespmem:s1], [sflag:$0x3] =	stream.indirect_vreg.gather [hbm4b:s4+s2], $0x80, v4, vm0, $0xb8;
	[tilespmem:$0x18100] =	vst v63  }
0x10f: {  	v3 =	vperm.xlane v3, v2  }
0x110: {  	[tilespmem:s22], [sflag:$0x3] =	stream.indirect_vreg.gather [hbm4b:s5+s2], $0x80, v4, vm0, $0xb8;
	[tilespmem:$0x18100] =	vst v63  }
0x111: {  	v3 =	vadd.s32 v1, v3  }
0x112: {  	[tilespmem:s18], [sflag:$0x3] =	stream.indirect_vreg.gather [hbm4b:s6+s2], $0x80, v4, vm0, $0xb8;
	[tilespmem:$0x18100] =	vst v63  }
0x113: {  	_ = 	snop  }
0x114: {  	[tilespmem:s19], [sflag:$0x3] =	stream.indirect_vreg.gather [hbm4b:s7+s2], $0x80, v4, vm0, $0xb8;
	[tilespmem:$0x18100] =	vst v63  }
0x115: {  	_ = 	snop  }
0x116: {  	[tilespmem:s3], [sflag:$0x3] =	stream.indirect_vreg.gather [hbm4b:s4+s2], $0x80, v3, vm0, $0xb8;
	[tilespmem:$0x18100] =	vst v63  }
0x117: {  	_ = 	snop  }
0x118: {  	[tilespmem:s10], [sflag:$0x3] =	stream.indirect_vreg.gather [hbm4b:s5+s2], $0x80, v3, vm0, $0xb8;
	[tilespmem:$0x18100] =	vst v63  }
0x119: {  	_ = 	snop  }
0x11a: {  	[tilespmem:s11], [sflag:$0x3] =	stream.indirect_vreg.gather [hbm4b:s6+s2], $0x80, v3, vm0, $0xb8;
	[tilespmem:$0x18100] =	vst v63  }
0x11b: {  	_ = 	snop  }
0x11c: {  	[tilespmem:s12], [sflag:$0x3] =	stream.indirect_vreg.gather [hbm4b:s7+s2], $0x80, v3, vm0, $0xb8;
	[tilespmem:$0x18100] =	vst v63  }
0x11d: {  	v3 =	vld [tilespmem:$0xB0];
	_ =	sdelay $0x4  }
0x11e: {  	v59 =	vshll.u32 v3, $0x3  }
0x11f: {  	v3 =	vand.u32 $0x7, v3;
	v4 =	vand.u32 $0xFFFFFFC0, v59  }
0x120: {  	v3 =	vor.u32 v3, v4  }
0x121: {  	v4 =	vperm.xlane v3, v0;
	_ =	sdelay $0x1  }
0x122: {  	v4 =	vadd.s32 v1, v4;
	_ =	sdelay $0x4  }
0x123: {  	[tilespmem:s13], [sflag:$0x3] =	stream.indirect_vreg.gather [hbm4b:s4+s2], $0x80, v4, vm0, $0xb8;
	[tilespmem:$0x18100] =	vst v63  }
0x124: {  	v3 =	vperm.xlane v3, v2  }
0x125: {  	[tilespmem:s14], [sflag:$0x3] =	stream.indirect_vreg.gather [hbm4b:s5+s2], $0x80, v4, vm0, $0xb8;
	[tilespmem:$0x18100] =	vst v63  }
0x126: {  	v3 =	vadd.s32 v1, v3  }
0x127: {  	[tilespmem:s15], [sflag:$0x3] =	stream.indirect_vreg.gather [hbm4b:s6+s2], $0x80, v4, vm0, $0xb8;
	[tilespmem:$0x18100] =	vst v63  }
0x128: {  	_ = 	snop  }
0x129: {  	[tilespmem:s16], [sflag:$0x3] =	stream.indirect_vreg.gather [hbm4b:s7+s2], $0x80, v4, vm0, $0xb8;
	[tilespmem:$0x18100] =	vst v63  }
0x12a: {  	_ = 	snop  }
0x12b: {  	[tilespmem:s17], [sflag:$0x3] =	stream.indirect_vreg.gather [hbm4b:s4+s2], $0x80, v3, vm0, $0xb8;
	[tilespmem:$0x18100] =	vst v63  }
0x12c: {  	_ = 	snop  }
0x12d: {  	[tilespmem:s24], [sflag:$0x3] =	stream.indirect_vreg.gather [hbm4b:s5+s2], $0x80, v3, vm0, $0xb8;
	[tilespmem:$0x18100] =	vst v63  }
0x12e: {  	_ = 	snop  }
0x12f: {  	[tilespmem:s25], [sflag:$0x3] =	stream.indirect_vreg.gather [hbm4b:s6+s2], $0x80, v3, vm0, $0xb8;
	[tilespmem:$0x18100] =	vst v63  }
0x130: {  	_ = 	snop  }
0x131: {  	[tilespmem:s28], [sflag:$0x3] =	stream.indirect_vreg.gather [hbm4b:s7+s2], $0x80, v3, vm0, $0xb8;
	[tilespmem:$0x18100] =	vst v63  }
0x132: {  	_ =	swait.ge [sflag:s20], $0x8000  }
0x133: {  	[sflag:s20] =	ssyncset.done $0x0  }
0x134: {  	s3 =	rddreg [dreg:$0x6];
	[sflag:s20] =	ssyncadd.s32 $0xFFFF8000  }
0x135: {  	[hbm4b:s3+s2] =	stream.linear.scatter [tilespmem:s26], [sflag:$0x4], $0x8000, $0x38;
	[tilespmem:$0x18100] =	vst v63  }
0x136: {  	_ =	swait.ge [sflag:s9], $0x8000  }
0x137: {  	[sflag:s9] =	ssyncset.done $0x0  }
0x138: {  	[sflag:s9] =	ssyncadd.s32 $0xFFFF8000  }
0x139: {  	v3 =	vld [tilespmem:$0xC0];
	_ =	sdelay $0x4  }
0x13a: {  	v60 =	vshll.u32 v3, $0x3  }
0x13b: {  	v3 =	vand.u32 $0x7, v3;
	v4 =	vand.u32 $0xFFFFFFC0, v60  }
0x13c: {  	v3 =	vor.u32 v3, v4  }
0x13d: {  	v4 =	vperm.xlane v3, v0;
	_ =	sdelay $0x1  }
0x13e: {  	v4 =	vadd.s32 v1, v4;
	_ =	sdelay $0x4  }
0x13f: {  	[tilespmem:s26], [sflag:$0x1] =	stream.indirect_vreg.gather [hbm4b:s4+s2], $0x80, v4, vm0, $0xb8;
	[tilespmem:$0x18100] =	vst v63  }
0x140: {  	s23 =	simm.s32 $0x900;
	v3 =	vperm.xlane v3, v2  }
0x141: {  	[tilespmem:s23], [sflag:$0x1] =	stream.indirect_vreg.gather [hbm4b:s5+s2], $0x80, v4, vm0, $0xb8;
	[tilespmem:$0x18100] =	vst v63  }
0x142: {  	v3 =	vadd.s32 v1, v3;
	s23 =	simm.s32 $0x1100  }
0x143: {  	[tilespmem:s23], [sflag:$0x1] =	stream.indirect_vreg.gather [hbm4b:s6+s2], $0x80, v4, vm0, $0xb8;
	[tilespmem:$0x18100] =	vst v63  }
0x144: {  	s23 =	simm.s32 $0x1900  }
0x145: {  	[tilespmem:s23], [sflag:$0x1] =	stream.indirect_vreg.gather [hbm4b:s7+s2], $0x80, v4, vm0, $0xb8;
	[tilespmem:$0x18100] =	vst v63  }
0x146: {  	s23 =	simm.s32 $0x2100  }
0x147: {  	[tilespmem:s23], [sflag:$0x1] =	stream.indirect_vreg.gather [hbm4b:s4+s2], $0x80, v3, vm0, $0xb8;
	[tilespmem:$0x18100] =	vst v63  }
0x148: {  	_ = 	snop  }
0x149: {  	[tilespmem:s30], [sflag:$0x1] =	stream.indirect_vreg.gather [hbm4b:s5+s2], $0x80, v3, vm0, $0xb8;
	[tilespmem:$0x18100] =	vst v63  }
0x14a: {  	_ = 	snop  }
0x14b: {  	[tilespmem:s31], [sflag:$0x1] =	stream.indirect_vreg.gather [hbm4b:s6+s2], $0x80, v3, vm0, $0xb8;
	[tilespmem:$0x18100] =	vst v63  }
0x14c: {  	s23 =	simm.s32 $0x3900  }
0x14d: {  	[tilespmem:s23], [sflag:$0x1] =	stream.indirect_vreg.gather [hbm4b:s7+s2], $0x80, v3, vm0, $0xb8;
	[tilespmem:$0x18100] =	vst v63  }
0x14e: {  	v3 =	vld [tilespmem:$0xD0];
	_ =	sdelay $0x4  }
0x14f: {  	v61 =	vshll.u32 v3, $0x3  }
0x150: {  	v3 =	vand.u32 $0x7, v3;
	v4 =	vand.u32 $0xFFFFFFC0, v61  }
0x151: {  	v3 =	vor.u32 v3, v4  }
0x152: {  	v4 =	vperm.xlane v3, v0;
	_ =	sdelay $0x1  }
0x153: {  	v4 =	vadd.s32 v1, v4;
	_ =	sdelay $0x3  }
0x154: {  	s23 =	simm.s32 $0x4100  }
0x155: {  	[tilespmem:s23], [sflag:$0x1] =	stream.indirect_vreg.gather [hbm4b:s4+s2], $0x80, v4, vm0, $0xb8;
	[tilespmem:$0x18100] =	vst v63  }
0x156: {  	v3 =	vperm.xlane v3, v2;
	s23 =	simm.s32 $0x4900  }
0x157: {  	[tilespmem:s23], [sflag:$0x1] =	stream.indirect_vreg.gather [hbm4b:s5+s2], $0x80, v4, vm0, $0xb8;
	[tilespmem:$0x18100] =	vst v63  }
0x158: {  	v3 =	vadd.s32 v1, v3;
	s23 =	simm.s32 $0x5100  }
0x159: {  	[tilespmem:s23], [sflag:$0x1] =	stream.indirect_vreg.gather [hbm4b:s6+s2], $0x80, v4, vm0, $0xb8;
	[tilespmem:$0x18100] =	vst v63  }
0x15a: {  	s23 =	simm.s32 $0x5900  }
0x15b: {  	[tilespmem:s23], [sflag:$0x1] =	stream.indirect_vreg.gather [hbm4b:s7+s2], $0x80, v4, vm0, $0xb8;
	[tilespmem:$0x18100] =	vst v63  }
0x15c: {  	s23 =	simm.s32 $0x6100  }
0x15d: {  	[tilespmem:s23], [sflag:$0x1] =	stream.indirect_vreg.gather [hbm4b:s4+s2], $0x80, v3, vm0, $0xb8;
	[tilespmem:$0x18100] =	vst v63  }
0x15e: {  	s23 =	simm.s32 $0x6900  }
0x15f: {  	[tilespmem:s23], [sflag:$0x1] =	stream.indirect_vreg.gather [hbm4b:s5+s2], $0x80, v3, vm0, $0xb8;
	[tilespmem:$0x18100] =	vst v63  }
0x160: {  	s23 =	simm.s32 $0x7100  }
0x161: {  	[tilespmem:s23], [sflag:$0x1] =	stream.indirect_vreg.gather [hbm4b:s6+s2], $0x80, v3, vm0, $0xb8;
	[tilespmem:$0x18100] =	vst v63  }
0x162: {  	s23 =	simm.s32 $0x7900  }
0x163: {  	[tilespmem:s23], [sflag:$0x1] =	stream.indirect_vreg.gather [hbm4b:s7+s2], $0x80, v3, vm0, $0xb8;
	[tilespmem:$0x18100] =	vst v63  }
0x164: {  	_ =	swait.ge [sflag:s21], $0x8000  }
0x165: {  	[sflag:s21] =	ssyncset.done $0x0  }
0x166: {  	s3 =	rddreg [dreg:$0x7];
	[sflag:s21] =	ssyncadd.s32 $0xFFFF8000  }
0x167: {  	[hbm4b:s3+s2] =	stream.linear.scatter [tilespmem:s0], [sflag:$0x4], $0x8000, $0x38;
	[tilespmem:$0x18100] =	vst v63  }
0x168: {  	_ =	swait.ge [sflag:s9], $0x8000  }
0x169: {  	[sflag:s9] =	ssyncset.done $0x0  }
0x16a: {  	[sflag:s9] =	ssyncadd.s32 $0xFFFF8000  }
0x16b: {  	v3 =	vld [tilespmem:$0xE0];
	_ =	sdelay $0x4  }
0x16c: {  	v62 =	vshll.u32 v3, $0x3  }
0x16d: {  	v3 =	vand.u32 $0x7, v3;
	v4 =	vand.u32 $0xFFFFFFC0, v62  }
0x16e: {  	v3 =	vor.u32 v3, v4  }
0x16f: {  	v4 =	vperm.xlane v3, v0;
	_ =	sdelay $0x1  }
0x170: {  	v4 =	vadd.s32 v1, v4;
	_ =	sdelay $0x4  }
0x171: {  	[tilespmem:s0], [sflag:$0x2] =	stream.indirect_vreg.gather [hbm4b:s4+s2], $0x80, v4, vm0, $0xb8;
	[tilespmem:$0x18100] =	vst v63  }
0x172: {  	s23 =	simm.s32 $0x8900;
	v3 =	vperm.xlane v3, v2  }
0x173: {  	[tilespmem:s23], [sflag:$0x2] =	stream.indirect_vreg.gather [hbm4b:s5+s2], $0x80, v4, vm0, $0xb8;
	[tilespmem:$0x18100] =	vst v63  }
0x174: {  	v3 =	vadd.s32 v1, v3;
	s23 =	simm.s32 $0x9100  }
0x175: {  	[tilespmem:s23], [sflag:$0x2] =	stream.indirect_vreg.gather [hbm4b:s6+s2], $0x80, v4, vm0, $0xb8;
	[tilespmem:$0x18100] =	vst v63  }
0x176: {  	s23 =	simm.s32 $0x9900  }
0x177: {  	[tilespmem:s23], [sflag:$0x2] =	stream.indirect_vreg.gather [hbm4b:s7+s2], $0x80, v4, vm0, $0xb8;
	[tilespmem:$0x18100] =	vst v63  }
0x178: {  	s23 =	simm.s32 $0xA100  }
0x179: {  	[tilespmem:s23], [sflag:$0x2] =	stream.indirect_vreg.gather [hbm4b:s4+s2], $0x80, v3, vm0, $0xb8;
	[tilespmem:$0x18100] =	vst v63  }
0x17a: {  	s23 =	simm.s32 $0xA900  }
0x17b: {  	[tilespmem:s23], [sflag:$0x2] =	stream.indirect_vreg.gather [hbm4b:s5+s2], $0x80, v3, vm0, $0xb8;
	[tilespmem:$0x18100] =	vst v63  }
0x17c: {  	s23 =	simm.s32 $0xB100  }
0x17d: {  	[tilespmem:s23], [sflag:$0x2] =	stream.indirect_vreg.gather [hbm4b:s6+s2], $0x80, v3, vm0, $0xb8;
	[tilespmem:$0x18100] =	vst v63  }
0x17e: {  	s23 =	simm.s32 $0xB900  }
0x17f: {  	[tilespmem:s23], [sflag:$0x2] =	stream.indirect_vreg.gather [hbm4b:s7+s2], $0x80, v3, vm0, $0xb8;
	[tilespmem:$0x18100] =	vst v63  }
0x180: {  	v3 =	vld [tilespmem:$0xF0];
	_ =	sdelay $0x4  }
0x181: {  	v63 =	vshll.u32 v3, $0x3  }
0x182: {  	v3 =	vand.u32 $0x7, v3;
	v4 =	vand.u32 $0xFFFFFFC0, v63  }
0x183: {  	v3 =	vor.u32 v3, v4  }
0x184: {  	v4 =	vperm.xlane v3, v0;
	_ =	sdelay $0x1  }
0x185: {  	v4 =	vadd.s32 v1, v4;
	_ =	sdelay $0x3  }
0x186: {  	s23 =	simm.s32 $0xC100  }
0x187: {  	[tilespmem:s23], [sflag:$0x2] =	stream.indirect_vreg.gather [hbm4b:s4+s2], $0x80, v4, vm0, $0xb8;
	[tilespmem:$0x18100] =	vst v63  }
0x188: {  	v3 =	vperm.xlane v3, v2;
	s23 =	simm.s32 $0xC900  }
0x189: {  	[tilespmem:s23], [sflag:$0x2] =	stream.indirect_vreg.gather [hbm4b:s5+s2], $0x80, v4, vm0, $0xb8;
	[tilespmem:$0x18100] =	vst v63  }
0x18a: {  	v3 =	vadd.s32 v1, v3;
	s23 =	simm.s32 $0xD100  }
0x18b: {  	[tilespmem:s23], [sflag:$0x2] =	stream.indirect_vreg.gather [hbm4b:s6+s2], $0x80, v4, vm0, $0xb8;
	[tilespmem:$0x18100] =	vst v63  }
0x18c: {  	s23 =	simm.s32 $0xD900  }
0x18d: {  	[tilespmem:s23], [sflag:$0x2] =	stream.indirect_vreg.gather [hbm4b:s7+s2], $0x80, v4, vm0, $0xb8;
	[tilespmem:$0x18100] =	vst v63  }
0x18e: {  	s23 =	simm.s32 $0xE100  }
0x18f: {  	[tilespmem:s23], [sflag:$0x2] =	stream.indirect_vreg.gather [hbm4b:s4+s2], $0x80, v3, vm0, $0xb8;
	[tilespmem:$0x18100] =	vst v63  }
0x190: {  	s23 =	simm.s32 $0xE900  }
0x191: {  	[tilespmem:s23], [sflag:$0x2] =	stream.indirect_vreg.gather [hbm4b:s5+s2], $0x80, v3, vm0, $0xb8;
	[tilespmem:$0x18100] =	vst v63  }
0x192: {  	s23 =	simm.s32 $0xF100  }
0x193: {  	[tilespmem:s23], [sflag:$0x2] =	stream.indirect_vreg.gather [hbm4b:s6+s2], $0x80, v3, vm0, $0xb8;
	[tilespmem:$0x18100] =	vst v63  }
0x194: {  	s23 =	simm.s32 $0xF900  }
0x195: {  	[tilespmem:s23], [sflag:$0x2] =	stream.indirect_vreg.gather [hbm4b:s7+s2], $0x80, v3, vm0, $0xb8;
	[tilespmem:$0x18100] =	vst v63  }
0x196: {  	_ =	swait.ge [sflag:s29], $0x8000  }
0x197: {  	[sflag:s29] =	ssyncset.done $0x0  }
0x198: {  	s3 =	rddreg [dreg:$0x8];
	[sflag:s29] =	ssyncadd.s32 $0xFFFF8000  }
0x199: {  	[hbm4b:s3+s2] =	stream.linear.scatter [tilespmem:s1], [sflag:$0x4], $0x8000, $0x38;
	[tilespmem:$0x18100] =	vst v63  }
0x19a: {  	_ =	swait.ge [sflag:s9], $0x8000  }
0x19b: {  	[sflag:s9] =	ssyncset.done $0x0  }
0x19c: {  	[sflag:s9] =	ssyncadd.s32 $0xFFFF8000  }
0x19d: {  	_ =	swait.ge [sflag:s20], $0x8000  }
0x19e: {  	[sflag:s20] =	ssyncset.done $0x0  }
0x19f: {  	s1 =	rddreg [dreg:$0x9];
	[sflag:s20] =	ssyncadd.s32 $0xFFFF8000  }
0x1a0: {  	[hbm4b:s1+s2] =	stream.linear.scatter [tilespmem:s26], [sflag:$0x4], $0x8000, $0x38;
	[tilespmem:$0x18100] =	vst v63  }
0x1a1: {  	_ =	swait.ge [sflag:s9], $0x8000  }
0x1a2: {  	[sflag:s9] =	ssyncset.done $0x0  }
0x1a3: {  	[sflag:s9] =	ssyncadd.s32 $0xFFFF8000  }
0x1a4: {  	_ =	swait.ge [sflag:s21], $0x8000  }
0x1a5: {  	p0 =	sne.s32 s8, $0x1;
	[sflag:s21] =	ssyncset.done $0x0  }
.Ltmp0:
0x1a6: {  	s3 =	rddreg [dreg:$0xa];
	[sflag:s21] =	ssyncadd.s32 $0xFFFF8000;
	(pc) =	sbr.rel @p0 .LBB2_1-.Ltmp0, $4  }
0x1a7: {  	[hbm4b:s3+s2] =	stream.linear.scatter [tilespmem:s0], [sflag:$0x4], $0x8000, $0x38;
	[tilespmem:$0x18100] =	vst v63  }
0x1a8: {  	_ =	swait.ge [sflag:s9], $0x8000  }
0x1a9: {  	[sflag:s9] =	ssyncset.done $0x0  }
0x1aa: {  	s8 =	sadd.s32 $0xFFFFFFFF, s8;
	[sflag:s9] =	ssyncadd.s32 $0xFFFF8000  }
0x1ab: {  	_ =	sfence.sel $0x180000  }
0x1ac: {  	[bflag:$0x0] =	sbarrier.arrive $0xFFFF  }
0x1ad: {  	_ =	strace $0x9000004D  }
0x1ae: {  	s0 =	stileid.u32;
	[bflag:$0x2] =	sbarrier.arrive $0xFFFF  }
0x1af: {  	p0 =	sne.s32 s0, $0x0;
	s0 =	rddreg [dreg:$0x2]  }
0x1b0: {  	s0 =	sadd.s32 @!p0 $0x100000, s0  }
0x1b1: {  	[sflag:s0] =	ssyncadd.tile.s32 @!p0 $0x1;
	_ =	shalt  }
.Lfunc_end2:
_tile_overlayer_lowered:
.L_overlay_start_2:
0x1b2: {  	(tag) =	ssettag $0x2  }
0x1b3: {  	s0 =	rddreg [dreg:$0x0];
	s2 =	stileid.u32  }
0x1b4: {  	s1 =	rddreg [dreg:$0x1];
	p0 =	sne.s32 s2, $0x0  }
0x1b5: {  	s3 =	rddreg [dreg:$0x2];
	[bflag:$0x3] =	sbarrier.arrive $0xFFFF;
	s2 =	simm.s32 @!p0 $0x1C04  }
0x1b6: {  	[timem:s3], [sflag:s2] =	dma.local @!p0 [hbm:s0], s1  }
0x1b7: {  	s0 =	simm.s32 @!p0 $0x4  }
0x1b8: {  	_ =	swait.ge @!p0 [sflag:s0], s1  }
0x1b9: {  	s1 =	ssub.s32 @!p0 $0x0, s1;
	[sflag:s0] =	ssyncset.done @!p0 $0x0  }
0x1ba: {  	[sflag:s0] =	ssyncadd.s32 @!p0 s1  }
0x1bb: {  	[bflag:$0x3] =	sbarrier.arrive $0xFFFF  }
0x1bc: {  	_ =	shalt  }

// kernel: scatter_offload_async_start
scs
__scs_entry_jumppad:
0x0: {  	(pc) =	sbr.rel $0x88, $3  }
0x1: {  	(tag) =	ssettag $0x0;
	lr =	simm.s32 $0x1  }
0x2: {  	[smem:$0x3F99] =	sst lr;
	_ =	strace $0xD0000000  }
0x3: {  	_ = 	snop  }
0x4: {  	_ = 	snop  }
0x5: {  	_ = 	snop  }
0x6: {  	_ = 	snop  }
0x7: {  	_ = 	snop  }
__scs_overlays_trampoline_lowered:
0x8: {  	[smem:$0x3FA8] =	sst s0  }
0x9: {  	[smem:$0x3FA9] =	sst s1  }
0xa: {  	[smem:$0x3FAA] =	sst s2  }
0xb: {  	[smem:$0x3FAB] =	sst s3  }
0xc: {  	[smem:$0x3FAC] =	sst s4  }
0xd: {  	[smem:$0x3FAD] =	sst s5  }
0xe: {  	[smem:$0x3FAE] =	sst s6  }
0xf: {  	[smem:$0x3FAF] =	sst s7  }
0x10: {  	[smem:$0x3FB0] =	sst s8  }
0x11: {  	[smem:$0x3FB1] =	sst s9;
	s0 =	simm.s32 @!p0 $0x0  }
0x12: {  	s1 =	sld [smem:$0x3F97];
	s0 =	simm.s32 @p0 $0x1  }
0x13: {  	[smem:$0x3FB2] =	sst s0;
	s0 =	simm.s32 @!p1 $0x0  }
0x14: {  	s2 =	sld [smem:$0x3F96];
	s0 =	simm.s32 @p1 $0x1  }
0x15: {  	[smem:$0x3FB3] =	sst s0;
	s0 =	simm.s32 @!p2 $0x0  }
0x16: {  	s3 =	sld [smem:$0x3FDB];
	s0 =	simm.s32 @p2 $0x1  }
0x17: {  	s4 =	simm.s32 $0x1BF5;
	[smem:$0x3FB5] =	sst s0  }
0x18: {  	s0 =	sld [smem:$0x3F98];
	_ =	swait.ge [sflag:s4], $0x0  }
0x19: {  	s7 =	sld [smem:$0x3F99]  }
0x1a: {  	s8 =	sadd.s32 $0xFFFFE003, lr  }
0x1b: {  	s9 =	sadd.s32 $0xFFFFFEF7, lr;
	s5 =	simm.s32 $0xFFFFFFFF;
	p2 =	slt.u32 s8, $0xFFFFF086  }
0x1c: {  	p1 =	slt.u32 s9, $0xF7A;
	s5 =	simm.s32 @!p2 $0x0  }
0x1d: {  	s5 =	simm.s32 @p1 $0x1;
	p0 =	seq.s32 s7, s2  }
0x1e: {  	s7 =	smul.u32 @!p0 $0xF7A, s2;
	p2 =	seq.s32 @!p0 s5, $0x0  }
0x1f: {  	s9 =	smul.u32 $0xF7A, s1;
	s8 =	simm.s32 @!p0 $0x1BF5;
	p2 =	por !p2, p0  }
0x20: {  	[sflag:s8] =	ssyncset.s32 @!p0 $0xFFFFF086;
	s6 =	sadd.s32 @!p0 s3, s7;
	s7 =	simm.s32 @!p0 $0x108  }
0x21: {  	s3 =	sadd.s32 s3, s9;
	s6 =	sadd.s32 @!p0 $0x88, s6;
	s7 =	simm.s32 @p2 $0x1082  }
0x22: {  	[simem:s7], [sflag:s8] =	dma.local @!p0 [hbm:s6], $0xF7A  }
0x23: {  	s9 =	sor.u32 $0xD0000000, s2;
	s6 =	simm.s32 $0x108;
	_ =	swait.ge @!p0 [sflag:s8], $0x0  }
0x24: {  	s3 =	sadd.s32 $0x88, s3;
	s6 =	simm.s32 @!p1 $0x1082;
	[sflag:s4] =	ssyncset.s32 $0xFFFFF086  }
0x25: {  	[simem:s6], [sflag:s4] =	dma.local [hbm:s3], $0xF7A  }
0x26: {  	[smem:$0x3F99] =	sst s1;
	(tag) =	ssettag s2;
	_ =	strace s9  }
0x27: {  	s1 =	sld [smem:$0x3FA9]  }
0x28: {  	s2 =	sld [smem:$0x3FAA]  }
0x29: {  	s4 =	sld [smem:$0x3FAC]  }
0x2a: {  	p0 =	seq.s32 s5, $0x0;
	s5 =	sld [smem:$0x3FAD]  }
0x2b: {  	s6 =	sld [smem:$0x3FAE]  }
0x2c: {  	s7 =	sld [smem:$0x3FAF]  }
0x2d: {  	s3 =	simm.s32 $0x108;
	s8 =	sld [smem:$0x3FB0]  }
0x2e: {  	s3 =	simm.s32 @!p0 $0x1082;
	s9 =	sld [smem:$0x3FB1]  }
0x2f: {  	lr =	sadd.s32 s0, s3;
	s0 =	sld [smem:$0x3FA8]  }
0x30: {  	s3 =	sld [smem:$0x3FAB]  }
0x31: {  	[smem:$0x3FB4] =	sst s10  }
0x32: {  	s10 =	sld [smem:$0x3FB2];
	_ =	sdelay $0x3  }
0x33: {  	p0 =	seq.s32 s10, $0x1;
	s10 =	sld [smem:$0x3FB4];
	_ =	sdelay $0x3  }
0x34: {  	[smem:$0x3FB4] =	sst s10  }
0x35: {  	s10 =	sld [smem:$0x3FB3];
	_ =	sdelay $0x3  }
0x36: {  	p1 =	seq.s32 s10, $0x1;
	s10 =	sld [smem:$0x3FB4];
	_ =	sdelay $0x3  }
0x37: {  	[smem:$0x3FB4] =	sst s10  }
0x38: {  	s10 =	sld [smem:$0x3FB5]  }
0x39: {  	_ = 	snop;
	(pc) =	sbr.ind lr, $3  }
0x3a: {  	_ = 	snop  }
0x3b: {  	_ = 	snop  }
0x3c: {  	p2 =	seq.s32 s10, $0x1;
	s10 =	sld [smem:$0x3FB4]  }
0x3d: {  	_ =	shalt  }
0x3e: {  	_ =	shalt  }
0x3f: {  	_ =	shalt  }
0x40: {  	_ =	shalt  }
0x41: {  	_ =	shalt  }
0x42: {  	_ =	shalt  }
0x43: {  	_ =	shalt  }
0x44: {  	_ =	shalt  }
0x45: {  	_ =	shalt  }
0x46: {  	_ =	shalt  }
0x47: {  	_ =	shalt  }
0x48: {  	_ =	shalt  }
0x49: {  	_ =	shalt  }
0x4a: {  	_ =	shalt  }
0x4b: {  	_ =	shalt  }
0x4c: {  	_ =	shalt  }
0x4d: {  	_ =	shalt  }
0x4e: {  	_ =	shalt  }
0x4f: {  	_ =	shalt  }
0x50: {  	_ =	shalt  }
0x51: {  	_ =	shalt  }
0x52: {  	_ =	shalt  }
0x53: {  	_ =	shalt  }
0x54: {  	_ =	shalt  }
0x55: {  	_ =	shalt  }
0x56: {  	_ =	shalt  }
0x57: {  	_ =	shalt  }
0x58: {  	_ =	shalt  }
0x59: {  	_ =	shalt  }
0x5a: {  	_ =	shalt  }
0x5b: {  	_ =	shalt  }
0x5c: {  	_ =	shalt  }
0x5d: {  	_ =	shalt  }
0x5e: {  	_ =	shalt  }
0x5f: {  	_ =	shalt  }
0x60: {  	_ =	shalt  }
0x61: {  	_ =	shalt  }
0x62: {  	_ =	shalt  }
0x63: {  	_ =	shalt  }
0x64: {  	_ =	shalt  }
0x65: {  	_ =	shalt  }
0x66: {  	_ =	shalt  }
0x67: {  	_ =	shalt  }
0x68: {  	_ =	shalt  }
0x69: {  	_ =	shalt  }
0x6a: {  	_ =	shalt  }
0x6b: {  	_ =	shalt  }
0x6c: {  	_ =	shalt  }
0x6d: {  	_ =	shalt  }
0x6e: {  	_ =	shalt  }
0x6f: {  	_ =	shalt  }
0x70: {  	_ =	shalt  }
0x71: {  	_ =	shalt  }
0x72: {  	_ =	shalt  }
0x73: {  	_ =	shalt  }
0x74: {  	_ =	shalt  }
0x75: {  	_ =	shalt  }
0x76: {  	_ =	shalt  }
0x77: {  	_ =	shalt  }
0x78: {  	_ =	shalt  }
0x79: {  	_ =	shalt  }
0x7a: {  	_ =	shalt  }
0x7b: {  	_ =	shalt  }
0x7c: {  	_ =	shalt  }
0x7d: {  	_ =	shalt  }
0x7e: {  	_ =	shalt  }
0x7f: {  	_ =	shalt  }
0x80: {  	_ =	shalt  }
0x81: {  	_ =	shalt  }
0x82: {  	_ =	shalt  }
0x83: {  	_ =	shalt  }
0x84: {  	_ =	shalt  }
0x85: {  	_ =	shalt  }
0x86: {  	_ =	shalt  }
0x87: {  	_ =	shalt  }
.Lfunc_end0:
.L_simem_size_0:
called_computation_lowered:
.L_overlay_start_0:
0x88: {  	s0 =	sld [smem:$0x3FD9]  }
0x89: {  	s1 =	sld [smem:$0x3FFE];
	_ =	sdelay $0x3  }
0x8a: {  	s0 =	sadd.s32 s1, s0  }
0x8b: {  	[smem:$0x3FC0] =	sst s0  }
0x8c: {  	_ = 	snop  }
0x8d: {  	(tm) =	ssettm $0x1  }
0x8e: {  	s15 =	sld [smem:$0x3FFB];
	_ =	sdelay $0x3  }
0x8f: {  	_ =	strace s15  }
0x90: {  	s0 =	sld [smem:$0x3FFC];
	_ =	sdelay $0x3  }
0x91: {  	_ =	strace s0  }
0x92: {  	s0 =	sld [smem:$0x3FFD];
	_ =	sdelay $0x3  }
0x93: {  	_ =	strace s0  }
0x94: {  	_ =	strace $0x8FFFFFFF  }
0x95: {  	s16 =	sld [smem:$0x3FDB];
	_ =	sdelay $0x1  }
0x96: {  	s17 =	simm.s32 $_scs_section_size  }
0x97: {  	s2 =	simm.s32 $_size__tile_overlayer_lowered;
	s3 =	simm.s32 $_tile_overlayer_lowered  }
0x98: {  	s20 =	simm.s32 $0x1BFF;
	s19 =	sshll.u32 s3, $0x1;
	s0 =	sadd.s32 s17, s16  }
0x99: {  	s4 =	simm.s32 $0x0;
	s18 =	sshll.u32 s2, $0x1;
	s2 =	sadd.s32 s19, s0  }
0x9a: {  	[timem:s4], [sflag:s20] =	dma.local [hbm:s2], s18  }
0x9b: {  	_ =	swait.ge [sflag:s20], s18  }
0x9c: {  	s1 =	ssub.s32 $0x0, s18;
	[sflag:s20] =	ssyncset.done $0x0  }
0x9d: {  	[sflag:s20] =	ssyncadd.s32 s1;
	_ =	sdelay $0x1  }
0x9e: {  	s21 =	simm.s32 $0x1B8B  }
0x9f: {  	_ =	swait.ge [sflag:s21], $0x1  }
0xa0: {  	[sflag:s21] =	ssyncset.done $0x0  }
0xa1: {  	s23 =	simm.s32 $0x1B8E;
	s22 =	sld [smem:$0x3FFE];
	[sflag:s21] =	ssyncadd.s32 $0xFFFFFFFF  }
0xa2: {  	s24 =	simm.s32 $execute0_lowered;
	[smem:$0x3FD2] =	sst s23  }
0xa3: {  	s2 =	sshll.u32 s24, $0x1;
	_ =	strace $0x80000049;
	[dreg:$0x1] =	wrdreg $0xFFFFFFFF  }
0xa4: {  	s25 =	simm.s32 $_size_execute0_lowered;
	s0 =	sadd.s32 s0, s2;
	[dreg:$0x0] =	wrdreg $0x0  }
0xa5: {  	s2 =	sshll.u32 s25, $0x1;
	[dreg:$0x2] =	wrdreg s0  }
0xa6: {  	[dreg:$0x3] =	wrdreg s2  }
0xa7: {  	[dreg:$0x4] =	wrdreg $0xC0  }
0xa8: {  	_ =	task [dreg:s4], $0x5FFFF  }
0xa9: {  	[dreg:$0x1] =	wrdreg $0xFFFFFFFF  }
0xaa: {  	[dreg:$0x0] =	wrdreg $0x60  }
0xab: {  	[dreg:$0x2] =	wrdreg s22  }
0xac: {  	[dreg:$0x3] =	wrdreg $0x9  }
0xad: {  	_ =	task.clear_ibuf [dreg:s4], $0x4FFFF;
	_ =	strace $0x90000049  }
0xae: {  	s26 =	simm.s32 $0x9;
	_ =	strace $0x8000004B  }
0xaf: {  	_ =	swait.ge [sflag:s26], $0x1  }
0xb0: {  	[sflag:s26] =	ssyncadd.s32 $0xFFFFFFFF  }
0xb1: {  	_ =	strace $0x9000004B  }
0xb2: {  	_ =	sfence  }
0xb3: {  	s28 =	sld [smem:$0x0];
	_ =	sdelay $0x1  }
0xb4: {  	s29 =	srdreg.scid  }
0xb5: {  	s30 =	sshll.u32 s29, $0xD;
	s31 =	sshrl.u32 s29, $0x2  }
0xb6: {  	s1 =	sand.u32 $0x1, s29;
	s2 =	sand.u32 $0x4000, s30;
	s0 =	sadd.s32 s31, s28  }
0xb7: {  	s1 =	sor.u32 s2, s1;
	s0 =	sshll.u32 s0, $0x11  }
0xb8: {  	s0 =	sor.u32 s0, s1  }
0xb9: {  	s0 =	sadd.s32 $0x8F2B, s0  }
0xba: {  	[sflag:s0] =	ssyncadd.remote.s32 $0x1  }
0xbb: {  	_ =	sfence.sel $0xFFFF  }
0xbc: {  	[dreg:$0x0] =	wrdreg $0xFFFFFFFF;
	(pc) =	sbr.abs _section_cstart, $3  }
0xbd: {  	[dreg:$0x1] =	wrdreg $0xFFFFFFFF  }
0xbe: {  	_ =	task.clear_ibuf [dreg:s4], $0x2FFFF;
	_ =	strace $0x9FFFFFFF  }
0xbf: {  	(tm) =	ssettm $0x7FFFFFFF  }
tec
execute0_lowered:
.L_overlay_start_1:
0x0: {  	(tag) =	ssettag $0x1  }
0x1: {  	s0 =	rddreg [dreg:$0x0];
	_ =	strace $0x8000004A;
	s3 =	simm.s32 $0x1  }
0x2: {  	v1 =	vimm.s32 $0xFFFFFFFF;
	[sflag:s3] =	ssyncpa.u1 $0x0  }
0x3: {  	[tilespmem:$0x10] =	vst v1  }
0x4: {  	v0 =	vimm.s32 $0x80000000;
	[tilespmem:$0x20] =	vst v1  }
0x5: {  	[tilespmem:$0x30] =	vst v0  }
0x6: {  	s2 =	simm.s32 $0x2;
	s6 =	simm.s32 $0x7;
	[tilespmem:$0x40] =	vst v0  }
0x7: {  	s26 =	stileid.u32;
	s7 =	simm.s32 $0x8;
	s31 =	simm.s32 $0x9;
	[tilespmem:$0x50] =	vst v0  }
0x8: {  	s14 =	simm.s32 $0x0;
	s15 =	simm.s32 $0x100;
	s19 =	simm.s32 $0x1300;
	[tilespmem:$0x60] =	vst v1  }
0x9: {  	s20 =	simm.s32 $0xF;
	s21 =	simm.s32 $0x50;
	s22 =	simm.s32 $0x8FF;
	[tilespmem:$0x70] =	vst v1  }
0xa: {  	s23 =	simm.s32 $0x20;
	s24 =	simm.s32 $0x30;
	s25 =	simm.s32 $0x10FF;
	[tilespmem:$0x80] =	vst v1  }
0xb: {  	s30 =	simm.s32 $0x0;
	s1 =	sadd.s32 $0x109C00, s0;
	s4 =	sadd.s32 $0x109400, s0;
	v1 =	vimm.s32 $0x0;
	[tilespmem:$0xB0] =	vst v0  }
.Ltmp0:
0xc: {  	s29 =	simm.s32 $0x0;
	s5 =	sadd.s32 $0x109800, s0;
	[tilespmem:$0x90] =	vst v1;
	(pc) =	sbr.rel .LBB2_1-.Ltmp0, $4  }
0xd: {  	s8 =	sshll.u32 s26, $0x9;
	s10 =	sshll.u32 s26, $0x1;
	[tilespmem:$0xA0] =	vst v1;
	[sflag:s2] =	ssyncpa.u1 $0x0  }
0xe: {  	s12 =	sshllo.u32 s26, $0x1;
	s26 =	simm.s32 $0x80;
	[sflag:s6] =	ssyncpa.u1 $0x0  }
0xf: {  	vm0 =	vmmov $0xffff;
	v2 =	vlaneseq.u32;
	s9 =	sadd.s32 $0x200, s8;
	s11 =	sor.u32 $0x81, s10;
	[sflag:s7] =	ssyncpa.u1 $0x0  }
0x10: {  	vm1 =	vmxor vm1, vm1;
	vm2 =	vmmov $0x1;
	vm3 =	vcmask $0x3F3C;
	s13 =	sor.u32 $0x80, s10;
	s28 =	smov.u32 s8;
	[sflag:s31] =	ssyncpa.u1 $0x0  }
.LBB2_3:
0x11: {  	s0 =	sshrl.u32 s28, $0x3  }
0x12: {  	s2 =	sand.u32 $0x7, s28;
	s0 =	sadd.s32 s4, s0  }
0x13: {  	[tilespmem:s15], [sflag:$0x7] =	stream.linear.gather [hbm4b:s0+s2], $0x200, $0x38;
	[tilespmem:$0x1320] =	vst v63  }
.LBB2_4:
0x14: {  	s0 =	sadd.s32 $0x200, s28  }
0x15: {  	s2 =	smov.u32 s8;
	s29 =	sadd.s32 $0x1, s29;
	p0 =	slt.s32 s0, s9  }
0x16: {  	s2 =	smov.u32 @p0 s0;
	p0 =	sne.s32 s29, $0x4  }
.Ltmp1:
0x17: {  	_ = 	snop;
	(pc) =	sbr.rel @!p0 .LBB2_13-.Ltmp1, $2  }
0x18: {  	_ =	sdelay $0x2  }
0x19: {  	s30 =	smov.u32 s28;
	s28 =	smov.u32 s2  }
.LBB2_1:
0x1a: {  	p0 =	sgt.s32 s29, $0x1  }
.Ltmp2:
0x1b: {  	_ = 	snop;
	(pc) =	sbr.rel @p0 .LBB2_11-.Ltmp2, $1  }
0x1c: {  	_ =	sdelay $0x3  }
0x1d: {  	p0 =	seq.s32 s29, $0x0  }
.Ltmp3:
0x1e: {  	_ = 	snop;
	(pc) =	sbr.rel @p0 .LBB2_3-.Ltmp3, $1  }
0x1f: {  	_ =	sdelay $0x3  }
0x20: {  	_ =	swait.ge [sflag:s6], $0x200  }
0x21: {  	[sflag:s6] =	ssyncset.done $0x0  }
0x22: {  	[sflag:s6] =	ssyncadd.s32 $0xFFFFFE00;
	(ifvalue) =	ssetifvalue $0xFFFFFFFF;
	v3 =	vld.msk [tilespmem:s15+$0x0 ss:$0x1], $0xffff;
	_ =	sdelay $0x4  }
0x23: {  	v4 =	vperm.xlane v3, v1  }
0x24: {  	vm4 =	vlt.u32 v3, $0x2000  }
0x25: {  	v3 =	vnsel vm4, $0xFFFFFFFE, v3;
	vm4 =	vlt.u32 v4, $0x2000  }
0x26: {  	[tilespmem:$0x70] =	vst v3;
	v3 =	vnsel vm4, $0xFFFFFFFE, v4  }
0x27: {  	s17 =	simm.s32 $0x2F0;
	[tilespmem:$0x80] =	vst v3  }
0x28: {  	v3 =	vld.msk [tilespmem:s17+$0x0 ss:$0x1], $0xffff;
	_ =	sdelay $0x4  }
0x29: {  	(xrf1) =	vunique.msk.u32 $0xffff, v3;
	_ =	sdelay $0xd  }
0x2a: {  	v4 =	vimm.s32 $0xFFFFFFFF;
	v5, _, _ =	vpop (xrf1)  }
0x2b: {  	vm5 =	vne.s32 v3, v4;
	vm4 =	veq.s32 v5, v2  }
0x2c: {  	vm6 =	vlt.u32 v3, $0x2000;
	vm4 =	vmand vm5, vm4  }
0x2d: {  	vm4 =	vmand vm6, vm4  }
0x2e: {  	v4 =	vnsel vm4, $0xFFFFFFFF, v3;
	_ =	sdelay $0x3  }
0x2f: {  	s0 =	simm.s32 $0x8F0;
	(ifvalue) =	ssetifvalue $0xFFFFFFFF  }
0x30: {  	v3 =	vperm.xlane v3, v1;
	[tilespmem:s0], [sflag:$0x8] =	stream.indirect_vreg.gather [hbm4b:s1+s14], $0x1, v4, vm0, $0x4038;
	v4 =	vnsel vm6, $0xFFFFFFFE, v4;
	[tilespmem:$0x1320] =	vst v63  }
0x31: {  	s2 =	simm.s32 $0x0;
	s16 =	simm.s32 $0x2E0;
	[tilespmem:s17+$0x0] =	vst v4  }
.LBB2_6:
0x32: {  	v4 =	vld.msk [tilespmem:s16+$0x0 ss:$0x1], $0xffff;
	s2 =	sadd.s32 $0x10, s2;
	v5 =	vmov v3;
	s17 =	smov.u32 s16  }
0x33: {  	p0 =	slt.u32 s2, $0x1F0;
	_ =	sdelay $0x4  }
0x34: {  	v3 =	vperm.xlane v4, v1;
	(xrf1) =	vunique.msk.u32 $0xffff, v4;
	_ =	sdelay $0xd  }
0x35: {  	v6, _, _ =	vpop (xrf1)  }
0x36: {  	vm5 =	vne.s32 v4, v5;
	vm4 =	veq.s32 v6, v2  }
0x37: {  	vm6 =	vlt.u32 v4, $0x2000;
	vm4 =	vmand vm5, vm4  }
0x38: {  	vm4 =	vmand vm6, vm4  }
0x39: {  	v4 =	vnsel vm4, $0xFFFFFFFF, v4  }
.Ltmp4:
0x3a: {  	v5 =	vnsel vm6, $0xFFFFFFFE, v4;
	(pc) =	sbr.rel @p0 .LBB2_6-.Ltmp4, $3  }
0x3b: {  	_ =	sdelay $0x1  }
0x3c: {  	s16 =	sadd.s32 $0xFFFFFFF0, s16;
	s0 =	sadd.s32 $0xFFFFFFF0, s0;
	(ifvalue) =	ssetifvalue $0xFFFFFFFF  }
0x3d: {  	[tilespmem:s0], [sflag:$0x8] =	stream.indirect_vreg.gather [hbm4b:s1+s14], $0x1, v4, vm0, $0x4038;
	[tilespmem:s17+$0x0] =	vst v5  }
.Ltmp5:
0x3e: {  	(pc) =	sbr.rel .LBB2_4-.Ltmp5, $4  }
0x3f: {  	_ = 	snop  }
0x40: {  	s0 =	sshrl.u32 s30, $0x3  }
0x41: {  	s2 =	simm.s32 $0xB00;
	s0 =	sadd.s32 s5, s0  }
0x42: {  	[tilespmem:s2], [sflag:$0x8] =	stream.linear.gather [hbm:s0], $0x200, $0x38;
	[tilespmem:$0x1320] =	vst v63  }
.LBB2_11:
0x43: {  	p0 =	seq.s32 s29, $0x2  }
.Ltmp6:
0x44: {  	_ = 	snop;
	(pc) =	sbr.rel @!p0 .LBB2_12-.Ltmp6, $1  }
0x45: {  	_ =	sdelay $0x3  }
0x46: {  	_ =	swait.ge [sflag:s7], $0x400  }
0x47: {  	[sflag:s7] =	ssyncset.done $0x0  }
0x48: {  	s0 =	simm.s32 $0x2FF;
	[sflag:s7] =	ssyncadd.s32 $0xFFFFFC00  }
0x49: {  	[spmem:s11] =	stream.linear.scatter [tilespmem:s0], [sflag:$0x1], $0x1, $0x38;
	[tilespmem:$0x1320] =	vst v63  }
0x4a: {  	_ =	swait.ge [sflag:s3], $0x1  }
0x4b: {  	[sflag:s3] =	ssyncset.done $0x0  }
0x4c: {  	[sflag:s3] =	ssyncadd.s32 $0xFFFFFFFF  }
0x4d: {  	v4 =	vld [tilespmem:$0x10]  }
0x4e: {  	v5 =	vld [tilespmem:$0x70]  }
0x4f: {  	v3 =	vld [tilespmem:$0x80];
	_ =	sdelay $0x2  }
0x50: {  	(v2sf) =	vpush v4, $0x0  }
0x51: {  	(v2sf) =	vpush v5, $0x0  }
0x52: {  	(v2sf) =	vpush v3, $0x0;
	_ =	sdelay $0xc  }
0x53: {  	s18 =	spop (v2sf)  }
0x54: {  	s2 =	spop (v2sf)  }
0x55: {  	s30 =	spop (v2sf)  }
0x56: {  	p0 =	seq.s32 s18, s2;
	p1 =	seq.s32 s30, s18  }
0x57: {  	p1 =	por p0, p1  }
0x58: {  	s2 =	simm.s32 $0x10;
	v4 =	vpsel p1, $0xFFFFFFFF, v4  }
0x59: {  	[tilespmem:s2+$0x0] =	vst.msk $0x1, v4  }
0x5a: {  	v4 =	vld [tilespmem:$0x30]  }
0x5b: {  	v5 =	vld [tilespmem:$0xB00]  }
0x5c: {  	v6 =	vld [tilespmem:$0x40];
	_ =	sdelay $0x3  }
0x5d: {  	vm4 =	vmmov vm1;
	vm6 =	vmmov vm2;
	vm5 =	vgt.s32 v4, v5  }
0x5e: {  	s16 =	simm.s32 $0xB00;
	vm4 =	vmmov @p0 vm2;
	v5 =	vsel vm5, v4, v5;
	vm5 =	vgt.s32 v4, v6  }
0x5f: {  	vm6 =	vmmov @p1 vm1;
	v4 =	vsel vm5, v4, v6;
	[tilespmem:s16+$0x0] =	vst.msk vm4, v5  }
0x60: {  	[tilespmem:s19+$0x0] =	vst.msk vm6, v4  }
0x61: {  	v4 =	vld [tilespmem:$0x8F0];
	_ =	sdelay $0x4  }
0x62: {  	v4 =	vshift.insert v4, v1, s20;
	_ =	sdelay $0x1  }
0x63: {  	v5 =	vimm.s32 $0x80000000;
	[tilespmem:s21+$0x0] =	vst.msk $0x1, v4  }
0x64: {  	[tilespmem:s22+$0x0] =	vst.msk $0x1, v5  }
0x65: {  	v4 =	vld [tilespmem:$0x2F0];
	_ =	sdelay $0x4  }
0x66: {  	v4 =	vshift.insert v4, v1, s20;
	_ =	sdelay $0x1  }
0x67: {  	[tilespmem:s23+$0x0] =	vst.msk $0x1, v4  }
0x68: {  	v6 =	vld [tilespmem:s16+$0x0]  }
0x69: {  	s17 =	simm.s32 $0x100  }
0x6a: {  	v7 =	vld [tilespmem:s17+$0x0];
	_ =	sdelay $0x2  }
0x6b: {  	vm4 =	vgt.s32 v6, v5  }
0x6c: {  	v5 =	vsel vm4, v6, v5  }
0x6d: {  	vm4 =	vne.s32 v7, $0xFFFFFFFF;
	v5 =	vxor.u32 $0x80000000, v5  }
0x6e: {  	(xrf0) =	vmax.seg.scan.u32 vm4, v5  }
0x6f: {  	s18 =	simm.s32 $0x700  }
0x70: {  	v8 =	vld [tilespmem:s18+$0x0]  }
0x71: {  	v6 =	vld [tilespmem:$0xA0];
	_ =	sdelay $0x2  }
0x72: {  	v5 =	vperm.xlane v4, v1;
	v9, _, _ =	vpop (xrf0)  }
0x73: {  	vm6 =	veq.s32 v7, v3;
	v9 =	vxor.u32 $0x80000000, v9  }
0x74: {  	vm8 =	veq.s32 v7, v5;
	vm5 =	veq.s32 v6, $0x1;
	vm7 =	vgt.s32 v9, v8  }
0x75: {  	vm8 =	vmor vm8, vm6;
	v6 =	vsel vm7, v9, v8;
	vm7 =	vgt.u32 v7, $0xFFFFFFFD  }
0x76: {  	v10 =	vld [tilespmem:$0x90];
	vm9 =	vmand vm4, vm3;
	vm4 =	vmor vm5, vm6;
	vm5 =	vmor vm8, vm7  }
0x77: {  	v8 =	vsel vm5, $0xFFFFFFFF, v7;
	_ =	sdelay $0x1  }
0x78: {  	s31 =	simm.s32 $0xF00  }
0x79: {  	s0 =	simm.s32 $0x0;
	s2 =	simm.s32 $0xB10;
	s16 =	simm.s32 $0x110;
	v11 =	vsel vm9, $0x80000000, v9;
	v6 =	vsel vm6, v9, v6  }
0x7a: {  	s17 =	simm.s32 $0xF10;
	s18 =	simm.s32 $0x710;
	[tilespmem:s31+$0x0] =	vst v6;
	v6 =	vsel vm6, v9, v10;
	v7 =	vshift.insert v11, v0, s20;
	(ifvalue) =	ssetifvalue $0xFFFFFFFF  }
.LBB2_9:
0x7b: {  	[hbm4b:s1+s14] =	stream.indirect_vreg.scatter [tilespmem:s31], [sflag:$0x2], $0x1, v8, vm0, $0x4038;
	[tilespmem:$0x1320] =	vst v63  }
0x7c: {  	s0 =	sadd.s32 $0x10, s0;
	s31 =	smov.u32 s17;
	v8 =	vld [tilespmem:s2+$0x0]  }
0x7d: {  	p0 =	slt.u32 s0, $0x1F0  }
0x7e: {  	v9 =	vld [tilespmem:s16+$0x0];
	_ =	sdelay $0x2  }
0x7f: {  	vm5 =	vgt.s32 v8, v7  }
0x80: {  	v7 =	vsel vm5, v8, v7  }
0x81: {  	vm5 =	vne.s32 v9, $0xFFFFFFFF;
	v7 =	vxor.u32 $0x80000000, v7  }
0x82: {  	(xrf0) =	vmax.seg.scan.u32 vm5, v7;
	_ =	sdelay $0x2  }
0x83: {  	v7 =	vld [tilespmem:s18+$0x0];
	_ =	sdelay $0x1  }
0x84: {  	vm6 =	veq.s32 v9, v3;
	vm7 =	veq.s32 v9, v5  }
0x85: {  	vm8 =	vgt.u32 v9, $0xFFFFFFFD;
	vm4 =	vmor vm4, vm6;
	vm7 =	vmor vm7, vm6;
	v8, _, _ =	vpop (xrf0)  }
0x86: {  	vm5 =	vmand vm5, vm3;
	vm7 =	vmor vm7, vm8;
	v10 =	vxor.u32 $0x80000000, v8  }
.Ltmp7:
0x87: {  	v8 =	vsel vm7, $0xFFFFFFFF, v9;
	vm7 =	vgt.s32 v10, v7;
	v9 =	vsel vm5, $0x80000000, v10;
	(pc) =	sbr.rel @p0 .LBB2_9-.Ltmp7, $4  }
0x88: {  	v6 =	vsel vm6, v10, v6;
	v11 =	vsel vm7, v10, v7;
	v7 =	vshift.insert v9, v0, s20  }
0x89: {  	v9 =	vsel vm6, v10, v11  }
0x8a: {  	s2 =	sadd.s32 $0x10, s2;
	s16 =	sadd.s32 $0x10, s16;
	[tilespmem:s17+$0x0] =	vst v9  }
0x8b: {  	s18 =	sadd.s32 $0x10, s18;
	s17 =	sadd.s32 $0x10, s17;
	(ifvalue) =	ssetifvalue $0xFFFFFFFF  }
0x8c: {  	_ =	sdelay $0x3  }
0x8d: {  	[hbm4b:s1+s14] =	stream.indirect_vreg.scatter [tilespmem:s31], [sflag:$0x2], $0x1, v8, vm0, $0x4038;
	[tilespmem:$0x1320] =	vst v63  }
0x8e: {  	v3 =	vld [tilespmem:$0x10F0];
	_ =	sdelay $0x4  }
0x8f: {  	v3 =	vshift.insert v3, v1, s20;
	_ =	sdelay $0x1  }
0x90: {  	[tilespmem:s24+$0x0] =	vst.msk $0x1, v3  }
0x91: {  	v3 =	vsel vm4, $0x1, v1;
	[tilespmem:$0x90] =	vst v6  }
0x92: {  	[tilespmem:$0xA0] =	vst v3  }
0x93: {  	[spmem:s12] =	stream.linear.scatter [tilespmem:s25], [sflag:$0x1], $0x1, $0x38;
	[tilespmem:$0x1320] =	vst v63  }
0x94: {  	v3 =	vmctz.xlane vm4;
	_ =	swait.ge [sflag:s3], $0x1  }
0x95: {  	(v2sf) =	vpush v4, $0x0  }
0x96: {  	(v2sf) =	vpush v3, $0x0;
	_ =	sdelay $0xd  }
0x97: {  	s0 =	spop (v2sf)  }
0x98: {  	s2 =	spop (v2sf)  }
0x99: {  	[sflag:s3] =	ssyncset.done $0x0;
	p0 =	sne.s32 s30, s0;
	p1 =	slt.s32 s2, $0xF  }
0x9a: {  	[sflag:s3] =	ssyncadd.s32 $0xFFFFFFFF;
	v3 =	vimm.s32 @!p0 $0xFFFFFFFF;
	s2 =	simm.s32 @!p1 $0xF  }
0x9b: {  	[tilespmem:$0x80] =	vst @!p0 v3;
	s31 =	sadd.s32 $0x90, s2  }
0x9c: {  	[spmem:s10] =	stream.linear.scatter [tilespmem:s31], [sflag:$0x1], $0x1, $0x38;
	[tilespmem:$0x1320] =	vst v63  }
0x9d: {  	_ =	swait.ge [sflag:s3], $0x1  }
0x9e: {  	[sflag:s3] =	ssyncset.done $0x0  }
0x9f: {  	[sflag:s3] =	ssyncadd.s32 $0xFFFFFFFF  }
0xa0: {  	[spmem:s13] =	stream.linear.scatter [tilespmem:s26], [sflag:$0x1], $0x1, $0x38;
	[tilespmem:$0x1320] =	vst v63  }
0xa1: {  	_ =	swait.ge [sflag:s3], $0x1  }
0xa2: {  	[sflag:s3] =	ssyncset.done $0x0  }
0xa3: {  	[sflag:s3] =	ssyncadd.s32 $0xFFFFFFFF;
	(ifvalue) =	ssetifvalue $0xFFFFFFFF;
	v3 =	vld [tilespmem:$0x10];
	_ =	sdelay $0x3  }
.Ltmp8:
0xa4: {  	_ = 	snop;
	(pc) =	sbr.rel .LBB2_4-.Ltmp8, $3  }
0xa5: {  	_ =	sdelay $0x1  }
0xa6: {  	(ifvalue) =	ssetifvalue $0xFFFFFFFF  }
0xa7: {  	[hbm4b:s1+s14] =	stream.indirect_vreg.scatter [tilespmem:s19], [sflag:$0x9], $0x1, v3, vm0, $0x4038;
	[tilespmem:$0x1320] =	vst v63  }
.LBB2_12:
0xa8: {  	s0 =	simm.s32 $0x2  }
0xa9: {  	_ =	swait.ge [sflag:s0], $0x200  }
0xaa: {  	[sflag:s0] =	ssyncset.done $0x0  }
0xab: {  	s31 =	simm.s32 $0x9;
	[sflag:s0] =	ssyncadd.s32 $0xFFFFFE00  }
0xac: {  	_ =	swait.ge [sflag:s31], $0x10  }
0xad: {  	[sflag:s31] =	ssyncset.done $0x0  }
0xae: {  	[sflag:s31] =	ssyncadd.s32 $0xFFFFFFF0  }
.LBB2_13:
0xaf: {  	_ =	sfence.sel $0x180000  }
0xb0: {  	s0 =	simm.s32 $0x7;
	[bflag:$0x0] =	sbarrier.arrive $0xFFFF  }
0xb1: {  	s26 =	simm.s32 $0x8;
	[sflag:s0] =	ssyncpa.u1 $0x1  }
0xb2: {  	s28 =	simm.s32 $0x9;
	[sflag:s26] =	ssyncpa.u1 $0x1  }
0xb3: {  	[sflag:s28] =	ssyncpa.u1 $0x1  }
0xb4: {  	_ =	sfence.stream.spmem  }
0xb5: {  	s29 =	simm.s32 $0x3;
	[bflag:$0x0] =	sbarrier.arrive $0xFFFF  }
0xb6: {  	s30 =	simm.s32 $0x4;
	[sflag:s29] =	ssyncpa.u1 $0x1  }
0xb7: {  	s31 =	simm.s32 $0x3C;
	s2 =	stileid.u32;
	[sflag:s30] =	ssyncpa.u1 $0x1  }
0xb8: {  	p0 =	sne.s32 s2, $0x0;
	[sflag:s31] =	ssyncpa.u1 $0x1  }
0xb9: {  	s0 =	simm.s32 @p0 $0x1;
	_ =	sfence @p0  }
0xba: {  	[sflag:s0] =	ssyncpa.u1 @p0 $0x1;
	s0 =	simm.s32 @p0 $0x2  }
0xbb: {  	[sflag:s0] =	ssyncpa.u1 @p0 $0x1  }
0xbc: {  	_ =	strace @p0 $0x9000004A  }
0xbd: {  	[bflag:$0x2] =	sbarrier.arrive @p0 $0xFFFF  }
0xbe: {  	_ =	shalt @p0  }
.LBB2_14:
0xbf: {  	_ =	sfence.stream.spmem;
	s0 =	simm.s32 $0x5  }
0xc0: {  	s2 =	simm.s32 $0x80;
	s3 =	simm.s32 $0xC0;
	[sflag:s0] =	ssyncpa.u1 $0x0  }
0xc1: {  	[tilespmem:s3], [sflag:$0x5] =	stream.linear.gather [spmem:s2], $0x20, $0x38;
	[tilespmem:$0x1320] =	vst v63  }
0xc2: {  	s30 =	simm.s32 $0xE0;
	s2 =	simm.s32 $0x0  }
0xc3: {  	[tilespmem:s30], [sflag:$0x5] =	stream.linear.gather [spmem:s2], $0x20, $0x38;
	[tilespmem:$0x1320] =	vst v63  }
.Ltmp9:
0xc4: {  	_ = 	snop;
	(pc) =	sbr.rel .LBB2_15-.Ltmp9, $4  }
0xc5: {  	_ =	swait.ge [sflag:s0], $0x40  }
0xc6: {  	[sflag:s0] =	ssyncset.done $0x0  }
0xc7: {  	s31 =	simm.s32 $0x6;
	[sflag:s0] =	ssyncadd.s32 $0xFFFFFFC0  }
0xc8: {  	s3 =	simm.s32 $0x0;
	[sflag:s31] =	ssyncpa.u1 $0x0  }
.LBB2_20:
0xc9: {  	p0 =	sgt.u32 s4, $0x1FFF  }
0xca: {  	s0 =	sshrl.u32 @!p0 s4, $0x3  }
0xcb: {  	s4 =	sand.u32 @!p0 $0x7, s4;
	s5 =	simm.s32 @!p0 $0xB0;
	s0 =	sadd.s32 @!p0 s1, s0  }
0xcc: {  	[tilespmem:s5], [sflag:$0x6] =	stream.linear.gather @!p0 [hbm4b:s0+s4], $0x1, $0x38;
	[tilespmem:$0x1320] =	vst v63  }
0xcd: {  	s0 =	simm.s32 @!p0 $0x6  }
0xce: {  	_ =	swait.ge @!p0 [sflag:s0], $0x1  }
0xcf: {  	[sflag:s0] =	ssyncset.done @!p0 $0x0  }
0xd0: {  	[sflag:s0] =	ssyncadd.s32 @!p0 $0xFFFFFFFF  }
0xd1: {  	v1 =	vld.msk @!p0 [tilespmem:$0xB0], $0x1  }
0xd2: {  	v2 =	vld.msk @!p0 [tilespmem:s3+$0xE0], $0x1;
	_ =	sdelay $0x4  }
0xd3: {  	vm0 =	vgt.s32 @!p0 v2, v1  }
0xd4: {  	v1 =	vsel @!p0 vm0, v2, v1  }
0xd5: {  	[tilespmem:s3+$0xE0] =	vst.msk @!p0 $0x1, v1  }
0xd6: {  	[tilespmem:s2+$0xC0] =	vst.msk $0x1, v0  }
0xd7: {  	v0 =	vld.msk [tilespmem:s3+$0xE0], $0x1;
	_ =	sdelay $0x4  }
0xd8: {  	[tilespmem:s2+$0xE0] =	vst.msk $0x1, v0;
	s2 =	sadd.s32 $0x1, s2  }
.LBB2_22:
0xd9: {  	s3 =	sadd.s32 $0x1, s3  }
0xda: {  	p0 =	sne.s32 s3, $0x20  }
.Ltmp10:
0xdb: {  	_ = 	snop;
	(pc) =	sbr.rel @!p0 .LBB2_23-.Ltmp10, $1  }
0xdc: {  	_ =	sdelay $0x3  }
.LBB2_15:
0xdd: {  	v0 =	vld.msk [tilespmem:s3+$0xC0], $0x1;
	_ =	sdelay $0x4  }
0xde: {  	(v2sf) =	vpush v0, $0x0;
	_ =	sdelay $0xe  }
0xdf: {  	s4 =	spop (v2sf)  }
0xe0: {  	p0 =	seq.s32 s4, $0xFFFFFFFF  }
.Ltmp11:
0xe1: {  	_ = 	snop;
	(pc) =	sbr.rel @p0 .LBB2_22-.Ltmp11, $1  }
0xe2: {  	_ =	sdelay $0x3  }
0xe3: {  	p0 =	slt.s32 s2, $0x1  }
.Ltmp12:
0xe4: {  	_ = 	snop;
	(pc) =	sbr.rel @p0 .LBB2_20-.Ltmp12, $1  }
0xe5: {  	_ =	sdelay $0x3  }
0xe6: {  	s0 =	simm.s32 $0xC0;
	p0 =	por $0x0, $0x0  }
0xe7: {  	v1 =	vld.msk @!p0 [tilespmem:s0+$0x0], $0x1;
	_ =	sdelay $0x4  }
0xe8: {  	(v2sf) =	vpush @!p0 v1, $0x0;
	_ =	sdelay $0xd  }
0xe9: {  	p2 =	sne.s32 s2, $0x1  }
.Ltmp13:
0xea: {  	s5 =	spop @!p0 (v2sf);
	(pc) =	sbr.rel @!p2 .LBB2_19-.Ltmp13, $4  }
0xeb: {  	p1 =	seq.s32 @!p0 s4, s5  }
0xec: {  	s5 =	simm.s32 $0x0;
	p1 =	por !p1, p0  }
0xed: {  	s7 =	simm.s32 $0xFFFFFFFF;
	s5 =	simm.s32 @p1 $0xFFFFFFFF  }
0xee: {  	s6 =	simm.s32 $0x1;
	s5 =	smov.u32 @p0 s7  }
.LBB2_18:
0xef: {  	s7 =	smov.u32 s5;
	p0 =	sne.s32 s5, $0xFFFFFFFF  }
0xf0: {  	s0 =	sadd.s32 $0x1, s0;
	s5 =	smov.u32 s6;
	s6 =	sadd.s32 $0x1, s6  }
0xf1: {  	p1 =	sne.s32 s2, s6;
	v1 =	vld.msk @!p0 [tilespmem:s0+$0x0], $0x1;
	_ =	sdelay $0x4  }
0xf2: {  	(v2sf) =	vpush @!p0 v1, $0x0;
	_ =	sdelay $0xe  }
.Ltmp14:
0xf3: {  	s8 =	spop @!p0 (v2sf);
	(pc) =	sbr.rel @p1 .LBB2_18-.Ltmp14, $4  }
0xf4: {  	p2 =	seq.s32 @!p0 s4, s8  }
0xf5: {  	p2 =	por !p2, p0  }
0xf6: {  	s5 =	simm.s32 @p2 $0xFFFFFFFF  }
0xf7: {  	s5 =	smov.u32 @p0 s7  }
.LBB2_19:
0xf8: {  	p0 =	sne.s32 s5, $0xFFFFFFFF  }
.Ltmp15:
0xf9: {  	_ = 	snop;
	(pc) =	sbr.rel @!p0 .LBB2_20-.Ltmp15, $1  }
0xfa: {  	_ =	sdelay $0x3  }
0xfb: {  	v0 =	vld.msk [tilespmem:s3+$0xE0], $0x1  }
0xfc: {  	v1 =	vld.msk [tilespmem:s5+$0xE0], $0x1;
	_ =	sdelay $0x2  }
.Ltmp16:
0xfd: {  	_ = 	snop;
	(pc) =	sbr.rel .LBB2_22-.Ltmp16, $4  }
0xfe: {  	_ = 	snop  }
0xff: {  	vm0 =	vgt.s32 v1, v0  }
0x100: {  	v0 =	vsel vm0, v1, v0  }
0x101: {  	[tilespmem:s5+$0xE0] =	vst.msk $0x1, v0  }
.LBB2_23:
0x102: {  	p0 =	slt.s32 s2, $0x1  }
.Ltmp17:
0x103: {  	_ = 	snop;
	(pc) =	sbr.rel @p0 .LBB2_27-.Ltmp17, $3  }
0x104: {  	_ =	sdelay $0x1  }
0x105: {  	s0 =	simm.s32 $0x6  }
0x106: {  	[sflag:s0] =	ssyncpa.u1 $0x1;
	s0 =	simm.s32 $0x0  }
0x107: {  	s3 =	simm.s32 $0xC0  }
0x108: {  	v0 =	vld.msk [tilespmem:s3+$0x0], $0x1;
	_ =	sdelay $0x4  }
0x109: {  	(v2sf) =	vpush v0, $0x0;
	_ =	sdelay $0xe  }
0x10a: {  	s2 =	sadd.s32 $0xFFFFFFFF, s2;
	s4 =	spop (v2sf)  }
0x10b: {  	p1 =	sne.s32 s2, $0x0;
	p0 =	sgt.u32 s4, $0x1FFF  }
.Ltmp18:
0x10c: {  	s5 =	sshrl.u32 @!p0 s4, $0x3;
	(pc) =	sbr.rel @!p1 .LBB2_26-.Ltmp18, $4  }
0x10d: {  	s3 =	simm.s32 $0xE0;
	s4 =	sand.u32 @!p0 $0x7, s4;
	s5 =	sadd.s32 @!p0 s1, s5  }
0x10e: {  	[hbm4b:s5+s4] =	stream.linear.scatter @!p0 [tilespmem:s3], [sflag:$0x5], $0x1, $0x38;
	[tilespmem:$0x1320] =	vst v63  }
0x10f: {  	s5 =	simm.s32 $0x0  }
0x110: {  	s4 =	simm.s32 $0xC1;
	s5 =	simm.s32 @!p0 $0x4  }
.LBB2_25:
0x111: {  	v0 =	vld.msk [tilespmem:s4+$0x0], $0x1;
	s2 =	sadd.s32 $0xFFFFFFFF, s2;
	s0 =	sadd.s32 s0, s5  }
0x112: {  	p0 =	sne.s32 s2, $0x0;
	_ =	sdelay $0x3  }
0x113: {  	(v2sf) =	vpush v0, $0x0;
	_ =	sdelay $0xe  }
.Ltmp19:
0x114: {  	s6 =	spop (v2sf);
	(pc) =	sbr.rel @p0 .LBB2_25-.Ltmp19, $4  }
0x115: {  	s5 =	simm.s32 $0x0;
	p1 =	sgt.u32 s6, $0x1FFF  }
0x116: {  	s3 =	sadd.s32 $0x1, s3;
	s5 =	simm.s32 @!p1 $0x4;
	s7 =	sshrl.u32 @!p1 s6, $0x3  }
0x117: {  	s4 =	sadd.s32 $0x1, s4;
	s6 =	sand.u32 @!p1 $0x7, s6;
	s7 =	sadd.s32 @!p1 s1, s7  }
0x118: {  	[hbm4b:s7+s6] =	stream.linear.scatter @!p1 [tilespmem:s3], [sflag:$0x5], $0x1, $0x38;
	[tilespmem:$0x1320] =	vst v63  }
.LBB2_26:
0x119: {  	s0 =	sadd.s32 s0, s5  }
0x11a: {  	s0 =	sshrl.u32 s0, $0x2  }
.LBB2_27:
0x11b: {  	s1 =	simm.s32 $0x5  }
0x11c: {  	_ =	swait.ge [sflag:s1], s0  }
0x11d: {  	s28 =	ssub.s32 $0x0, s0;
	[sflag:s1] =	ssyncset.done $0x0  }
0x11e: {  	[sflag:s1] =	ssyncadd.s32 s28  }
0x11f: {  	[sflag:s1] =	ssyncpa.u1 $0x1  }
0x120: {  	s29 =	simm.s32 $0x1;
	_ =	sfence  }
0x121: {  	s30 =	simm.s32 $0x2;
	[sflag:s29] =	ssyncpa.u1 $0x1  }
0x122: {  	[sflag:s30] =	ssyncpa.u1 $0x1  }
0x123: {  	_ =	strace $0x9000004A  }
0x124: {  	[bflag:$0x2] =	sbarrier.arrive $0xFFFF  }
0x125: {  	s31 =	rddreg [dreg:$0x1]  }
0x126: {  	s0 =	sadd.s32 $0x100000, s31  }
0x127: {  	[sflag:s0] =	ssyncadd.tile.s32 $0x1;
	_ =	shalt  }
.Lfunc_end2:
_tile_overlayer_lowered:
.L_overlay_start_2:
0x128: {  	(tag) =	ssettag $0x2  }
0x129: {  	s0 =	rddreg [dreg:$0x0];
	s2 =	stileid.u32  }
0x12a: {  	s1 =	rddreg [dreg:$0x1];
	p0 =	sne.s32 s2, $0x0  }
0x12b: {  	s3 =	rddreg [dreg:$0x2];
	[bflag:$0x3] =	sbarrier.arrive $0xFFFF;
	s2 =	simm.s32 @!p0 $0x1C01  }
0x12c: {  	[timem:s3], [sflag:s2] =	dma.local @!p0 [hbm:s0], s1  }
0x12d: {  	s0 =	simm.s32 @!p0 $0x1  }
0x12e: {  	_ =	swait.ge @!p0 [sflag:s0], s1  }
0x12f: {  	s1 =	ssub.s32 @!p0 $0x0, s1;
	[sflag:s0] =	ssyncset.done @!p0 $0x0  }
0x130: {  	[sflag:s0] =	ssyncadd.s32 @!p0 s1  }
0x131: {  	[bflag:$0x3] =	sbarrier.arrive $0xFFFF  }
0x132: {  	_ =	shalt  }

</sc_bundles>
